<compile_context>
chip_gen: v7x
topology: tpu7x:2x2x1
jax: 0.10.2.dev20260603
libtpu: 0.0.44.dev20260713+nightly
codegen_flags: <defaults>
</compile_context>

<pallas_src>
import functools

import jax
import jax.numpy as jnp
from jax import lax
from jax.experimental import pallas as pl
from jax.experimental.pallas import tpu as pltpu
from jax.experimental.pallas import tpu_sc as plsc

N = 10000
NPAD = 10240
E = 320000
NC, NS = 2, 16
NW = NC * NS
C = 128
EPAD = 327680
NCH = EPAD // (NW * C)
DRAIN = NPAD // NS
BLK = 512
GRID = NPAD // BLK
DEGW = 128

_mesh = plsc.VectorSubcoreMesh(core_axis_name="c", subcore_axis_name="s")



@functools.partial(
    pl.kernel,
    out_type=jax.ShapeDtypeStruct((NC, NPAD, DEGW), jnp.float32),
    mesh=_mesh,
    scratch_types=[
        pltpu.VMEM((4, 2, C), jnp.int32),
        pltpu.VMEM((C, DEGW), jnp.float32),
        pltpu.VMEM_SHARED((NPAD, DEGW), jnp.float32),
        pltpu.SemaphoreType.DMA,
        pltpu.SemaphoreType.DMA,
        pltpu.SemaphoreType.DMA,
        pltpu.SemaphoreType.DMA,
        pltpu.SemaphoreType.DMA,
        pltpu.SemaphoreType.DMA,
        pltpu.SemaphoreType.DMA,
        pltpu.SemaphoreType.DMA,
    ],
)
def _sc_deg(idx_hbm, zeros_hbm, ones_hbm, out_hbm, idxv, onesv, acc,
            i0, i1, i2, i3, s0, s1, s2, s3):
    cid = lax.axis_index("c")
    sid = lax.axis_index("s")
    wid = cid * NS + sid
    base = wid * NCH
    isems = [i0, i1, i2, i3]
    ssems = [s0, s1, s2, s3]

    def issue_idx(j, ib):
        pltpu.async_copy(idx_hbm.at[j + base], idxv.at[ib], isems[ib])

    def wait_idx(j, ib):
        pltpu.make_async_copy(idx_hbm.at[j + base], idxv.at[ib],
                              isems[ib]).wait()

    def issue_scatter(ib):
        pltpu.async_copy(onesv, acc.at[idxv.at[ib].at[1]], ssems[ib],
                         add=True)

    def wait_scatter(ib):
        pltpu.make_async_copy(onesv, acc.at[idxv.at[ib].at[1]],
                              ssems[ib]).wait()

    issue_idx(0, 0)
    issue_idx(1, 1)
    issue_idx(2, 2)
    pltpu.sync_copy(ones_hbm, onesv)
    pltpu.sync_copy(zeros_hbm, acc.at[pl.ds(sid * DRAIN, DRAIN)])
    plsc.subcore_barrier()

    @pl.loop(0, NCH, step=4)
    def _chunk(o):
        for b4 in range(4):
            j = o + b4
            ib = b4 % 4
            fib = (b4 + 3) % 4

            @pl.when(j + 3 < NCH)
            def _prefetch():
                @pl.when(j >= 1)
                def _drain_prev():
                    wait_scatter(fib)

                issue_idx(j + 3, fib)

            wait_idx(j, ib)
            issue_scatter(ib)

    wait_scatter(0)
    wait_scatter(1)
    wait_scatter(2)
    wait_scatter(3)
    plsc.subcore_barrier()
    pltpu.sync_copy(acc.at[pl.ds(sid * DRAIN, DRAIN)],
                    out_hbm.at[cid].at[pl.ds(sid * DRAIN, DRAIN)])


@functools.partial(
    pl.kernel,
    out_type=jax.ShapeDtypeStruct((NC, NPAD, 128), jnp.float32),
    mesh=_mesh,
    scratch_types=[
        pltpu.VMEM((4, 2, C), jnp.int32),
        pltpu.VMEM((2, C, 128), jnp.float32),
        pltpu.VMEM_SHARED((NPAD, 128), jnp.float32),
        pltpu.SemaphoreType.DMA,
        pltpu.SemaphoreType.DMA,
        pltpu.SemaphoreType.DMA,
        pltpu.SemaphoreType.DMA,
        pltpu.SemaphoreType.DMA,
        pltpu.SemaphoreType.DMA,
        pltpu.SemaphoreType.DMA,
        pltpu.SemaphoreType.DMA,
    ],
)
def _sc_apply(u_hbm, idx_hbm, zeros_hbm, out_hbm,
              idxv, rows, acc, i0, i1, i2, i3, g0, g1, s0, s1):
    cid = lax.axis_index("c")
    sid = lax.axis_index("s")
    wid = cid * NS + sid
    base = wid * NCH
    isems = [i0, i1, i2, i3]
    gs = [g0, g1]
    ss = [s0, s1]

    def issue_idx(j, ib):
        pltpu.async_copy(idx_hbm.at[j + base], idxv.at[ib], isems[ib])

    def wait_idx(j, ib):
        pltpu.make_async_copy(idx_hbm.at[j + base], idxv.at[ib],
                              isems[ib]).wait()

    def issue_gather(j, ib, rb):
        pltpu.async_copy(u_hbm.at[idxv.at[ib].at[0]], rows.at[rb], gs[rb])

    def wait_gather(ib, rb):
        pltpu.make_async_copy(u_hbm.at[idxv.at[ib].at[0]], rows.at[rb],
                              gs[rb]).wait()

    def issue_scatter(ib, rb):
        pltpu.async_copy(rows.at[rb], acc.at[idxv.at[ib].at[1]], ss[rb],
                         add=True)

    def wait_scatter(ib, rb):
        pltpu.make_async_copy(rows.at[rb], acc.at[idxv.at[ib].at[1]],
                              ss[rb]).wait()

    issue_idx(0, 0)
    issue_idx(1, 1)
    issue_idx(2, 2)
    pltpu.sync_copy(zeros_hbm, acc.at[pl.ds(sid * DRAIN, DRAIN)])
    wait_idx(0, 0)
    issue_gather(0, 0, 0)
    plsc.subcore_barrier()

    @pl.loop(0, NCH, step=4)
    def _pipe(o):
        for b4 in range(4):
            j = o + b4
            rb = b4 % 2
            nrb = 1 - rb
            ib = b4 % 4
            nib = (b4 + 1) % 4
            fib = (b4 + 3) % 4

            @pl.when(j + 1 < NCH)
            def _advance():
                @pl.when(j >= 1)
                def _drain_prev():
                    wait_scatter(fib, nrb)

                @pl.when(j + 3 < NCH)
                def _prefetch_idx():
                    issue_idx(j + 3, fib)

                wait_idx(j + 1, nib)
                issue_gather(j + 1, nib, nrb)

            wait_gather(ib, rb)
            issue_scatter(ib, rb)

    wait_scatter(2, 0)
    wait_scatter(3, 1)
    plsc.subcore_barrier()
    pltpu.sync_copy(acc.at[pl.ds(sid * DRAIN, DRAIN)],
                    out_hbm.at[cid].at[pl.ds(sid * DRAIN, DRAIN)])



def _k2_body(x_ref, degp_ref, u1_ref, dis_ref):
    j = pl.program_id(0)
    p = degp_ref[...]
    deg = p[0, :, 0:1] + p[1, :, 0:1] + 1.0
    dis = lax.rsqrt(deg)
    rows = lax.broadcasted_iota(jnp.int32, (BLK, 1), 0) + j * BLK
    mask = rows < N
    u1_ref[...] = jnp.where(mask, x_ref[...] * dis, 0.0)
    dis_ref[...] = dis


_tc_k2 = pl.pallas_call(
    _k2_body,
    grid=(GRID,),
    in_specs=[
        pl.BlockSpec((BLK, 128), lambda j: (j, 0)),
        pl.BlockSpec((NC, BLK, DEGW), lambda j: (0, j, 0)),
    ],
    out_specs=[
        pl.BlockSpec((BLK, 128), lambda j: (j, 0)),
        pl.BlockSpec((BLK, 1), lambda j: (j, 0)),
    ],
    out_shape=[
        jax.ShapeDtypeStruct((NPAD, 128), jnp.float32),
        jax.ShapeDtypeStruct((NPAD, 1), jnp.float32),
    ],
)


def _k4_body(s_ref, u1_ref, dis_ref, w_ref, b_ref, u2_ref):
    j = pl.program_id(0)
    s = s_ref[0] + s_ref[1] + u1_ref[...]
    ax = dis_ref[...] * s
    h = jnp.dot(ax, w_ref[...], preferred_element_type=jnp.float32)
    h = jnp.maximum(h + b_ref[...], 0.0)
    rows = lax.broadcasted_iota(jnp.int32, (BLK, 1), 0) + j * BLK
    mask = rows < N
    u2_ref[...] = jnp.where(mask, dis_ref[...] * h, 0.0)


_tc_k4 = pl.pallas_call(
    _k4_body,
    grid=(GRID,),
    in_specs=[
        pl.BlockSpec((NC, BLK, 128), lambda j: (0, j, 0)),
        pl.BlockSpec((BLK, 128), lambda j: (j, 0)),
        pl.BlockSpec((BLK, 1), lambda j: (j, 0)),
        pl.BlockSpec((128, 128), lambda j: (0, 0)),
        pl.BlockSpec((1, 128), lambda j: (0, 0)),
    ],
    out_specs=pl.BlockSpec((BLK, 128), lambda j: (j, 0)),
    out_shape=jax.ShapeDtypeStruct((NPAD, 128), jnp.float32),
)


def _k6_body(s_ref, u2_ref, dis_ref, wmu_ref, bmu_ref, wls_ref, bls_ref,
             mu_ref, ls_ref):
    s = s_ref[0] + s_ref[1] + u2_ref[...]
    ah = dis_ref[...] * s
    mu_ref[...] = (
        jnp.dot(ah, wmu_ref[...], preferred_element_type=jnp.float32)
        + bmu_ref[...])
    ls_ref[...] = (
        jnp.dot(ah, wls_ref[...], preferred_element_type=jnp.float32)
        + bls_ref[...])


_tc_k6 = pl.pallas_call(
    _k6_body,
    grid=(GRID,),
    in_specs=[
        pl.BlockSpec((NC, BLK, 128), lambda j: (0, j, 0)),
        pl.BlockSpec((BLK, 128), lambda j: (j, 0)),
        pl.BlockSpec((BLK, 1), lambda j: (j, 0)),
        pl.BlockSpec((128, 128), lambda j: (0, 0)),
        pl.BlockSpec((1, 128), lambda j: (0, 0)),
        pl.BlockSpec((128, 128), lambda j: (0, 0)),
        pl.BlockSpec((1, 128), lambda j: (0, 0)),
    ],
    out_specs=[
        pl.BlockSpec((BLK, 128), lambda j: (j, 0)),
        pl.BlockSpec((BLK, 128), lambda j: (j, 0)),
    ],
    out_shape=[
        jax.ShapeDtypeStruct((N, 128), jnp.float32),
        jax.ShapeDtypeStruct((N, 128), jnp.float32),
    ],
)



def kernel(x, edge_index, W1, b1, Wmu, bmu, Wls, bls):
    ei = edge_index.astype(jnp.int32)
    npads = EPAD - E
    pad_idx = N + (jnp.arange(npads, dtype=jnp.int32) % (NPAD - N))
    srcp = jnp.concatenate([ei[0], pad_idx]).reshape(EPAD // C, 1, C)
    dstp = jnp.concatenate([ei[1], pad_idx]).reshape(EPAD // C, 1, C)
    idx = jnp.concatenate([srcp, dstp], axis=1)

    ones = jnp.ones((C, DEGW), jnp.float32)
    zeros128 = jnp.zeros((DRAIN, 128), jnp.float32)

    degp = _sc_deg(idx, zeros128, ones)
    u1, dis = _tc_k2(x, degp)
    s1 = _sc_apply(u1, idx, zeros128)
    u2 = _tc_k4(s1, u1, dis, W1, b1.reshape(1, 128))
    s2 = _sc_apply(u2, idx, zeros128)
    mu, ls = _tc_k6(s2, u2, dis, Wmu, bmu.reshape(1, 128),
                    Wls, bls.reshape(1, 128))
    return (mu, ls)

# --- scband reference (transcript-rebuilt; emitter-appended) ---
"""Pipeline reference for scband-vgaeencoder-31344671326932 (READ-ONLY COPY).

The authoritative reference and input builder live on the scoring server;
editing this copy changes nothing except your own understanding.
"""

import jax, jax.numpy as jnp
import numpy as np

N_NODES = 10000
N_EDGES = 320000
IN_CH = 128
OUT_CH = 128


def gcn_conv(x, edge_index, W, b, num_nodes):
    # GCNConv: D^{-1/2} (A + I) D^{-1/2} X W + b  (PyG default: add self-loops, sym norm)
    xw = x @ W
    src = edge_index[0]
    dst = edge_index[1]
    loop = jnp.arange(num_nodes, dtype=src.dtype)
    src = jnp.concatenate([src, loop])
    dst = jnp.concatenate([dst, loop])
    ones = jnp.ones(src.shape[0], dtype=xw.dtype)
    deg = jax.ops.segment_sum(ones, dst, num_segments=num_nodes)
    deg_inv_sqrt = jnp.where(deg > 0, jax.lax.rsqrt(jnp.maximum(deg, 1e-12)), 0.0)
    norm = deg_inv_sqrt[src] * deg_inv_sqrt[dst]
    msgs = norm[:, None] * jnp.take(xw, src, axis=0)
    out = jax.ops.segment_sum(msgs, dst, num_segments=num_nodes)
    return out + b


def setup_inputs(seed: int = 0) -> dict:
    key = jax.random.key(seed)
    ks = jax.random.split(key, 8)
    x = jax.random.normal(ks[0], (N_NODES, IN_CH), dtype=jnp.float32)
    edge_index = jax.random.randint(ks[1], (2, N_EDGES), 0, N_NODES, dtype=jnp.int64 if jax.config.jax_enable_x64 else jnp.int32)
    s1 = 1.0 / np.sqrt(IN_CH)
    s2 = 1.0 / np.sqrt(OUT_CH)
    W1 = jax.random.uniform(ks[2], (IN_CH, OUT_CH), jnp.float32, -s1, s1)
    b1 = jnp.zeros((OUT_CH,), jnp.float32)
    Wmu = jax.random.uniform(ks[3], (OUT_CH, OUT_CH), jnp.float32, -s2, s2)
    bmu = jnp.zeros((OUT_CH,), jnp.float32)
    Wls = jax.random.uniform(ks[4], (OUT_CH, OUT_CH), jnp.float32, -s2, s2)
    bls = jnp.zeros((OUT_CH,), jnp.float32)
    return {"x": x, "edge_index": edge_index, "W1": W1, "b1": b1, "Wmu": Wmu, "bmu": bmu, "Wls": Wls, "bls": bls}


def reference(x, edge_index, W1, b1, Wmu, bmu, Wls, bls):
    n = x.shape[0]
    h = jax.nn.relu(gcn_conv(x, edge_index, W1, b1, n))
    mu = gcn_conv(h, edge_index, Wmu, bmu, n)
    logstd = gcn_conv(h, edge_index, Wls, bls, n)
    return (mu, logstd)

if __name__ == "__main__":
    import jax
    _d = setup_inputs()
    print(jax.jit(kernel)(*tuple(_d.values())))

</pallas_src>

<mosaic_0001>
#map = affine_map<(d0, d1) -> (0, 0)>
#map1 = affine_map<(d0, d1) -> (0, 0, 0)>
module attributes {stable_mosaic.version = 14 : i64} {
  func.func @_sc_apply(%arg0: i32, %arg1: i32, %arg2: memref<10240x128xf32, #tpu.memory_space<hbm>>, %arg3: memref<2560x2x128xi32, #tpu.memory_space<hbm>>, %arg4: memref<640x128xf32, #tpu.memory_space<hbm>>, %arg5: memref<2x10240x128xf32, #tpu.memory_space<hbm>>, %arg6: memref<4x2x128xi32, #tpu.memory_space<vmem>>, %arg7: memref<2x128x128xf32, #tpu.memory_space<vmem>>, %arg8: memref<10240x128xf32, #tpu.memory_space<vmem_shared>>, %arg9: memref<!tpu.dma_semaphore, #tpu.memory_space<semaphore_mem>>, %arg10: memref<!tpu.dma_semaphore, #tpu.memory_space<semaphore_mem>>, %arg11: memref<!tpu.dma_semaphore, #tpu.memory_space<semaphore_mem>>, %arg12: memref<!tpu.dma_semaphore, #tpu.memory_space<semaphore_mem>>, %arg13: memref<!tpu.dma_semaphore, #tpu.memory_space<semaphore_mem>>, %arg14: memref<!tpu.dma_semaphore, #tpu.memory_space<semaphore_mem>>, %arg15: memref<!tpu.dma_semaphore, #tpu.memory_space<semaphore_mem>>, %arg16: memref<!tpu.dma_semaphore, #tpu.memory_space<semaphore_mem>>) attributes {dimension_semantics = [#tpu.dimension_semantics<core_parallel>, #tpu.dimension_semantics<subcore_parallel>], iteration_bounds = array<i64: 2, 16>, scalar_prefetch = 0 : i64, scratch_operands = 11 : i64, tpu.core_type = #tpu.core_type<sc_vector_subcore>, window_params = [{transform_indices = #map}, {transform_indices = #map1}, {transform_indices = #map}, {transform_indices = #map1}]} {
    %mul3A = arith.constant 16 : i32
    %mul3A_0 = arith.muli %arg0, %mul3A : i32
    %add3A = arith.addi %mul3A_0, %arg1 : i32
    %mul3A_1 = arith.constant 80 : i32
    %mul3A_2 = arith.muli %add3A, %mul3A_1 : i32
    %add3A_3 = arith.constant 0 : i32
    %add3A_4 = arith.addi %add3A_3, %mul3A_2 : i32
    %dma_start3A = arith.constant 0 : i32
    %dma_start3A_5 = arith.constant 0 : i32
    %dma_start3A_6 = arith.constant 0 : i32
    %dma_start3A_7 = tpu.memref_slice %arg6[%dma_start3A, %dma_start3A_5, %dma_start3A_6] : memref<4x2x128xi32, #tpu.memory_space<vmem>> -> memref<1x2x128xi32, #tpu.memory_space<vmem>>
    %dma_start3A_8 = tpu.memref_squeeze %dma_start3A_7 : memref<1x2x128xi32, #tpu.memory_space<vmem>> -> memref<2x128xi32, #tpu.memory_space<vmem>>
    %dma_start3A_9 = arith.constant 0 : i32
    %dma_start3A_10 = arith.constant 0 : i32
    %dma_start3A_11 = tpu.memref_slice %arg3[%add3A_4, %dma_start3A_9, %dma_start3A_10] : memref<2560x2x128xi32, #tpu.memory_space<hbm>> -> memref<1x2x128xi32, #tpu.memory_space<hbm>>
    %dma_start3A_12 = tpu.memref_squeeze %dma_start3A_11 : memref<1x2x128xi32, #tpu.memory_space<hbm>> -> memref<2x128xi32, #tpu.memory_space<hbm>>
    %dma_start3A_13 = arith.constant 0 : i32
    %dma_start3A_14 = arith.constant 0 : i32
    %dma_start3A_15 = tpu.memref_slice %arg6[%dma_start3A, %dma_start3A_13, %dma_start3A_14] : memref<4x2x128xi32, #tpu.memory_space<vmem>> -> memref<1x2x128xi32, #tpu.memory_space<vmem>>
    %dma_start3A_16 = tpu.memref_squeeze %dma_start3A_15 : memref<1x2x128xi32, #tpu.memory_space<vmem>> -> memref<2x128xi32, #tpu.memory_space<vmem>>
    %dma_start3A_17 = arith.constant 0 : i32
    %dma_start3A_18 = arith.constant 0 : i32
    %dma_start3A_19 = tpu.memref_slice %arg3[%add3A_4, %dma_start3A_17, %dma_start3A_18] : memref<2560x2x128xi32, #tpu.memory_space<hbm>> -> memref<1x2x128xi32, #tpu.memory_space<hbm>>
    %dma_start3A_20 = tpu.memref_squeeze %dma_start3A_19 : memref<1x2x128xi32, #tpu.memory_space<hbm>> -> memref<2x128xi32, #tpu.memory_space<hbm>>
    tpu.enqueue_dma source(%dma_start3A_20 : memref<2x128xi32, #tpu.memory_space<hbm>>) target(%dma_start3A_16 : memref<2x128xi32, #tpu.memory_space<vmem>>) target_semaphore(%arg9 : memref<!tpu.dma_semaphore, #tpu.memory_space<semaphore_mem>>)
    %add3A_21 = arith.constant 1 : i32
    %add3A_22 = arith.addi %add3A_21, %mul3A_2 : i32
    %dma_start3A_23 = arith.constant 1 : i32
    %dma_start3A_24 = arith.constant 0 : i32
    %dma_start3A_25 = arith.constant 0 : i32
    %dma_start3A_26 = tpu.memref_slice %arg6[%dma_start3A_23, %dma_start3A_24, %dma_start3A_25] : memref<4x2x128xi32, #tpu.memory_space<vmem>> -> memref<1x2x128xi32, #tpu.memory_space<vmem>>
    %dma_start3A_27 = tpu.memref_squeeze %dma_start3A_26 : memref<1x2x128xi32, #tpu.memory_space<vmem>> -> memref<2x128xi32, #tpu.memory_space<vmem>>
    %dma_start3A_28 = arith.constant 0 : i32
    %dma_start3A_29 = arith.constant 0 : i32
    %dma_start3A_30 = tpu.memref_slice %arg3[%add3A_22, %dma_start3A_28, %dma_start3A_29] : memref<2560x2x128xi32, #tpu.memory_space<hbm>> -> memref<1x2x128xi32, #tpu.memory_space<hbm>>
    %dma_start3A_31 = tpu.memref_squeeze %dma_start3A_30 : memref<1x2x128xi32, #tpu.memory_space<hbm>> -> memref<2x128xi32, #tpu.memory_space<hbm>>
    %dma_start3A_32 = arith.constant 0 : i32
    %dma_start3A_33 = arith.constant 0 : i32
    %dma_start3A_34 = tpu.memref_slice %arg6[%dma_start3A_23, %dma_start3A_32, %dma_start3A_33] : memref<4x2x128xi32, #tpu.memory_space<vmem>> -> memref<1x2x128xi32, #tpu.memory_space<vmem>>
    %dma_start3A_35 = tpu.memref_squeeze %dma_start3A_34 : memref<1x2x128xi32, #tpu.memory_space<vmem>> -> memref<2x128xi32, #tpu.memory_space<vmem>>
    %dma_start3A_36 = arith.constant 0 : i32
    %dma_start3A_37 = arith.constant 0 : i32
    %dma_start3A_38 = tpu.memref_slice %arg3[%add3A_22, %dma_start3A_36, %dma_start3A_37] : memref<2560x2x128xi32, #tpu.memory_space<hbm>> -> memref<1x2x128xi32, #tpu.memory_space<hbm>>
    %dma_start3A_39 = tpu.memref_squeeze %dma_start3A_38 : memref<1x2x128xi32, #tpu.memory_space<hbm>> -> memref<2x128xi32, #tpu.memory_space<hbm>>
    tpu.enqueue_dma source(%dma_start3A_39 : memref<2x128xi32, #tpu.memory_space<hbm>>) target(%dma_start3A_35 : memref<2x128xi32, #tpu.memory_space<vmem>>) target_semaphore(%arg10 : memref<!tpu.dma_semaphore, #tpu.memory_space<semaphore_mem>>)
    %add3A_40 = arith.constant 2 : i32
    %add3A_41 = arith.addi %add3A_40, %mul3A_2 : i32
    %dma_start3A_42 = arith.constant 2 : i32
    %dma_start3A_43 = arith.constant 0 : i32
    %dma_start3A_44 = arith.constant 0 : i32
    %dma_start3A_45 = tpu.memref_slice %arg6[%dma_start3A_42, %dma_start3A_43, %dma_start3A_44] : memref<4x2x128xi32, #tpu.memory_space<vmem>> -> memref<1x2x128xi32, #tpu.memory_space<vmem>>
    %dma_start3A_46 = tpu.memref_squeeze %dma_start3A_45 : memref<1x2x128xi32, #tpu.memory_space<vmem>> -> memref<2x128xi32, #tpu.memory_space<vmem>>
    %dma_start3A_47 = arith.constant 0 : i32
    %dma_start3A_48 = arith.constant 0 : i32
    %dma_start3A_49 = tpu.memref_slice %arg3[%add3A_41, %dma_start3A_47, %dma_start3A_48] : memref<2560x2x128xi32, #tpu.memory_space<hbm>> -> memref<1x2x128xi32, #tpu.memory_space<hbm>>
    %dma_start3A_50 = tpu.memref_squeeze %dma_start3A_49 : memref<1x2x128xi32, #tpu.memory_space<hbm>> -> memref<2x128xi32, #tpu.memory_space<hbm>>
    %dma_start3A_51 = arith.constant 0 : i32
    %dma_start3A_52 = arith.constant 0 : i32
    %dma_start3A_53 = tpu.memref_slice %arg6[%dma_start3A_42, %dma_start3A_51, %dma_start3A_52] : memref<4x2x128xi32, #tpu.memory_space<vmem>> -> memref<1x2x128xi32, #tpu.memory_space<vmem>>
    %dma_start3A_54 = tpu.memref_squeeze %dma_start3A_53 : memref<1x2x128xi32, #tpu.memory_space<vmem>> -> memref<2x128xi32, #tpu.memory_space<vmem>>
    %dma_start3A_55 = arith.constant 0 : i32
    %dma_start3A_56 = arith.constant 0 : i32
    %dma_start3A_57 = tpu.memref_slice %arg3[%add3A_41, %dma_start3A_55, %dma_start3A_56] : memref<2560x2x128xi32, #tpu.memory_space<hbm>> -> memref<1x2x128xi32, #tpu.memory_space<hbm>>
    %dma_start3A_58 = tpu.memref_squeeze %dma_start3A_57 : memref<1x2x128xi32, #tpu.memory_space<hbm>> -> memref<2x128xi32, #tpu.memory_space<hbm>>
    tpu.enqueue_dma source(%dma_start3A_58 : memref<2x128xi32, #tpu.memory_space<hbm>>) target(%dma_start3A_54 : memref<2x128xi32, #tpu.memory_space<vmem>>) target_semaphore(%arg11 : memref<!tpu.dma_semaphore, #tpu.memory_space<semaphore_mem>>)
    %mul3A_59 = arith.constant 640 : i32
    %mul3A_60 = arith.muli %arg1, %mul3A_59 : i32
    "tpu.region"() ({
      %run_scoped3A = tpu.sem_alloc : memref<!tpu.dma_semaphore, #tpu.memory_space<semaphore_mem>>
      %dma_start3A_139 = arith.constant 0 : i32
      %dma_start3A_140 = tpu.memref_slice %arg8[%mul3A_60, %dma_start3A_139] : memref<10240x128xf32, #tpu.memory_space<vmem_shared>> -> memref<640x128xf32, #tpu.memory_space<vmem_shared>>
      tpu.enqueue_dma source(%arg4 : memref<640x128xf32, #tpu.memory_space<hbm>>) target(%dma_start3A_140 : memref<640x128xf32, #tpu.memory_space<vmem_shared>>) target_semaphore(%run_scoped3A : memref<!tpu.dma_semaphore, #tpu.memory_space<semaphore_mem>>)
      %dma_wait3A_141 = arith.constant 0 : i32
      %dma_wait3A_142 = tpu.memref_slice %arg8[%mul3A_60, %dma_wait3A_141] : memref<10240x128xf32, #tpu.memory_space<vmem_shared>> -> memref<640x128xf32, #tpu.memory_space<vmem_shared>>
      tpu.wait_dma2 semaphore(%run_scoped3A : memref<!tpu.dma_semaphore, #tpu.memory_space<semaphore_mem>>) src(%arg4 : memref<640x128xf32, #tpu.memory_space<hbm>>) dst(%dma_wait3A_142 : memref<640x128xf32, #tpu.memory_space<vmem_shared>>)
      tpu.yield
    }) : () -> ()
    %add3A_61 = arith.constant 0 : i32
    %add3A_62 = arith.addi %add3A_61, %mul3A_2 : i32
    %dma_wait3A = arith.constant 0 : i32
    %dma_wait3A_63 = arith.constant 0 : i32
    %dma_wait3A_64 = arith.constant 0 : i32
    %dma_wait3A_65 = tpu.memref_slice %arg6[%dma_wait3A, %dma_wait3A_63, %dma_wait3A_64] : memref<4x2x128xi32, #tpu.memory_space<vmem>> -> memref<1x2x128xi32, #tpu.memory_space<vmem>>
    %dma_wait3A_66 = tpu.memref_squeeze %dma_wait3A_65 : memref<1x2x128xi32, #tpu.memory_space<vmem>> -> memref<2x128xi32, #tpu.memory_space<vmem>>
    %dma_wait3A_67 = arith.constant 0 : i32
    %dma_wait3A_68 = arith.constant 0 : i32
    %dma_wait3A_69 = tpu.memref_slice %arg3[%add3A_62, %dma_wait3A_67, %dma_wait3A_68] : memref<2560x2x128xi32, #tpu.memory_space<hbm>> -> memref<1x2x128xi32, #tpu.memory_space<hbm>>
    %dma_wait3A_70 = tpu.memref_squeeze %dma_wait3A_69 : memref<1x2x128xi32, #tpu.memory_space<hbm>> -> memref<2x128xi32, #tpu.memory_space<hbm>>
    %dma_wait3A_71 = arith.constant 0 : i32
    %dma_wait3A_72 = arith.constant 0 : i32
    %dma_wait3A_73 = tpu.memref_slice %arg6[%dma_wait3A, %dma_wait3A_71, %dma_wait3A_72] : memref<4x2x128xi32, #tpu.memory_space<vmem>> -> memref<1x2x128xi32, #tpu.memory_space<vmem>>
    %dma_wait3A_74 = tpu.memref_squeeze %dma_wait3A_73 : memref<1x2x128xi32, #tpu.memory_space<vmem>> -> memref<2x128xi32, #tpu.memory_space<vmem>>
    %dma_wait3A_75 = arith.constant 0 : i32
    %dma_wait3A_76 = arith.constant 0 : i32
    %dma_wait3A_77 = tpu.memref_slice %arg3[%add3A_62, %dma_wait3A_75, %dma_wait3A_76] : memref<2560x2x128xi32, #tpu.memory_space<hbm>> -> memref<1x2x128xi32, #tpu.memory_space<hbm>>
    %dma_wait3A_78 = tpu.memref_squeeze %dma_wait3A_77 : memref<1x2x128xi32, #tpu.memory_space<hbm>> -> memref<2x128xi32, #tpu.memory_space<hbm>>
    tpu.wait_dma2 semaphore(%arg9 : memref<!tpu.dma_semaphore, #tpu.memory_space<semaphore_mem>>) src(%dma_wait3A_78 : memref<2x128xi32, #tpu.memory_space<hbm>>) dst(%dma_wait3A_74 : memref<2x128xi32, #tpu.memory_space<vmem>>)
    %dma_start3A_79 = arith.constant 0 : i32
    %dma_start3A_80 = arith.constant 0 : i32
    %dma_start3A_81 = arith.constant 0 : i32
    %dma_start3A_82 = arith.constant 0 : i32
    %dma_start3A_83 = arith.constant 0 : i32
    %dma_start3A_84 = tpu.memref_slice %arg7[%dma_start3A_81, %dma_start3A_82, %dma_start3A_83] : memref<2x128x128xf32, #tpu.memory_space<vmem>> -> memref<1x128x128xf32, #tpu.memory_space<vmem>>
    %dma_start3A_85 = tpu.memref_squeeze %dma_start3A_84 : memref<1x128x128xf32, #tpu.memory_space<vmem>> -> memref<128x128xf32, #tpu.memory_space<vmem>>
    %dma_start3A_86 = arith.constant 0 : i32
    %dma_start3A_87 = arith.constant 0 : i32
    %dma_start3A_88 = tpu.memref_slice %arg6[%dma_start3A_79, %dma_start3A_86, %dma_start3A_87] : memref<4x2x128xi32, #tpu.memory_space<vmem>> -> memref<1x2x128xi32, #tpu.memory_space<vmem>>
    %dma_start3A_89 = tpu.memref_squeeze %dma_start3A_88 : memref<1x2x128xi32, #tpu.memory_space<vmem>> -> memref<2x128xi32, #tpu.memory_space<vmem>>
    %dma_start3A_90 = arith.constant 0 : i32
    %dma_start3A_91 = tpu.memref_slice %dma_start3A_89[%dma_start3A_80, %dma_start3A_90] : memref<2x128xi32, #tpu.memory_space<vmem>> -> memref<1x128xi32, #tpu.memory_space<vmem>>
    %dma_start3A_92 = tpu.memref_squeeze %dma_start3A_91 : memref<1x128xi32, #tpu.memory_space<vmem>> -> memref<128xi32, #tpu.memory_space<vmem>>
    %dma_start3A_93 = arith.constant 0 : i32
    %dma_start3A_94 = arith.constant 0 : i32
    %dma_start3A_95 = tpu.memref_slice %arg2[%dma_start3A_93, %dma_start3A_94] : memref<10240x128xf32, #tpu.memory_space<hbm>> -> memref<10240x128xf32, #tpu.memory_space<hbm>>
    tpu.enqueue_indirect_dma source(%dma_start3A_95 : memref<10240x128xf32, #tpu.memory_space<hbm>>) target(%dma_start3A_85 : memref<128x128xf32, #tpu.memory_space<vmem>>) offsets(%dma_start3A_92 : memref<128xi32, #tpu.memory_space<vmem>>) semaphore(%arg13 : memref<!tpu.dma_semaphore, #tpu.memory_space<semaphore_mem>>)
    %barrier3A = arith.constant 0 : index
    tpu.barrier barrier_id(%barrier3A)
    %scan3A = arith.constant 0 : i32
    %scan3A_96 = arith.constant 20 : i32
    %scan3A_97 = arith.addi %scan3A, %scan3A_96 : i32
    %scan3A_98 = arith.constant 1 : i32
    scf.for %scan3A_139 = %scan3A to %scan3A_97 step %scan3A_98  : i32 {
      %mul3A_140 = arith.constant 4 : i32
      %mul3A_141 = arith.muli %scan3A_139, %mul3A_140 : i32
      %add3A_142 = arith.constant 0 : i32
      %add3A_143 = arith.addi %add3A_142, %mul3A_141 : i32
      %add3A_144 = arith.constant 0 : i32
      %add3A_145 = arith.addi %add3A_143, %add3A_144 : i32
      %add3A_146 = arith.constant 1 : i32
      %add3A_147 = arith.addi %add3A_145, %add3A_146 : i32
      %lt3A = arith.constant 80 : i32
      %lt3A_148 = arith.cmpi slt, %add3A_147, %lt3A : i32
      %convert_element_type3A = arith.extui %lt3A_148 : i1 to i32
      %cond3A = arith.constant 0 : i32
      %cond3A_149 = arith.cmpi ne, %convert_element_type3A, %cond3A : i32
      scf.if %cond3A_149 {
        %ge3A = arith.constant 1 : i32
        %ge3A_313 = arith.cmpi sge, %add3A_145, %ge3A : i32
        %convert_element_type3A_314 = arith.extui %ge3A_313 : i1 to i32
        %cond3A_315 = arith.constant 0 : i32
        %cond3A_316 = arith.cmpi ne, %convert_element_type3A_314, %cond3A_315 : i32
        scf.if %cond3A_316 {
          %dma_wait3A_363 = arith.constant 1 : i32
          %dma_wait3A_364 = arith.constant 3 : i32
          %dma_wait3A_365 = arith.constant 1 : i32
          %dma_wait3A_366 = arith.constant 0 : i32
          %dma_wait3A_367 = arith.constant 0 : i32
          %dma_wait3A_368 = tpu.memref_slice %arg7[%dma_wait3A_363, %dma_wait3A_366, %dma_wait3A_367] : memref<2x128x128xf32, #tpu.memory_space<vmem>> -> memref<1x128x128xf32, #tpu.memory_space<vmem>>
          %dma_wait3A_369 = tpu.memref_squeeze %dma_wait3A_368 : memref<1x128x128xf32, #tpu.memory_space<vmem>> -> memref<128x128xf32, #tpu.memory_space<vmem>>
          %dma_wait3A_370 = arith.constant 0 : i32
          %dma_wait3A_371 = arith.constant 0 : i32
          %dma_wait3A_372 = tpu.memref_slice %arg6[%dma_wait3A_364, %dma_wait3A_370, %dma_wait3A_371] : memref<4x2x128xi32, #tpu.memory_space<vmem>> -> memref<1x2x128xi32, #tpu.memory_space<vmem>>
          %dma_wait3A_373 = tpu.memref_squeeze %dma_wait3A_372 : memref<1x2x128xi32, #tpu.memory_space<vmem>> -> memref<2x128xi32, #tpu.memory_space<vmem>>
          %dma_wait3A_374 = arith.constant 0 : i32
          %dma_wait3A_375 = tpu.memref_slice %dma_wait3A_373[%dma_wait3A_365, %dma_wait3A_374] : memref<2x128xi32, #tpu.memory_space<vmem>> -> memref<1x128xi32, #tpu.memory_space<vmem>>
          %dma_wait3A_376 = tpu.memref_squeeze %dma_wait3A_375 : memref<1x128xi32, #tpu.memory_space<vmem>> -> memref<128xi32, #tpu.memory_space<vmem>>
          %dma_wait3A_377 = arith.constant 0 : i32
          %dma_wait3A_378 = arith.constant 0 : i32
          %dma_wait3A_379 = tpu.memref_slice %arg8[%dma_wait3A_377, %dma_wait3A_378] : memref<10240x128xf32, #tpu.memory_space<vmem_shared>> -> memref<10240x128xf32, #tpu.memory_space<vmem_shared>>
          tpu.wait_indirect_dma semaphore(%arg16 : memref<!tpu.dma_semaphore, #tpu.memory_space<semaphore_mem>>) src(%dma_wait3A_369 : memref<128x128xf32, #tpu.memory_space<vmem>>) dst(%dma_wait3A_379 : memref<10240x128xf32, #tpu.memory_space<vmem_shared>>)
        } else {
        }
        %add3A_317 = arith.constant 3 : i32
        %add3A_318 = arith.addi %add3A_145, %add3A_317 : i32
        %lt3A_319 = arith.constant 80 : i32
        %lt3A_320 = arith.cmpi slt, %add3A_318, %lt3A_319 : i32
        %convert_element_type3A_321 = arith.extui %lt3A_320 : i1 to i32
        %cond3A_322 = arith.constant 0 : i32
        %cond3A_323 = arith.cmpi ne, %convert_element_type3A_321, %cond3A_322 : i32
        scf.if %cond3A_323 {
          %add3A_363 = arith.constant 3 : i32
          %add3A_364 = arith.addi %add3A_145, %add3A_363 : i32
          %add3A_365 = arith.addi %add3A_364, %mul3A_2 : i32
          %dma_start3A_366 = arith.constant 3 : i32
          %dma_start3A_367 = arith.constant 0 : i32
          %dma_start3A_368 = arith.constant 0 : i32
          %dma_start3A_369 = tpu.memref_slice %arg6[%dma_start3A_366, %dma_start3A_367, %dma_start3A_368] : memref<4x2x128xi32, #tpu.memory_space<vmem>> -> memref<1x2x128xi32, #tpu.memory_space<vmem>>
          %dma_start3A_370 = tpu.memref_squeeze %dma_start3A_369 : memref<1x2x128xi32, #tpu.memory_space<vmem>> -> memref<2x128xi32, #tpu.memory_space<vmem>>
          %dma_start3A_371 = arith.constant 0 : i32
          %dma_start3A_372 = arith.constant 0 : i32
          %dma_start3A_373 = tpu.memref_slice %arg3[%add3A_365, %dma_start3A_371, %dma_start3A_372] : memref<2560x2x128xi32, #tpu.memory_space<hbm>> -> memref<1x2x128xi32, #tpu.memory_space<hbm>>
          %dma_start3A_374 = tpu.memref_squeeze %dma_start3A_373 : memref<1x2x128xi32, #tpu.memory_space<hbm>> -> memref<2x128xi32, #tpu.memory_space<hbm>>
          %dma_start3A_375 = arith.constant 0 : i32
          %dma_start3A_376 = arith.constant 0 : i32
          %dma_start3A_377 = tpu.memref_slice %arg6[%dma_start3A_366, %dma_start3A_375, %dma_start3A_376] : memref<4x2x128xi32, #tpu.memory_space<vmem>> -> memref<1x2x128xi32, #tpu.memory_space<vmem>>
          %dma_start3A_378 = tpu.memref_squeeze %dma_start3A_377 : memref<1x2x128xi32, #tpu.memory_space<vmem>> -> memref<2x128xi32, #tpu.memory_space<vmem>>
          %dma_start3A_379 = arith.constant 0 : i32
          %dma_start3A_380 = arith.constant 0 : i32
          %dma_start3A_381 = tpu.memref_slice %arg3[%add3A_365, %dma_start3A_379, %dma_start3A_380] : memref<2560x2x128xi32, #tpu.memory_space<hbm>> -> memref<1x2x128xi32, #tpu.memory_space<hbm>>
          %dma_start3A_382 = tpu.memref_squeeze %dma_start3A_381 : memref<1x2x128xi32, #tpu.memory_space<hbm>> -> memref<2x128xi32, #tpu.memory_space<hbm>>
          tpu.enqueue_dma source(%dma_start3A_382 : memref<2x128xi32, #tpu.memory_space<hbm>>) target(%dma_start3A_378 : memref<2x128xi32, #tpu.memory_space<vmem>>) target_semaphore(%arg12 : memref<!tpu.dma_semaphore, #tpu.memory_space<semaphore_mem>>)
        } else {
        }
        %add3A_324 = arith.constant 1 : i32
        %add3A_325 = arith.addi %add3A_145, %add3A_324 : i32
        %add3A_326 = arith.addi %add3A_325, %mul3A_2 : i32
        %dma_wait3A_327 = arith.constant 1 : i32
        %dma_wait3A_328 = arith.constant 0 : i32
        %dma_wait3A_329 = arith.constant 0 : i32
        %dma_wait3A_330 = tpu.memref_slice %arg6[%dma_wait3A_327, %dma_wait3A_328, %dma_wait3A_329] : memref<4x2x128xi32, #tpu.memory_space<vmem>> -> memref<1x2x128xi32, #tpu.memory_space<vmem>>
        %dma_wait3A_331 = tpu.memref_squeeze %dma_wait3A_330 : memref<1x2x128xi32, #tpu.memory_space<vmem>> -> memref<2x128xi32, #tpu.memory_space<vmem>>
        %dma_wait3A_332 = arith.constant 0 : i32
        %dma_wait3A_333 = arith.constant 0 : i32
        %dma_wait3A_334 = tpu.memref_slice %arg3[%add3A_326, %dma_wait3A_332, %dma_wait3A_333] : memref<2560x2x128xi32, #tpu.memory_space<hbm>> -> memref<1x2x128xi32, #tpu.memory_space<hbm>>
        %dma_wait3A_335 = tpu.memref_squeeze %dma_wait3A_334 : memref<1x2x128xi32, #tpu.memory_space<hbm>> -> memref<2x128xi32, #tpu.memory_space<hbm>>
        %dma_wait3A_336 = arith.constant 0 : i32
        %dma_wait3A_337 = arith.constant 0 : i32
        %dma_wait3A_338 = tpu.memref_slice %arg6[%dma_wait3A_327, %dma_wait3A_336, %dma_wait3A_337] : memref<4x2x128xi32, #tpu.memory_space<vmem>> -> memref<1x2x128xi32, #tpu.memory_space<vmem>>
        %dma_wait3A_339 = tpu.memref_squeeze %dma_wait3A_338 : memref<1x2x128xi32, #tpu.memory_space<vmem>> -> memref<2x128xi32, #tpu.memory_space<vmem>>
        %dma_wait3A_340 = arith.constant 0 : i32
        %dma_wait3A_341 = arith.constant 0 : i32
        %dma_wait3A_342 = tpu.memref_slice %arg3[%add3A_326, %dma_wait3A_340, %dma_wait3A_341] : memref<2560x2x128xi32, #tpu.memory_space<hbm>> -> memref<1x2x128xi32, #tpu.memory_space<hbm>>
        %dma_wait3A_343 = tpu.memref_squeeze %dma_wait3A_342 : memref<1x2x128xi32, #tpu.memory_space<hbm>> -> memref<2x128xi32, #tpu.memory_space<hbm>>
        tpu.wait_dma2 semaphore(%arg10 : memref<!tpu.dma_semaphore, #tpu.memory_space<semaphore_mem>>) src(%dma_wait3A_343 : memref<2x128xi32, #tpu.memory_space<hbm>>) dst(%dma_wait3A_339 : memref<2x128xi32, #tpu.memory_space<vmem>>)
        %add3A_344 = arith.constant 1 : i32
        %add3A_345 = arith.addi %add3A_145, %add3A_344 : i32
        %dma_start3A_346 = arith.constant 1 : i32
        %dma_start3A_347 = arith.constant 0 : i32
        %dma_start3A_348 = arith.constant 1 : i32
        %dma_start3A_349 = arith.constant 0 : i32
        %dma_start3A_350 = arith.constant 0 : i32
        %dma_start3A_351 = tpu.memref_slice %arg7[%dma_start3A_348, %dma_start3A_349, %dma_start3A_350] : memref<2x128x128xf32, #tpu.memory_space<vmem>> -> memref<1x128x128xf32, #tpu.memory_space<vmem>>
        %dma_start3A_352 = tpu.memref_squeeze %dma_start3A_351 : memref<1x128x128xf32, #tpu.memory_space<vmem>> -> memref<128x128xf32, #tpu.memory_space<vmem>>
        %dma_start3A_353 = arith.constant 0 : i32
        %dma_start3A_354 = arith.constant 0 : i32
        %dma_start3A_355 = tpu.memref_slice %arg6[%dma_start3A_346, %dma_start3A_353, %dma_start3A_354] : memref<4x2x128xi32, #tpu.memory_space<vmem>> -> memref<1x2x128xi32, #tpu.memory_space<vmem>>
        %dma_start3A_356 = tpu.memref_squeeze %dma_start3A_355 : memref<1x2x128xi32, #tpu.memory_space<vmem>> -> memref<2x128xi32, #tpu.memory_space<vmem>>
        %dma_start3A_357 = arith.constant 0 : i32
        %dma_start3A_358 = tpu.memref_slice %dma_start3A_356[%dma_start3A_347, %dma_start3A_357] : memref<2x128xi32, #tpu.memory_space<vmem>> -> memref<1x128xi32, #tpu.memory_space<vmem>>
        %dma_start3A_359 = tpu.memref_squeeze %dma_start3A_358 : memref<1x128xi32, #tpu.memory_space<vmem>> -> memref<128xi32, #tpu.memory_space<vmem>>
        %dma_start3A_360 = arith.constant 0 : i32
        %dma_start3A_361 = arith.constant 0 : i32
        %dma_start3A_362 = tpu.memref_slice %arg2[%dma_start3A_360, %dma_start3A_361] : memref<10240x128xf32, #tpu.memory_space<hbm>> -> memref<10240x128xf32, #tpu.memory_space<hbm>>
        tpu.enqueue_indirect_dma source(%dma_start3A_362 : memref<10240x128xf32, #tpu.memory_space<hbm>>) target(%dma_start3A_352 : memref<128x128xf32, #tpu.memory_space<vmem>>) offsets(%dma_start3A_359 : memref<128xi32, #tpu.memory_space<vmem>>) semaphore(%arg14 : memref<!tpu.dma_semaphore, #tpu.memory_space<semaphore_mem>>)
      } else {
      }
      %dma_wait3A_150 = arith.constant 0 : i32
      %dma_wait3A_151 = arith.constant 0 : i32
      %dma_wait3A_152 = arith.constant 0 : i32
      %dma_wait3A_153 = arith.constant 0 : i32
      %dma_wait3A_154 = arith.constant 0 : i32
      %dma_wait3A_155 = tpu.memref_slice %arg7[%dma_wait3A_152, %dma_wait3A_153, %dma_wait3A_154] : memref<2x128x128xf32, #tpu.memory_space<vmem>> -> memref<1x128x128xf32, #tpu.memory_space<vmem>>
      %dma_wait3A_156 = tpu.memref_squeeze %dma_wait3A_155 : memref<1x128x128xf32, #tpu.memory_space<vmem>> -> memref<128x128xf32, #tpu.memory_space<vmem>>
      %dma_wait3A_157 = arith.constant 0 : i32
      %dma_wait3A_158 = arith.constant 0 : i32
      %dma_wait3A_159 = tpu.memref_slice %arg6[%dma_wait3A_150, %dma_wait3A_157, %dma_wait3A_158] : memref<4x2x128xi32, #tpu.memory_space<vmem>> -> memref<1x2x128xi32, #tpu.memory_space<vmem>>
      %dma_wait3A_160 = tpu.memref_squeeze %dma_wait3A_159 : memref<1x2x128xi32, #tpu.memory_space<vmem>> -> memref<2x128xi32, #tpu.memory_space<vmem>>
      %dma_wait3A_161 = arith.constant 0 : i32
      %dma_wait3A_162 = tpu.memref_slice %dma_wait3A_160[%dma_wait3A_151, %dma_wait3A_161] : memref<2x128xi32, #tpu.memory_space<vmem>> -> memref<1x128xi32, #tpu.memory_space<vmem>>
      %dma_wait3A_163 = tpu.memref_squeeze %dma_wait3A_162 : memref<1x128xi32, #tpu.memory_space<vmem>> -> memref<128xi32, #tpu.memory_space<vmem>>
      %dma_wait3A_164 = arith.constant 0 : i32
      %dma_wait3A_165 = arith.constant 0 : i32
      %dma_wait3A_166 = tpu.memref_slice %arg2[%dma_wait3A_164, %dma_wait3A_165] : memref<10240x128xf32, #tpu.memory_space<hbm>> -> memref<10240x128xf32, #tpu.memory_space<hbm>>
      tpu.wait_indirect_dma semaphore(%arg13 : memref<!tpu.dma_semaphore, #tpu.memory_space<semaphore_mem>>) src(%dma_wait3A_166 : memref<10240x128xf32, #tpu.memory_space<hbm>>) dst(%dma_wait3A_156 : memref<128x128xf32, #tpu.memory_space<vmem>>)
      %dma_start3A_167 = arith.constant 0 : i32
      %dma_start3A_168 = arith.constant 0 : i32
      %dma_start3A_169 = arith.constant 1 : i32
      %dma_start3A_170 = arith.constant 0 : i32
      %dma_start3A_171 = arith.constant 0 : i32
      %dma_start3A_172 = tpu.memref_slice %arg7[%dma_start3A_167, %dma_start3A_170, %dma_start3A_171] : memref<2x128x128xf32, #tpu.memory_space<vmem>> -> memref<1x128x128xf32, #tpu.memory_space<vmem>>
      %dma_start3A_173 = tpu.memref_squeeze %dma_start3A_172 : memref<1x128x128xf32, #tpu.memory_space<vmem>> -> memref<128x128xf32, #tpu.memory_space<vmem>>
      %dma_start3A_174 = arith.constant 0 : i32
      %dma_start3A_175 = arith.constant 0 : i32
      %dma_start3A_176 = tpu.memref_slice %arg6[%dma_start3A_168, %dma_start3A_174, %dma_start3A_175] : memref<4x2x128xi32, #tpu.memory_space<vmem>> -> memref<1x2x128xi32, #tpu.memory_space<vmem>>
      %dma_start3A_177 = tpu.memref_squeeze %dma_start3A_176 : memref<1x2x128xi32, #tpu.memory_space<vmem>> -> memref<2x128xi32, #tpu.memory_space<vmem>>
      %dma_start3A_178 = arith.constant 0 : i32
      %dma_start3A_179 = tpu.memref_slice %dma_start3A_177[%dma_start3A_169, %dma_start3A_178] : memref<2x128xi32, #tpu.memory_space<vmem>> -> memref<1x128xi32, #tpu.memory_space<vmem>>
      %dma_start3A_180 = tpu.memref_squeeze %dma_start3A_179 : memref<1x128xi32, #tpu.memory_space<vmem>> -> memref<128xi32, #tpu.memory_space<vmem>>
      %dma_start3A_181 = arith.constant 0 : i32
      %dma_start3A_182 = arith.constant 0 : i32
      %dma_start3A_183 = tpu.memref_slice %arg8[%dma_start3A_181, %dma_start3A_182] : memref<10240x128xf32, #tpu.memory_space<vmem_shared>> -> memref<10240x128xf32, #tpu.memory_space<vmem_shared>>
      tpu.enqueue_indirect_dma source(%dma_start3A_173 : memref<128x128xf32, #tpu.memory_space<vmem>>) target(%dma_start3A_183 : memref<10240x128xf32, #tpu.memory_space<vmem_shared>>) offsets(%dma_start3A_180 : memref<128xi32, #tpu.memory_space<vmem>>) semaphore(%arg15 : memref<!tpu.dma_semaphore, #tpu.memory_space<semaphore_mem>>) {add = true}
      %add3A_184 = arith.constant 1 : i32
      %add3A_185 = arith.addi %add3A_143, %add3A_184 : i32
      %add3A_186 = arith.constant 1 : i32
      %add3A_187 = arith.addi %add3A_185, %add3A_186 : i32
      %lt3A_188 = arith.constant 80 : i32
      %lt3A_189 = arith.cmpi slt, %add3A_187, %lt3A_188 : i32
      %convert_element_type3A_190 = arith.extui %lt3A_189 : i1 to i32
      %cond3A_191 = arith.constant 0 : i32
      %cond3A_192 = arith.cmpi ne, %convert_element_type3A_190, %cond3A_191 : i32
      scf.if %cond3A_192 {
        %ge3A = arith.constant 1 : i32
        %ge3A_313 = arith.cmpi sge, %add3A_185, %ge3A : i32
        %convert_element_type3A_314 = arith.extui %ge3A_313 : i1 to i32
        %cond3A_315 = arith.constant 0 : i32
        %cond3A_316 = arith.cmpi ne, %convert_element_type3A_314, %cond3A_315 : i32
        scf.if %cond3A_316 {
          %dma_wait3A_363 = arith.constant 0 : i32
          %dma_wait3A_364 = arith.constant 0 : i32
          %dma_wait3A_365 = arith.constant 1 : i32
          %dma_wait3A_366 = arith.constant 0 : i32
          %dma_wait3A_367 = arith.constant 0 : i32
          %dma_wait3A_368 = tpu.memref_slice %arg7[%dma_wait3A_363, %dma_wait3A_366, %dma_wait3A_367] : memref<2x128x128xf32, #tpu.memory_space<vmem>> -> memref<1x128x128xf32, #tpu.memory_space<vmem>>
          %dma_wait3A_369 = tpu.memref_squeeze %dma_wait3A_368 : memref<1x128x128xf32, #tpu.memory_space<vmem>> -> memref<128x128xf32, #tpu.memory_space<vmem>>
          %dma_wait3A_370 = arith.constant 0 : i32
          %dma_wait3A_371 = arith.constant 0 : i32
          %dma_wait3A_372 = tpu.memref_slice %arg6[%dma_wait3A_364, %dma_wait3A_370, %dma_wait3A_371] : memref<4x2x128xi32, #tpu.memory_space<vmem>> -> memref<1x2x128xi32, #tpu.memory_space<vmem>>
          %dma_wait3A_373 = tpu.memref_squeeze %dma_wait3A_372 : memref<1x2x128xi32, #tpu.memory_space<vmem>> -> memref<2x128xi32, #tpu.memory_space<vmem>>
          %dma_wait3A_374 = arith.constant 0 : i32
          %dma_wait3A_375 = tpu.memref_slice %dma_wait3A_373[%dma_wait3A_365, %dma_wait3A_374] : memref<2x128xi32, #tpu.memory_space<vmem>> -> memref<1x128xi32, #tpu.memory_space<vmem>>
          %dma_wait3A_376 = tpu.memref_squeeze %dma_wait3A_375 : memref<1x128xi32, #tpu.memory_space<vmem>> -> memref<128xi32, #tpu.memory_space<vmem>>
          %dma_wait3A_377 = arith.constant 0 : i32
          %dma_wait3A_378 = arith.constant 0 : i32
          %dma_wait3A_379 = tpu.memref_slice %arg8[%dma_wait3A_377, %dma_wait3A_378] : memref<10240x128xf32, #tpu.memory_space<vmem_shared>> -> memref<10240x128xf32, #tpu.memory_space<vmem_shared>>
          tpu.wait_indirect_dma semaphore(%arg15 : memref<!tpu.dma_semaphore, #tpu.memory_space<semaphore_mem>>) src(%dma_wait3A_369 : memref<128x128xf32, #tpu.memory_space<vmem>>) dst(%dma_wait3A_379 : memref<10240x128xf32, #tpu.memory_space<vmem_shared>>)
        } else {
        }
        %add3A_317 = arith.constant 3 : i32
        %add3A_318 = arith.addi %add3A_185, %add3A_317 : i32
        %lt3A_319 = arith.constant 80 : i32
        %lt3A_320 = arith.cmpi slt, %add3A_318, %lt3A_319 : i32
        %convert_element_type3A_321 = arith.extui %lt3A_320 : i1 to i32
        %cond3A_322 = arith.constant 0 : i32
        %cond3A_323 = arith.cmpi ne, %convert_element_type3A_321, %cond3A_322 : i32
        scf.if %cond3A_323 {
          %add3A_363 = arith.constant 3 : i32
          %add3A_364 = arith.addi %add3A_185, %add3A_363 : i32
          %add3A_365 = arith.addi %add3A_364, %mul3A_2 : i32
          %dma_start3A_366 = arith.constant 0 : i32
          %dma_start3A_367 = arith.constant 0 : i32
          %dma_start3A_368 = arith.constant 0 : i32
          %dma_start3A_369 = tpu.memref_slice %arg6[%dma_start3A_366, %dma_start3A_367, %dma_start3A_368] : memref<4x2x128xi32, #tpu.memory_space<vmem>> -> memref<1x2x128xi32, #tpu.memory_space<vmem>>
          %dma_start3A_370 = tpu.memref_squeeze %dma_start3A_369 : memref<1x2x128xi32, #tpu.memory_space<vmem>> -> memref<2x128xi32, #tpu.memory_space<vmem>>
          %dma_start3A_371 = arith.constant 0 : i32
          %dma_start3A_372 = arith.constant 0 : i32
          %dma_start3A_373 = tpu.memref_slice %arg3[%add3A_365, %dma_start3A_371, %dma_start3A_372] : memref<2560x2x128xi32, #tpu.memory_space<hbm>> -> memref<1x2x128xi32, #tpu.memory_space<hbm>>
          %dma_start3A_374 = tpu.memref_squeeze %dma_start3A_373 : memref<1x2x128xi32, #tpu.memory_space<hbm>> -> memref<2x128xi32, #tpu.memory_space<hbm>>
          %dma_start3A_375 = arith.constant 0 : i32
          %dma_start3A_376 = arith.constant 0 : i32
          %dma_start3A_377 = tpu.memref_slice %arg6[%dma_start3A_366, %dma_start3A_375, %dma_start3A_376] : memref<4x2x128xi32, #tpu.memory_space<vmem>> -> memref<1x2x128xi32, #tpu.memory_space<vmem>>
          %dma_start3A_378 = tpu.memref_squeeze %dma_start3A_377 : memref<1x2x128xi32, #tpu.memory_space<vmem>> -> memref<2x128xi32, #tpu.memory_space<vmem>>
          %dma_start3A_379 = arith.constant 0 : i32
          %dma_start3A_380 = arith.constant 0 : i32
          %dma_start3A_381 = tpu.memref_slice %arg3[%add3A_365, %dma_start3A_379, %dma_start3A_380] : memref<2560x2x128xi32, #tpu.memory_space<hbm>> -> memref<1x2x128xi32, #tpu.memory_space<hbm>>
          %dma_start3A_382 = tpu.memref_squeeze %dma_start3A_381 : memref<1x2x128xi32, #tpu.memory_space<hbm>> -> memref<2x128xi32, #tpu.memory_space<hbm>>
          tpu.enqueue_dma source(%dma_start3A_382 : memref<2x128xi32, #tpu.memory_space<hbm>>) target(%dma_start3A_378 : memref<2x128xi32, #tpu.memory_space<vmem>>) target_semaphore(%arg9 : memref<!tpu.dma_semaphore, #tpu.memory_space<semaphore_mem>>)
        } else {
        }
        %add3A_324 = arith.constant 1 : i32
        %add3A_325 = arith.addi %add3A_185, %add3A_324 : i32
        %add3A_326 = arith.addi %add3A_325, %mul3A_2 : i32
        %dma_wait3A_327 = arith.constant 2 : i32
        %dma_wait3A_328 = arith.constant 0 : i32
        %dma_wait3A_329 = arith.constant 0 : i32
        %dma_wait3A_330 = tpu.memref_slice %arg6[%dma_wait3A_327, %dma_wait3A_328, %dma_wait3A_329] : memref<4x2x128xi32, #tpu.memory_space<vmem>> -> memref<1x2x128xi32, #tpu.memory_space<vmem>>
        %dma_wait3A_331 = tpu.memref_squeeze %dma_wait3A_330 : memref<1x2x128xi32, #tpu.memory_space<vmem>> -> memref<2x128xi32, #tpu.memory_space<vmem>>
        %dma_wait3A_332 = arith.constant 0 : i32
        %dma_wait3A_333 = arith.constant 0 : i32
        %dma_wait3A_334 = tpu.memref_slice %arg3[%add3A_326, %dma_wait3A_332, %dma_wait3A_333] : memref<2560x2x128xi32, #tpu.memory_space<hbm>> -> memref<1x2x128xi32, #tpu.memory_space<hbm>>
        %dma_wait3A_335 = tpu.memref_squeeze %dma_wait3A_334 : memref<1x2x128xi32, #tpu.memory_space<hbm>> -> memref<2x128xi32, #tpu.memory_space<hbm>>
        %dma_wait3A_336 = arith.constant 0 : i32
        %dma_wait3A_337 = arith.constant 0 : i32
        %dma_wait3A_338 = tpu.memref_slice %arg6[%dma_wait3A_327, %dma_wait3A_336, %dma_wait3A_337] : memref<4x2x128xi32, #tpu.memory_space<vmem>> -> memref<1x2x128xi32, #tpu.memory_space<vmem>>
        %dma_wait3A_339 = tpu.memref_squeeze %dma_wait3A_338 : memref<1x2x128xi32, #tpu.memory_space<vmem>> -> memref<2x128xi32, #tpu.memory_space<vmem>>
        %dma_wait3A_340 = arith.constant 0 : i32
        %dma_wait3A_341 = arith.constant 0 : i32
        %dma_wait3A_342 = tpu.memref_slice %arg3[%add3A_326, %dma_wait3A_340, %dma_wait3A_341] : memref<2560x2x128xi32, #tpu.memory_space<hbm>> -> memref<1x2x128xi32, #tpu.memory_space<hbm>>
        %dma_wait3A_343 = tpu.memref_squeeze %dma_wait3A_342 : memref<1x2x128xi32, #tpu.memory_space<hbm>> -> memref<2x128xi32, #tpu.memory_space<hbm>>
        tpu.wait_dma2 semaphore(%arg11 : memref<!tpu.dma_semaphore, #tpu.memory_space<semaphore_mem>>) src(%dma_wait3A_343 : memref<2x128xi32, #tpu.memory_space<hbm>>) dst(%dma_wait3A_339 : memref<2x128xi32, #tpu.memory_space<vmem>>)
        %add3A_344 = arith.constant 1 : i32
        %add3A_345 = arith.addi %add3A_185, %add3A_344 : i32
        %dma_start3A_346 = arith.constant 2 : i32
        %dma_start3A_347 = arith.constant 0 : i32
        %dma_start3A_348 = arith.constant 0 : i32
        %dma_start3A_349 = arith.constant 0 : i32
        %dma_start3A_350 = arith.constant 0 : i32
        %dma_start3A_351 = tpu.memref_slice %arg7[%dma_start3A_348, %dma_start3A_349, %dma_start3A_350] : memref<2x128x128xf32, #tpu.memory_space<vmem>> -> memref<1x128x128xf32, #tpu.memory_space<vmem>>
        %dma_start3A_352 = tpu.memref_squeeze %dma_start3A_351 : memref<1x128x128xf32, #tpu.memory_space<vmem>> -> memref<128x128xf32, #tpu.memory_space<vmem>>
        %dma_start3A_353 = arith.constant 0 : i32
        %dma_start3A_354 = arith.constant 0 : i32
        %dma_start3A_355 = tpu.memref_slice %arg6[%dma_start3A_346, %dma_start3A_353, %dma_start3A_354] : memref<4x2x128xi32, #tpu.memory_space<vmem>> -> memref<1x2x128xi32, #tpu.memory_space<vmem>>
        %dma_start3A_356 = tpu.memref_squeeze %dma_start3A_355 : memref<1x2x128xi32, #tpu.memory_space<vmem>> -> memref<2x128xi32, #tpu.memory_space<vmem>>
        %dma_start3A_357 = arith.constant 0 : i32
        %dma_start3A_358 = tpu.memref_slice %dma_start3A_356[%dma_start3A_347, %dma_start3A_357] : memref<2x128xi32, #tpu.memory_space<vmem>> -> memref<1x128xi32, #tpu.memory_space<vmem>>
        %dma_start3A_359 = tpu.memref_squeeze %dma_start3A_358 : memref<1x128xi32, #tpu.memory_space<vmem>> -> memref<128xi32, #tpu.memory_space<vmem>>
        %dma_start3A_360 = arith.constant 0 : i32
        %dma_start3A_361 = arith.constant 0 : i32
        %dma_start3A_362 = tpu.memref_slice %arg2[%dma_start3A_360, %dma_start3A_361] : memref<10240x128xf32, #tpu.memory_space<hbm>> -> memref<10240x128xf32, #tpu.memory_space<hbm>>
        tpu.enqueue_indirect_dma source(%dma_start3A_362 : memref<10240x128xf32, #tpu.memory_space<hbm>>) target(%dma_start3A_352 : memref<128x128xf32, #tpu.memory_space<vmem>>) offsets(%dma_start3A_359 : memref<128xi32, #tpu.memory_space<vmem>>) semaphore(%arg13 : memref<!tpu.dma_semaphore, #tpu.memory_space<semaphore_mem>>)
      } else {
      }
      %dma_wait3A_193 = arith.constant 1 : i32
      %dma_wait3A_194 = arith.constant 0 : i32
      %dma_wait3A_195 = arith.constant 1 : i32
      %dma_wait3A_196 = arith.constant 0 : i32
      %dma_wait3A_197 = arith.constant 0 : i32
      %dma_wait3A_198 = tpu.memref_slice %arg7[%dma_wait3A_195, %dma_wait3A_196, %dma_wait3A_197] : memref<2x128x128xf32, #tpu.memory_space<vmem>> -> memref<1x128x128xf32, #tpu.memory_space<vmem>>
      %dma_wait3A_199 = tpu.memref_squeeze %dma_wait3A_198 : memref<1x128x128xf32, #tpu.memory_space<vmem>> -> memref<128x128xf32, #tpu.memory_space<vmem>>
      %dma_wait3A_200 = arith.constant 0 : i32
      %dma_wait3A_201 = arith.constant 0 : i32
      %dma_wait3A_202 = tpu.memref_slice %arg6[%dma_wait3A_193, %dma_wait3A_200, %dma_wait3A_201] : memref<4x2x128xi32, #tpu.memory_space<vmem>> -> memref<1x2x128xi32, #tpu.memory_space<vmem>>
      %dma_wait3A_203 = tpu.memref_squeeze %dma_wait3A_202 : memref<1x2x128xi32, #tpu.memory_space<vmem>> -> memref<2x128xi32, #tpu.memory_space<vmem>>
      %dma_wait3A_204 = arith.constant 0 : i32
      %dma_wait3A_205 = tpu.memref_slice %dma_wait3A_203[%dma_wait3A_194, %dma_wait3A_204] : memref<2x128xi32, #tpu.memory_space<vmem>> -> memref<1x128xi32, #tpu.memory_space<vmem>>
      %dma_wait3A_206 = tpu.memref_squeeze %dma_wait3A_205 : memref<1x128xi32, #tpu.memory_space<vmem>> -> memref<128xi32, #tpu.memory_space<vmem>>
      %dma_wait3A_207 = arith.constant 0 : i32
      %dma_wait3A_208 = arith.constant 0 : i32
      %dma_wait3A_209 = tpu.memref_slice %arg2[%dma_wait3A_207, %dma_wait3A_208] : memref<10240x128xf32, #tpu.memory_space<hbm>> -> memref<10240x128xf32, #tpu.memory_space<hbm>>
      tpu.wait_indirect_dma semaphore(%arg14 : memref<!tpu.dma_semaphore, #tpu.memory_space<semaphore_mem>>) src(%dma_wait3A_209 : memref<10240x128xf32, #tpu.memory_space<hbm>>) dst(%dma_wait3A_199 : memref<128x128xf32, #tpu.memory_space<vmem>>)
      %dma_start3A_210 = arith.constant 1 : i32
      %dma_start3A_211 = arith.constant 1 : i32
      %dma_start3A_212 = arith.constant 1 : i32
      %dma_start3A_213 = arith.constant 0 : i32
      %dma_start3A_214 = arith.constant 0 : i32
      %dma_start3A_215 = tpu.memref_slice %arg7[%dma_start3A_210, %dma_start3A_213, %dma_start3A_214] : memref<2x128x128xf32, #tpu.memory_space<vmem>> -> memref<1x128x128xf32, #tpu.memory_space<vmem>>
      %dma_start3A_216 = tpu.memref_squeeze %dma_start3A_215 : memref<1x128x128xf32, #tpu.memory_space<vmem>> -> memref<128x128xf32, #tpu.memory_space<vmem>>
      %dma_start3A_217 = arith.constant 0 : i32
      %dma_start3A_218 = arith.constant 0 : i32
      %dma_start3A_219 = tpu.memref_slice %arg6[%dma_start3A_211, %dma_start3A_217, %dma_start3A_218] : memref<4x2x128xi32, #tpu.memory_space<vmem>> -> memref<1x2x128xi32, #tpu.memory_space<vmem>>
      %dma_start3A_220 = tpu.memref_squeeze %dma_start3A_219 : memref<1x2x128xi32, #tpu.memory_space<vmem>> -> memref<2x128xi32, #tpu.memory_space<vmem>>
      %dma_start3A_221 = arith.constant 0 : i32
      %dma_start3A_222 = tpu.memref_slice %dma_start3A_220[%dma_start3A_212, %dma_start3A_221] : memref<2x128xi32, #tpu.memory_space<vmem>> -> memref<1x128xi32, #tpu.memory_space<vmem>>
      %dma_start3A_223 = tpu.memref_squeeze %dma_start3A_222 : memref<1x128xi32, #tpu.memory_space<vmem>> -> memref<128xi32, #tpu.memory_space<vmem>>
      %dma_start3A_224 = arith.constant 0 : i32
      %dma_start3A_225 = arith.constant 0 : i32
      %dma_start3A_226 = tpu.memref_slice %arg8[%dma_start3A_224, %dma_start3A_225] : memref<10240x128xf32, #tpu.memory_space<vmem_shared>> -> memref<10240x128xf32, #tpu.memory_space<vmem_shared>>
      tpu.enqueue_indirect_dma source(%dma_start3A_216 : memref<128x128xf32, #tpu.memory_space<vmem>>) target(%dma_start3A_226 : memref<10240x128xf32, #tpu.memory_space<vmem_shared>>) offsets(%dma_start3A_223 : memref<128xi32, #tpu.memory_space<vmem>>) semaphore(%arg16 : memref<!tpu.dma_semaphore, #tpu.memory_space<semaphore_mem>>) {add = true}
      %add3A_227 = arith.constant 2 : i32
      %add3A_228 = arith.addi %add3A_143, %add3A_227 : i32
      %add3A_229 = arith.constant 1 : i32
      %add3A_230 = arith.addi %add3A_228, %add3A_229 : i32
      %lt3A_231 = arith.constant 80 : i32
      %lt3A_232 = arith.cmpi slt, %add3A_230, %lt3A_231 : i32
      %convert_element_type3A_233 = arith.extui %lt3A_232 : i1 to i32
      %cond3A_234 = arith.constant 0 : i32
      %cond3A_235 = arith.cmpi ne, %convert_element_type3A_233, %cond3A_234 : i32
      scf.if %cond3A_235 {
        %ge3A = arith.constant 1 : i32
        %ge3A_313 = arith.cmpi sge, %add3A_228, %ge3A : i32
        %convert_element_type3A_314 = arith.extui %ge3A_313 : i1 to i32
        %cond3A_315 = arith.constant 0 : i32
        %cond3A_316 = arith.cmpi ne, %convert_element_type3A_314, %cond3A_315 : i32
        scf.if %cond3A_316 {
          %dma_wait3A_363 = arith.constant 1 : i32
          %dma_wait3A_364 = arith.constant 1 : i32
          %dma_wait3A_365 = arith.constant 1 : i32
          %dma_wait3A_366 = arith.constant 0 : i32
          %dma_wait3A_367 = arith.constant 0 : i32
          %dma_wait3A_368 = tpu.memref_slice %arg7[%dma_wait3A_363, %dma_wait3A_366, %dma_wait3A_367] : memref<2x128x128xf32, #tpu.memory_space<vmem>> -> memref<1x128x128xf32, #tpu.memory_space<vmem>>
          %dma_wait3A_369 = tpu.memref_squeeze %dma_wait3A_368 : memref<1x128x128xf32, #tpu.memory_space<vmem>> -> memref<128x128xf32, #tpu.memory_space<vmem>>
          %dma_wait3A_370 = arith.constant 0 : i32
          %dma_wait3A_371 = arith.constant 0 : i32
          %dma_wait3A_372 = tpu.memref_slice %arg6[%dma_wait3A_364, %dma_wait3A_370, %dma_wait3A_371] : memref<4x2x128xi32, #tpu.memory_space<vmem>> -> memref<1x2x128xi32, #tpu.memory_space<vmem>>
          %dma_wait3A_373 = tpu.memref_squeeze %dma_wait3A_372 : memref<1x2x128xi32, #tpu.memory_space<vmem>> -> memref<2x128xi32, #tpu.memory_space<vmem>>
          %dma_wait3A_374 = arith.constant 0 : i32
          %dma_wait3A_375 = tpu.memref_slice %dma_wait3A_373[%dma_wait3A_365, %dma_wait3A_374] : memref<2x128xi32, #tpu.memory_space<vmem>> -> memref<1x128xi32, #tpu.memory_space<vmem>>
          %dma_wait3A_376 = tpu.memref_squeeze %dma_wait3A_375 : memref<1x128xi32, #tpu.memory_space<vmem>> -> memref<128xi32, #tpu.memory_space<vmem>>
          %dma_wait3A_377 = arith.constant 0 : i32
          %dma_wait3A_378 = arith.constant 0 : i32
          %dma_wait3A_379 = tpu.memref_slice %arg8[%dma_wait3A_377, %dma_wait3A_378] : memref<10240x128xf32, #tpu.memory_space<vmem_shared>> -> memref<10240x128xf32, #tpu.memory_space<vmem_shared>>
          tpu.wait_indirect_dma semaphore(%arg16 : memref<!tpu.dma_semaphore, #tpu.memory_space<semaphore_mem>>) src(%dma_wait3A_369 : memref<128x128xf32, #tpu.memory_space<vmem>>) dst(%dma_wait3A_379 : memref<10240x128xf32, #tpu.memory_space<vmem_shared>>)
        } else {
        }
        %add3A_317 = arith.constant 3 : i32
        %add3A_318 = arith.addi %add3A_228, %add3A_317 : i32
        %lt3A_319 = arith.constant 80 : i32
        %lt3A_320 = arith.cmpi slt, %add3A_318, %lt3A_319 : i32
        %convert_element_type3A_321 = arith.extui %lt3A_320 : i1 to i32
        %cond3A_322 = arith.constant 0 : i32
        %cond3A_323 = arith.cmpi ne, %convert_element_type3A_321, %cond3A_322 : i32
        scf.if %cond3A_323 {
          %add3A_363 = arith.constant 3 : i32
          %add3A_364 = arith.addi %add3A_228, %add3A_363 : i32
          %add3A_365 = arith.addi %add3A_364, %mul3A_2 : i32
          %dma_start3A_366 = arith.constant 1 : i32
          %dma_start3A_367 = arith.constant 0 : i32
          %dma_start3A_368 = arith.constant 0 : i32
          %dma_start3A_369 = tpu.memref_slice %arg6[%dma_start3A_366, %dma_start3A_367, %dma_start3A_368] : memref<4x2x128xi32, #tpu.memory_space<vmem>> -> memref<1x2x128xi32, #tpu.memory_space<vmem>>
          %dma_start3A_370 = tpu.memref_squeeze %dma_start3A_369 : memref<1x2x128xi32, #tpu.memory_space<vmem>> -> memref<2x128xi32, #tpu.memory_space<vmem>>
          %dma_start3A_371 = arith.constant 0 : i32
          %dma_start3A_372 = arith.constant 0 : i32
          %dma_start3A_373 = tpu.memref_slice %arg3[%add3A_365, %dma_start3A_371, %dma_start3A_372] : memref<2560x2x128xi32, #tpu.memory_space<hbm>> -> memref<1x2x128xi32, #tpu.memory_space<hbm>>
          %dma_start3A_374 = tpu.memref_squeeze %dma_start3A_373 : memref<1x2x128xi32, #tpu.memory_space<hbm>> -> memref<2x128xi32, #tpu.memory_space<hbm>>
          %dma_start3A_375 = arith.constant 0 : i32
          %dma_start3A_376 = arith.constant 0 : i32
          %dma_start3A_377 = tpu.memref_slice %arg6[%dma_start3A_366, %dma_start3A_375, %dma_start3A_376] : memref<4x2x128xi32, #tpu.memory_space<vmem>> -> memref<1x2x128xi32, #tpu.memory_space<vmem>>
          %dma_start3A_378 = tpu.memref_squeeze %dma_start3A_377 : memref<1x2x128xi32, #tpu.memory_space<vmem>> -> memref<2x128xi32, #tpu.memory_space<vmem>>
          %dma_start3A_379 = arith.constant 0 : i32
          %dma_start3A_380 = arith.constant 0 : i32
          %dma_start3A_381 = tpu.memref_slice %arg3[%add3A_365, %dma_start3A_379, %dma_start3A_380] : memref<2560x2x128xi32, #tpu.memory_space<hbm>> -> memref<1x2x128xi32, #tpu.memory_space<hbm>>
          %dma_start3A_382 = tpu.memref_squeeze %dma_start3A_381 : memref<1x2x128xi32, #tpu.memory_space<hbm>> -> memref<2x128xi32, #tpu.memory_space<hbm>>
          tpu.enqueue_dma source(%dma_start3A_382 : memref<2x128xi32, #tpu.memory_space<hbm>>) target(%dma_start3A_378 : memref<2x128xi32, #tpu.memory_space<vmem>>) target_semaphore(%arg10 : memref<!tpu.dma_semaphore, #tpu.memory_space<semaphore_mem>>)
        } else {
        }
        %add3A_324 = arith.constant 1 : i32
        %add3A_325 = arith.addi %add3A_228, %add3A_324 : i32
        %add3A_326 = arith.addi %add3A_325, %mul3A_2 : i32
        %dma_wait3A_327 = arith.constant 3 : i32
        %dma_wait3A_328 = arith.constant 0 : i32
        %dma_wait3A_329 = arith.constant 0 : i32
        %dma_wait3A_330 = tpu.memref_slice %arg6[%dma_wait3A_327, %dma_wait3A_328, %dma_wait3A_329] : memref<4x2x128xi32, #tpu.memory_space<vmem>> -> memref<1x2x128xi32, #tpu.memory_space<vmem>>
        %dma_wait3A_331 = tpu.memref_squeeze %dma_wait3A_330 : memref<1x2x128xi32, #tpu.memory_space<vmem>> -> memref<2x128xi32, #tpu.memory_space<vmem>>
        %dma_wait3A_332 = arith.constant 0 : i32
        %dma_wait3A_333 = arith.constant 0 : i32
        %dma_wait3A_334 = tpu.memref_slice %arg3[%add3A_326, %dma_wait3A_332, %dma_wait3A_333] : memref<2560x2x128xi32, #tpu.memory_space<hbm>> -> memref<1x2x128xi32, #tpu.memory_space<hbm>>
        %dma_wait3A_335 = tpu.memref_squeeze %dma_wait3A_334 : memref<1x2x128xi32, #tpu.memory_space<hbm>> -> memref<2x128xi32, #tpu.memory_space<hbm>>
        %dma_wait3A_336 = arith.constant 0 : i32
        %dma_wait3A_337 = arith.constant 0 : i32
        %dma_wait3A_338 = tpu.memref_slice %arg6[%dma_wait3A_327, %dma_wait3A_336, %dma_wait3A_337] : memref<4x2x128xi32, #tpu.memory_space<vmem>> -> memref<1x2x128xi32, #tpu.memory_space<vmem>>
        %dma_wait3A_339 = tpu.memref_squeeze %dma_wait3A_338 : memref<1x2x128xi32, #tpu.memory_space<vmem>> -> memref<2x128xi32, #tpu.memory_space<vmem>>
        %dma_wait3A_340 = arith.constant 0 : i32
        %dma_wait3A_341 = arith.constant 0 : i32
        %dma_wait3A_342 = tpu.memref_slice %arg3[%add3A_326, %dma_wait3A_340, %dma_wait3A_341] : memref<2560x2x128xi32, #tpu.memory_space<hbm>> -> memref<1x2x128xi32, #tpu.memory_space<hbm>>
        %dma_wait3A_343 = tpu.memref_squeeze %dma_wait3A_342 : memref<1x2x128xi32, #tpu.memory_space<hbm>> -> memref<2x128xi32, #tpu.memory_space<hbm>>
        tpu.wait_dma2 semaphore(%arg12 : memref<!tpu.dma_semaphore, #tpu.memory_space<semaphore_mem>>) src(%dma_wait3A_343 : memref<2x128xi32, #tpu.memory_space<hbm>>) dst(%dma_wait3A_339 : memref<2x128xi32, #tpu.memory_space<vmem>>)
        %add3A_344 = arith.constant 1 : i32
        %add3A_345 = arith.addi %add3A_228, %add3A_344 : i32
        %dma_start3A_346 = arith.constant 3 : i32
        %dma_start3A_347 = arith.constant 0 : i32
        %dma_start3A_348 = arith.constant 1 : i32
        %dma_start3A_349 = arith.constant 0 : i32
        %dma_start3A_350 = arith.constant 0 : i32
        %dma_start3A_351 = tpu.memref_slice %arg7[%dma_start3A_348, %dma_start3A_349, %dma_start3A_350] : memref<2x128x128xf32, #tpu.memory_space<vmem>> -> memref<1x128x128xf32, #tpu.memory_space<vmem>>
        %dma_start3A_352 = tpu.memref_squeeze %dma_start3A_351 : memref<1x128x128xf32, #tpu.memory_space<vmem>> -> memref<128x128xf32, #tpu.memory_space<vmem>>
        %dma_start3A_353 = arith.constant 0 : i32
        %dma_start3A_354 = arith.constant 0 : i32
        %dma_start3A_355 = tpu.memref_slice %arg6[%dma_start3A_346, %dma_start3A_353, %dma_start3A_354] : memref<4x2x128xi32, #tpu.memory_space<vmem>> -> memref<1x2x128xi32, #tpu.memory_space<vmem>>
        %dma_start3A_356 = tpu.memref_squeeze %dma_start3A_355 : memref<1x2x128xi32, #tpu.memory_space<vmem>> -> memref<2x128xi32, #tpu.memory_space<vmem>>
        %dma_start3A_357 = arith.constant 0 : i32
        %dma_start3A_358 = tpu.memref_slice %dma_start3A_356[%dma_start3A_347, %dma_start3A_357] : memref<2x128xi32, #tpu.memory_space<vmem>> -> memref<1x128xi32, #tpu.memory_space<vmem>>
        %dma_start3A_359 = tpu.memref_squeeze %dma_start3A_358 : memref<1x128xi32, #tpu.memory_space<vmem>> -> memref<128xi32, #tpu.memory_space<vmem>>
        %dma_start3A_360 = arith.constant 0 : i32
        %dma_start3A_361 = arith.constant 0 : i32
        %dma_start3A_362 = tpu.memref_slice %arg2[%dma_start3A_360, %dma_start3A_361] : memref<10240x128xf32, #tpu.memory_space<hbm>> -> memref<10240x128xf32, #tpu.memory_space<hbm>>
        tpu.enqueue_indirect_dma source(%dma_start3A_362 : memref<10240x128xf32, #tpu.memory_space<hbm>>) target(%dma_start3A_352 : memref<128x128xf32, #tpu.memory_space<vmem>>) offsets(%dma_start3A_359 : memref<128xi32, #tpu.memory_space<vmem>>) semaphore(%arg14 : memref<!tpu.dma_semaphore, #tpu.memory_space<semaphore_mem>>)
      } else {
      }
      %dma_wait3A_236 = arith.constant 2 : i32
      %dma_wait3A_237 = arith.constant 0 : i32
      %dma_wait3A_238 = arith.constant 0 : i32
      %dma_wait3A_239 = arith.constant 0 : i32
      %dma_wait3A_240 = arith.constant 0 : i32
      %dma_wait3A_241 = tpu.memref_slice %arg7[%dma_wait3A_238, %dma_wait3A_239, %dma_wait3A_240] : memref<2x128x128xf32, #tpu.memory_space<vmem>> -> memref<1x128x128xf32, #tpu.memory_space<vmem>>
      %dma_wait3A_242 = tpu.memref_squeeze %dma_wait3A_241 : memref<1x128x128xf32, #tpu.memory_space<vmem>> -> memref<128x128xf32, #tpu.memory_space<vmem>>
      %dma_wait3A_243 = arith.constant 0 : i32
      %dma_wait3A_244 = arith.constant 0 : i32
      %dma_wait3A_245 = tpu.memref_slice %arg6[%dma_wait3A_236, %dma_wait3A_243, %dma_wait3A_244] : memref<4x2x128xi32, #tpu.memory_space<vmem>> -> memref<1x2x128xi32, #tpu.memory_space<vmem>>
      %dma_wait3A_246 = tpu.memref_squeeze %dma_wait3A_245 : memref<1x2x128xi32, #tpu.memory_space<vmem>> -> memref<2x128xi32, #tpu.memory_space<vmem>>
      %dma_wait3A_247 = arith.constant 0 : i32
      %dma_wait3A_248 = tpu.memref_slice %dma_wait3A_246[%dma_wait3A_237, %dma_wait3A_247] : memref<2x128xi32, #tpu.memory_space<vmem>> -> memref<1x128xi32, #tpu.memory_space<vmem>>
      %dma_wait3A_249 = tpu.memref_squeeze %dma_wait3A_248 : memref<1x128xi32, #tpu.memory_space<vmem>> -> memref<128xi32, #tpu.memory_space<vmem>>
      %dma_wait3A_250 = arith.constant 0 : i32
      %dma_wait3A_251 = arith.constant 0 : i32
      %dma_wait3A_252 = tpu.memref_slice %arg2[%dma_wait3A_250, %dma_wait3A_251] : memref<10240x128xf32, #tpu.memory_space<hbm>> -> memref<10240x128xf32, #tpu.memory_space<hbm>>
      tpu.wait_indirect_dma semaphore(%arg13 : memref<!tpu.dma_semaphore, #tpu.memory_space<semaphore_mem>>) src(%dma_wait3A_252 : memref<10240x128xf32, #tpu.memory_space<hbm>>) dst(%dma_wait3A_242 : memref<128x128xf32, #tpu.memory_space<vmem>>)
      %dma_start3A_253 = arith.constant 0 : i32
      %dma_start3A_254 = arith.constant 2 : i32
      %dma_start3A_255 = arith.constant 1 : i32
      %dma_start3A_256 = arith.constant 0 : i32
      %dma_start3A_257 = arith.constant 0 : i32
      %dma_start3A_258 = tpu.memref_slice %arg7[%dma_start3A_253, %dma_start3A_256, %dma_start3A_257] : memref<2x128x128xf32, #tpu.memory_space<vmem>> -> memref<1x128x128xf32, #tpu.memory_space<vmem>>
      %dma_start3A_259 = tpu.memref_squeeze %dma_start3A_258 : memref<1x128x128xf32, #tpu.memory_space<vmem>> -> memref<128x128xf32, #tpu.memory_space<vmem>>
      %dma_start3A_260 = arith.constant 0 : i32
      %dma_start3A_261 = arith.constant 0 : i32
      %dma_start3A_262 = tpu.memref_slice %arg6[%dma_start3A_254, %dma_start3A_260, %dma_start3A_261] : memref<4x2x128xi32, #tpu.memory_space<vmem>> -> memref<1x2x128xi32, #tpu.memory_space<vmem>>
      %dma_start3A_263 = tpu.memref_squeeze %dma_start3A_262 : memref<1x2x128xi32, #tpu.memory_space<vmem>> -> memref<2x128xi32, #tpu.memory_space<vmem>>
      %dma_start3A_264 = arith.constant 0 : i32
      %dma_start3A_265 = tpu.memref_slice %dma_start3A_263[%dma_start3A_255, %dma_start3A_264] : memref<2x128xi32, #tpu.memory_space<vmem>> -> memref<1x128xi32, #tpu.memory_space<vmem>>
      %dma_start3A_266 = tpu.memref_squeeze %dma_start3A_265 : memref<1x128xi32, #tpu.memory_space<vmem>> -> memref<128xi32, #tpu.memory_space<vmem>>
      %dma_start3A_267 = arith.constant 0 : i32
      %dma_start3A_268 = arith.constant 0 : i32
      %dma_start3A_269 = tpu.memref_slice %arg8[%dma_start3A_267, %dma_start3A_268] : memref<10240x128xf32, #tpu.memory_space<vmem_shared>> -> memref<10240x128xf32, #tpu.memory_space<vmem_shared>>
      tpu.enqueue_indirect_dma source(%dma_start3A_259 : memref<128x128xf32, #tpu.memory_space<vmem>>) target(%dma_start3A_269 : memref<10240x128xf32, #tpu.memory_space<vmem_shared>>) offsets(%dma_start3A_266 : memref<128xi32, #tpu.memory_space<vmem>>) semaphore(%arg15 : memref<!tpu.dma_semaphore, #tpu.memory_space<semaphore_mem>>) {add = true}
      %add3A_270 = arith.constant 3 : i32
      %add3A_271 = arith.addi %add3A_143, %add3A_270 : i32
      %add3A_272 = arith.constant 1 : i32
      %add3A_273 = arith.addi %add3A_271, %add3A_272 : i32
      %lt3A_274 = arith.constant 80 : i32
      %lt3A_275 = arith.cmpi slt, %add3A_273, %lt3A_274 : i32
      %convert_element_type3A_276 = arith.extui %lt3A_275 : i1 to i32
      %cond3A_277 = arith.constant 0 : i32
      %cond3A_278 = arith.cmpi ne, %convert_element_type3A_276, %cond3A_277 : i32
      scf.if %cond3A_278 {
        %ge3A = arith.constant 1 : i32
        %ge3A_313 = arith.cmpi sge, %add3A_271, %ge3A : i32
        %convert_element_type3A_314 = arith.extui %ge3A_313 : i1 to i32
        %cond3A_315 = arith.constant 0 : i32
        %cond3A_316 = arith.cmpi ne, %convert_element_type3A_314, %cond3A_315 : i32
        scf.if %cond3A_316 {
          %dma_wait3A_363 = arith.constant 0 : i32
          %dma_wait3A_364 = arith.constant 2 : i32
          %dma_wait3A_365 = arith.constant 1 : i32
          %dma_wait3A_366 = arith.constant 0 : i32
          %dma_wait3A_367 = arith.constant 0 : i32
          %dma_wait3A_368 = tpu.memref_slice %arg7[%dma_wait3A_363, %dma_wait3A_366, %dma_wait3A_367] : memref<2x128x128xf32, #tpu.memory_space<vmem>> -> memref<1x128x128xf32, #tpu.memory_space<vmem>>
          %dma_wait3A_369 = tpu.memref_squeeze %dma_wait3A_368 : memref<1x128x128xf32, #tpu.memory_space<vmem>> -> memref<128x128xf32, #tpu.memory_space<vmem>>
          %dma_wait3A_370 = arith.constant 0 : i32
          %dma_wait3A_371 = arith.constant 0 : i32
          %dma_wait3A_372 = tpu.memref_slice %arg6[%dma_wait3A_364, %dma_wait3A_370, %dma_wait3A_371] : memref<4x2x128xi32, #tpu.memory_space<vmem>> -> memref<1x2x128xi32, #tpu.memory_space<vmem>>
          %dma_wait3A_373 = tpu.memref_squeeze %dma_wait3A_372 : memref<1x2x128xi32, #tpu.memory_space<vmem>> -> memref<2x128xi32, #tpu.memory_space<vmem>>
          %dma_wait3A_374 = arith.constant 0 : i32
          %dma_wait3A_375 = tpu.memref_slice %dma_wait3A_373[%dma_wait3A_365, %dma_wait3A_374] : memref<2x128xi32, #tpu.memory_space<vmem>> -> memref<1x128xi32, #tpu.memory_space<vmem>>
          %dma_wait3A_376 = tpu.memref_squeeze %dma_wait3A_375 : memref<1x128xi32, #tpu.memory_space<vmem>> -> memref<128xi32, #tpu.memory_space<vmem>>
          %dma_wait3A_377 = arith.constant 0 : i32
          %dma_wait3A_378 = arith.constant 0 : i32
          %dma_wait3A_379 = tpu.memref_slice %arg8[%dma_wait3A_377, %dma_wait3A_378] : memref<10240x128xf32, #tpu.memory_space<vmem_shared>> -> memref<10240x128xf32, #tpu.memory_space<vmem_shared>>
          tpu.wait_indirect_dma semaphore(%arg15 : memref<!tpu.dma_semaphore, #tpu.memory_space<semaphore_mem>>) src(%dma_wait3A_369 : memref<128x128xf32, #tpu.memory_space<vmem>>) dst(%dma_wait3A_379 : memref<10240x128xf32, #tpu.memory_space<vmem_shared>>)
        } else {
        }
        %add3A_317 = arith.constant 3 : i32
        %add3A_318 = arith.addi %add3A_271, %add3A_317 : i32
        %lt3A_319 = arith.constant 80 : i32
        %lt3A_320 = arith.cmpi slt, %add3A_318, %lt3A_319 : i32
        %convert_element_type3A_321 = arith.extui %lt3A_320 : i1 to i32
        %cond3A_322 = arith.constant 0 : i32
        %cond3A_323 = arith.cmpi ne, %convert_element_type3A_321, %cond3A_322 : i32
        scf.if %cond3A_323 {
          %add3A_363 = arith.constant 3 : i32
          %add3A_364 = arith.addi %add3A_271, %add3A_363 : i32
          %add3A_365 = arith.addi %add3A_364, %mul3A_2 : i32
          %dma_start3A_366 = arith.constant 2 : i32
          %dma_start3A_367 = arith.constant 0 : i32
          %dma_start3A_368 = arith.constant 0 : i32
          %dma_start3A_369 = tpu.memref_slice %arg6[%dma_start3A_366, %dma_start3A_367, %dma_start3A_368] : memref<4x2x128xi32, #tpu.memory_space<vmem>> -> memref<1x2x128xi32, #tpu.memory_space<vmem>>
          %dma_start3A_370 = tpu.memref_squeeze %dma_start3A_369 : memref<1x2x128xi32, #tpu.memory_space<vmem>> -> memref<2x128xi32, #tpu.memory_space<vmem>>
          %dma_start3A_371 = arith.constant 0 : i32
          %dma_start3A_372 = arith.constant 0 : i32
          %dma_start3A_373 = tpu.memref_slice %arg3[%add3A_365, %dma_start3A_371, %dma_start3A_372] : memref<2560x2x128xi32, #tpu.memory_space<hbm>> -> memref<1x2x128xi32, #tpu.memory_space<hbm>>
          %dma_start3A_374 = tpu.memref_squeeze %dma_start3A_373 : memref<1x2x128xi32, #tpu.memory_space<hbm>> -> memref<2x128xi32, #tpu.memory_space<hbm>>
          %dma_start3A_375 = arith.constant 0 : i32
          %dma_start3A_376 = arith.constant 0 : i32
          %dma_start3A_377 = tpu.memref_slice %arg6[%dma_start3A_366, %dma_start3A_375, %dma_start3A_376] : memref<4x2x128xi32, #tpu.memory_space<vmem>> -> memref<1x2x128xi32, #tpu.memory_space<vmem>>
          %dma_start3A_378 = tpu.memref_squeeze %dma_start3A_377 : memref<1x2x128xi32, #tpu.memory_space<vmem>> -> memref<2x128xi32, #tpu.memory_space<vmem>>
          %dma_start3A_379 = arith.constant 0 : i32
          %dma_start3A_380 = arith.constant 0 : i32
          %dma_start3A_381 = tpu.memref_slice %arg3[%add3A_365, %dma_start3A_379, %dma_start3A_380] : memref<2560x2x128xi32, #tpu.memory_space<hbm>> -> memref<1x2x128xi32, #tpu.memory_space<hbm>>
          %dma_start3A_382 = tpu.memref_squeeze %dma_start3A_381 : memref<1x2x128xi32, #tpu.memory_space<hbm>> -> memref<2x128xi32, #tpu.memory_space<hbm>>
          tpu.enqueue_dma source(%dma_start3A_382 : memref<2x128xi32, #tpu.memory_space<hbm>>) target(%dma_start3A_378 : memref<2x128xi32, #tpu.memory_space<vmem>>) target_semaphore(%arg11 : memref<!tpu.dma_semaphore, #tpu.memory_space<semaphore_mem>>)
        } else {
        }
        %add3A_324 = arith.constant 1 : i32
        %add3A_325 = arith.addi %add3A_271, %add3A_324 : i32
        %add3A_326 = arith.addi %add3A_325, %mul3A_2 : i32
        %dma_wait3A_327 = arith.constant 0 : i32
        %dma_wait3A_328 = arith.constant 0 : i32
        %dma_wait3A_329 = arith.constant 0 : i32
        %dma_wait3A_330 = tpu.memref_slice %arg6[%dma_wait3A_327, %dma_wait3A_328, %dma_wait3A_329] : memref<4x2x128xi32, #tpu.memory_space<vmem>> -> memref<1x2x128xi32, #tpu.memory_space<vmem>>
        %dma_wait3A_331 = tpu.memref_squeeze %dma_wait3A_330 : memref<1x2x128xi32, #tpu.memory_space<vmem>> -> memref<2x128xi32, #tpu.memory_space<vmem>>
        %dma_wait3A_332 = arith.constant 0 : i32
        %dma_wait3A_333 = arith.constant 0 : i32
        %dma_wait3A_334 = tpu.memref_slice %arg3[%add3A_326, %dma_wait3A_332, %dma_wait3A_333] : memref<2560x2x128xi32, #tpu.memory_space<hbm>> -> memref<1x2x128xi32, #tpu.memory_space<hbm>>
        %dma_wait3A_335 = tpu.memref_squeeze %dma_wait3A_334 : memref<1x2x128xi32, #tpu.memory_space<hbm>> -> memref<2x128xi32, #tpu.memory_space<hbm>>
        %dma_wait3A_336 = arith.constant 0 : i32
        %dma_wait3A_337 = arith.constant 0 : i32
        %dma_wait3A_338 = tpu.memref_slice %arg6[%dma_wait3A_327, %dma_wait3A_336, %dma_wait3A_337] : memref<4x2x128xi32, #tpu.memory_space<vmem>> -> memref<1x2x128xi32, #tpu.memory_space<vmem>>
        %dma_wait3A_339 = tpu.memref_squeeze %dma_wait3A_338 : memref<1x2x128xi32, #tpu.memory_space<vmem>> -> memref<2x128xi32, #tpu.memory_space<vmem>>
        %dma_wait3A_340 = arith.constant 0 : i32
        %dma_wait3A_341 = arith.constant 0 : i32
        %dma_wait3A_342 = tpu.memref_slice %arg3[%add3A_326, %dma_wait3A_340, %dma_wait3A_341] : memref<2560x2x128xi32, #tpu.memory_space<hbm>> -> memref<1x2x128xi32, #tpu.memory_space<hbm>>
        %dma_wait3A_343 = tpu.memref_squeeze %dma_wait3A_342 : memref<1x2x128xi32, #tpu.memory_space<hbm>> -> memref<2x128xi32, #tpu.memory_space<hbm>>
        tpu.wait_dma2 semaphore(%arg9 : memref<!tpu.dma_semaphore, #tpu.memory_space<semaphore_mem>>) src(%dma_wait3A_343 : memref<2x128xi32, #tpu.memory_space<hbm>>) dst(%dma_wait3A_339 : memref<2x128xi32, #tpu.memory_space<vmem>>)
        %add3A_344 = arith.constant 1 : i32
        %add3A_345 = arith.addi %add3A_271, %add3A_344 : i32
        %dma_start3A_346 = arith.constant 0 : i32
        %dma_start3A_347 = arith.constant 0 : i32
        %dma_start3A_348 = arith.constant 0 : i32
        %dma_start3A_349 = arith.constant 0 : i32
        %dma_start3A_350 = arith.constant 0 : i32
        %dma_start3A_351 = tpu.memref_slice %arg7[%dma_start3A_348, %dma_start3A_349, %dma_start3A_350] : memref<2x128x128xf32, #tpu.memory_space<vmem>> -> memref<1x128x128xf32, #tpu.memory_space<vmem>>
        %dma_start3A_352 = tpu.memref_squeeze %dma_start3A_351 : memref<1x128x128xf32, #tpu.memory_space<vmem>> -> memref<128x128xf32, #tpu.memory_space<vmem>>
        %dma_start3A_353 = arith.constant 0 : i32
        %dma_start3A_354 = arith.constant 0 : i32
        %dma_start3A_355 = tpu.memref_slice %arg6[%dma_start3A_346, %dma_start3A_353, %dma_start3A_354] : memref<4x2x128xi32, #tpu.memory_space<vmem>> -> memref<1x2x128xi32, #tpu.memory_space<vmem>>
        %dma_start3A_356 = tpu.memref_squeeze %dma_start3A_355 : memref<1x2x128xi32, #tpu.memory_space<vmem>> -> memref<2x128xi32, #tpu.memory_space<vmem>>
        %dma_start3A_357 = arith.constant 0 : i32
        %dma_start3A_358 = tpu.memref_slice %dma_start3A_356[%dma_start3A_347, %dma_start3A_357] : memref<2x128xi32, #tpu.memory_space<vmem>> -> memref<1x128xi32, #tpu.memory_space<vmem>>
        %dma_start3A_359 = tpu.memref_squeeze %dma_start3A_358 : memref<1x128xi32, #tpu.memory_space<vmem>> -> memref<128xi32, #tpu.memory_space<vmem>>
        %dma_start3A_360 = arith.constant 0 : i32
        %dma_start3A_361 = arith.constant 0 : i32
        %dma_start3A_362 = tpu.memref_slice %arg2[%dma_start3A_360, %dma_start3A_361] : memref<10240x128xf32, #tpu.memory_space<hbm>> -> memref<10240x128xf32, #tpu.memory_space<hbm>>
        tpu.enqueue_indirect_dma source(%dma_start3A_362 : memref<10240x128xf32, #tpu.memory_space<hbm>>) target(%dma_start3A_352 : memref<128x128xf32, #tpu.memory_space<vmem>>) offsets(%dma_start3A_359 : memref<128xi32, #tpu.memory_space<vmem>>) semaphore(%arg13 : memref<!tpu.dma_semaphore, #tpu.memory_space<semaphore_mem>>)
      } else {
      }
      %dma_wait3A_279 = arith.constant 3 : i32
      %dma_wait3A_280 = arith.constant 0 : i32
      %dma_wait3A_281 = arith.constant 1 : i32
      %dma_wait3A_282 = arith.constant 0 : i32
      %dma_wait3A_283 = arith.constant 0 : i32
      %dma_wait3A_284 = tpu.memref_slice %arg7[%dma_wait3A_281, %dma_wait3A_282, %dma_wait3A_283] : memref<2x128x128xf32, #tpu.memory_space<vmem>> -> memref<1x128x128xf32, #tpu.memory_space<vmem>>
      %dma_wait3A_285 = tpu.memref_squeeze %dma_wait3A_284 : memref<1x128x128xf32, #tpu.memory_space<vmem>> -> memref<128x128xf32, #tpu.memory_space<vmem>>
      %dma_wait3A_286 = arith.constant 0 : i32
      %dma_wait3A_287 = arith.constant 0 : i32
      %dma_wait3A_288 = tpu.memref_slice %arg6[%dma_wait3A_279, %dma_wait3A_286, %dma_wait3A_287] : memref<4x2x128xi32, #tpu.memory_space<vmem>> -> memref<1x2x128xi32, #tpu.memory_space<vmem>>
      %dma_wait3A_289 = tpu.memref_squeeze %dma_wait3A_288 : memref<1x2x128xi32, #tpu.memory_space<vmem>> -> memref<2x128xi32, #tpu.memory_space<vmem>>
      %dma_wait3A_290 = arith.constant 0 : i32
      %dma_wait3A_291 = tpu.memref_slice %dma_wait3A_289[%dma_wait3A_280, %dma_wait3A_290] : memref<2x128xi32, #tpu.memory_space<vmem>> -> memref<1x128xi32, #tpu.memory_space<vmem>>
      %dma_wait3A_292 = tpu.memref_squeeze %dma_wait3A_291 : memref<1x128xi32, #tpu.memory_space<vmem>> -> memref<128xi32, #tpu.memory_space<vmem>>
      %dma_wait3A_293 = arith.constant 0 : i32
      %dma_wait3A_294 = arith.constant 0 : i32
      %dma_wait3A_295 = tpu.memref_slice %arg2[%dma_wait3A_293, %dma_wait3A_294] : memref<10240x128xf32, #tpu.memory_space<hbm>> -> memref<10240x128xf32, #tpu.memory_space<hbm>>
      tpu.wait_indirect_dma semaphore(%arg14 : memref<!tpu.dma_semaphore, #tpu.memory_space<semaphore_mem>>) src(%dma_wait3A_295 : memref<10240x128xf32, #tpu.memory_space<hbm>>) dst(%dma_wait3A_285 : memref<128x128xf32, #tpu.memory_space<vmem>>)
      %dma_start3A_296 = arith.constant 1 : i32
      %dma_start3A_297 = arith.constant 3 : i32
      %dma_start3A_298 = arith.constant 1 : i32
      %dma_start3A_299 = arith.constant 0 : i32
      %dma_start3A_300 = arith.constant 0 : i32
      %dma_start3A_301 = tpu.memref_slice %arg7[%dma_start3A_296, %dma_start3A_299, %dma_start3A_300] : memref<2x128x128xf32, #tpu.memory_space<vmem>> -> memref<1x128x128xf32, #tpu.memory_space<vmem>>
      %dma_start3A_302 = tpu.memref_squeeze %dma_start3A_301 : memref<1x128x128xf32, #tpu.memory_space<vmem>> -> memref<128x128xf32, #tpu.memory_space<vmem>>
      %dma_start3A_303 = arith.constant 0 : i32
      %dma_start3A_304 = arith.constant 0 : i32
      %dma_start3A_305 = tpu.memref_slice %arg6[%dma_start3A_297, %dma_start3A_303, %dma_start3A_304] : memref<4x2x128xi32, #tpu.memory_space<vmem>> -> memref<1x2x128xi32, #tpu.memory_space<vmem>>
      %dma_start3A_306 = tpu.memref_squeeze %dma_start3A_305 : memref<1x2x128xi32, #tpu.memory_space<vmem>> -> memref<2x128xi32, #tpu.memory_space<vmem>>
      %dma_start3A_307 = arith.constant 0 : i32
      %dma_start3A_308 = tpu.memref_slice %dma_start3A_306[%dma_start3A_298, %dma_start3A_307] : memref<2x128xi32, #tpu.memory_space<vmem>> -> memref<1x128xi32, #tpu.memory_space<vmem>>
      %dma_start3A_309 = tpu.memref_squeeze %dma_start3A_308 : memref<1x128xi32, #tpu.memory_space<vmem>> -> memref<128xi32, #tpu.memory_space<vmem>>
      %dma_start3A_310 = arith.constant 0 : i32
      %dma_start3A_311 = arith.constant 0 : i32
      %dma_start3A_312 = tpu.memref_slice %arg8[%dma_start3A_310, %dma_start3A_311] : memref<10240x128xf32, #tpu.memory_space<vmem_shared>> -> memref<10240x128xf32, #tpu.memory_space<vmem_shared>>
      tpu.enqueue_indirect_dma source(%dma_start3A_302 : memref<128x128xf32, #tpu.memory_space<vmem>>) target(%dma_start3A_312 : memref<10240x128xf32, #tpu.memory_space<vmem_shared>>) offsets(%dma_start3A_309 : memref<128xi32, #tpu.memory_space<vmem>>) semaphore(%arg16 : memref<!tpu.dma_semaphore, #tpu.memory_space<semaphore_mem>>) {add = true}
    }
    %scan3A_99 = arith.constant 20 : i32
    %dma_wait3A_100 = arith.constant 0 : i32
    %dma_wait3A_101 = arith.constant 2 : i32
    %dma_wait3A_102 = arith.constant 1 : i32
    %dma_wait3A_103 = arith.constant 0 : i32
    %dma_wait3A_104 = arith.constant 0 : i32
    %dma_wait3A_105 = tpu.memref_slice %arg7[%dma_wait3A_100, %dma_wait3A_103, %dma_wait3A_104] : memref<2x128x128xf32, #tpu.memory_space<vmem>> -> memref<1x128x128xf32, #tpu.memory_space<vmem>>
    %dma_wait3A_106 = tpu.memref_squeeze %dma_wait3A_105 : memref<1x128x128xf32, #tpu.memory_space<vmem>> -> memref<128x128xf32, #tpu.memory_space<vmem>>
    %dma_wait3A_107 = arith.constant 0 : i32
    %dma_wait3A_108 = arith.constant 0 : i32
    %dma_wait3A_109 = tpu.memref_slice %arg6[%dma_wait3A_101, %dma_wait3A_107, %dma_wait3A_108] : memref<4x2x128xi32, #tpu.memory_space<vmem>> -> memref<1x2x128xi32, #tpu.memory_space<vmem>>
    %dma_wait3A_110 = tpu.memref_squeeze %dma_wait3A_109 : memref<1x2x128xi32, #tpu.memory_space<vmem>> -> memref<2x128xi32, #tpu.memory_space<vmem>>
    %dma_wait3A_111 = arith.constant 0 : i32
    %dma_wait3A_112 = tpu.memref_slice %dma_wait3A_110[%dma_wait3A_102, %dma_wait3A_111] : memref<2x128xi32, #tpu.memory_space<vmem>> -> memref<1x128xi32, #tpu.memory_space<vmem>>
    %dma_wait3A_113 = tpu.memref_squeeze %dma_wait3A_112 : memref<1x128xi32, #tpu.memory_space<vmem>> -> memref<128xi32, #tpu.memory_space<vmem>>
    %dma_wait3A_114 = arith.constant 0 : i32
    %dma_wait3A_115 = arith.constant 0 : i32
    %dma_wait3A_116 = tpu.memref_slice %arg8[%dma_wait3A_114, %dma_wait3A_115] : memref<10240x128xf32, #tpu.memory_space<vmem_shared>> -> memref<10240x128xf32, #tpu.memory_space<vmem_shared>>
    tpu.wait_indirect_dma semaphore(%arg15 : memref<!tpu.dma_semaphore, #tpu.memory_space<semaphore_mem>>) src(%dma_wait3A_106 : memref<128x128xf32, #tpu.memory_space<vmem>>) dst(%dma_wait3A_116 : memref<10240x128xf32, #tpu.memory_space<vmem_shared>>)
    %dma_wait3A_117 = arith.constant 1 : i32
    %dma_wait3A_118 = arith.constant 3 : i32
    %dma_wait3A_119 = arith.constant 1 : i32
    %dma_wait3A_120 = arith.constant 0 : i32
    %dma_wait3A_121 = arith.constant 0 : i32
    %dma_wait3A_122 = tpu.memref_slice %arg7[%dma_wait3A_117, %dma_wait3A_120, %dma_wait3A_121] : memref<2x128x128xf32, #tpu.memory_space<vmem>> -> memref<1x128x128xf32, #tpu.memory_space<vmem>>
    %dma_wait3A_123 = tpu.memref_squeeze %dma_wait3A_122 : memref<1x128x128xf32, #tpu.memory_space<vmem>> -> memref<128x128xf32, #tpu.memory_space<vmem>>
    %dma_wait3A_124 = arith.constant 0 : i32
    %dma_wait3A_125 = arith.constant 0 : i32
    %dma_wait3A_126 = tpu.memref_slice %arg6[%dma_wait3A_118, %dma_wait3A_124, %dma_wait3A_125] : memref<4x2x128xi32, #tpu.memory_space<vmem>> -> memref<1x2x128xi32, #tpu.memory_space<vmem>>
    %dma_wait3A_127 = tpu.memref_squeeze %dma_wait3A_126 : memref<1x2x128xi32, #tpu.memory_space<vmem>> -> memref<2x128xi32, #tpu.memory_space<vmem>>
    %dma_wait3A_128 = arith.constant 0 : i32
    %dma_wait3A_129 = tpu.memref_slice %dma_wait3A_127[%dma_wait3A_119, %dma_wait3A_128] : memref<2x128xi32, #tpu.memory_space<vmem>> -> memref<1x128xi32, #tpu.memory_space<vmem>>
    %dma_wait3A_130 = tpu.memref_squeeze %dma_wait3A_129 : memref<1x128xi32, #tpu.memory_space<vmem>> -> memref<128xi32, #tpu.memory_space<vmem>>
    %dma_wait3A_131 = arith.constant 0 : i32
    %dma_wait3A_132 = arith.constant 0 : i32
    %dma_wait3A_133 = tpu.memref_slice %arg8[%dma_wait3A_131, %dma_wait3A_132] : memref<10240x128xf32, #tpu.memory_space<vmem_shared>> -> memref<10240x128xf32, #tpu.memory_space<vmem_shared>>
    tpu.wait_indirect_dma semaphore(%arg16 : memref<!tpu.dma_semaphore, #tpu.memory_space<semaphore_mem>>) src(%dma_wait3A_123 : memref<128x128xf32, #tpu.memory_space<vmem>>) dst(%dma_wait3A_133 : memref<10240x128xf32, #tpu.memory_space<vmem_shared>>)
    %barrier3A_134 = arith.constant 0 : index
    tpu.barrier barrier_id(%barrier3A_134)
    %mul3A_135 = arith.constant 640 : i32
    %mul3A_136 = arith.muli %arg1, %mul3A_135 : i32
    %mul3A_137 = arith.constant 640 : i32
    %mul3A_138 = arith.muli %arg1, %mul3A_137 : i32
    "tpu.region"() ({
      %run_scoped3A = tpu.sem_alloc : memref<!tpu.dma_semaphore, #tpu.memory_space<semaphore_mem>>
      %dma_start3A_139 = arith.constant 0 : i32
      %dma_start3A_140 = arith.constant 0 : i32
      %dma_start3A_141 = tpu.memref_slice %arg5[%arg0, %dma_start3A_139, %dma_start3A_140] : memref<2x10240x128xf32, #tpu.memory_space<hbm>> -> memref<1x10240x128xf32, #tpu.memory_space<hbm>>
      %dma_start3A_142 = tpu.memref_squeeze %dma_start3A_141 : memref<1x10240x128xf32, #tpu.memory_space<hbm>> -> memref<10240x128xf32, #tpu.memory_space<hbm>>
      %dma_start3A_143 = arith.constant 0 : i32
      %dma_start3A_144 = tpu.memref_slice %dma_start3A_142[%mul3A_138, %dma_start3A_143] : memref<10240x128xf32, #tpu.memory_space<hbm>> -> memref<640x128xf32, #tpu.memory_space<hbm>>
      %dma_start3A_145 = arith.constant 0 : i32
      %dma_start3A_146 = tpu.memref_slice %arg8[%mul3A_136, %dma_start3A_145] : memref<10240x128xf32, #tpu.memory_space<vmem_shared>> -> memref<640x128xf32, #tpu.memory_space<vmem_shared>>
      tpu.enqueue_dma source(%dma_start3A_146 : memref<640x128xf32, #tpu.memory_space<vmem_shared>>) target(%dma_start3A_144 : memref<640x128xf32, #tpu.memory_space<hbm>>) target_semaphore(%run_scoped3A : memref<!tpu.dma_semaphore, #tpu.memory_space<semaphore_mem>>)
      %dma_wait3A_147 = arith.constant 0 : i32
      %dma_wait3A_148 = arith.constant 0 : i32
      %dma_wait3A_149 = tpu.memref_slice %arg5[%arg0, %dma_wait3A_147, %dma_wait3A_148] : memref<2x10240x128xf32, #tpu.memory_space<hbm>> -> memref<1x10240x128xf32, #tpu.memory_space<hbm>>
      %dma_wait3A_150 = tpu.memref_squeeze %dma_wait3A_149 : memref<1x10240x128xf32, #tpu.memory_space<hbm>> -> memref<10240x128xf32, #tpu.memory_space<hbm>>
      %dma_wait3A_151 = arith.constant 0 : i32
      %dma_wait3A_152 = tpu.memref_slice %dma_wait3A_150[%mul3A_138, %dma_wait3A_151] : memref<10240x128xf32, #tpu.memory_space<hbm>> -> memref<640x128xf32, #tpu.memory_space<hbm>>
      %dma_wait3A_153 = arith.constant 0 : i32
      %dma_wait3A_154 = tpu.memref_slice %arg8[%mul3A_136, %dma_wait3A_153] : memref<10240x128xf32, #tpu.memory_space<vmem_shared>> -> memref<640x128xf32, #tpu.memory_space<vmem_shared>>
      tpu.wait_dma2 semaphore(%run_scoped3A : memref<!tpu.dma_semaphore, #tpu.memory_space<semaphore_mem>>) src(%dma_wait3A_154 : memref<640x128xf32, #tpu.memory_space<vmem_shared>>) dst(%dma_wait3A_152 : memref<640x128xf32, #tpu.memory_space<hbm>>)
      tpu.yield
    }) : () -> ()
    return
  }
}

#map = affine_map<(d0, d1) -> (0, 0, 0)>
#map1 = affine_map<(d0, d1) -> (0, 0)>
module attributes {stable_mosaic.version = 14 : i64} {
  func.func @_sc_deg(%arg0: i32, %arg1: i32, %arg2: memref<2560x2x128xi32, #tpu.memory_space<hbm>>, %arg3: memref<640x128xf32, #tpu.memory_space<hbm>>, %arg4: memref<128x128xf32, #tpu.memory_space<hbm>>, %arg5: memref<2x10240x128xf32, #tpu.memory_space<hbm>>, %arg6: memref<4x2x128xi32, #tpu.memory_space<vmem>>, %arg7: memref<128x128xf32, #tpu.memory_space<vmem>>, %arg8: memref<10240x128xf32, #tpu.memory_space<vmem_shared>>, %arg9: memref<!tpu.dma_semaphore, #tpu.memory_space<semaphore_mem>>, %arg10: memref<!tpu.dma_semaphore, #tpu.memory_space<semaphore_mem>>, %arg11: memref<!tpu.dma_semaphore, #tpu.memory_space<semaphore_mem>>, %arg12: memref<!tpu.dma_semaphore, #tpu.memory_space<semaphore_mem>>, %arg13: memref<!tpu.dma_semaphore, #tpu.memory_space<semaphore_mem>>, %arg14: memref<!tpu.dma_semaphore, #tpu.memory_space<semaphore_mem>>, %arg15: memref<!tpu.dma_semaphore, #tpu.memory_space<semaphore_mem>>, %arg16: memref<!tpu.dma_semaphore, #tpu.memory_space<semaphore_mem>>) attributes {dimension_semantics = [#tpu.dimension_semantics<core_parallel>, #tpu.dimension_semantics<subcore_parallel>], iteration_bounds = array<i64: 2, 16>, scalar_prefetch = 0 : i64, scratch_operands = 11 : i64, tpu.core_type = #tpu.core_type<sc_vector_subcore>, window_params = [{transform_indices = #map}, {transform_indices = #map1}, {transform_indices = #map1}, {transform_indices = #map}]} {
    %mul3A = arith.constant 16 : i32
    %mul3A_0 = arith.muli %arg0, %mul3A : i32
    %add3A = arith.addi %mul3A_0, %arg1 : i32
    %mul3A_1 = arith.constant 80 : i32
    %mul3A_2 = arith.muli %add3A, %mul3A_1 : i32
    %add3A_3 = arith.constant 0 : i32
    %add3A_4 = arith.addi %add3A_3, %mul3A_2 : i32
    %dma_start3A = arith.constant 0 : i32
    %dma_start3A_5 = arith.constant 0 : i32
    %dma_start3A_6 = arith.constant 0 : i32
    %dma_start3A_7 = tpu.memref_slice %arg6[%dma_start3A, %dma_start3A_5, %dma_start3A_6] : memref<4x2x128xi32, #tpu.memory_space<vmem>> -> memref<1x2x128xi32, #tpu.memory_space<vmem>>
    %dma_start3A_8 = tpu.memref_squeeze %dma_start3A_7 : memref<1x2x128xi32, #tpu.memory_space<vmem>> -> memref<2x128xi32, #tpu.memory_space<vmem>>
    %dma_start3A_9 = arith.constant 0 : i32
    %dma_start3A_10 = arith.constant 0 : i32
    %dma_start3A_11 = tpu.memref_slice %arg2[%add3A_4, %dma_start3A_9, %dma_start3A_10] : memref<2560x2x128xi32, #tpu.memory_space<hbm>> -> memref<1x2x128xi32, #tpu.memory_space<hbm>>
    %dma_start3A_12 = tpu.memref_squeeze %dma_start3A_11 : memref<1x2x128xi32, #tpu.memory_space<hbm>> -> memref<2x128xi32, #tpu.memory_space<hbm>>
    %dma_start3A_13 = arith.constant 0 : i32
    %dma_start3A_14 = arith.constant 0 : i32
    %dma_start3A_15 = tpu.memref_slice %arg6[%dma_start3A, %dma_start3A_13, %dma_start3A_14] : memref<4x2x128xi32, #tpu.memory_space<vmem>> -> memref<1x2x128xi32, #tpu.memory_space<vmem>>
    %dma_start3A_16 = tpu.memref_squeeze %dma_start3A_15 : memref<1x2x128xi32, #tpu.memory_space<vmem>> -> memref<2x128xi32, #tpu.memory_space<vmem>>
    %dma_start3A_17 = arith.constant 0 : i32
    %dma_start3A_18 = arith.constant 0 : i32
    %dma_start3A_19 = tpu.memref_slice %arg2[%add3A_4, %dma_start3A_17, %dma_start3A_18] : memref<2560x2x128xi32, #tpu.memory_space<hbm>> -> memref<1x2x128xi32, #tpu.memory_space<hbm>>
    %dma_start3A_20 = tpu.memref_squeeze %dma_start3A_19 : memref<1x2x128xi32, #tpu.memory_space<hbm>> -> memref<2x128xi32, #tpu.memory_space<hbm>>
    tpu.enqueue_dma source(%dma_start3A_20 : memref<2x128xi32, #tpu.memory_space<hbm>>) target(%dma_start3A_16 : memref<2x128xi32, #tpu.memory_space<vmem>>) target_semaphore(%arg9 : memref<!tpu.dma_semaphore, #tpu.memory_space<semaphore_mem>>)
    %add3A_21 = arith.constant 1 : i32
    %add3A_22 = arith.addi %add3A_21, %mul3A_2 : i32
    %dma_start3A_23 = arith.constant 1 : i32
    %dma_start3A_24 = arith.constant 0 : i32
    %dma_start3A_25 = arith.constant 0 : i32
    %dma_start3A_26 = tpu.memref_slice %arg6[%dma_start3A_23, %dma_start3A_24, %dma_start3A_25] : memref<4x2x128xi32, #tpu.memory_space<vmem>> -> memref<1x2x128xi32, #tpu.memory_space<vmem>>
    %dma_start3A_27 = tpu.memref_squeeze %dma_start3A_26 : memref<1x2x128xi32, #tpu.memory_space<vmem>> -> memref<2x128xi32, #tpu.memory_space<vmem>>
    %dma_start3A_28 = arith.constant 0 : i32
    %dma_start3A_29 = arith.constant 0 : i32
    %dma_start3A_30 = tpu.memref_slice %arg2[%add3A_22, %dma_start3A_28, %dma_start3A_29] : memref<2560x2x128xi32, #tpu.memory_space<hbm>> -> memref<1x2x128xi32, #tpu.memory_space<hbm>>
    %dma_start3A_31 = tpu.memref_squeeze %dma_start3A_30 : memref<1x2x128xi32, #tpu.memory_space<hbm>> -> memref<2x128xi32, #tpu.memory_space<hbm>>
    %dma_start3A_32 = arith.constant 0 : i32
    %dma_start3A_33 = arith.constant 0 : i32
    %dma_start3A_34 = tpu.memref_slice %arg6[%dma_start3A_23, %dma_start3A_32, %dma_start3A_33] : memref<4x2x128xi32, #tpu.memory_space<vmem>> -> memref<1x2x128xi32, #tpu.memory_space<vmem>>
    %dma_start3A_35 = tpu.memref_squeeze %dma_start3A_34 : memref<1x2x128xi32, #tpu.memory_space<vmem>> -> memref<2x128xi32, #tpu.memory_space<vmem>>
    %dma_start3A_36 = arith.constant 0 : i32
    %dma_start3A_37 = arith.constant 0 : i32
    %dma_start3A_38 = tpu.memref_slice %arg2[%add3A_22, %dma_start3A_36, %dma_start3A_37] : memref<2560x2x128xi32, #tpu.memory_space<hbm>> -> memref<1x2x128xi32, #tpu.memory_space<hbm>>
    %dma_start3A_39 = tpu.memref_squeeze %dma_start3A_38 : memref<1x2x128xi32, #tpu.memory_space<hbm>> -> memref<2x128xi32, #tpu.memory_space<hbm>>
    tpu.enqueue_dma source(%dma_start3A_39 : memref<2x128xi32, #tpu.memory_space<hbm>>) target(%dma_start3A_35 : memref<2x128xi32, #tpu.memory_space<vmem>>) target_semaphore(%arg10 : memref<!tpu.dma_semaphore, #tpu.memory_space<semaphore_mem>>)
    %add3A_40 = arith.constant 2 : i32
    %add3A_41 = arith.addi %add3A_40, %mul3A_2 : i32
    %dma_start3A_42 = arith.constant 2 : i32
    %dma_start3A_43 = arith.constant 0 : i32
    %dma_start3A_44 = arith.constant 0 : i32
    %dma_start3A_45 = tpu.memref_slice %arg6[%dma_start3A_42, %dma_start3A_43, %dma_start3A_44] : memref<4x2x128xi32, #tpu.memory_space<vmem>> -> memref<1x2x128xi32, #tpu.memory_space<vmem>>
    %dma_start3A_46 = tpu.memref_squeeze %dma_start3A_45 : memref<1x2x128xi32, #tpu.memory_space<vmem>> -> memref<2x128xi32, #tpu.memory_space<vmem>>
    %dma_start3A_47 = arith.constant 0 : i32
    %dma_start3A_48 = arith.constant 0 : i32
    %dma_start3A_49 = tpu.memref_slice %arg2[%add3A_41, %dma_start3A_47, %dma_start3A_48] : memref<2560x2x128xi32, #tpu.memory_space<hbm>> -> memref<1x2x128xi32, #tpu.memory_space<hbm>>
    %dma_start3A_50 = tpu.memref_squeeze %dma_start3A_49 : memref<1x2x128xi32, #tpu.memory_space<hbm>> -> memref<2x128xi32, #tpu.memory_space<hbm>>
    %dma_start3A_51 = arith.constant 0 : i32
    %dma_start3A_52 = arith.constant 0 : i32
    %dma_start3A_53 = tpu.memref_slice %arg6[%dma_start3A_42, %dma_start3A_51, %dma_start3A_52] : memref<4x2x128xi32, #tpu.memory_space<vmem>> -> memref<1x2x128xi32, #tpu.memory_space<vmem>>
    %dma_start3A_54 = tpu.memref_squeeze %dma_start3A_53 : memref<1x2x128xi32, #tpu.memory_space<vmem>> -> memref<2x128xi32, #tpu.memory_space<vmem>>
    %dma_start3A_55 = arith.constant 0 : i32
    %dma_start3A_56 = arith.constant 0 : i32
    %dma_start3A_57 = tpu.memref_slice %arg2[%add3A_41, %dma_start3A_55, %dma_start3A_56] : memref<2560x2x128xi32, #tpu.memory_space<hbm>> -> memref<1x2x128xi32, #tpu.memory_space<hbm>>
    %dma_start3A_58 = tpu.memref_squeeze %dma_start3A_57 : memref<1x2x128xi32, #tpu.memory_space<hbm>> -> memref<2x128xi32, #tpu.memory_space<hbm>>
    tpu.enqueue_dma source(%dma_start3A_58 : memref<2x128xi32, #tpu.memory_space<hbm>>) target(%dma_start3A_54 : memref<2x128xi32, #tpu.memory_space<vmem>>) target_semaphore(%arg11 : memref<!tpu.dma_semaphore, #tpu.memory_space<semaphore_mem>>)
    "tpu.region"() ({
      %run_scoped3A = tpu.sem_alloc : memref<!tpu.dma_semaphore, #tpu.memory_space<semaphore_mem>>
      tpu.enqueue_dma source(%arg4 : memref<128x128xf32, #tpu.memory_space<hbm>>) target(%arg7 : memref<128x128xf32, #tpu.memory_space<vmem>>) target_semaphore(%run_scoped3A : memref<!tpu.dma_semaphore, #tpu.memory_space<semaphore_mem>>)
      tpu.wait_dma2 semaphore(%run_scoped3A : memref<!tpu.dma_semaphore, #tpu.memory_space<semaphore_mem>>) src(%arg4 : memref<128x128xf32, #tpu.memory_space<hbm>>) dst(%arg7 : memref<128x128xf32, #tpu.memory_space<vmem>>)
      tpu.yield
    }) : () -> ()
    %mul3A_59 = arith.constant 640 : i32
    %mul3A_60 = arith.muli %arg1, %mul3A_59 : i32
    "tpu.region"() ({
      %run_scoped3A = tpu.sem_alloc : memref<!tpu.dma_semaphore, #tpu.memory_space<semaphore_mem>>
      %dma_start3A_117 = arith.constant 0 : i32
      %dma_start3A_118 = tpu.memref_slice %arg8[%mul3A_60, %dma_start3A_117] : memref<10240x128xf32, #tpu.memory_space<vmem_shared>> -> memref<640x128xf32, #tpu.memory_space<vmem_shared>>
      tpu.enqueue_dma source(%arg3 : memref<640x128xf32, #tpu.memory_space<hbm>>) target(%dma_start3A_118 : memref<640x128xf32, #tpu.memory_space<vmem_shared>>) target_semaphore(%run_scoped3A : memref<!tpu.dma_semaphore, #tpu.memory_space<semaphore_mem>>)
      %dma_wait3A_119 = arith.constant 0 : i32
      %dma_wait3A_120 = tpu.memref_slice %arg8[%mul3A_60, %dma_wait3A_119] : memref<10240x128xf32, #tpu.memory_space<vmem_shared>> -> memref<640x128xf32, #tpu.memory_space<vmem_shared>>
      tpu.wait_dma2 semaphore(%run_scoped3A : memref<!tpu.dma_semaphore, #tpu.memory_space<semaphore_mem>>) src(%arg3 : memref<640x128xf32, #tpu.memory_space<hbm>>) dst(%dma_wait3A_120 : memref<640x128xf32, #tpu.memory_space<vmem_shared>>)
      tpu.yield
    }) : () -> ()
    %barrier3A = arith.constant 0 : index
    tpu.barrier barrier_id(%barrier3A)
    %scan3A = arith.constant 0 : i32
    %scan3A_61 = arith.constant 20 : i32
    %scan3A_62 = arith.addi %scan3A, %scan3A_61 : i32
    %scan3A_63 = arith.constant 1 : i32
    scf.for %scan3A_117 = %scan3A to %scan3A_62 step %scan3A_63  : i32 {
      %mul3A_118 = arith.constant 4 : i32
      %mul3A_119 = arith.muli %scan3A_117, %mul3A_118 : i32
      %add3A_120 = arith.constant 0 : i32
      %add3A_121 = arith.addi %add3A_120, %mul3A_119 : i32
      %add3A_122 = arith.constant 0 : i32
      %add3A_123 = arith.addi %add3A_121, %add3A_122 : i32
      %add3A_124 = arith.constant 3 : i32
      %add3A_125 = arith.addi %add3A_123, %add3A_124 : i32
      %lt3A = arith.constant 80 : i32
      %lt3A_126 = arith.cmpi slt, %add3A_125, %lt3A : i32
      %convert_element_type3A = arith.extui %lt3A_126 : i1 to i32
      %cond3A = arith.constant 0 : i32
      %cond3A_127 = arith.cmpi ne, %convert_element_type3A, %cond3A : i32
      scf.if %cond3A_127 {
        %ge3A = arith.constant 1 : i32
        %ge3A_275 = arith.cmpi sge, %add3A_123, %ge3A : i32
        %convert_element_type3A_276 = arith.extui %ge3A_275 : i1 to i32
        %cond3A_277 = arith.constant 0 : i32
        %cond3A_278 = arith.cmpi ne, %convert_element_type3A_276, %cond3A_277 : i32
        scf.if %cond3A_278 {
          %dma_wait3A_299 = arith.constant 3 : i32
          %dma_wait3A_300 = arith.constant 1 : i32
          %dma_wait3A_301 = arith.constant 0 : i32
          %dma_wait3A_302 = arith.constant 0 : i32
          %dma_wait3A_303 = tpu.memref_slice %arg6[%dma_wait3A_299, %dma_wait3A_301, %dma_wait3A_302] : memref<4x2x128xi32, #tpu.memory_space<vmem>> -> memref<1x2x128xi32, #tpu.memory_space<vmem>>
          %dma_wait3A_304 = tpu.memref_squeeze %dma_wait3A_303 : memref<1x2x128xi32, #tpu.memory_space<vmem>> -> memref<2x128xi32, #tpu.memory_space<vmem>>
          %dma_wait3A_305 = arith.constant 0 : i32
          %dma_wait3A_306 = tpu.memref_slice %dma_wait3A_304[%dma_wait3A_300, %dma_wait3A_305] : memref<2x128xi32, #tpu.memory_space<vmem>> -> memref<1x128xi32, #tpu.memory_space<vmem>>
          %dma_wait3A_307 = tpu.memref_squeeze %dma_wait3A_306 : memref<1x128xi32, #tpu.memory_space<vmem>> -> memref<128xi32, #tpu.memory_space<vmem>>
          %dma_wait3A_308 = arith.constant 0 : i32
          %dma_wait3A_309 = arith.constant 0 : i32
          %dma_wait3A_310 = tpu.memref_slice %arg8[%dma_wait3A_308, %dma_wait3A_309] : memref<10240x128xf32, #tpu.memory_space<vmem_shared>> -> memref<10240x128xf32, #tpu.memory_space<vmem_shared>>
          tpu.wait_indirect_dma semaphore(%arg16 : memref<!tpu.dma_semaphore, #tpu.memory_space<semaphore_mem>>) src(%arg7 : memref<128x128xf32, #tpu.memory_space<vmem>>) dst(%dma_wait3A_310 : memref<10240x128xf32, #tpu.memory_space<vmem_shared>>)
        } else {
        }
        %add3A_279 = arith.constant 3 : i32
        %add3A_280 = arith.addi %add3A_123, %add3A_279 : i32
        %add3A_281 = arith.addi %add3A_280, %mul3A_2 : i32
        %dma_start3A_282 = arith.constant 3 : i32
        %dma_start3A_283 = arith.constant 0 : i32
        %dma_start3A_284 = arith.constant 0 : i32
        %dma_start3A_285 = tpu.memref_slice %arg6[%dma_start3A_282, %dma_start3A_283, %dma_start3A_284] : memref<4x2x128xi32, #tpu.memory_space<vmem>> -> memref<1x2x128xi32, #tpu.memory_space<vmem>>
        %dma_start3A_286 = tpu.memref_squeeze %dma_start3A_285 : memref<1x2x128xi32, #tpu.memory_space<vmem>> -> memref<2x128xi32, #tpu.memory_space<vmem>>
        %dma_start3A_287 = arith.constant 0 : i32
        %dma_start3A_288 = arith.constant 0 : i32
        %dma_start3A_289 = tpu.memref_slice %arg2[%add3A_281, %dma_start3A_287, %dma_start3A_288] : memref<2560x2x128xi32, #tpu.memory_space<hbm>> -> memref<1x2x128xi32, #tpu.memory_space<hbm>>
        %dma_start3A_290 = tpu.memref_squeeze %dma_start3A_289 : memref<1x2x128xi32, #tpu.memory_space<hbm>> -> memref<2x128xi32, #tpu.memory_space<hbm>>
        %dma_start3A_291 = arith.constant 0 : i32
        %dma_start3A_292 = arith.constant 0 : i32
        %dma_start3A_293 = tpu.memref_slice %arg6[%dma_start3A_282, %dma_start3A_291, %dma_start3A_292] : memref<4x2x128xi32, #tpu.memory_space<vmem>> -> memref<1x2x128xi32, #tpu.memory_space<vmem>>
        %dma_start3A_294 = tpu.memref_squeeze %dma_start3A_293 : memref<1x2x128xi32, #tpu.memory_space<vmem>> -> memref<2x128xi32, #tpu.memory_space<vmem>>
        %dma_start3A_295 = arith.constant 0 : i32
        %dma_start3A_296 = arith.constant 0 : i32
        %dma_start3A_297 = tpu.memref_slice %arg2[%add3A_281, %dma_start3A_295, %dma_start3A_296] : memref<2560x2x128xi32, #tpu.memory_space<hbm>> -> memref<1x2x128xi32, #tpu.memory_space<hbm>>
        %dma_start3A_298 = tpu.memref_squeeze %dma_start3A_297 : memref<1x2x128xi32, #tpu.memory_space<hbm>> -> memref<2x128xi32, #tpu.memory_space<hbm>>
        tpu.enqueue_dma source(%dma_start3A_298 : memref<2x128xi32, #tpu.memory_space<hbm>>) target(%dma_start3A_294 : memref<2x128xi32, #tpu.memory_space<vmem>>) target_semaphore(%arg12 : memref<!tpu.dma_semaphore, #tpu.memory_space<semaphore_mem>>)
      } else {
      }
      %add3A_128 = arith.addi %add3A_123, %mul3A_2 : i32
      %dma_wait3A_129 = arith.constant 0 : i32
      %dma_wait3A_130 = arith.constant 0 : i32
      %dma_wait3A_131 = arith.constant 0 : i32
      %dma_wait3A_132 = tpu.memref_slice %arg6[%dma_wait3A_129, %dma_wait3A_130, %dma_wait3A_131] : memref<4x2x128xi32, #tpu.memory_space<vmem>> -> memref<1x2x128xi32, #tpu.memory_space<vmem>>
      %dma_wait3A_133 = tpu.memref_squeeze %dma_wait3A_132 : memref<1x2x128xi32, #tpu.memory_space<vmem>> -> memref<2x128xi32, #tpu.memory_space<vmem>>
      %dma_wait3A_134 = arith.constant 0 : i32
      %dma_wait3A_135 = arith.constant 0 : i32
      %dma_wait3A_136 = tpu.memref_slice %arg2[%add3A_128, %dma_wait3A_134, %dma_wait3A_135] : memref<2560x2x128xi32, #tpu.memory_space<hbm>> -> memref<1x2x128xi32, #tpu.memory_space<hbm>>
      %dma_wait3A_137 = tpu.memref_squeeze %dma_wait3A_136 : memref<1x2x128xi32, #tpu.memory_space<hbm>> -> memref<2x128xi32, #tpu.memory_space<hbm>>
      %dma_wait3A_138 = arith.constant 0 : i32
      %dma_wait3A_139 = arith.constant 0 : i32
      %dma_wait3A_140 = tpu.memref_slice %arg6[%dma_wait3A_129, %dma_wait3A_138, %dma_wait3A_139] : memref<4x2x128xi32, #tpu.memory_space<vmem>> -> memref<1x2x128xi32, #tpu.memory_space<vmem>>
      %dma_wait3A_141 = tpu.memref_squeeze %dma_wait3A_140 : memref<1x2x128xi32, #tpu.memory_space<vmem>> -> memref<2x128xi32, #tpu.memory_space<vmem>>
      %dma_wait3A_142 = arith.constant 0 : i32
      %dma_wait3A_143 = arith.constant 0 : i32
      %dma_wait3A_144 = tpu.memref_slice %arg2[%add3A_128, %dma_wait3A_142, %dma_wait3A_143] : memref<2560x2x128xi32, #tpu.memory_space<hbm>> -> memref<1x2x128xi32, #tpu.memory_space<hbm>>
      %dma_wait3A_145 = tpu.memref_squeeze %dma_wait3A_144 : memref<1x2x128xi32, #tpu.memory_space<hbm>> -> memref<2x128xi32, #tpu.memory_space<hbm>>
      tpu.wait_dma2 semaphore(%arg9 : memref<!tpu.dma_semaphore, #tpu.memory_space<semaphore_mem>>) src(%dma_wait3A_145 : memref<2x128xi32, #tpu.memory_space<hbm>>) dst(%dma_wait3A_141 : memref<2x128xi32, #tpu.memory_space<vmem>>)
      %dma_start3A_146 = arith.constant 0 : i32
      %dma_start3A_147 = arith.constant 1 : i32
      %dma_start3A_148 = arith.constant 0 : i32
      %dma_start3A_149 = arith.constant 0 : i32
      %dma_start3A_150 = tpu.memref_slice %arg6[%dma_start3A_146, %dma_start3A_148, %dma_start3A_149] : memref<4x2x128xi32, #tpu.memory_space<vmem>> -> memref<1x2x128xi32, #tpu.memory_space<vmem>>
      %dma_start3A_151 = tpu.memref_squeeze %dma_start3A_150 : memref<1x2x128xi32, #tpu.memory_space<vmem>> -> memref<2x128xi32, #tpu.memory_space<vmem>>
      %dma_start3A_152 = arith.constant 0 : i32
      %dma_start3A_153 = tpu.memref_slice %dma_start3A_151[%dma_start3A_147, %dma_start3A_152] : memref<2x128xi32, #tpu.memory_space<vmem>> -> memref<1x128xi32, #tpu.memory_space<vmem>>
      %dma_start3A_154 = tpu.memref_squeeze %dma_start3A_153 : memref<1x128xi32, #tpu.memory_space<vmem>> -> memref<128xi32, #tpu.memory_space<vmem>>
      %dma_start3A_155 = arith.constant 0 : i32
      %dma_start3A_156 = arith.constant 0 : i32
      %dma_start3A_157 = tpu.memref_slice %arg8[%dma_start3A_155, %dma_start3A_156] : memref<10240x128xf32, #tpu.memory_space<vmem_shared>> -> memref<10240x128xf32, #tpu.memory_space<vmem_shared>>
      tpu.enqueue_indirect_dma source(%arg7 : memref<128x128xf32, #tpu.memory_space<vmem>>) target(%dma_start3A_157 : memref<10240x128xf32, #tpu.memory_space<vmem_shared>>) offsets(%dma_start3A_154 : memref<128xi32, #tpu.memory_space<vmem>>) semaphore(%arg13 : memref<!tpu.dma_semaphore, #tpu.memory_space<semaphore_mem>>) {add = true}
      %add3A_158 = arith.constant 1 : i32
      %add3A_159 = arith.addi %add3A_121, %add3A_158 : i32
      %add3A_160 = arith.constant 3 : i32
      %add3A_161 = arith.addi %add3A_159, %add3A_160 : i32
      %lt3A_162 = arith.constant 80 : i32
      %lt3A_163 = arith.cmpi slt, %add3A_161, %lt3A_162 : i32
      %convert_element_type3A_164 = arith.extui %lt3A_163 : i1 to i32
      %cond3A_165 = arith.constant 0 : i32
      %cond3A_166 = arith.cmpi ne, %convert_element_type3A_164, %cond3A_165 : i32
      scf.if %cond3A_166 {
        %ge3A = arith.constant 1 : i32
        %ge3A_275 = arith.cmpi sge, %add3A_159, %ge3A : i32
        %convert_element_type3A_276 = arith.extui %ge3A_275 : i1 to i32
        %cond3A_277 = arith.constant 0 : i32
        %cond3A_278 = arith.cmpi ne, %convert_element_type3A_276, %cond3A_277 : i32
        scf.if %cond3A_278 {
          %dma_wait3A_299 = arith.constant 0 : i32
          %dma_wait3A_300 = arith.constant 1 : i32
          %dma_wait3A_301 = arith.constant 0 : i32
          %dma_wait3A_302 = arith.constant 0 : i32
          %dma_wait3A_303 = tpu.memref_slice %arg6[%dma_wait3A_299, %dma_wait3A_301, %dma_wait3A_302] : memref<4x2x128xi32, #tpu.memory_space<vmem>> -> memref<1x2x128xi32, #tpu.memory_space<vmem>>
          %dma_wait3A_304 = tpu.memref_squeeze %dma_wait3A_303 : memref<1x2x128xi32, #tpu.memory_space<vmem>> -> memref<2x128xi32, #tpu.memory_space<vmem>>
          %dma_wait3A_305 = arith.constant 0 : i32
          %dma_wait3A_306 = tpu.memref_slice %dma_wait3A_304[%dma_wait3A_300, %dma_wait3A_305] : memref<2x128xi32, #tpu.memory_space<vmem>> -> memref<1x128xi32, #tpu.memory_space<vmem>>
          %dma_wait3A_307 = tpu.memref_squeeze %dma_wait3A_306 : memref<1x128xi32, #tpu.memory_space<vmem>> -> memref<128xi32, #tpu.memory_space<vmem>>
          %dma_wait3A_308 = arith.constant 0 : i32
          %dma_wait3A_309 = arith.constant 0 : i32
          %dma_wait3A_310 = tpu.memref_slice %arg8[%dma_wait3A_308, %dma_wait3A_309] : memref<10240x128xf32, #tpu.memory_space<vmem_shared>> -> memref<10240x128xf32, #tpu.memory_space<vmem_shared>>
          tpu.wait_indirect_dma semaphore(%arg13 : memref<!tpu.dma_semaphore, #tpu.memory_space<semaphore_mem>>) src(%arg7 : memref<128x128xf32, #tpu.memory_space<vmem>>) dst(%dma_wait3A_310 : memref<10240x128xf32, #tpu.memory_space<vmem_shared>>)
        } else {
        }
        %add3A_279 = arith.constant 3 : i32
        %add3A_280 = arith.addi %add3A_159, %add3A_279 : i32
        %add3A_281 = arith.addi %add3A_280, %mul3A_2 : i32
        %dma_start3A_282 = arith.constant 0 : i32
        %dma_start3A_283 = arith.constant 0 : i32
        %dma_start3A_284 = arith.constant 0 : i32
        %dma_start3A_285 = tpu.memref_slice %arg6[%dma_start3A_282, %dma_start3A_283, %dma_start3A_284] : memref<4x2x128xi32, #tpu.memory_space<vmem>> -> memref<1x2x128xi32, #tpu.memory_space<vmem>>
        %dma_start3A_286 = tpu.memref_squeeze %dma_start3A_285 : memref<1x2x128xi32, #tpu.memory_space<vmem>> -> memref<2x128xi32, #tpu.memory_space<vmem>>
        %dma_start3A_287 = arith.constant 0 : i32
        %dma_start3A_288 = arith.constant 0 : i32
        %dma_start3A_289 = tpu.memref_slice %arg2[%add3A_281, %dma_start3A_287, %dma_start3A_288] : memref<2560x2x128xi32, #tpu.memory_space<hbm>> -> memref<1x2x128xi32, #tpu.memory_space<hbm>>
        %dma_start3A_290 = tpu.memref_squeeze %dma_start3A_289 : memref<1x2x128xi32, #tpu.memory_space<hbm>> -> memref<2x128xi32, #tpu.memory_space<hbm>>
        %dma_start3A_291 = arith.constant 0 : i32
        %dma_start3A_292 = arith.constant 0 : i32
        %dma_start3A_293 = tpu.memref_slice %arg6[%dma_start3A_282, %dma_start3A_291, %dma_start3A_292] : memref<4x2x128xi32, #tpu.memory_space<vmem>> -> memref<1x2x128xi32, #tpu.memory_space<vmem>>
        %dma_start3A_294 = tpu.memref_squeeze %dma_start3A_293 : memref<1x2x128xi32, #tpu.memory_space<vmem>> -> memref<2x128xi32, #tpu.memory_space<vmem>>
        %dma_start3A_295 = arith.constant 0 : i32
        %dma_start3A_296 = arith.constant 0 : i32
        %dma_start3A_297 = tpu.memref_slice %arg2[%add3A_281, %dma_start3A_295, %dma_start3A_296] : memref<2560x2x128xi32, #tpu.memory_space<hbm>> -> memref<1x2x128xi32, #tpu.memory_space<hbm>>
        %dma_start3A_298 = tpu.memref_squeeze %dma_start3A_297 : memref<1x2x128xi32, #tpu.memory_space<hbm>> -> memref<2x128xi32, #tpu.memory_space<hbm>>
        tpu.enqueue_dma source(%dma_start3A_298 : memref<2x128xi32, #tpu.memory_space<hbm>>) target(%dma_start3A_294 : memref<2x128xi32, #tpu.memory_space<vmem>>) target_semaphore(%arg9 : memref<!tpu.dma_semaphore, #tpu.memory_space<semaphore_mem>>)
      } else {
      }
      %add3A_167 = arith.addi %add3A_159, %mul3A_2 : i32
      %dma_wait3A_168 = arith.constant 1 : i32
      %dma_wait3A_169 = arith.constant 0 : i32
      %dma_wait3A_170 = arith.constant 0 : i32
      %dma_wait3A_171 = tpu.memref_slice %arg6[%dma_wait3A_168, %dma_wait3A_169, %dma_wait3A_170] : memref<4x2x128xi32, #tpu.memory_space<vmem>> -> memref<1x2x128xi32, #tpu.memory_space<vmem>>
      %dma_wait3A_172 = tpu.memref_squeeze %dma_wait3A_171 : memref<1x2x128xi32, #tpu.memory_space<vmem>> -> memref<2x128xi32, #tpu.memory_space<vmem>>
      %dma_wait3A_173 = arith.constant 0 : i32
      %dma_wait3A_174 = arith.constant 0 : i32
      %dma_wait3A_175 = tpu.memref_slice %arg2[%add3A_167, %dma_wait3A_173, %dma_wait3A_174] : memref<2560x2x128xi32, #tpu.memory_space<hbm>> -> memref<1x2x128xi32, #tpu.memory_space<hbm>>
      %dma_wait3A_176 = tpu.memref_squeeze %dma_wait3A_175 : memref<1x2x128xi32, #tpu.memory_space<hbm>> -> memref<2x128xi32, #tpu.memory_space<hbm>>
      %dma_wait3A_177 = arith.constant 0 : i32
      %dma_wait3A_178 = arith.constant 0 : i32
      %dma_wait3A_179 = tpu.memref_slice %arg6[%dma_wait3A_168, %dma_wait3A_177, %dma_wait3A_178] : memref<4x2x128xi32, #tpu.memory_space<vmem>> -> memref<1x2x128xi32, #tpu.memory_space<vmem>>
      %dma_wait3A_180 = tpu.memref_squeeze %dma_wait3A_179 : memref<1x2x128xi32, #tpu.memory_space<vmem>> -> memref<2x128xi32, #tpu.memory_space<vmem>>
      %dma_wait3A_181 = arith.constant 0 : i32
      %dma_wait3A_182 = arith.constant 0 : i32
      %dma_wait3A_183 = tpu.memref_slice %arg2[%add3A_167, %dma_wait3A_181, %dma_wait3A_182] : memref<2560x2x128xi32, #tpu.memory_space<hbm>> -> memref<1x2x128xi32, #tpu.memory_space<hbm>>
      %dma_wait3A_184 = tpu.memref_squeeze %dma_wait3A_183 : memref<1x2x128xi32, #tpu.memory_space<hbm>> -> memref<2x128xi32, #tpu.memory_space<hbm>>
      tpu.wait_dma2 semaphore(%arg10 : memref<!tpu.dma_semaphore, #tpu.memory_space<semaphore_mem>>) src(%dma_wait3A_184 : memref<2x128xi32, #tpu.memory_space<hbm>>) dst(%dma_wait3A_180 : memref<2x128xi32, #tpu.memory_space<vmem>>)
      %dma_start3A_185 = arith.constant 1 : i32
      %dma_start3A_186 = arith.constant 1 : i32
      %dma_start3A_187 = arith.constant 0 : i32
      %dma_start3A_188 = arith.constant 0 : i32
      %dma_start3A_189 = tpu.memref_slice %arg6[%dma_start3A_185, %dma_start3A_187, %dma_start3A_188] : memref<4x2x128xi32, #tpu.memory_space<vmem>> -> memref<1x2x128xi32, #tpu.memory_space<vmem>>
      %dma_start3A_190 = tpu.memref_squeeze %dma_start3A_189 : memref<1x2x128xi32, #tpu.memory_space<vmem>> -> memref<2x128xi32, #tpu.memory_space<vmem>>
      %dma_start3A_191 = arith.constant 0 : i32
      %dma_start3A_192 = tpu.memref_slice %dma_start3A_190[%dma_start3A_186, %dma_start3A_191] : memref<2x128xi32, #tpu.memory_space<vmem>> -> memref<1x128xi32, #tpu.memory_space<vmem>>
      %dma_start3A_193 = tpu.memref_squeeze %dma_start3A_192 : memref<1x128xi32, #tpu.memory_space<vmem>> -> memref<128xi32, #tpu.memory_space<vmem>>
      %dma_start3A_194 = arith.constant 0 : i32
      %dma_start3A_195 = arith.constant 0 : i32
      %dma_start3A_196 = tpu.memref_slice %arg8[%dma_start3A_194, %dma_start3A_195] : memref<10240x128xf32, #tpu.memory_space<vmem_shared>> -> memref<10240x128xf32, #tpu.memory_space<vmem_shared>>
      tpu.enqueue_indirect_dma source(%arg7 : memref<128x128xf32, #tpu.memory_space<vmem>>) target(%dma_start3A_196 : memref<10240x128xf32, #tpu.memory_space<vmem_shared>>) offsets(%dma_start3A_193 : memref<128xi32, #tpu.memory_space<vmem>>) semaphore(%arg14 : memref<!tpu.dma_semaphore, #tpu.memory_space<semaphore_mem>>) {add = true}
      %add3A_197 = arith.constant 2 : i32
      %add3A_198 = arith.addi %add3A_121, %add3A_197 : i32
      %add3A_199 = arith.constant 3 : i32
      %add3A_200 = arith.addi %add3A_198, %add3A_199 : i32
      %lt3A_201 = arith.constant 80 : i32
      %lt3A_202 = arith.cmpi slt, %add3A_200, %lt3A_201 : i32
      %convert_element_type3A_203 = arith.extui %lt3A_202 : i1 to i32
      %cond3A_204 = arith.constant 0 : i32
      %cond3A_205 = arith.cmpi ne, %convert_element_type3A_203, %cond3A_204 : i32
      scf.if %cond3A_205 {
        %ge3A = arith.constant 1 : i32
        %ge3A_275 = arith.cmpi sge, %add3A_198, %ge3A : i32
        %convert_element_type3A_276 = arith.extui %ge3A_275 : i1 to i32
        %cond3A_277 = arith.constant 0 : i32
        %cond3A_278 = arith.cmpi ne, %convert_element_type3A_276, %cond3A_277 : i32
        scf.if %cond3A_278 {
          %dma_wait3A_299 = arith.constant 1 : i32
          %dma_wait3A_300 = arith.constant 1 : i32
          %dma_wait3A_301 = arith.constant 0 : i32
          %dma_wait3A_302 = arith.constant 0 : i32
          %dma_wait3A_303 = tpu.memref_slice %arg6[%dma_wait3A_299, %dma_wait3A_301, %dma_wait3A_302] : memref<4x2x128xi32, #tpu.memory_space<vmem>> -> memref<1x2x128xi32, #tpu.memory_space<vmem>>
          %dma_wait3A_304 = tpu.memref_squeeze %dma_wait3A_303 : memref<1x2x128xi32, #tpu.memory_space<vmem>> -> memref<2x128xi32, #tpu.memory_space<vmem>>
          %dma_wait3A_305 = arith.constant 0 : i32
          %dma_wait3A_306 = tpu.memref_slice %dma_wait3A_304[%dma_wait3A_300, %dma_wait3A_305] : memref<2x128xi32, #tpu.memory_space<vmem>> -> memref<1x128xi32, #tpu.memory_space<vmem>>
          %dma_wait3A_307 = tpu.memref_squeeze %dma_wait3A_306 : memref<1x128xi32, #tpu.memory_space<vmem>> -> memref<128xi32, #tpu.memory_space<vmem>>
          %dma_wait3A_308 = arith.constant 0 : i32
          %dma_wait3A_309 = arith.constant 0 : i32
          %dma_wait3A_310 = tpu.memref_slice %arg8[%dma_wait3A_308, %dma_wait3A_309] : memref<10240x128xf32, #tpu.memory_space<vmem_shared>> -> memref<10240x128xf32, #tpu.memory_space<vmem_shared>>
          tpu.wait_indirect_dma semaphore(%arg14 : memref<!tpu.dma_semaphore, #tpu.memory_space<semaphore_mem>>) src(%arg7 : memref<128x128xf32, #tpu.memory_space<vmem>>) dst(%dma_wait3A_310 : memref<10240x128xf32, #tpu.memory_space<vmem_shared>>)
        } else {
        }
        %add3A_279 = arith.constant 3 : i32
        %add3A_280 = arith.addi %add3A_198, %add3A_279 : i32
        %add3A_281 = arith.addi %add3A_280, %mul3A_2 : i32
        %dma_start3A_282 = arith.constant 1 : i32
        %dma_start3A_283 = arith.constant 0 : i32
        %dma_start3A_284 = arith.constant 0 : i32
        %dma_start3A_285 = tpu.memref_slice %arg6[%dma_start3A_282, %dma_start3A_283, %dma_start3A_284] : memref<4x2x128xi32, #tpu.memory_space<vmem>> -> memref<1x2x128xi32, #tpu.memory_space<vmem>>
        %dma_start3A_286 = tpu.memref_squeeze %dma_start3A_285 : memref<1x2x128xi32, #tpu.memory_space<vmem>> -> memref<2x128xi32, #tpu.memory_space<vmem>>
        %dma_start3A_287 = arith.constant 0 : i32
        %dma_start3A_288 = arith.constant 0 : i32
        %dma_start3A_289 = tpu.memref_slice %arg2[%add3A_281, %dma_start3A_287, %dma_start3A_288] : memref<2560x2x128xi32, #tpu.memory_space<hbm>> -> memref<1x2x128xi32, #tpu.memory_space<hbm>>
        %dma_start3A_290 = tpu.memref_squeeze %dma_start3A_289 : memref<1x2x128xi32, #tpu.memory_space<hbm>> -> memref<2x128xi32, #tpu.memory_space<hbm>>
        %dma_start3A_291 = arith.constant 0 : i32
        %dma_start3A_292 = arith.constant 0 : i32
        %dma_start3A_293 = tpu.memref_slice %arg6[%dma_start3A_282, %dma_start3A_291, %dma_start3A_292] : memref<4x2x128xi32, #tpu.memory_space<vmem>> -> memref<1x2x128xi32, #tpu.memory_space<vmem>>
        %dma_start3A_294 = tpu.memref_squeeze %dma_start3A_293 : memref<1x2x128xi32, #tpu.memory_space<vmem>> -> memref<2x128xi32, #tpu.memory_space<vmem>>
        %dma_start3A_295 = arith.constant 0 : i32
        %dma_start3A_296 = arith.constant 0 : i32
        %dma_start3A_297 = tpu.memref_slice %arg2[%add3A_281, %dma_start3A_295, %dma_start3A_296] : memref<2560x2x128xi32, #tpu.memory_space<hbm>> -> memref<1x2x128xi32, #tpu.memory_space<hbm>>
        %dma_start3A_298 = tpu.memref_squeeze %dma_start3A_297 : memref<1x2x128xi32, #tpu.memory_space<hbm>> -> memref<2x128xi32, #tpu.memory_space<hbm>>
        tpu.enqueue_dma source(%dma_start3A_298 : memref<2x128xi32, #tpu.memory_space<hbm>>) target(%dma_start3A_294 : memref<2x128xi32, #tpu.memory_space<vmem>>) target_semaphore(%arg10 : memref<!tpu.dma_semaphore, #tpu.memory_space<semaphore_mem>>)
      } else {
      }
      %add3A_206 = arith.addi %add3A_198, %mul3A_2 : i32
      %dma_wait3A_207 = arith.constant 2 : i32
      %dma_wait3A_208 = arith.constant 0 : i32
      %dma_wait3A_209 = arith.constant 0 : i32
      %dma_wait3A_210 = tpu.memref_slice %arg6[%dma_wait3A_207, %dma_wait3A_208, %dma_wait3A_209] : memref<4x2x128xi32, #tpu.memory_space<vmem>> -> memref<1x2x128xi32, #tpu.memory_space<vmem>>
      %dma_wait3A_211 = tpu.memref_squeeze %dma_wait3A_210 : memref<1x2x128xi32, #tpu.memory_space<vmem>> -> memref<2x128xi32, #tpu.memory_space<vmem>>
      %dma_wait3A_212 = arith.constant 0 : i32
      %dma_wait3A_213 = arith.constant 0 : i32
      %dma_wait3A_214 = tpu.memref_slice %arg2[%add3A_206, %dma_wait3A_212, %dma_wait3A_213] : memref<2560x2x128xi32, #tpu.memory_space<hbm>> -> memref<1x2x128xi32, #tpu.memory_space<hbm>>
      %dma_wait3A_215 = tpu.memref_squeeze %dma_wait3A_214 : memref<1x2x128xi32, #tpu.memory_space<hbm>> -> memref<2x128xi32, #tpu.memory_space<hbm>>
      %dma_wait3A_216 = arith.constant 0 : i32
      %dma_wait3A_217 = arith.constant 0 : i32
      %dma_wait3A_218 = tpu.memref_slice %arg6[%dma_wait3A_207, %dma_wait3A_216, %dma_wait3A_217] : memref<4x2x128xi32, #tpu.memory_space<vmem>> -> memref<1x2x128xi32, #tpu.memory_space<vmem>>
      %dma_wait3A_219 = tpu.memref_squeeze %dma_wait3A_218 : memref<1x2x128xi32, #tpu.memory_space<vmem>> -> memref<2x128xi32, #tpu.memory_space<vmem>>
      %dma_wait3A_220 = arith.constant 0 : i32
      %dma_wait3A_221 = arith.constant 0 : i32
      %dma_wait3A_222 = tpu.memref_slice %arg2[%add3A_206, %dma_wait3A_220, %dma_wait3A_221] : memref<2560x2x128xi32, #tpu.memory_space<hbm>> -> memref<1x2x128xi32, #tpu.memory_space<hbm>>
      %dma_wait3A_223 = tpu.memref_squeeze %dma_wait3A_222 : memref<1x2x128xi32, #tpu.memory_space<hbm>> -> memref<2x128xi32, #tpu.memory_space<hbm>>
      tpu.wait_dma2 semaphore(%arg11 : memref<!tpu.dma_semaphore, #tpu.memory_space<semaphore_mem>>) src(%dma_wait3A_223 : memref<2x128xi32, #tpu.memory_space<hbm>>) dst(%dma_wait3A_219 : memref<2x128xi32, #tpu.memory_space<vmem>>)
      %dma_start3A_224 = arith.constant 2 : i32
      %dma_start3A_225 = arith.constant 1 : i32
      %dma_start3A_226 = arith.constant 0 : i32
      %dma_start3A_227 = arith.constant 0 : i32
      %dma_start3A_228 = tpu.memref_slice %arg6[%dma_start3A_224, %dma_start3A_226, %dma_start3A_227] : memref<4x2x128xi32, #tpu.memory_space<vmem>> -> memref<1x2x128xi32, #tpu.memory_space<vmem>>
      %dma_start3A_229 = tpu.memref_squeeze %dma_start3A_228 : memref<1x2x128xi32, #tpu.memory_space<vmem>> -> memref<2x128xi32, #tpu.memory_space<vmem>>
      %dma_start3A_230 = arith.constant 0 : i32
      %dma_start3A_231 = tpu.memref_slice %dma_start3A_229[%dma_start3A_225, %dma_start3A_230] : memref<2x128xi32, #tpu.memory_space<vmem>> -> memref<1x128xi32, #tpu.memory_space<vmem>>
      %dma_start3A_232 = tpu.memref_squeeze %dma_start3A_231 : memref<1x128xi32, #tpu.memory_space<vmem>> -> memref<128xi32, #tpu.memory_space<vmem>>
      %dma_start3A_233 = arith.constant 0 : i32
      %dma_start3A_234 = arith.constant 0 : i32
      %dma_start3A_235 = tpu.memref_slice %arg8[%dma_start3A_233, %dma_start3A_234] : memref<10240x128xf32, #tpu.memory_space<vmem_shared>> -> memref<10240x128xf32, #tpu.memory_space<vmem_shared>>
      tpu.enqueue_indirect_dma source(%arg7 : memref<128x128xf32, #tpu.memory_space<vmem>>) target(%dma_start3A_235 : memref<10240x128xf32, #tpu.memory_space<vmem_shared>>) offsets(%dma_start3A_232 : memref<128xi32, #tpu.memory_space<vmem>>) semaphore(%arg15 : memref<!tpu.dma_semaphore, #tpu.memory_space<semaphore_mem>>) {add = true}
      %add3A_236 = arith.constant 3 : i32
      %add3A_237 = arith.addi %add3A_121, %add3A_236 : i32
      %add3A_238 = arith.constant 3 : i32
      %add3A_239 = arith.addi %add3A_237, %add3A_238 : i32
      %lt3A_240 = arith.constant 80 : i32
      %lt3A_241 = arith.cmpi slt, %add3A_239, %lt3A_240 : i32
      %convert_element_type3A_242 = arith.extui %lt3A_241 : i1 to i32
      %cond3A_243 = arith.constant 0 : i32
      %cond3A_244 = arith.cmpi ne, %convert_element_type3A_242, %cond3A_243 : i32
      scf.if %cond3A_244 {
        %ge3A = arith.constant 1 : i32
        %ge3A_275 = arith.cmpi sge, %add3A_237, %ge3A : i32
        %convert_element_type3A_276 = arith.extui %ge3A_275 : i1 to i32
        %cond3A_277 = arith.constant 0 : i32
        %cond3A_278 = arith.cmpi ne, %convert_element_type3A_276, %cond3A_277 : i32
        scf.if %cond3A_278 {
          %dma_wait3A_299 = arith.constant 2 : i32
          %dma_wait3A_300 = arith.constant 1 : i32
          %dma_wait3A_301 = arith.constant 0 : i32
          %dma_wait3A_302 = arith.constant 0 : i32
          %dma_wait3A_303 = tpu.memref_slice %arg6[%dma_wait3A_299, %dma_wait3A_301, %dma_wait3A_302] : memref<4x2x128xi32, #tpu.memory_space<vmem>> -> memref<1x2x128xi32, #tpu.memory_space<vmem>>
          %dma_wait3A_304 = tpu.memref_squeeze %dma_wait3A_303 : memref<1x2x128xi32, #tpu.memory_space<vmem>> -> memref<2x128xi32, #tpu.memory_space<vmem>>
          %dma_wait3A_305 = arith.constant 0 : i32
          %dma_wait3A_306 = tpu.memref_slice %dma_wait3A_304[%dma_wait3A_300, %dma_wait3A_305] : memref<2x128xi32, #tpu.memory_space<vmem>> -> memref<1x128xi32, #tpu.memory_space<vmem>>
          %dma_wait3A_307 = tpu.memref_squeeze %dma_wait3A_306 : memref<1x128xi32, #tpu.memory_space<vmem>> -> memref<128xi32, #tpu.memory_space<vmem>>
          %dma_wait3A_308 = arith.constant 0 : i32
          %dma_wait3A_309 = arith.constant 0 : i32
          %dma_wait3A_310 = tpu.memref_slice %arg8[%dma_wait3A_308, %dma_wait3A_309] : memref<10240x128xf32, #tpu.memory_space<vmem_shared>> -> memref<10240x128xf32, #tpu.memory_space<vmem_shared>>
          tpu.wait_indirect_dma semaphore(%arg15 : memref<!tpu.dma_semaphore, #tpu.memory_space<semaphore_mem>>) src(%arg7 : memref<128x128xf32, #tpu.memory_space<vmem>>) dst(%dma_wait3A_310 : memref<10240x128xf32, #tpu.memory_space<vmem_shared>>)
        } else {
        }
        %add3A_279 = arith.constant 3 : i32
        %add3A_280 = arith.addi %add3A_237, %add3A_279 : i32
        %add3A_281 = arith.addi %add3A_280, %mul3A_2 : i32
        %dma_start3A_282 = arith.constant 2 : i32
        %dma_start3A_283 = arith.constant 0 : i32
        %dma_start3A_284 = arith.constant 0 : i32
        %dma_start3A_285 = tpu.memref_slice %arg6[%dma_start3A_282, %dma_start3A_283, %dma_start3A_284] : memref<4x2x128xi32, #tpu.memory_space<vmem>> -> memref<1x2x128xi32, #tpu.memory_space<vmem>>
        %dma_start3A_286 = tpu.memref_squeeze %dma_start3A_285 : memref<1x2x128xi32, #tpu.memory_space<vmem>> -> memref<2x128xi32, #tpu.memory_space<vmem>>
        %dma_start3A_287 = arith.constant 0 : i32
        %dma_start3A_288 = arith.constant 0 : i32
        %dma_start3A_289 = tpu.memref_slice %arg2[%add3A_281, %dma_start3A_287, %dma_start3A_288] : memref<2560x2x128xi32, #tpu.memory_space<hbm>> -> memref<1x2x128xi32, #tpu.memory_space<hbm>>
        %dma_start3A_290 = tpu.memref_squeeze %dma_start3A_289 : memref<1x2x128xi32, #tpu.memory_space<hbm>> -> memref<2x128xi32, #tpu.memory_space<hbm>>
        %dma_start3A_291 = arith.constant 0 : i32
        %dma_start3A_292 = arith.constant 0 : i32
        %dma_start3A_293 = tpu.memref_slice %arg6[%dma_start3A_282, %dma_start3A_291, %dma_start3A_292] : memref<4x2x128xi32, #tpu.memory_space<vmem>> -> memref<1x2x128xi32, #tpu.memory_space<vmem>>
        %dma_start3A_294 = tpu.memref_squeeze %dma_start3A_293 : memref<1x2x128xi32, #tpu.memory_space<vmem>> -> memref<2x128xi32, #tpu.memory_space<vmem>>
        %dma_start3A_295 = arith.constant 0 : i32
        %dma_start3A_296 = arith.constant 0 : i32
        %dma_start3A_297 = tpu.memref_slice %arg2[%add3A_281, %dma_start3A_295, %dma_start3A_296] : memref<2560x2x128xi32, #tpu.memory_space<hbm>> -> memref<1x2x128xi32, #tpu.memory_space<hbm>>
        %dma_start3A_298 = tpu.memref_squeeze %dma_start3A_297 : memref<1x2x128xi32, #tpu.memory_space<hbm>> -> memref<2x128xi32, #tpu.memory_space<hbm>>
        tpu.enqueue_dma source(%dma_start3A_298 : memref<2x128xi32, #tpu.memory_space<hbm>>) target(%dma_start3A_294 : memref<2x128xi32, #tpu.memory_space<vmem>>) target_semaphore(%arg11 : memref<!tpu.dma_semaphore, #tpu.memory_space<semaphore_mem>>)
      } else {
      }
      %add3A_245 = arith.addi %add3A_237, %mul3A_2 : i32
      %dma_wait3A_246 = arith.constant 3 : i32
      %dma_wait3A_247 = arith.constant 0 : i32
      %dma_wait3A_248 = arith.constant 0 : i32
      %dma_wait3A_249 = tpu.memref_slice %arg6[%dma_wait3A_246, %dma_wait3A_247, %dma_wait3A_248] : memref<4x2x128xi32, #tpu.memory_space<vmem>> -> memref<1x2x128xi32, #tpu.memory_space<vmem>>
      %dma_wait3A_250 = tpu.memref_squeeze %dma_wait3A_249 : memref<1x2x128xi32, #tpu.memory_space<vmem>> -> memref<2x128xi32, #tpu.memory_space<vmem>>
      %dma_wait3A_251 = arith.constant 0 : i32
      %dma_wait3A_252 = arith.constant 0 : i32
      %dma_wait3A_253 = tpu.memref_slice %arg2[%add3A_245, %dma_wait3A_251, %dma_wait3A_252] : memref<2560x2x128xi32, #tpu.memory_space<hbm>> -> memref<1x2x128xi32, #tpu.memory_space<hbm>>
      %dma_wait3A_254 = tpu.memref_squeeze %dma_wait3A_253 : memref<1x2x128xi32, #tpu.memory_space<hbm>> -> memref<2x128xi32, #tpu.memory_space<hbm>>
      %dma_wait3A_255 = arith.constant 0 : i32
      %dma_wait3A_256 = arith.constant 0 : i32
      %dma_wait3A_257 = tpu.memref_slice %arg6[%dma_wait3A_246, %dma_wait3A_255, %dma_wait3A_256] : memref<4x2x128xi32, #tpu.memory_space<vmem>> -> memref<1x2x128xi32, #tpu.memory_space<vmem>>
      %dma_wait3A_258 = tpu.memref_squeeze %dma_wait3A_257 : memref<1x2x128xi32, #tpu.memory_space<vmem>> -> memref<2x128xi32, #tpu.memory_space<vmem>>
      %dma_wait3A_259 = arith.constant 0 : i32
      %dma_wait3A_260 = arith.constant 0 : i32
      %dma_wait3A_261 = tpu.memref_slice %arg2[%add3A_245, %dma_wait3A_259, %dma_wait3A_260] : memref<2560x2x128xi32, #tpu.memory_space<hbm>> -> memref<1x2x128xi32, #tpu.memory_space<hbm>>
      %dma_wait3A_262 = tpu.memref_squeeze %dma_wait3A_261 : memref<1x2x128xi32, #tpu.memory_space<hbm>> -> memref<2x128xi32, #tpu.memory_space<hbm>>
      tpu.wait_dma2 semaphore(%arg12 : memref<!tpu.dma_semaphore, #tpu.memory_space<semaphore_mem>>) src(%dma_wait3A_262 : memref<2x128xi32, #tpu.memory_space<hbm>>) dst(%dma_wait3A_258 : memref<2x128xi32, #tpu.memory_space<vmem>>)
      %dma_start3A_263 = arith.constant 3 : i32
      %dma_start3A_264 = arith.constant 1 : i32
      %dma_start3A_265 = arith.constant 0 : i32
      %dma_start3A_266 = arith.constant 0 : i32
      %dma_start3A_267 = tpu.memref_slice %arg6[%dma_start3A_263, %dma_start3A_265, %dma_start3A_266] : memref<4x2x128xi32, #tpu.memory_space<vmem>> -> memref<1x2x128xi32, #tpu.memory_space<vmem>>
      %dma_start3A_268 = tpu.memref_squeeze %dma_start3A_267 : memref<1x2x128xi32, #tpu.memory_space<vmem>> -> memref<2x128xi32, #tpu.memory_space<vmem>>
      %dma_start3A_269 = arith.constant 0 : i32
      %dma_start3A_270 = tpu.memref_slice %dma_start3A_268[%dma_start3A_264, %dma_start3A_269] : memref<2x128xi32, #tpu.memory_space<vmem>> -> memref<1x128xi32, #tpu.memory_space<vmem>>
      %dma_start3A_271 = tpu.memref_squeeze %dma_start3A_270 : memref<1x128xi32, #tpu.memory_space<vmem>> -> memref<128xi32, #tpu.memory_space<vmem>>
      %dma_start3A_272 = arith.constant 0 : i32
      %dma_start3A_273 = arith.constant 0 : i32
      %dma_start3A_274 = tpu.memref_slice %arg8[%dma_start3A_272, %dma_start3A_273] : memref<10240x128xf32, #tpu.memory_space<vmem_shared>> -> memref<10240x128xf32, #tpu.memory_space<vmem_shared>>
      tpu.enqueue_indirect_dma source(%arg7 : memref<128x128xf32, #tpu.memory_space<vmem>>) target(%dma_start3A_274 : memref<10240x128xf32, #tpu.memory_space<vmem_shared>>) offsets(%dma_start3A_271 : memref<128xi32, #tpu.memory_space<vmem>>) semaphore(%arg16 : memref<!tpu.dma_semaphore, #tpu.memory_space<semaphore_mem>>) {add = true}
    }
    %scan3A_64 = arith.constant 20 : i32
    %dma_wait3A = arith.constant 0 : i32
    %dma_wait3A_65 = arith.constant 1 : i32
    %dma_wait3A_66 = arith.constant 0 : i32
    %dma_wait3A_67 = arith.constant 0 : i32
    %dma_wait3A_68 = tpu.memref_slice %arg6[%dma_wait3A, %dma_wait3A_66, %dma_wait3A_67] : memref<4x2x128xi32, #tpu.memory_space<vmem>> -> memref<1x2x128xi32, #tpu.memory_space<vmem>>
    %dma_wait3A_69 = tpu.memref_squeeze %dma_wait3A_68 : memref<1x2x128xi32, #tpu.memory_space<vmem>> -> memref<2x128xi32, #tpu.memory_space<vmem>>
    %dma_wait3A_70 = arith.constant 0 : i32
    %dma_wait3A_71 = tpu.memref_slice %dma_wait3A_69[%dma_wait3A_65, %dma_wait3A_70] : memref<2x128xi32, #tpu.memory_space<vmem>> -> memref<1x128xi32, #tpu.memory_space<vmem>>
    %dma_wait3A_72 = tpu.memref_squeeze %dma_wait3A_71 : memref<1x128xi32, #tpu.memory_space<vmem>> -> memref<128xi32, #tpu.memory_space<vmem>>
    %dma_wait3A_73 = arith.constant 0 : i32
    %dma_wait3A_74 = arith.constant 0 : i32
    %dma_wait3A_75 = tpu.memref_slice %arg8[%dma_wait3A_73, %dma_wait3A_74] : memref<10240x128xf32, #tpu.memory_space<vmem_shared>> -> memref<10240x128xf32, #tpu.memory_space<vmem_shared>>
    tpu.wait_indirect_dma semaphore(%arg13 : memref<!tpu.dma_semaphore, #tpu.memory_space<semaphore_mem>>) src(%arg7 : memref<128x128xf32, #tpu.memory_space<vmem>>) dst(%dma_wait3A_75 : memref<10240x128xf32, #tpu.memory_space<vmem_shared>>)
    %dma_wait3A_76 = arith.constant 1 : i32
    %dma_wait3A_77 = arith.constant 1 : i32
    %dma_wait3A_78 = arith.constant 0 : i32
    %dma_wait3A_79 = arith.constant 0 : i32
    %dma_wait3A_80 = tpu.memref_slice %arg6[%dma_wait3A_76, %dma_wait3A_78, %dma_wait3A_79] : memref<4x2x128xi32, #tpu.memory_space<vmem>> -> memref<1x2x128xi32, #tpu.memory_space<vmem>>
    %dma_wait3A_81 = tpu.memref_squeeze %dma_wait3A_80 : memref<1x2x128xi32, #tpu.memory_space<vmem>> -> memref<2x128xi32, #tpu.memory_space<vmem>>
    %dma_wait3A_82 = arith.constant 0 : i32
    %dma_wait3A_83 = tpu.memref_slice %dma_wait3A_81[%dma_wait3A_77, %dma_wait3A_82] : memref<2x128xi32, #tpu.memory_space<vmem>> -> memref<1x128xi32, #tpu.memory_space<vmem>>
    %dma_wait3A_84 = tpu.memref_squeeze %dma_wait3A_83 : memref<1x128xi32, #tpu.memory_space<vmem>> -> memref<128xi32, #tpu.memory_space<vmem>>
    %dma_wait3A_85 = arith.constant 0 : i32
    %dma_wait3A_86 = arith.constant 0 : i32
    %dma_wait3A_87 = tpu.memref_slice %arg8[%dma_wait3A_85, %dma_wait3A_86] : memref<10240x128xf32, #tpu.memory_space<vmem_shared>> -> memref<10240x128xf32, #tpu.memory_space<vmem_shared>>
    tpu.wait_indirect_dma semaphore(%arg14 : memref<!tpu.dma_semaphore, #tpu.memory_space<semaphore_mem>>) src(%arg7 : memref<128x128xf32, #tpu.memory_space<vmem>>) dst(%dma_wait3A_87 : memref<10240x128xf32, #tpu.memory_space<vmem_shared>>)
    %dma_wait3A_88 = arith.constant 2 : i32
    %dma_wait3A_89 = arith.constant 1 : i32
    %dma_wait3A_90 = arith.constant 0 : i32
    %dma_wait3A_91 = arith.constant 0 : i32
    %dma_wait3A_92 = tpu.memref_slice %arg6[%dma_wait3A_88, %dma_wait3A_90, %dma_wait3A_91] : memref<4x2x128xi32, #tpu.memory_space<vmem>> -> memref<1x2x128xi32, #tpu.memory_space<vmem>>
    %dma_wait3A_93 = tpu.memref_squeeze %dma_wait3A_92 : memref<1x2x128xi32, #tpu.memory_space<vmem>> -> memref<2x128xi32, #tpu.memory_space<vmem>>
    %dma_wait3A_94 = arith.constant 0 : i32
    %dma_wait3A_95 = tpu.memref_slice %dma_wait3A_93[%dma_wait3A_89, %dma_wait3A_94] : memref<2x128xi32, #tpu.memory_space<vmem>> -> memref<1x128xi32, #tpu.memory_space<vmem>>
    %dma_wait3A_96 = tpu.memref_squeeze %dma_wait3A_95 : memref<1x128xi32, #tpu.memory_space<vmem>> -> memref<128xi32, #tpu.memory_space<vmem>>
    %dma_wait3A_97 = arith.constant 0 : i32
    %dma_wait3A_98 = arith.constant 0 : i32
    %dma_wait3A_99 = tpu.memref_slice %arg8[%dma_wait3A_97, %dma_wait3A_98] : memref<10240x128xf32, #tpu.memory_space<vmem_shared>> -> memref<10240x128xf32, #tpu.memory_space<vmem_shared>>
    tpu.wait_indirect_dma semaphore(%arg15 : memref<!tpu.dma_semaphore, #tpu.memory_space<semaphore_mem>>) src(%arg7 : memref<128x128xf32, #tpu.memory_space<vmem>>) dst(%dma_wait3A_99 : memref<10240x128xf32, #tpu.memory_space<vmem_shared>>)
    %dma_wait3A_100 = arith.constant 3 : i32
    %dma_wait3A_101 = arith.constant 1 : i32
    %dma_wait3A_102 = arith.constant 0 : i32
    %dma_wait3A_103 = arith.constant 0 : i32
    %dma_wait3A_104 = tpu.memref_slice %arg6[%dma_wait3A_100, %dma_wait3A_102, %dma_wait3A_103] : memref<4x2x128xi32, #tpu.memory_space<vmem>> -> memref<1x2x128xi32, #tpu.memory_space<vmem>>
    %dma_wait3A_105 = tpu.memref_squeeze %dma_wait3A_104 : memref<1x2x128xi32, #tpu.memory_space<vmem>> -> memref<2x128xi32, #tpu.memory_space<vmem>>
    %dma_wait3A_106 = arith.constant 0 : i32
    %dma_wait3A_107 = tpu.memref_slice %dma_wait3A_105[%dma_wait3A_101, %dma_wait3A_106] : memref<2x128xi32, #tpu.memory_space<vmem>> -> memref<1x128xi32, #tpu.memory_space<vmem>>
    %dma_wait3A_108 = tpu.memref_squeeze %dma_wait3A_107 : memref<1x128xi32, #tpu.memory_space<vmem>> -> memref<128xi32, #tpu.memory_space<vmem>>
    %dma_wait3A_109 = arith.constant 0 : i32
    %dma_wait3A_110 = arith.constant 0 : i32
    %dma_wait3A_111 = tpu.memref_slice %arg8[%dma_wait3A_109, %dma_wait3A_110] : memref<10240x128xf32, #tpu.memory_space<vmem_shared>> -> memref<10240x128xf32, #tpu.memory_space<vmem_shared>>
    tpu.wait_indirect_dma semaphore(%arg16 : memref<!tpu.dma_semaphore, #tpu.memory_space<semaphore_mem>>) src(%arg7 : memref<128x128xf32, #tpu.memory_space<vmem>>) dst(%dma_wait3A_111 : memref<10240x128xf32, #tpu.memory_space<vmem_shared>>)
    %barrier3A_112 = arith.constant 0 : index
    tpu.barrier barrier_id(%barrier3A_112)
    %mul3A_113 = arith.constant 640 : i32
    %mul3A_114 = arith.muli %arg1, %mul3A_113 : i32
    %mul3A_115 = arith.constant 640 : i32
    %mul3A_116 = arith.muli %arg1, %mul3A_115 : i32
    "tpu.region"() ({
      %run_scoped3A = tpu.sem_alloc : memref<!tpu.dma_semaphore, #tpu.memory_space<semaphore_mem>>
      %dma_start3A_117 = arith.constant 0 : i32
      %dma_start3A_118 = arith.constant 0 : i32
      %dma_start3A_119 = tpu.memref_slice %arg5[%arg0, %dma_start3A_117, %dma_start3A_118] : memref<2x10240x128xf32, #tpu.memory_space<hbm>> -> memref<1x10240x128xf32, #tpu.memory_space<hbm>>
      %dma_start3A_120 = tpu.memref_squeeze %dma_start3A_119 : memref<1x10240x128xf32, #tpu.memory_space<hbm>> -> memref<10240x128xf32, #tpu.memory_space<hbm>>
      %dma_start3A_121 = arith.constant 0 : i32
      %dma_start3A_122 = tpu.memref_slice %dma_start3A_120[%mul3A_116, %dma_start3A_121] : memref<10240x128xf32, #tpu.memory_space<hbm>> -> memref<640x128xf32, #tpu.memory_space<hbm>>
      %dma_start3A_123 = arith.constant 0 : i32
      %dma_start3A_124 = tpu.memref_slice %arg8[%mul3A_114, %dma_start3A_123] : memref<10240x128xf32, #tpu.memory_space<vmem_shared>> -> memref<640x128xf32, #tpu.memory_space<vmem_shared>>
      tpu.enqueue_dma source(%dma_start3A_124 : memref<640x128xf32, #tpu.memory_space<vmem_shared>>) target(%dma_start3A_122 : memref<640x128xf32, #tpu.memory_space<hbm>>) target_semaphore(%run_scoped3A : memref<!tpu.dma_semaphore, #tpu.memory_space<semaphore_mem>>)
      %dma_wait3A_125 = arith.constant 0 : i32
      %dma_wait3A_126 = arith.constant 0 : i32
      %dma_wait3A_127 = tpu.memref_slice %arg5[%arg0, %dma_wait3A_125, %dma_wait3A_126] : memref<2x10240x128xf32, #tpu.memory_space<hbm>> -> memref<1x10240x128xf32, #tpu.memory_space<hbm>>
      %dma_wait3A_128 = tpu.memref_squeeze %dma_wait3A_127 : memref<1x10240x128xf32, #tpu.memory_space<hbm>> -> memref<10240x128xf32, #tpu.memory_space<hbm>>
      %dma_wait3A_129 = arith.constant 0 : i32
      %dma_wait3A_130 = tpu.memref_slice %dma_wait3A_128[%mul3A_116, %dma_wait3A_129] : memref<10240x128xf32, #tpu.memory_space<hbm>> -> memref<640x128xf32, #tpu.memory_space<hbm>>
      %dma_wait3A_131 = arith.constant 0 : i32
      %dma_wait3A_132 = tpu.memref_slice %arg8[%mul3A_114, %dma_wait3A_131] : memref<10240x128xf32, #tpu.memory_space<vmem_shared>> -> memref<640x128xf32, #tpu.memory_space<vmem_shared>>
      tpu.wait_dma2 semaphore(%run_scoped3A : memref<!tpu.dma_semaphore, #tpu.memory_space<semaphore_mem>>) src(%dma_wait3A_132 : memref<640x128xf32, #tpu.memory_space<vmem_shared>>) dst(%dma_wait3A_130 : memref<640x128xf32, #tpu.memory_space<hbm>>)
      tpu.yield
    }) : () -> ()
    return
  }
}

#map = affine_map<(d0, d1) -> (0, 0)>
#map1 = affine_map<(d0, d1) -> (0, 0, 0)>
module attributes {stable_mosaic.version = 14 : i64} {
  func.func @_sc_apply(%arg0: i32, %arg1: i32, %arg2: memref<10240x128xf32, #tpu.memory_space<hbm>>, %arg3: memref<2560x2x128xi32, #tpu.memory_space<hbm>>, %arg4: memref<640x128xf32, #tpu.memory_space<hbm>>, %arg5: memref<2x10240x128xf32, #tpu.memory_space<hbm>>, %arg6: memref<4x2x128xi32, #tpu.memory_space<vmem>>, %arg7: memref<2x128x128xf32, #tpu.memory_space<vmem>>, %arg8: memref<10240x128xf32, #tpu.memory_space<vmem_shared>>, %arg9: memref<!tpu.dma_semaphore, #tpu.memory_space<semaphore_mem>>, %arg10: memref<!tpu.dma_semaphore, #tpu.memory_space<semaphore_mem>>, %arg11: memref<!tpu.dma_semaphore, #tpu.memory_space<semaphore_mem>>, %arg12: memref<!tpu.dma_semaphore, #tpu.memory_space<semaphore_mem>>, %arg13: memref<!tpu.dma_semaphore, #tpu.memory_space<semaphore_mem>>, %arg14: memref<!tpu.dma_semaphore, #tpu.memory_space<semaphore_mem>>, %arg15: memref<!tpu.dma_semaphore, #tpu.memory_space<semaphore_mem>>, %arg16: memref<!tpu.dma_semaphore, #tpu.memory_space<semaphore_mem>>) attributes {dimension_semantics = [#tpu.dimension_semantics<core_parallel>, #tpu.dimension_semantics<subcore_parallel>], iteration_bounds = array<i64: 2, 16>, scalar_prefetch = 0 : i64, scratch_operands = 11 : i64, tpu.core_type = #tpu.core_type<sc_vector_subcore>, window_params = [{transform_indices = #map}, {transform_indices = #map1}, {transform_indices = #map}, {transform_indices = #map1}]} {
    %mul3A = arith.constant 16 : i32
    %mul3A_0 = arith.muli %arg0, %mul3A : i32
    %add3A = arith.addi %mul3A_0, %arg1 : i32
    %mul3A_1 = arith.constant 80 : i32
    %mul3A_2 = arith.muli %add3A, %mul3A_1 : i32
    %add3A_3 = arith.constant 0 : i32
    %add3A_4 = arith.addi %add3A_3, %mul3A_2 : i32
    %dma_start3A = arith.constant 0 : i32
    %dma_start3A_5 = arith.constant 0 : i32
    %dma_start3A_6 = arith.constant 0 : i32
    %dma_start3A_7 = tpu.memref_slice %arg6[%dma_start3A, %dma_start3A_5, %dma_start3A_6] : memref<4x2x128xi32, #tpu.memory_space<vmem>> -> memref<1x2x128xi32, #tpu.memory_space<vmem>>
    %dma_start3A_8 = tpu.memref_squeeze %dma_start3A_7 : memref<1x2x128xi32, #tpu.memory_space<vmem>> -> memref<2x128xi32, #tpu.memory_space<vmem>>
    %dma_start3A_9 = arith.constant 0 : i32
    %dma_start3A_10 = arith.constant 0 : i32
    %dma_start3A_11 = tpu.memref_slice %arg3[%add3A_4, %dma_start3A_9, %dma_start3A_10] : memref<2560x2x128xi32, #tpu.memory_space<hbm>> -> memref<1x2x128xi32, #tpu.memory_space<hbm>>
    %dma_start3A_12 = tpu.memref_squeeze %dma_start3A_11 : memref<1x2x128xi32, #tpu.memory_space<hbm>> -> memref<2x128xi32, #tpu.memory_space<hbm>>
    %dma_start3A_13 = arith.constant 0 : i32
    %dma_start3A_14 = arith.constant 0 : i32
    %dma_start3A_15 = tpu.memref_slice %arg6[%dma_start3A, %dma_start3A_13, %dma_start3A_14] : memref<4x2x128xi32, #tpu.memory_space<vmem>> -> memref<1x2x128xi32, #tpu.memory_space<vmem>>
    %dma_start3A_16 = tpu.memref_squeeze %dma_start3A_15 : memref<1x2x128xi32, #tpu.memory_space<vmem>> -> memref<2x128xi32, #tpu.memory_space<vmem>>
    %dma_start3A_17 = arith.constant 0 : i32
    %dma_start3A_18 = arith.constant 0 : i32
    %dma_start3A_19 = tpu.memref_slice %arg3[%add3A_4, %dma_start3A_17, %dma_start3A_18] : memref<2560x2x128xi32, #tpu.memory_space<hbm>> -> memref<1x2x128xi32, #tpu.memory_space<hbm>>
    %dma_start3A_20 = tpu.memref_squeeze %dma_start3A_19 : memref<1x2x128xi32, #tpu.memory_space<hbm>> -> memref<2x128xi32, #tpu.memory_space<hbm>>
    tpu.enqueue_dma source(%dma_start3A_20 : memref<2x128xi32, #tpu.memory_space<hbm>>) target(%dma_start3A_16 : memref<2x128xi32, #tpu.memory_space<vmem>>) target_semaphore(%arg9 : memref<!tpu.dma_semaphore, #tpu.memory_space<semaphore_mem>>)
    %add3A_21 = arith.constant 1 : i32
    %add3A_22 = arith.addi %add3A_21, %mul3A_2 : i32
    %dma_start3A_23 = arith.constant 1 : i32
    %dma_start3A_24 = arith.constant 0 : i32
    %dma_start3A_25 = arith.constant 0 : i32
    %dma_start3A_26 = tpu.memref_slice %arg6[%dma_start3A_23, %dma_start3A_24, %dma_start3A_25] : memref<4x2x128xi32, #tpu.memory_space<vmem>> -> memref<1x2x128xi32, #tpu.memory_space<vmem>>
    %dma_start3A_27 = tpu.memref_squeeze %dma_start3A_26 : memref<1x2x128xi32, #tpu.memory_space<vmem>> -> memref<2x128xi32, #tpu.memory_space<vmem>>
    %dma_start3A_28 = arith.constant 0 : i32
    %dma_start3A_29 = arith.constant 0 : i32
    %dma_start3A_30 = tpu.memref_slice %arg3[%add3A_22, %dma_start3A_28, %dma_start3A_29] : memref<2560x2x128xi32, #tpu.memory_space<hbm>> -> memref<1x2x128xi32, #tpu.memory_space<hbm>>
    %dma_start3A_31 = tpu.memref_squeeze %dma_start3A_30 : memref<1x2x128xi32, #tpu.memory_space<hbm>> -> memref<2x128xi32, #tpu.memory_space<hbm>>
    %dma_start3A_32 = arith.constant 0 : i32
    %dma_start3A_33 = arith.constant 0 : i32
    %dma_start3A_34 = tpu.memref_slice %arg6[%dma_start3A_23, %dma_start3A_32, %dma_start3A_33] : memref<4x2x128xi32, #tpu.memory_space<vmem>> -> memref<1x2x128xi32, #tpu.memory_space<vmem>>
    %dma_start3A_35 = tpu.memref_squeeze %dma_start3A_34 : memref<1x2x128xi32, #tpu.memory_space<vmem>> -> memref<2x128xi32, #tpu.memory_space<vmem>>
    %dma_start3A_36 = arith.constant 0 : i32
    %dma_start3A_37 = arith.constant 0 : i32
    %dma_start3A_38 = tpu.memref_slice %arg3[%add3A_22, %dma_start3A_36, %dma_start3A_37] : memref<2560x2x128xi32, #tpu.memory_space<hbm>> -> memref<1x2x128xi32, #tpu.memory_space<hbm>>
    %dma_start3A_39 = tpu.memref_squeeze %dma_start3A_38 : memref<1x2x128xi32, #tpu.memory_space<hbm>> -> memref<2x128xi32, #tpu.memory_space<hbm>>
    tpu.enqueue_dma source(%dma_start3A_39 : memref<2x128xi32, #tpu.memory_space<hbm>>) target(%dma_start3A_35 : memref<2x128xi32, #tpu.memory_space<vmem>>) target_semaphore(%arg10 : memref<!tpu.dma_semaphore, #tpu.memory_space<semaphore_mem>>)
    %add3A_40 = arith.constant 2 : i32
    %add3A_41 = arith.addi %add3A_40, %mul3A_2 : i32
    %dma_start3A_42 = arith.constant 2 : i32
    %dma_start3A_43 = arith.constant 0 : i32
    %dma_start3A_44 = arith.constant 0 : i32
    %dma_start3A_45 = tpu.memref_slice %arg6[%dma_start3A_42, %dma_start3A_43, %dma_start3A_44] : memref<4x2x128xi32, #tpu.memory_space<vmem>> -> memref<1x2x128xi32, #tpu.memory_space<vmem>>
    %dma_start3A_46 = tpu.memref_squeeze %dma_start3A_45 : memref<1x2x128xi32, #tpu.memory_space<vmem>> -> memref<2x128xi32, #tpu.memory_space<vmem>>
    %dma_start3A_47 = arith.constant 0 : i32
    %dma_start3A_48 = arith.constant 0 : i32
    %dma_start3A_49 = tpu.memref_slice %arg3[%add3A_41, %dma_start3A_47, %dma_start3A_48] : memref<2560x2x128xi32, #tpu.memory_space<hbm>> -> memref<1x2x128xi32, #tpu.memory_space<hbm>>
    %dma_start3A_50 = tpu.memref_squeeze %dma_start3A_49 : memref<1x2x128xi32, #tpu.memory_space<hbm>> -> memref<2x128xi32, #tpu.memory_space<hbm>>
    %dma_start3A_51 = arith.constant 0 : i32
    %dma_start3A_52 = arith.constant 0 : i32
    %dma_start3A_53 = tpu.memref_slice %arg6[%dma_start3A_42, %dma_start3A_51, %dma_start3A_52] : memref<4x2x128xi32, #tpu.memory_space<vmem>> -> memref<1x2x128xi32, #tpu.memory_space<vmem>>
    %dma_start3A_54 = tpu.memref_squeeze %dma_start3A_53 : memref<1x2x128xi32, #tpu.memory_space<vmem>> -> memref<2x128xi32, #tpu.memory_space<vmem>>
    %dma_start3A_55 = arith.constant 0 : i32
    %dma_start3A_56 = arith.constant 0 : i32
    %dma_start3A_57 = tpu.memref_slice %arg3[%add3A_41, %dma_start3A_55, %dma_start3A_56] : memref<2560x2x128xi32, #tpu.memory_space<hbm>> -> memref<1x2x128xi32, #tpu.memory_space<hbm>>
    %dma_start3A_58 = tpu.memref_squeeze %dma_start3A_57 : memref<1x2x128xi32, #tpu.memory_space<hbm>> -> memref<2x128xi32, #tpu.memory_space<hbm>>
    tpu.enqueue_dma source(%dma_start3A_58 : memref<2x128xi32, #tpu.memory_space<hbm>>) target(%dma_start3A_54 : memref<2x128xi32, #tpu.memory_space<vmem>>) target_semaphore(%arg11 : memref<!tpu.dma_semaphore, #tpu.memory_space<semaphore_mem>>)
    %mul3A_59 = arith.constant 640 : i32
    %mul3A_60 = arith.muli %arg1, %mul3A_59 : i32
    "tpu.region"() ({
      %run_scoped3A = tpu.sem_alloc : memref<!tpu.dma_semaphore, #tpu.memory_space<semaphore_mem>>
      %dma_start3A_139 = arith.constant 0 : i32
      %dma_start3A_140 = tpu.memref_slice %arg8[%mul3A_60, %dma_start3A_139] : memref<10240x128xf32, #tpu.memory_space<vmem_shared>> -> memref<640x128xf32, #tpu.memory_space<vmem_shared>>
      tpu.enqueue_dma source(%arg4 : memref<640x128xf32, #tpu.memory_space<hbm>>) target(%dma_start3A_140 : memref<640x128xf32, #tpu.memory_space<vmem_shared>>) target_semaphore(%run_scoped3A : memref<!tpu.dma_semaphore, #tpu.memory_space<semaphore_mem>>)
      %dma_wait3A_141 = arith.constant 0 : i32
      %dma_wait3A_142 = tpu.memref_slice %arg8[%mul3A_60, %dma_wait3A_141] : memref<10240x128xf32, #tpu.memory_space<vmem_shared>> -> memref<640x128xf32, #tpu.memory_space<vmem_shared>>
      tpu.wait_dma2 semaphore(%run_scoped3A : memref<!tpu.dma_semaphore, #tpu.memory_space<semaphore_mem>>) src(%arg4 : memref<640x128xf32, #tpu.memory_space<hbm>>) dst(%dma_wait3A_142 : memref<640x128xf32, #tpu.memory_space<vmem_shared>>)
      tpu.yield
    }) : () -> ()
    %add3A_61 = arith.constant 0 : i32
    %add3A_62 = arith.addi %add3A_61, %mul3A_2 : i32
    %dma_wait3A = arith.constant 0 : i32
    %dma_wait3A_63 = arith.constant 0 : i32
    %dma_wait3A_64 = arith.constant 0 : i32
    %dma_wait3A_65 = tpu.memref_slice %arg6[%dma_wait3A, %dma_wait3A_63, %dma_wait3A_64] : memref<4x2x128xi32, #tpu.memory_space<vmem>> -> memref<1x2x128xi32, #tpu.memory_space<vmem>>
    %dma_wait3A_66 = tpu.memref_squeeze %dma_wait3A_65 : memref<1x2x128xi32, #tpu.memory_space<vmem>> -> memref<2x128xi32, #tpu.memory_space<vmem>>
    %dma_wait3A_67 = arith.constant 0 : i32
    %dma_wait3A_68 = arith.constant 0 : i32
    %dma_wait3A_69 = tpu.memref_slice %arg3[%add3A_62, %dma_wait3A_67, %dma_wait3A_68] : memref<2560x2x128xi32, #tpu.memory_space<hbm>> -> memref<1x2x128xi32, #tpu.memory_space<hbm>>
    %dma_wait3A_70 = tpu.memref_squeeze %dma_wait3A_69 : memref<1x2x128xi32, #tpu.memory_space<hbm>> -> memref<2x128xi32, #tpu.memory_space<hbm>>
    %dma_wait3A_71 = arith.constant 0 : i32
    %dma_wait3A_72 = arith.constant 0 : i32
    %dma_wait3A_73 = tpu.memref_slice %arg6[%dma_wait3A, %dma_wait3A_71, %dma_wait3A_72] : memref<4x2x128xi32, #tpu.memory_space<vmem>> -> memref<1x2x128xi32, #tpu.memory_space<vmem>>
    %dma_wait3A_74 = tpu.memref_squeeze %dma_wait3A_73 : memref<1x2x128xi32, #tpu.memory_space<vmem>> -> memref<2x128xi32, #tpu.memory_space<vmem>>
    %dma_wait3A_75 = arith.constant 0 : i32
    %dma_wait3A_76 = arith.constant 0 : i32
    %dma_wait3A_77 = tpu.memref_slice %arg3[%add3A_62, %dma_wait3A_75, %dma_wait3A_76] : memref<2560x2x128xi32, #tpu.memory_space<hbm>> -> memref<1x2x128xi32, #tpu.memory_space<hbm>>
    %dma_wait3A_78 = tpu.memref_squeeze %dma_wait3A_77 : memref<1x2x128xi32, #tpu.memory_space<hbm>> -> memref<2x128xi32, #tpu.memory_space<hbm>>
    tpu.wait_dma2 semaphore(%arg9 : memref<!tpu.dma_semaphore, #tpu.memory_space<semaphore_mem>>) src(%dma_wait3A_78 : memref<2x128xi32, #tpu.memory_space<hbm>>) dst(%dma_wait3A_74 : memref<2x128xi32, #tpu.memory_space<vmem>>)
    %dma_start3A_79 = arith.constant 0 : i32
    %dma_start3A_80 = arith.constant 0 : i32
    %dma_start3A_81 = arith.constant 0 : i32
    %dma_start3A_82 = arith.constant 0 : i32
    %dma_start3A_83 = arith.constant 0 : i32
    %dma_start3A_84 = tpu.memref_slice %arg7[%dma_start3A_81, %dma_start3A_82, %dma_start3A_83] : memref<2x128x128xf32, #tpu.memory_space<vmem>> -> memref<1x128x128xf32, #tpu.memory_space<vmem>>
    %dma_start3A_85 = tpu.memref_squeeze %dma_start3A_84 : memref<1x128x128xf32, #tpu.memory_space<vmem>> -> memref<128x128xf32, #tpu.memory_space<vmem>>
    %dma_start3A_86 = arith.constant 0 : i32
    %dma_start3A_87 = arith.constant 0 : i32
    %dma_start3A_88 = tpu.memref_slice %arg6[%dma_start3A_79, %dma_start3A_86, %dma_start3A_87] : memref<4x2x128xi32, #tpu.memory_space<vmem>> -> memref<1x2x128xi32, #tpu.memory_space<vmem>>
    %dma_start3A_89 = tpu.memref_squeeze %dma_start3A_88 : memref<1x2x128xi32, #tpu.memory_space<vmem>> -> memref<2x128xi32, #tpu.memory_space<vmem>>
    %dma_start3A_90 = arith.constant 0 : i32
    %dma_start3A_91 = tpu.memref_slice %dma_start3A_89[%dma_start3A_80, %dma_start3A_90] : memref<2x128xi32, #tpu.memory_space<vmem>> -> memref<1x128xi32, #tpu.memory_space<vmem>>
    %dma_start3A_92 = tpu.memref_squeeze %dma_start3A_91 : memref<1x128xi32, #tpu.memory_space<vmem>> -> memref<128xi32, #tpu.memory_space<vmem>>
    %dma_start3A_93 = arith.constant 0 : i32
    %dma_start3A_94 = arith.constant 0 : i32
    %dma_start3A_95 = tpu.memref_slice %arg2[%dma_start3A_93, %dma_start3A_94] : memref<10240x128xf32, #tpu.memory_space<hbm>> -> memref<10240x128xf32, #tpu.memory_space<hbm>>
    tpu.enqueue_indirect_dma source(%dma_start3A_95 : memref<10240x128xf32, #tpu.memory_space<hbm>>) target(%dma_start3A_85 : memref<128x128xf32, #tpu.memory_space<vmem>>) offsets(%dma_start3A_92 : memref<128xi32, #tpu.memory_space<vmem>>) semaphore(%arg13 : memref<!tpu.dma_semaphore, #tpu.memory_space<semaphore_mem>>)
    %barrier3A = arith.constant 0 : index
    tpu.barrier barrier_id(%barrier3A)
    %scan3A = arith.constant 0 : i32
    %scan3A_96 = arith.constant 20 : i32
    %scan3A_97 = arith.addi %scan3A, %scan3A_96 : i32
    %scan3A_98 = arith.constant 1 : i32
    scf.for %scan3A_139 = %scan3A to %scan3A_97 step %scan3A_98  : i32 {
      %mul3A_140 = arith.constant 4 : i32
      %mul3A_141 = arith.muli %scan3A_139, %mul3A_140 : i32
      %add3A_142 = arith.constant 0 : i32
      %add3A_143 = arith.addi %add3A_142, %mul3A_141 : i32
      %add3A_144 = arith.constant 0 : i32
      %add3A_145 = arith.addi %add3A_143, %add3A_144 : i32
      %add3A_146 = arith.constant 1 : i32
      %add3A_147 = arith.addi %add3A_145, %add3A_146 : i32
      %lt3A = arith.constant 80 : i32
      %lt3A_148 = arith.cmpi slt, %add3A_147, %lt3A : i32
      %convert_element_type3A = arith.extui %lt3A_148 : i1 to i32
      %cond3A = arith.constant 0 : i32
      %cond3A_149 = arith.cmpi ne, %convert_element_type3A, %cond3A : i32
      scf.if %cond3A_149 {
        %ge3A = arith.constant 1 : i32
        %ge3A_313 = arith.cmpi sge, %add3A_145, %ge3A : i32
        %convert_element_type3A_314 = arith.extui %ge3A_313 : i1 to i32
        %cond3A_315 = arith.constant 0 : i32
        %cond3A_316 = arith.cmpi ne, %convert_element_type3A_314, %cond3A_315 : i32
        scf.if %cond3A_316 {
          %dma_wait3A_363 = arith.constant 1 : i32
          %dma_wait3A_364 = arith.constant 3 : i32
          %dma_wait3A_365 = arith.constant 1 : i32
          %dma_wait3A_366 = arith.constant 0 : i32
          %dma_wait3A_367 = arith.constant 0 : i32
          %dma_wait3A_368 = tpu.memref_slice %arg7[%dma_wait3A_363, %dma_wait3A_366, %dma_wait3A_367] : memref<2x128x128xf32, #tpu.memory_space<vmem>> -> memref<1x128x128xf32, #tpu.memory_space<vmem>>
          %dma_wait3A_369 = tpu.memref_squeeze %dma_wait3A_368 : memref<1x128x128xf32, #tpu.memory_space<vmem>> -> memref<128x128xf32, #tpu.memory_space<vmem>>
          %dma_wait3A_370 = arith.constant 0 : i32
          %dma_wait3A_371 = arith.constant 0 : i32
          %dma_wait3A_372 = tpu.memref_slice %arg6[%dma_wait3A_364, %dma_wait3A_370, %dma_wait3A_371] : memref<4x2x128xi32, #tpu.memory_space<vmem>> -> memref<1x2x128xi32, #tpu.memory_space<vmem>>
          %dma_wait3A_373 = tpu.memref_squeeze %dma_wait3A_372 : memref<1x2x128xi32, #tpu.memory_space<vmem>> -> memref<2x128xi32, #tpu.memory_space<vmem>>
          %dma_wait3A_374 = arith.constant 0 : i32
          %dma_wait3A_375 = tpu.memref_slice %dma_wait3A_373[%dma_wait3A_365, %dma_wait3A_374] : memref<2x128xi32, #tpu.memory_space<vmem>> -> memref<1x128xi32, #tpu.memory_space<vmem>>
          %dma_wait3A_376 = tpu.memref_squeeze %dma_wait3A_375 : memref<1x128xi32, #tpu.memory_space<vmem>> -> memref<128xi32, #tpu.memory_space<vmem>>
          %dma_wait3A_377 = arith.constant 0 : i32
          %dma_wait3A_378 = arith.constant 0 : i32
          %dma_wait3A_379 = tpu.memref_slice %arg8[%dma_wait3A_377, %dma_wait3A_378] : memref<10240x128xf32, #tpu.memory_space<vmem_shared>> -> memref<10240x128xf32, #tpu.memory_space<vmem_shared>>
          tpu.wait_indirect_dma semaphore(%arg16 : memref<!tpu.dma_semaphore, #tpu.memory_space<semaphore_mem>>) src(%dma_wait3A_369 : memref<128x128xf32, #tpu.memory_space<vmem>>) dst(%dma_wait3A_379 : memref<10240x128xf32, #tpu.memory_space<vmem_shared>>)
        } else {
        }
        %add3A_317 = arith.constant 3 : i32
        %add3A_318 = arith.addi %add3A_145, %add3A_317 : i32
        %lt3A_319 = arith.constant 80 : i32
        %lt3A_320 = arith.cmpi slt, %add3A_318, %lt3A_319 : i32
        %convert_element_type3A_321 = arith.extui %lt3A_320 : i1 to i32
        %cond3A_322 = arith.constant 0 : i32
        %cond3A_323 = arith.cmpi ne, %convert_element_type3A_321, %cond3A_322 : i32
        scf.if %cond3A_323 {
          %add3A_363 = arith.constant 3 : i32
          %add3A_364 = arith.addi %add3A_145, %add3A_363 : i32
          %add3A_365 = arith.addi %add3A_364, %mul3A_2 : i32
          %dma_start3A_366 = arith.constant 3 : i32
          %dma_start3A_367 = arith.constant 0 : i32
          %dma_start3A_368 = arith.constant 0 : i32
          %dma_start3A_369 = tpu.memref_slice %arg6[%dma_start3A_366, %dma_start3A_367, %dma_start3A_368] : memref<4x2x128xi32, #tpu.memory_space<vmem>> -> memref<1x2x128xi32, #tpu.memory_space<vmem>>
          %dma_start3A_370 = tpu.memref_squeeze %dma_start3A_369 : memref<1x2x128xi32, #tpu.memory_space<vmem>> -> memref<2x128xi32, #tpu.memory_space<vmem>>
          %dma_start3A_371 = arith.constant 0 : i32
          %dma_start3A_372 = arith.constant 0 : i32
          %dma_start3A_373 = tpu.memref_slice %arg3[%add3A_365, %dma_start3A_371, %dma_start3A_372] : memref<2560x2x128xi32, #tpu.memory_space<hbm>> -> memref<1x2x128xi32, #tpu.memory_space<hbm>>
          %dma_start3A_374 = tpu.memref_squeeze %dma_start3A_373 : memref<1x2x128xi32, #tpu.memory_space<hbm>> -> memref<2x128xi32, #tpu.memory_space<hbm>>
          %dma_start3A_375 = arith.constant 0 : i32
          %dma_start3A_376 = arith.constant 0 : i32
          %dma_start3A_377 = tpu.memref_slice %arg6[%dma_start3A_366, %dma_start3A_375, %dma_start3A_376] : memref<4x2x128xi32, #tpu.memory_space<vmem>> -> memref<1x2x128xi32, #tpu.memory_space<vmem>>
          %dma_start3A_378 = tpu.memref_squeeze %dma_start3A_377 : memref<1x2x128xi32, #tpu.memory_space<vmem>> -> memref<2x128xi32, #tpu.memory_space<vmem>>
          %dma_start3A_379 = arith.constant 0 : i32
          %dma_start3A_380 = arith.constant 0 : i32
          %dma_start3A_381 = tpu.memref_slice %arg3[%add3A_365, %dma_start3A_379, %dma_start3A_380] : memref<2560x2x128xi32, #tpu.memory_space<hbm>> -> memref<1x2x128xi32, #tpu.memory_space<hbm>>
          %dma_start3A_382 = tpu.memref_squeeze %dma_start3A_381 : memref<1x2x128xi32, #tpu.memory_space<hbm>> -> memref<2x128xi32, #tpu.memory_space<hbm>>
          tpu.enqueue_dma source(%dma_start3A_382 : memref<2x128xi32, #tpu.memory_space<hbm>>) target(%dma_start3A_378 : memref<2x128xi32, #tpu.memory_space<vmem>>) target_semaphore(%arg12 : memref<!tpu.dma_semaphore, #tpu.memory_space<semaphore_mem>>)
        } else {
        }
        %add3A_324 = arith.constant 1 : i32
        %add3A_325 = arith.addi %add3A_145, %add3A_324 : i32
        %add3A_326 = arith.addi %add3A_325, %mul3A_2 : i32
        %dma_wait3A_327 = arith.constant 1 : i32
        %dma_wait3A_328 = arith.constant 0 : i32
        %dma_wait3A_329 = arith.constant 0 : i32
        %dma_wait3A_330 = tpu.memref_slice %arg6[%dma_wait3A_327, %dma_wait3A_328, %dma_wait3A_329] : memref<4x2x128xi32, #tpu.memory_space<vmem>> -> memref<1x2x128xi32, #tpu.memory_space<vmem>>
        %dma_wait3A_331 = tpu.memref_squeeze %dma_wait3A_330 : memref<1x2x128xi32, #tpu.memory_space<vmem>> -> memref<2x128xi32, #tpu.memory_space<vmem>>
        %dma_wait3A_332 = arith.constant 0 : i32
        %dma_wait3A_333 = arith.constant 0 : i32
        %dma_wait3A_334 = tpu.memref_slice %arg3[%add3A_326, %dma_wait3A_332, %dma_wait3A_333] : memref<2560x2x128xi32, #tpu.memory_space<hbm>> -> memref<1x2x128xi32, #tpu.memory_space<hbm>>
        %dma_wait3A_335 = tpu.memref_squeeze %dma_wait3A_334 : memref<1x2x128xi32, #tpu.memory_space<hbm>> -> memref<2x128xi32, #tpu.memory_space<hbm>>
        %dma_wait3A_336 = arith.constant 0 : i32
        %dma_wait3A_337 = arith.constant 0 : i32
        %dma_wait3A_338 = tpu.memref_slice %arg6[%dma_wait3A_327, %dma_wait3A_336, %dma_wait3A_337] : memref<4x2x128xi32, #tpu.memory_space<vmem>> -> memref<1x2x128xi32, #tpu.memory_space<vmem>>
        %dma_wait3A_339 = tpu.memref_squeeze %dma_wait3A_338 : memref<1x2x128xi32, #tpu.memory_space<vmem>> -> memref<2x128xi32, #tpu.memory_space<vmem>>
        %dma_wait3A_340 = arith.constant 0 : i32
        %dma_wait3A_341 = arith.constant 0 : i32
        %dma_wait3A_342 = tpu.memref_slice %arg3[%add3A_326, %dma_wait3A_340, %dma_wait3A_341] : memref<2560x2x128xi32, #tpu.memory_space<hbm>> -> memref<1x2x128xi32, #tpu.memory_space<hbm>>
        %dma_wait3A_343 = tpu.memref_squeeze %dma_wait3A_342 : memref<1x2x128xi32, #tpu.memory_space<hbm>> -> memref<2x128xi32, #tpu.memory_space<hbm>>
        tpu.wait_dma2 semaphore(%arg10 : memref<!tpu.dma_semaphore, #tpu.memory_space<semaphore_mem>>) src(%dma_wait3A_343 : memref<2x128xi32, #tpu.memory_space<hbm>>) dst(%dma_wait3A_339 : memref<2x128xi32, #tpu.memory_space<vmem>>)
        %add3A_344 = arith.constant 1 : i32
        %add3A_345 = arith.addi %add3A_145, %add3A_344 : i32
        %dma_start3A_346 = arith.constant 1 : i32
        %dma_start3A_347 = arith.constant 0 : i32
        %dma_start3A_348 = arith.constant 1 : i32
        %dma_start3A_349 = arith.constant 0 : i32
        %dma_start3A_350 = arith.constant 0 : i32
        %dma_start3A_351 = tpu.memref_slice %arg7[%dma_start3A_348, %dma_start3A_349, %dma_start3A_350] : memref<2x128x128xf32, #tpu.memory_space<vmem>> -> memref<1x128x128xf32, #tpu.memory_space<vmem>>
        %dma_start3A_352 = tpu.memref_squeeze %dma_start3A_351 : memref<1x128x128xf32, #tpu.memory_space<vmem>> -> memref<128x128xf32, #tpu.memory_space<vmem>>
        %dma_start3A_353 = arith.constant 0 : i32
        %dma_start3A_354 = arith.constant 0 : i32
        %dma_start3A_355 = tpu.memref_slice %arg6[%dma_start3A_346, %dma_start3A_353, %dma_start3A_354] : memref<4x2x128xi32, #tpu.memory_space<vmem>> -> memref<1x2x128xi32, #tpu.memory_space<vmem>>
        %dma_start3A_356 = tpu.memref_squeeze %dma_start3A_355 : memref<1x2x128xi32, #tpu.memory_space<vmem>> -> memref<2x128xi32, #tpu.memory_space<vmem>>
        %dma_start3A_357 = arith.constant 0 : i32
        %dma_start3A_358 = tpu.memref_slice %dma_start3A_356[%dma_start3A_347, %dma_start3A_357] : memref<2x128xi32, #tpu.memory_space<vmem>> -> memref<1x128xi32, #tpu.memory_space<vmem>>
        %dma_start3A_359 = tpu.memref_squeeze %dma_start3A_358 : memref<1x128xi32, #tpu.memory_space<vmem>> -> memref<128xi32, #tpu.memory_space<vmem>>
        %dma_start3A_360 = arith.constant 0 : i32
        %dma_start3A_361 = arith.constant 0 : i32
        %dma_start3A_362 = tpu.memref_slice %arg2[%dma_start3A_360, %dma_start3A_361] : memref<10240x128xf32, #tpu.memory_space<hbm>> -> memref<10240x128xf32, #tpu.memory_space<hbm>>
        tpu.enqueue_indirect_dma source(%dma_start3A_362 : memref<10240x128xf32, #tpu.memory_space<hbm>>) target(%dma_start3A_352 : memref<128x128xf32, #tpu.memory_space<vmem>>) offsets(%dma_start3A_359 : memref<128xi32, #tpu.memory_space<vmem>>) semaphore(%arg14 : memref<!tpu.dma_semaphore, #tpu.memory_space<semaphore_mem>>)
      } else {
      }
      %dma_wait3A_150 = arith.constant 0 : i32
      %dma_wait3A_151 = arith.constant 0 : i32
      %dma_wait3A_152 = arith.constant 0 : i32
      %dma_wait3A_153 = arith.constant 0 : i32
      %dma_wait3A_154 = arith.constant 0 : i32
      %dma_wait3A_155 = tpu.memref_slice %arg7[%dma_wait3A_152, %dma_wait3A_153, %dma_wait3A_154] : memref<2x128x128xf32, #tpu.memory_space<vmem>> -> memref<1x128x128xf32, #tpu.memory_space<vmem>>
      %dma_wait3A_156 = tpu.memref_squeeze %dma_wait3A_155 : memref<1x128x128xf32, #tpu.memory_space<vmem>> -> memref<128x128xf32, #tpu.memory_space<vmem>>
      %dma_wait3A_157 = arith.constant 0 : i32
      %dma_wait3A_158 = arith.constant 0 : i32
      %dma_wait3A_159 = tpu.memref_slice %arg6[%dma_wait3A_150, %dma_wait3A_157, %dma_wait3A_158] : memref<4x2x128xi32, #tpu.memory_space<vmem>> -> memref<1x2x128xi32, #tpu.memory_space<vmem>>
      %dma_wait3A_160 = tpu.memref_squeeze %dma_wait3A_159 : memref<1x2x128xi32, #tpu.memory_space<vmem>> -> memref<2x128xi32, #tpu.memory_space<vmem>>
      %dma_wait3A_161 = arith.constant 0 : i32
      %dma_wait3A_162 = tpu.memref_slice %dma_wait3A_160[%dma_wait3A_151, %dma_wait3A_161] : memref<2x128xi32, #tpu.memory_space<vmem>> -> memref<1x128xi32, #tpu.memory_space<vmem>>
      %dma_wait3A_163 = tpu.memref_squeeze %dma_wait3A_162 : memref<1x128xi32, #tpu.memory_space<vmem>> -> memref<128xi32, #tpu.memory_space<vmem>>
      %dma_wait3A_164 = arith.constant 0 : i32
      %dma_wait3A_165 = arith.constant 0 : i32
      %dma_wait3A_166 = tpu.memref_slice %arg2[%dma_wait3A_164, %dma_wait3A_165] : memref<10240x128xf32, #tpu.memory_space<hbm>> -> memref<10240x128xf32, #tpu.memory_space<hbm>>
      tpu.wait_indirect_dma semaphore(%arg13 : memref<!tpu.dma_semaphore, #tpu.memory_space<semaphore_mem>>) src(%dma_wait3A_166 : memref<10240x128xf32, #tpu.memory_space<hbm>>) dst(%dma_wait3A_156 : memref<128x128xf32, #tpu.memory_space<vmem>>)
      %dma_start3A_167 = arith.constant 0 : i32
      %dma_start3A_168 = arith.constant 0 : i32
      %dma_start3A_169 = arith.constant 1 : i32
      %dma_start3A_170 = arith.constant 0 : i32
      %dma_start3A_171 = arith.constant 0 : i32
      %dma_start3A_172 = tpu.memref_slice %arg7[%dma_start3A_167, %dma_start3A_170, %dma_start3A_171] : memref<2x128x128xf32, #tpu.memory_space<vmem>> -> memref<1x128x128xf32, #tpu.memory_space<vmem>>
      %dma_start3A_173 = tpu.memref_squeeze %dma_start3A_172 : memref<1x128x128xf32, #tpu.memory_space<vmem>> -> memref<128x128xf32, #tpu.memory_space<vmem>>
      %dma_start3A_174 = arith.constant 0 : i32
      %dma_start3A_175 = arith.constant 0 : i32
      %dma_start3A_176 = tpu.memref_slice %arg6[%dma_start3A_168, %dma_start3A_174, %dma_start3A_175] : memref<4x2x128xi32, #tpu.memory_space<vmem>> -> memref<1x2x128xi32, #tpu.memory_space<vmem>>
      %dma_start3A_177 = tpu.memref_squeeze %dma_start3A_176 : memref<1x2x128xi32, #tpu.memory_space<vmem>> -> memref<2x128xi32, #tpu.memory_space<vmem>>
      %dma_start3A_178 = arith.constant 0 : i32
      %dma_start3A_179 = tpu.memref_slice %dma_start3A_177[%dma_start3A_169, %dma_start3A_178] : memref<2x128xi32, #tpu.memory_space<vmem>> -> memref<1x128xi32, #tpu.memory_space<vmem>>
      %dma_start3A_180 = tpu.memref_squeeze %dma_start3A_179 : memref<1x128xi32, #tpu.memory_space<vmem>> -> memref<128xi32, #tpu.memory_space<vmem>>
      %dma_start3A_181 = arith.constant 0 : i32
      %dma_start3A_182 = arith.constant 0 : i32
      %dma_start3A_183 = tpu.memref_slice %arg8[%dma_start3A_181, %dma_start3A_182] : memref<10240x128xf32, #tpu.memory_space<vmem_shared>> -> memref<10240x128xf32, #tpu.memory_space<vmem_shared>>
      tpu.enqueue_indirect_dma source(%dma_start3A_173 : memref<128x128xf32, #tpu.memory_space<vmem>>) target(%dma_start3A_183 : memref<10240x128xf32, #tpu.memory_space<vmem_shared>>) offsets(%dma_start3A_180 : memref<128xi32, #tpu.memory_space<vmem>>) semaphore(%arg15 : memref<!tpu.dma_semaphore, #tpu.memory_space<semaphore_mem>>) {add = true}
      %add3A_184 = arith.constant 1 : i32
      %add3A_185 = arith.addi %add3A_143, %add3A_184 : i32
      %add3A_186 = arith.constant 1 : i32
      %add3A_187 = arith.addi %add3A_185, %add3A_186 : i32
      %lt3A_188 = arith.constant 80 : i32
      %lt3A_189 = arith.cmpi slt, %add3A_187, %lt3A_188 : i32
      %convert_element_type3A_190 = arith.extui %lt3A_189 : i1 to i32
      %cond3A_191 = arith.constant 0 : i32
      %cond3A_192 = arith.cmpi ne, %convert_element_type3A_190, %cond3A_191 : i32
      scf.if %cond3A_192 {
        %ge3A = arith.constant 1 : i32
        %ge3A_313 = arith.cmpi sge, %add3A_185, %ge3A : i32
        %convert_element_type3A_314 = arith.extui %ge3A_313 : i1 to i32
        %cond3A_315 = arith.constant 0 : i32
        %cond3A_316 = arith.cmpi ne, %convert_element_type3A_314, %cond3A_315 : i32
        scf.if %cond3A_316 {
          %dma_wait3A_363 = arith.constant 0 : i32
          %dma_wait3A_364 = arith.constant 0 : i32
          %dma_wait3A_365 = arith.constant 1 : i32
          %dma_wait3A_366 = arith.constant 0 : i32
          %dma_wait3A_367 = arith.constant 0 : i32
          %dma_wait3A_368 = tpu.memref_slice %arg7[%dma_wait3A_363, %dma_wait3A_366, %dma_wait3A_367] : memref<2x128x128xf32, #tpu.memory_space<vmem>> -> memref<1x128x128xf32, #tpu.memory_space<vmem>>
          %dma_wait3A_369 = tpu.memref_squeeze %dma_wait3A_368 : memref<1x128x128xf32, #tpu.memory_space<vmem>> -> memref<128x128xf32, #tpu.memory_space<vmem>>
          %dma_wait3A_370 = arith.constant 0 : i32
          %dma_wait3A_371 = arith.constant 0 : i32
          %dma_wait3A_372 = tpu.memref_slice %arg6[%dma_wait3A_364, %dma_wait3A_370, %dma_wait3A_371] : memref<4x2x128xi32, #tpu.memory_space<vmem>> -> memref<1x2x128xi32, #tpu.memory_space<vmem>>
          %dma_wait3A_373 = tpu.memref_squeeze %dma_wait3A_372 : memref<1x2x128xi32, #tpu.memory_space<vmem>> -> memref<2x128xi32, #tpu.memory_space<vmem>>
          %dma_wait3A_374 = arith.constant 0 : i32
          %dma_wait3A_375 = tpu.memref_slice %dma_wait3A_373[%dma_wait3A_365, %dma_wait3A_374] : memref<2x128xi32, #tpu.memory_space<vmem>> -> memref<1x128xi32, #tpu.memory_space<vmem>>
          %dma_wait3A_376 = tpu.memref_squeeze %dma_wait3A_375 : memref<1x128xi32, #tpu.memory_space<vmem>> -> memref<128xi32, #tpu.memory_space<vmem>>
          %dma_wait3A_377 = arith.constant 0 : i32
          %dma_wait3A_378 = arith.constant 0 : i32
          %dma_wait3A_379 = tpu.memref_slice %arg8[%dma_wait3A_377, %dma_wait3A_378] : memref<10240x128xf32, #tpu.memory_space<vmem_shared>> -> memref<10240x128xf32, #tpu.memory_space<vmem_shared>>
          tpu.wait_indirect_dma semaphore(%arg15 : memref<!tpu.dma_semaphore, #tpu.memory_space<semaphore_mem>>) src(%dma_wait3A_369 : memref<128x128xf32, #tpu.memory_space<vmem>>) dst(%dma_wait3A_379 : memref<10240x128xf32, #tpu.memory_space<vmem_shared>>)
        } else {
        }
        %add3A_317 = arith.constant 3 : i32
        %add3A_318 = arith.addi %add3A_185, %add3A_317 : i32
        %lt3A_319 = arith.constant 80 : i32
        %lt3A_320 = arith.cmpi slt, %add3A_318, %lt3A_319 : i32
        %convert_element_type3A_321 = arith.extui %lt3A_320 : i1 to i32
        %cond3A_322 = arith.constant 0 : i32
        %cond3A_323 = arith.cmpi ne, %convert_element_type3A_321, %cond3A_322 : i32
        scf.if %cond3A_323 {
          %add3A_363 = arith.constant 3 : i32
          %add3A_364 = arith.addi %add3A_185, %add3A_363 : i32
          %add3A_365 = arith.addi %add3A_364, %mul3A_2 : i32
          %dma_start3A_366 = arith.constant 0 : i32
          %dma_start3A_367 = arith.constant 0 : i32
          %dma_start3A_368 = arith.constant 0 : i32
          %dma_start3A_369 = tpu.memref_slice %arg6[%dma_start3A_366, %dma_start3A_367, %dma_start3A_368] : memref<4x2x128xi32, #tpu.memory_space<vmem>> -> memref<1x2x128xi32, #tpu.memory_space<vmem>>
          %dma_start3A_370 = tpu.memref_squeeze %dma_start3A_369 : memref<1x2x128xi32, #tpu.memory_space<vmem>> -> memref<2x128xi32, #tpu.memory_space<vmem>>
          %dma_start3A_371 = arith.constant 0 : i32
          %dma_start3A_372 = arith.constant 0 : i32
          %dma_start3A_373 = tpu.memref_slice %arg3[%add3A_365, %dma_start3A_371, %dma_start3A_372] : memref<2560x2x128xi32, #tpu.memory_space<hbm>> -> memref<1x2x128xi32, #tpu.memory_space<hbm>>
          %dma_start3A_374 = tpu.memref_squeeze %dma_start3A_373 : memref<1x2x128xi32, #tpu.memory_space<hbm>> -> memref<2x128xi32, #tpu.memory_space<hbm>>
          %dma_start3A_375 = arith.constant 0 : i32
          %dma_start3A_376 = arith.constant 0 : i32
          %dma_start3A_377 = tpu.memref_slice %arg6[%dma_start3A_366, %dma_start3A_375, %dma_start3A_376] : memref<4x2x128xi32, #tpu.memory_space<vmem>> -> memref<1x2x128xi32, #tpu.memory_space<vmem>>
          %dma_start3A_378 = tpu.memref_squeeze %dma_start3A_377 : memref<1x2x128xi32, #tpu.memory_space<vmem>> -> memref<2x128xi32, #tpu.memory_space<vmem>>
          %dma_start3A_379 = arith.constant 0 : i32
          %dma_start3A_380 = arith.constant 0 : i32
          %dma_start3A_381 = tpu.memref_slice %arg3[%add3A_365, %dma_start3A_379, %dma_start3A_380] : memref<2560x2x128xi32, #tpu.memory_space<hbm>> -> memref<1x2x128xi32, #tpu.memory_space<hbm>>
          %dma_start3A_382 = tpu.memref_squeeze %dma_start3A_381 : memref<1x2x128xi32, #tpu.memory_space<hbm>> -> memref<2x128xi32, #tpu.memory_space<hbm>>
          tpu.enqueue_dma source(%dma_start3A_382 : memref<2x128xi32, #tpu.memory_space<hbm>>) target(%dma_start3A_378 : memref<2x128xi32, #tpu.memory_space<vmem>>) target_semaphore(%arg9 : memref<!tpu.dma_semaphore, #tpu.memory_space<semaphore_mem>>)
        } else {
        }
        %add3A_324 = arith.constant 1 : i32
        %add3A_325 = arith.addi %add3A_185, %add3A_324 : i32
        %add3A_326 = arith.addi %add3A_325, %mul3A_2 : i32
        %dma_wait3A_327 = arith.constant 2 : i32
        %dma_wait3A_328 = arith.constant 0 : i32
        %dma_wait3A_329 = arith.constant 0 : i32
        %dma_wait3A_330 = tpu.memref_slice %arg6[%dma_wait3A_327, %dma_wait3A_328, %dma_wait3A_329] : memref<4x2x128xi32, #tpu.memory_space<vmem>> -> memref<1x2x128xi32, #tpu.memory_space<vmem>>
        %dma_wait3A_331 = tpu.memref_squeeze %dma_wait3A_330 : memref<1x2x128xi32, #tpu.memory_space<vmem>> -> memref<2x128xi32, #tpu.memory_space<vmem>>
        %dma_wait3A_332 = arith.constant 0 : i32
        %dma_wait3A_333 = arith.constant 0 : i32
        %dma_wait3A_334 = tpu.memref_slice %arg3[%add3A_326, %dma_wait3A_332, %dma_wait3A_333] : memref<2560x2x128xi32, #tpu.memory_space<hbm>> -> memref<1x2x128xi32, #tpu.memory_space<hbm>>
        %dma_wait3A_335 = tpu.memref_squeeze %dma_wait3A_334 : memref<1x2x128xi32, #tpu.memory_space<hbm>> -> memref<2x128xi32, #tpu.memory_space<hbm>>
        %dma_wait3A_336 = arith.constant 0 : i32
        %dma_wait3A_337 = arith.constant 0 : i32
        %dma_wait3A_338 = tpu.memref_slice %arg6[%dma_wait3A_327, %dma_wait3A_336, %dma_wait3A_337] : memref<4x2x128xi32, #tpu.memory_space<vmem>> -> memref<1x2x128xi32, #tpu.memory_space<vmem>>
        %dma_wait3A_339 = tpu.memref_squeeze %dma_wait3A_338 : memref<1x2x128xi32, #tpu.memory_space<vmem>> -> memref<2x128xi32, #tpu.memory_space<vmem>>
        %dma_wait3A_340 = arith.constant 0 : i32
        %dma_wait3A_341 = arith.constant 0 : i32
        %dma_wait3A_342 = tpu.memref_slice %arg3[%add3A_326, %dma_wait3A_340, %dma_wait3A_341] : memref<2560x2x128xi32, #tpu.memory_space<hbm>> -> memref<1x2x128xi32, #tpu.memory_space<hbm>>
        %dma_wait3A_343 = tpu.memref_squeeze %dma_wait3A_342 : memref<1x2x128xi32, #tpu.memory_space<hbm>> -> memref<2x128xi32, #tpu.memory_space<hbm>>
        tpu.wait_dma2 semaphore(%arg11 : memref<!tpu.dma_semaphore, #tpu.memory_space<semaphore_mem>>) src(%dma_wait3A_343 : memref<2x128xi32, #tpu.memory_space<hbm>>) dst(%dma_wait3A_339 : memref<2x128xi32, #tpu.memory_space<vmem>>)
        %add3A_344 = arith.constant 1 : i32
        %add3A_345 = arith.addi %add3A_185, %add3A_344 : i32
        %dma_start3A_346 = arith.constant 2 : i32
        %dma_start3A_347 = arith.constant 0 : i32
        %dma_start3A_348 = arith.constant 0 : i32
        %dma_start3A_349 = arith.constant 0 : i32
        %dma_start3A_350 = arith.constant 0 : i32
        %dma_start3A_351 = tpu.memref_slice %arg7[%dma_start3A_348, %dma_start3A_349, %dma_start3A_350] : memref<2x128x128xf32, #tpu.memory_space<vmem>> -> memref<1x128x128xf32, #tpu.memory_space<vmem>>
        %dma_start3A_352 = tpu.memref_squeeze %dma_start3A_351 : memref<1x128x128xf32, #tpu.memory_space<vmem>> -> memref<128x128xf32, #tpu.memory_space<vmem>>
        %dma_start3A_353 = arith.constant 0 : i32
        %dma_start3A_354 = arith.constant 0 : i32
        %dma_start3A_355 = tpu.memref_slice %arg6[%dma_start3A_346, %dma_start3A_353, %dma_start3A_354] : memref<4x2x128xi32, #tpu.memory_space<vmem>> -> memref<1x2x128xi32, #tpu.memory_space<vmem>>
        %dma_start3A_356 = tpu.memref_squeeze %dma_start3A_355 : memref<1x2x128xi32, #tpu.memory_space<vmem>> -> memref<2x128xi32, #tpu.memory_space<vmem>>
        %dma_start3A_357 = arith.constant 0 : i32
        %dma_start3A_358 = tpu.memref_slice %dma_start3A_356[%dma_start3A_347, %dma_start3A_357] : memref<2x128xi32, #tpu.memory_space<vmem>> -> memref<1x128xi32, #tpu.memory_space<vmem>>
        %dma_start3A_359 = tpu.memref_squeeze %dma_start3A_358 : memref<1x128xi32, #tpu.memory_space<vmem>> -> memref<128xi32, #tpu.memory_space<vmem>>
        %dma_start3A_360 = arith.constant 0 : i32
        %dma_start3A_361 = arith.constant 0 : i32
        %dma_start3A_362 = tpu.memref_slice %arg2[%dma_start3A_360, %dma_start3A_361] : memref<10240x128xf32, #tpu.memory_space<hbm>> -> memref<10240x128xf32, #tpu.memory_space<hbm>>
        tpu.enqueue_indirect_dma source(%dma_start3A_362 : memref<10240x128xf32, #tpu.memory_space<hbm>>) target(%dma_start3A_352 : memref<128x128xf32, #tpu.memory_space<vmem>>) offsets(%dma_start3A_359 : memref<128xi32, #tpu.memory_space<vmem>>) semaphore(%arg13 : memref<!tpu.dma_semaphore, #tpu.memory_space<semaphore_mem>>)
      } else {
      }
      %dma_wait3A_193 = arith.constant 1 : i32
      %dma_wait3A_194 = arith.constant 0 : i32
      %dma_wait3A_195 = arith.constant 1 : i32
      %dma_wait3A_196 = arith.constant 0 : i32
      %dma_wait3A_197 = arith.constant 0 : i32
      %dma_wait3A_198 = tpu.memref_slice %arg7[%dma_wait3A_195, %dma_wait3A_196, %dma_wait3A_197] : memref<2x128x128xf32, #tpu.memory_space<vmem>> -> memref<1x128x128xf32, #tpu.memory_space<vmem>>
      %dma_wait3A_199 = tpu.memref_squeeze %dma_wait3A_198 : memref<1x128x128xf32, #tpu.memory_space<vmem>> -> memref<128x128xf32, #tpu.memory_space<vmem>>
      %dma_wait3A_200 = arith.constant 0 : i32
      %dma_wait3A_201 = arith.constant 0 : i32
      %dma_wait3A_202 = tpu.memref_slice %arg6[%dma_wait3A_193, %dma_wait3A_200, %dma_wait3A_201] : memref<4x2x128xi32, #tpu.memory_space<vmem>> -> memref<1x2x128xi32, #tpu.memory_space<vmem>>
      %dma_wait3A_203 = tpu.memref_squeeze %dma_wait3A_202 : memref<1x2x128xi32, #tpu.memory_space<vmem>> -> memref<2x128xi32, #tpu.memory_space<vmem>>
      %dma_wait3A_204 = arith.constant 0 : i32
      %dma_wait3A_205 = tpu.memref_slice %dma_wait3A_203[%dma_wait3A_194, %dma_wait3A_204] : memref<2x128xi32, #tpu.memory_space<vmem>> -> memref<1x128xi32, #tpu.memory_space<vmem>>
      %dma_wait3A_206 = tpu.memref_squeeze %dma_wait3A_205 : memref<1x128xi32, #tpu.memory_space<vmem>> -> memref<128xi32, #tpu.memory_space<vmem>>
      %dma_wait3A_207 = arith.constant 0 : i32
      %dma_wait3A_208 = arith.constant 0 : i32
      %dma_wait3A_209 = tpu.memref_slice %arg2[%dma_wait3A_207, %dma_wait3A_208] : memref<10240x128xf32, #tpu.memory_space<hbm>> -> memref<10240x128xf32, #tpu.memory_space<hbm>>
      tpu.wait_indirect_dma semaphore(%arg14 : memref<!tpu.dma_semaphore, #tpu.memory_space<semaphore_mem>>) src(%dma_wait3A_209 : memref<10240x128xf32, #tpu.memory_space<hbm>>) dst(%dma_wait3A_199 : memref<128x128xf32, #tpu.memory_space<vmem>>)
      %dma_start3A_210 = arith.constant 1 : i32
      %dma_start3A_211 = arith.constant 1 : i32
      %dma_start3A_212 = arith.constant 1 : i32
      %dma_start3A_213 = arith.constant 0 : i32
      %dma_start3A_214 = arith.constant 0 : i32
      %dma_start3A_215 = tpu.memref_slice %arg7[%dma_start3A_210, %dma_start3A_213, %dma_start3A_214] : memref<2x128x128xf32, #tpu.memory_space<vmem>> -> memref<1x128x128xf32, #tpu.memory_space<vmem>>
      %dma_start3A_216 = tpu.memref_squeeze %dma_start3A_215 : memref<1x128x128xf32, #tpu.memory_space<vmem>> -> memref<128x128xf32, #tpu.memory_space<vmem>>
      %dma_start3A_217 = arith.constant 0 : i32
      %dma_start3A_218 = arith.constant 0 : i32
      %dma_start3A_219 = tpu.memref_slice %arg6[%dma_start3A_211, %dma_start3A_217, %dma_start3A_218] : memref<4x2x128xi32, #tpu.memory_space<vmem>> -> memref<1x2x128xi32, #tpu.memory_space<vmem>>
      %dma_start3A_220 = tpu.memref_squeeze %dma_start3A_219 : memref<1x2x128xi32, #tpu.memory_space<vmem>> -> memref<2x128xi32, #tpu.memory_space<vmem>>
      %dma_start3A_221 = arith.constant 0 : i32
      %dma_start3A_222 = tpu.memref_slice %dma_start3A_220[%dma_start3A_212, %dma_start3A_221] : memref<2x128xi32, #tpu.memory_space<vmem>> -> memref<1x128xi32, #tpu.memory_space<vmem>>
      %dma_start3A_223 = tpu.memref_squeeze %dma_start3A_222 : memref<1x128xi32, #tpu.memory_space<vmem>> -> memref<128xi32, #tpu.memory_space<vmem>>
      %dma_start3A_224 = arith.constant 0 : i32
      %dma_start3A_225 = arith.constant 0 : i32
      %dma_start3A_226 = tpu.memref_slice %arg8[%dma_start3A_224, %dma_start3A_225] : memref<10240x128xf32, #tpu.memory_space<vmem_shared>> -> memref<10240x128xf32, #tpu.memory_space<vmem_shared>>
      tpu.enqueue_indirect_dma source(%dma_start3A_216 : memref<128x128xf32, #tpu.memory_space<vmem>>) target(%dma_start3A_226 : memref<10240x128xf32, #tpu.memory_space<vmem_shared>>) offsets(%dma_start3A_223 : memref<128xi32, #tpu.memory_space<vmem>>) semaphore(%arg16 : memref<!tpu.dma_semaphore, #tpu.memory_space<semaphore_mem>>) {add = true}
      %add3A_227 = arith.constant 2 : i32
      %add3A_228 = arith.addi %add3A_143, %add3A_227 : i32
      %add3A_229 = arith.constant 1 : i32
      %add3A_230 = arith.addi %add3A_228, %add3A_229 : i32
      %lt3A_231 = arith.constant 80 : i32
      %lt3A_232 = arith.cmpi slt, %add3A_230, %lt3A_231 : i32
      %convert_element_type3A_233 = arith.extui %lt3A_232 : i1 to i32
      %cond3A_234 = arith.constant 0 : i32
      %cond3A_235 = arith.cmpi ne, %convert_element_type3A_233, %cond3A_234 : i32
      scf.if %cond3A_235 {
        %ge3A = arith.constant 1 : i32
        %ge3A_313 = arith.cmpi sge, %add3A_228, %ge3A : i32
        %convert_element_type3A_314 = arith.extui %ge3A_313 : i1 to i32
        %cond3A_315 = arith.constant 0 : i32
        %cond3A_316 = arith.cmpi ne, %convert_element_type3A_314, %cond3A_315 : i32
        scf.if %cond3A_316 {
          %dma_wait3A_363 = arith.constant 1 : i32
          %dma_wait3A_364 = arith.constant 1 : i32
          %dma_wait3A_365 = arith.constant 1 : i32
          %dma_wait3A_366 = arith.constant 0 : i32
          %dma_wait3A_367 = arith.constant 0 : i32
          %dma_wait3A_368 = tpu.memref_slice %arg7[%dma_wait3A_363, %dma_wait3A_366, %dma_wait3A_367] : memref<2x128x128xf32, #tpu.memory_space<vmem>> -> memref<1x128x128xf32, #tpu.memory_space<vmem>>
          %dma_wait3A_369 = tpu.memref_squeeze %dma_wait3A_368 : memref<1x128x128xf32, #tpu.memory_space<vmem>> -> memref<128x128xf32, #tpu.memory_space<vmem>>
          %dma_wait3A_370 = arith.constant 0 : i32
          %dma_wait3A_371 = arith.constant 0 : i32
          %dma_wait3A_372 = tpu.memref_slice %arg6[%dma_wait3A_364, %dma_wait3A_370, %dma_wait3A_371] : memref<4x2x128xi32, #tpu.memory_space<vmem>> -> memref<1x2x128xi32, #tpu.memory_space<vmem>>
          %dma_wait3A_373 = tpu.memref_squeeze %dma_wait3A_372 : memref<1x2x128xi32, #tpu.memory_space<vmem>> -> memref<2x128xi32, #tpu.memory_space<vmem>>
          %dma_wait3A_374 = arith.constant 0 : i32
          %dma_wait3A_375 = tpu.memref_slice %dma_wait3A_373[%dma_wait3A_365, %dma_wait3A_374] : memref<2x128xi32, #tpu.memory_space<vmem>> -> memref<1x128xi32, #tpu.memory_space<vmem>>
          %dma_wait3A_376 = tpu.memref_squeeze %dma_wait3A_375 : memref<1x128xi32, #tpu.memory_space<vmem>> -> memref<128xi32, #tpu.memory_space<vmem>>
          %dma_wait3A_377 = arith.constant 0 : i32
          %dma_wait3A_378 = arith.constant 0 : i32
          %dma_wait3A_379 = tpu.memref_slice %arg8[%dma_wait3A_377, %dma_wait3A_378] : memref<10240x128xf32, #tpu.memory_space<vmem_shared>> -> memref<10240x128xf32, #tpu.memory_space<vmem_shared>>
          tpu.wait_indirect_dma semaphore(%arg16 : memref<!tpu.dma_semaphore, #tpu.memory_space<semaphore_mem>>) src(%dma_wait3A_369 : memref<128x128xf32, #tpu.memory_space<vmem>>) dst(%dma_wait3A_379 : memref<10240x128xf32, #tpu.memory_space<vmem_shared>>)
        } else {
        }
        %add3A_317 = arith.constant 3 : i32
        %add3A_318 = arith.addi %add3A_228, %add3A_317 : i32
        %lt3A_319 = arith.constant 80 : i32
        %lt3A_320 = arith.cmpi slt, %add3A_318, %lt3A_319 : i32
        %convert_element_type3A_321 = arith.extui %lt3A_320 : i1 to i32
        %cond3A_322 = arith.constant 0 : i32
        %cond3A_323 = arith.cmpi ne, %convert_element_type3A_321, %cond3A_322 : i32
        scf.if %cond3A_323 {
          %add3A_363 = arith.constant 3 : i32
          %add3A_364 = arith.addi %add3A_228, %add3A_363 : i32
          %add3A_365 = arith.addi %add3A_364, %mul3A_2 : i32
          %dma_start3A_366 = arith.constant 1 : i32
          %dma_start3A_367 = arith.constant 0 : i32
          %dma_start3A_368 = arith.constant 0 : i32
          %dma_start3A_369 = tpu.memref_slice %arg6[%dma_start3A_366, %dma_start3A_367, %dma_start3A_368] : memref<4x2x128xi32, #tpu.memory_space<vmem>> -> memref<1x2x128xi32, #tpu.memory_space<vmem>>
          %dma_start3A_370 = tpu.memref_squeeze %dma_start3A_369 : memref<1x2x128xi32, #tpu.memory_space<vmem>> -> memref<2x128xi32, #tpu.memory_space<vmem>>
          %dma_start3A_371 = arith.constant 0 : i32
          %dma_start3A_372 = arith.constant 0 : i32
          %dma_start3A_373 = tpu.memref_slice %arg3[%add3A_365, %dma_start3A_371, %dma_start3A_372] : memref<2560x2x128xi32, #tpu.memory_space<hbm>> -> memref<1x2x128xi32, #tpu.memory_space<hbm>>
          %dma_start3A_374 = tpu.memref_squeeze %dma_start3A_373 : memref<1x2x128xi32, #tpu.memory_space<hbm>> -> memref<2x128xi32, #tpu.memory_space<hbm>>
          %dma_start3A_375 = arith.constant 0 : i32
          %dma_start3A_376 = arith.constant 0 : i32
          %dma_start3A_377 = tpu.memref_slice %arg6[%dma_start3A_366, %dma_start3A_375, %dma_start3A_376] : memref<4x2x128xi32, #tpu.memory_space<vmem>> -> memref<1x2x128xi32, #tpu.memory_space<vmem>>
          %dma_start3A_378 = tpu.memref_squeeze %dma_start3A_377 : memref<1x2x128xi32, #tpu.memory_space<vmem>> -> memref<2x128xi32, #tpu.memory_space<vmem>>
          %dma_start3A_379 = arith.constant 0 : i32
          %dma_start3A_380 = arith.constant 0 : i32
          %dma_start3A_381 = tpu.memref_slice %arg3[%add3A_365, %dma_start3A_379, %dma_start3A_380] : memref<2560x2x128xi32, #tpu.memory_space<hbm>> -> memref<1x2x128xi32, #tpu.memory_space<hbm>>
          %dma_start3A_382 = tpu.memref_squeeze %dma_start3A_381 : memref<1x2x128xi32, #tpu.memory_space<hbm>> -> memref<2x128xi32, #tpu.memory_space<hbm>>
          tpu.enqueue_dma source(%dma_start3A_382 : memref<2x128xi32, #tpu.memory_space<hbm>>) target(%dma_start3A_378 : memref<2x128xi32, #tpu.memory_space<vmem>>) target_semaphore(%arg10 : memref<!tpu.dma_semaphore, #tpu.memory_space<semaphore_mem>>)
        } else {
        }
        %add3A_324 = arith.constant 1 : i32
        %add3A_325 = arith.addi %add3A_228, %add3A_324 : i32
        %add3A_326 = arith.addi %add3A_325, %mul3A_2 : i32
        %dma_wait3A_327 = arith.constant 3 : i32
        %dma_wait3A_328 = arith.constant 0 : i32
        %dma_wait3A_329 = arith.constant 0 : i32
        %dma_wait3A_330 = tpu.memref_slice %arg6[%dma_wait3A_327, %dma_wait3A_328, %dma_wait3A_329] : memref<4x2x128xi32, #tpu.memory_space<vmem>> -> memref<1x2x128xi32, #tpu.memory_space<vmem>>
        %dma_wait3A_331 = tpu.memref_squeeze %dma_wait3A_330 : memref<1x2x128xi32, #tpu.memory_space<vmem>> -> memref<2x128xi32, #tpu.memory_space<vmem>>
        %dma_wait3A_332 = arith.constant 0 : i32
        %dma_wait3A_333 = arith.constant 0 : i32
        %dma_wait3A_334 = tpu.memref_slice %arg3[%add3A_326, %dma_wait3A_332, %dma_wait3A_333] : memref<2560x2x128xi32, #tpu.memory_space<hbm>> -> memref<1x2x128xi32, #tpu.memory_space<hbm>>
        %dma_wait3A_335 = tpu.memref_squeeze %dma_wait3A_334 : memref<1x2x128xi32, #tpu.memory_space<hbm>> -> memref<2x128xi32, #tpu.memory_space<hbm>>
        %dma_wait3A_336 = arith.constant 0 : i32
        %dma_wait3A_337 = arith.constant 0 : i32
        %dma_wait3A_338 = tpu.memref_slice %arg6[%dma_wait3A_327, %dma_wait3A_336, %dma_wait3A_337] : memref<4x2x128xi32, #tpu.memory_space<vmem>> -> memref<1x2x128xi32, #tpu.memory_space<vmem>>
        %dma_wait3A_339 = tpu.memref_squeeze %dma_wait3A_338 : memref<1x2x128xi32, #tpu.memory_space<vmem>> -> memref<2x128xi32, #tpu.memory_space<vmem>>
        %dma_wait3A_340 = arith.constant 0 : i32
        %dma_wait3A_341 = arith.constant 0 : i32
        %dma_wait3A_342 = tpu.memref_slice %arg3[%add3A_326, %dma_wait3A_340, %dma_wait3A_341] : memref<2560x2x128xi32, #tpu.memory_space<hbm>> -> memref<1x2x128xi32, #tpu.memory_space<hbm>>
        %dma_wait3A_343 = tpu.memref_squeeze %dma_wait3A_342 : memref<1x2x128xi32, #tpu.memory_space<hbm>> -> memref<2x128xi32, #tpu.memory_space<hbm>>
        tpu.wait_dma2 semaphore(%arg12 : memref<!tpu.dma_semaphore, #tpu.memory_space<semaphore_mem>>) src(%dma_wait3A_343 : memref<2x128xi32, #tpu.memory_space<hbm>>) dst(%dma_wait3A_339 : memref<2x128xi32, #tpu.memory_space<vmem>>)
        %add3A_344 = arith.constant 1 : i32
        %add3A_345 = arith.addi %add3A_228, %add3A_344 : i32
        %dma_start3A_346 = arith.constant 3 : i32
        %dma_start3A_347 = arith.constant 0 : i32
        %dma_start3A_348 = arith.constant 1 : i32
        %dma_start3A_349 = arith.constant 0 : i32
        %dma_start3A_350 = arith.constant 0 : i32
        %dma_start3A_351 = tpu.memref_slice %arg7[%dma_start3A_348, %dma_start3A_349, %dma_start3A_350] : memref<2x128x128xf32, #tpu.memory_space<vmem>> -> memref<1x128x128xf32, #tpu.memory_space<vmem>>
        %dma_start3A_352 = tpu.memref_squeeze %dma_start3A_351 : memref<1x128x128xf32, #tpu.memory_space<vmem>> -> memref<128x128xf32, #tpu.memory_space<vmem>>
        %dma_start3A_353 = arith.constant 0 : i32
        %dma_start3A_354 = arith.constant 0 : i32
        %dma_start3A_355 = tpu.memref_slice %arg6[%dma_start3A_346, %dma_start3A_353, %dma_start3A_354] : memref<4x2x128xi32, #tpu.memory_space<vmem>> -> memref<1x2x128xi32, #tpu.memory_space<vmem>>
        %dma_start3A_356 = tpu.memref_squeeze %dma_start3A_355 : memref<1x2x128xi32, #tpu.memory_space<vmem>> -> memref<2x128xi32, #tpu.memory_space<vmem>>
        %dma_start3A_357 = arith.constant 0 : i32
        %dma_start3A_358 = tpu.memref_slice %dma_start3A_356[%dma_start3A_347, %dma_start3A_357] : memref<2x128xi32, #tpu.memory_space<vmem>> -> memref<1x128xi32, #tpu.memory_space<vmem>>
        %dma_start3A_359 = tpu.memref_squeeze %dma_start3A_358 : memref<1x128xi32, #tpu.memory_space<vmem>> -> memref<128xi32, #tpu.memory_space<vmem>>
        %dma_start3A_360 = arith.constant 0 : i32
        %dma_start3A_361 = arith.constant 0 : i32
        %dma_start3A_362 = tpu.memref_slice %arg2[%dma_start3A_360, %dma_start3A_361] : memref<10240x128xf32, #tpu.memory_space<hbm>> -> memref<10240x128xf32, #tpu.memory_space<hbm>>
        tpu.enqueue_indirect_dma source(%dma_start3A_362 : memref<10240x128xf32, #tpu.memory_space<hbm>>) target(%dma_start3A_352 : memref<128x128xf32, #tpu.memory_space<vmem>>) offsets(%dma_start3A_359 : memref<128xi32, #tpu.memory_space<vmem>>) semaphore(%arg14 : memref<!tpu.dma_semaphore, #tpu.memory_space<semaphore_mem>>)
      } else {
      }
      %dma_wait3A_236 = arith.constant 2 : i32
      %dma_wait3A_237 = arith.constant 0 : i32
      %dma_wait3A_238 = arith.constant 0 : i32
      %dma_wait3A_239 = arith.constant 0 : i32
      %dma_wait3A_240 = arith.constant 0 : i32
      %dma_wait3A_241 = tpu.memref_slice %arg7[%dma_wait3A_238, %dma_wait3A_239, %dma_wait3A_240] : memref<2x128x128xf32, #tpu.memory_space<vmem>> -> memref<1x128x128xf32, #tpu.memory_space<vmem>>
      %dma_wait3A_242 = tpu.memref_squeeze %dma_wait3A_241 : memref<1x128x128xf32, #tpu.memory_space<vmem>> -> memref<128x128xf32, #tpu.memory_space<vmem>>
      %dma_wait3A_243 = arith.constant 0 : i32
      %dma_wait3A_244 = arith.constant 0 : i32
      %dma_wait3A_245 = tpu.memref_slice %arg6[%dma_wait3A_236, %dma_wait3A_243, %dma_wait3A_244] : memref<4x2x128xi32, #tpu.memory_space<vmem>> -> memref<1x2x128xi32, #tpu.memory_space<vmem>>
      %dma_wait3A_246 = tpu.memref_squeeze %dma_wait3A_245 : memref<1x2x128xi32, #tpu.memory_space<vmem>> -> memref<2x128xi32, #tpu.memory_space<vmem>>
      %dma_wait3A_247 = arith.constant 0 : i32
      %dma_wait3A_248 = tpu.memref_slice %dma_wait3A_246[%dma_wait3A_237, %dma_wait3A_247] : memref<2x128xi32, #tpu.memory_space<vmem>> -> memref<1x128xi32, #tpu.memory_space<vmem>>
      %dma_wait3A_249 = tpu.memref_squeeze %dma_wait3A_248 : memref<1x128xi32, #tpu.memory_space<vmem>> -> memref<128xi32, #tpu.memory_space<vmem>>
      %dma_wait3A_250 = arith.constant 0 : i32
      %dma_wait3A_251 = arith.constant 0 : i32
      %dma_wait3A_252 = tpu.memref_slice %arg2[%dma_wait3A_250, %dma_wait3A_251] : memref<10240x128xf32, #tpu.memory_space<hbm>> -> memref<10240x128xf32, #tpu.memory_space<hbm>>
      tpu.wait_indirect_dma semaphore(%arg13 : memref<!tpu.dma_semaphore, #tpu.memory_space<semaphore_mem>>) src(%dma_wait3A_252 : memref<10240x128xf32, #tpu.memory_space<hbm>>) dst(%dma_wait3A_242 : memref<128x128xf32, #tpu.memory_space<vmem>>)
      %dma_start3A_253 = arith.constant 0 : i32
      %dma_start3A_254 = arith.constant 2 : i32
      %dma_start3A_255 = arith.constant 1 : i32
      %dma_start3A_256 = arith.constant 0 : i32
      %dma_start3A_257 = arith.constant 0 : i32
      %dma_start3A_258 = tpu.memref_slice %arg7[%dma_start3A_253, %dma_start3A_256, %dma_start3A_257] : memref<2x128x128xf32, #tpu.memory_space<vmem>> -> memref<1x128x128xf32, #tpu.memory_space<vmem>>
      %dma_start3A_259 = tpu.memref_squeeze %dma_start3A_258 : memref<1x128x128xf32, #tpu.memory_space<vmem>> -> memref<128x128xf32, #tpu.memory_space<vmem>>
      %dma_start3A_260 = arith.constant 0 : i32
      %dma_start3A_261 = arith.constant 0 : i32
      %dma_start3A_262 = tpu.memref_slice %arg6[%dma_start3A_254, %dma_start3A_260, %dma_start3A_261] : memref<4x2x128xi32, #tpu.memory_space<vmem>> -> memref<1x2x128xi32, #tpu.memory_space<vmem>>
      %dma_start3A_263 = tpu.memref_squeeze %dma_start3A_262 : memref<1x2x128xi32, #tpu.memory_space<vmem>> -> memref<2x128xi32, #tpu.memory_space<vmem>>
      %dma_start3A_264 = arith.constant 0 : i32
      %dma_start3A_265 = tpu.memref_slice %dma_start3A_263[%dma_start3A_255, %dma_start3A_264] : memref<2x128xi32, #tpu.memory_space<vmem>> -> memref<1x128xi32, #tpu.memory_space<vmem>>
      %dma_start3A_266 = tpu.memref_squeeze %dma_start3A_265 : memref<1x128xi32, #tpu.memory_space<vmem>> -> memref<128xi32, #tpu.memory_space<vmem>>
      %dma_start3A_267 = arith.constant 0 : i32
      %dma_start3A_268 = arith.constant 0 : i32
      %dma_start3A_269 = tpu.memref_slice %arg8[%dma_start3A_267, %dma_start3A_268] : memref<10240x128xf32, #tpu.memory_space<vmem_shared>> -> memref<10240x128xf32, #tpu.memory_space<vmem_shared>>
      tpu.enqueue_indirect_dma source(%dma_start3A_259 : memref<128x128xf32, #tpu.memory_space<vmem>>) target(%dma_start3A_269 : memref<10240x128xf32, #tpu.memory_space<vmem_shared>>) offsets(%dma_start3A_266 : memref<128xi32, #tpu.memory_space<vmem>>) semaphore(%arg15 : memref<!tpu.dma_semaphore, #tpu.memory_space<semaphore_mem>>) {add = true}
      %add3A_270 = arith.constant 3 : i32
      %add3A_271 = arith.addi %add3A_143, %add3A_270 : i32
      %add3A_272 = arith.constant 1 : i32
      %add3A_273 = arith.addi %add3A_271, %add3A_272 : i32
      %lt3A_274 = arith.constant 80 : i32
      %lt3A_275 = arith.cmpi slt, %add3A_273, %lt3A_274 : i32
      %convert_element_type3A_276 = arith.extui %lt3A_275 : i1 to i32
      %cond3A_277 = arith.constant 0 : i32
      %cond3A_278 = arith.cmpi ne, %convert_element_type3A_276, %cond3A_277 : i32
      scf.if %cond3A_278 {
        %ge3A = arith.constant 1 : i32
        %ge3A_313 = arith.cmpi sge, %add3A_271, %ge3A : i32
        %convert_element_type3A_314 = arith.extui %ge3A_313 : i1 to i32
        %cond3A_315 = arith.constant 0 : i32
        %cond3A_316 = arith.cmpi ne, %convert_element_type3A_314, %cond3A_315 : i32
        scf.if %cond3A_316 {
          %dma_wait3A_363 = arith.constant 0 : i32
          %dma_wait3A_364 = arith.constant 2 : i32
          %dma_wait3A_365 = arith.constant 1 : i32
          %dma_wait3A_366 = arith.constant 0 : i32
          %dma_wait3A_367 = arith.constant 0 : i32
          %dma_wait3A_368 = tpu.memref_slice %arg7[%dma_wait3A_363, %dma_wait3A_366, %dma_wait3A_367] : memref<2x128x128xf32, #tpu.memory_space<vmem>> -> memref<1x128x128xf32, #tpu.memory_space<vmem>>
          %dma_wait3A_369 = tpu.memref_squeeze %dma_wait3A_368 : memref<1x128x128xf32, #tpu.memory_space<vmem>> -> memref<128x128xf32, #tpu.memory_space<vmem>>
          %dma_wait3A_370 = arith.constant 0 : i32
          %dma_wait3A_371 = arith.constant 0 : i32
          %dma_wait3A_372 = tpu.memref_slice %arg6[%dma_wait3A_364, %dma_wait3A_370, %dma_wait3A_371] : memref<4x2x128xi32, #tpu.memory_space<vmem>> -> memref<1x2x128xi32, #tpu.memory_space<vmem>>
          %dma_wait3A_373 = tpu.memref_squeeze %dma_wait3A_372 : memref<1x2x128xi32, #tpu.memory_space<vmem>> -> memref<2x128xi32, #tpu.memory_space<vmem>>
          %dma_wait3A_374 = arith.constant 0 : i32
          %dma_wait3A_375 = tpu.memref_slice %dma_wait3A_373[%dma_wait3A_365, %dma_wait3A_374] : memref<2x128xi32, #tpu.memory_space<vmem>> -> memref<1x128xi32, #tpu.memory_space<vmem>>
          %dma_wait3A_376 = tpu.memref_squeeze %dma_wait3A_375 : memref<1x128xi32, #tpu.memory_space<vmem>> -> memref<128xi32, #tpu.memory_space<vmem>>
          %dma_wait3A_377 = arith.constant 0 : i32
          %dma_wait3A_378 = arith.constant 0 : i32
          %dma_wait3A_379 = tpu.memref_slice %arg8[%dma_wait3A_377, %dma_wait3A_378] : memref<10240x128xf32, #tpu.memory_space<vmem_shared>> -> memref<10240x128xf32, #tpu.memory_space<vmem_shared>>
          tpu.wait_indirect_dma semaphore(%arg15 : memref<!tpu.dma_semaphore, #tpu.memory_space<semaphore_mem>>) src(%dma_wait3A_369 : memref<128x128xf32, #tpu.memory_space<vmem>>) dst(%dma_wait3A_379 : memref<10240x128xf32, #tpu.memory_space<vmem_shared>>)
        } else {
        }
        %add3A_317 = arith.constant 3 : i32
        %add3A_318 = arith.addi %add3A_271, %add3A_317 : i32
        %lt3A_319 = arith.constant 80 : i32
        %lt3A_320 = arith.cmpi slt, %add3A_318, %lt3A_319 : i32
        %convert_element_type3A_321 = arith.extui %lt3A_320 : i1 to i32
        %cond3A_322 = arith.constant 0 : i32
        %cond3A_323 = arith.cmpi ne, %convert_element_type3A_321, %cond3A_322 : i32
        scf.if %cond3A_323 {
          %add3A_363 = arith.constant 3 : i32
          %add3A_364 = arith.addi %add3A_271, %add3A_363 : i32
          %add3A_365 = arith.addi %add3A_364, %mul3A_2 : i32
          %dma_start3A_366 = arith.constant 2 : i32
          %dma_start3A_367 = arith.constant 0 : i32
          %dma_start3A_368 = arith.constant 0 : i32
          %dma_start3A_369 = tpu.memref_slice %arg6[%dma_start3A_366, %dma_start3A_367, %dma_start3A_368] : memref<4x2x128xi32, #tpu.memory_space<vmem>> -> memref<1x2x128xi32, #tpu.memory_space<vmem>>
          %dma_start3A_370 = tpu.memref_squeeze %dma_start3A_369 : memref<1x2x128xi32, #tpu.memory_space<vmem>> -> memref<2x128xi32, #tpu.memory_space<vmem>>
          %dma_start3A_371 = arith.constant 0 : i32
          %dma_start3A_372 = arith.constant 0 : i32
          %dma_start3A_373 = tpu.memref_slice %arg3[%add3A_365, %dma_start3A_371, %dma_start3A_372] : memref<2560x2x128xi32, #tpu.memory_space<hbm>> -> memref<1x2x128xi32, #tpu.memory_space<hbm>>
          %dma_start3A_374 = tpu.memref_squeeze %dma_start3A_373 : memref<1x2x128xi32, #tpu.memory_space<hbm>> -> memref<2x128xi32, #tpu.memory_space<hbm>>
          %dma_start3A_375 = arith.constant 0 : i32
          %dma_start3A_376 = arith.constant 0 : i32
          %dma_start3A_377 = tpu.memref_slice %arg6[%dma_start3A_366, %dma_start3A_375, %dma_start3A_376] : memref<4x2x128xi32, #tpu.memory_space<vmem>> -> memref<1x2x128xi32, #tpu.memory_space<vmem>>
          %dma_start3A_378 = tpu.memref_squeeze %dma_start3A_377 : memref<1x2x128xi32, #tpu.memory_space<vmem>> -> memref<2x128xi32, #tpu.memory_space<vmem>>
          %dma_start3A_379 = arith.constant 0 : i32
          %dma_start3A_380 = arith.constant 0 : i32
          %dma_start3A_381 = tpu.memref_slice %arg3[%add3A_365, %dma_start3A_379, %dma_start3A_380] : memref<2560x2x128xi32, #tpu.memory_space<hbm>> -> memref<1x2x128xi32, #tpu.memory_space<hbm>>
          %dma_start3A_382 = tpu.memref_squeeze %dma_start3A_381 : memref<1x2x128xi32, #tpu.memory_space<hbm>> -> memref<2x128xi32, #tpu.memory_space<hbm>>
          tpu.enqueue_dma source(%dma_start3A_382 : memref<2x128xi32, #tpu.memory_space<hbm>>) target(%dma_start3A_378 : memref<2x128xi32, #tpu.memory_space<vmem>>) target_semaphore(%arg11 : memref<!tpu.dma_semaphore, #tpu.memory_space<semaphore_mem>>)
        } else {
        }
        %add3A_324 = arith.constant 1 : i32
        %add3A_325 = arith.addi %add3A_271, %add3A_324 : i32
        %add3A_326 = arith.addi %add3A_325, %mul3A_2 : i32
        %dma_wait3A_327 = arith.constant 0 : i32
        %dma_wait3A_328 = arith.constant 0 : i32
        %dma_wait3A_329 = arith.constant 0 : i32
        %dma_wait3A_330 = tpu.memref_slice %arg6[%dma_wait3A_327, %dma_wait3A_328, %dma_wait3A_329] : memref<4x2x128xi32, #tpu.memory_space<vmem>> -> memref<1x2x128xi32, #tpu.memory_space<vmem>>
        %dma_wait3A_331 = tpu.memref_squeeze %dma_wait3A_330 : memref<1x2x128xi32, #tpu.memory_space<vmem>> -> memref<2x128xi32, #tpu.memory_space<vmem>>
        %dma_wait3A_332 = arith.constant 0 : i32
        %dma_wait3A_333 = arith.constant 0 : i32
        %dma_wait3A_334 = tpu.memref_slice %arg3[%add3A_326, %dma_wait3A_332, %dma_wait3A_333] : memref<2560x2x128xi32, #tpu.memory_space<hbm>> -> memref<1x2x128xi32, #tpu.memory_space<hbm>>
        %dma_wait3A_335 = tpu.memref_squeeze %dma_wait3A_334 : memref<1x2x128xi32, #tpu.memory_space<hbm>> -> memref<2x128xi32, #tpu.memory_space<hbm>>
        %dma_wait3A_336 = arith.constant 0 : i32
        %dma_wait3A_337 = arith.constant 0 : i32
        %dma_wait3A_338 = tpu.memref_slice %arg6[%dma_wait3A_327, %dma_wait3A_336, %dma_wait3A_337] : memref<4x2x128xi32, #tpu.memory_space<vmem>> -> memref<1x2x128xi32, #tpu.memory_space<vmem>>
        %dma_wait3A_339 = tpu.memref_squeeze %dma_wait3A_338 : memref<1x2x128xi32, #tpu.memory_space<vmem>> -> memref<2x128xi32, #tpu.memory_space<vmem>>
        %dma_wait3A_340 = arith.constant 0 : i32
        %dma_wait3A_341 = arith.constant 0 : i32
        %dma_wait3A_342 = tpu.memref_slice %arg3[%add3A_326, %dma_wait3A_340, %dma_wait3A_341] : memref<2560x2x128xi32, #tpu.memory_space<hbm>> -> memref<1x2x128xi32, #tpu.memory_space<hbm>>
        %dma_wait3A_343 = tpu.memref_squeeze %dma_wait3A_342 : memref<1x2x128xi32, #tpu.memory_space<hbm>> -> memref<2x128xi32, #tpu.memory_space<hbm>>
        tpu.wait_dma2 semaphore(%arg9 : memref<!tpu.dma_semaphore, #tpu.memory_space<semaphore_mem>>) src(%dma_wait3A_343 : memref<2x128xi32, #tpu.memory_space<hbm>>) dst(%dma_wait3A_339 : memref<2x128xi32, #tpu.memory_space<vmem>>)
        %add3A_344 = arith.constant 1 : i32
        %add3A_345 = arith.addi %add3A_271, %add3A_344 : i32
        %dma_start3A_346 = arith.constant 0 : i32
        %dma_start3A_347 = arith.constant 0 : i32
        %dma_start3A_348 = arith.constant 0 : i32
        %dma_start3A_349 = arith.constant 0 : i32
        %dma_start3A_350 = arith.constant 0 : i32
        %dma_start3A_351 = tpu.memref_slice %arg7[%dma_start3A_348, %dma_start3A_349, %dma_start3A_350] : memref<2x128x128xf32, #tpu.memory_space<vmem>> -> memref<1x128x128xf32, #tpu.memory_space<vmem>>
        %dma_start3A_352 = tpu.memref_squeeze %dma_start3A_351 : memref<1x128x128xf32, #tpu.memory_space<vmem>> -> memref<128x128xf32, #tpu.memory_space<vmem>>
        %dma_start3A_353 = arith.constant 0 : i32
        %dma_start3A_354 = arith.constant 0 : i32
        %dma_start3A_355 = tpu.memref_slice %arg6[%dma_start3A_346, %dma_start3A_353, %dma_start3A_354] : memref<4x2x128xi32, #tpu.memory_space<vmem>> -> memref<1x2x128xi32, #tpu.memory_space<vmem>>
        %dma_start3A_356 = tpu.memref_squeeze %dma_start3A_355 : memref<1x2x128xi32, #tpu.memory_space<vmem>> -> memref<2x128xi32, #tpu.memory_space<vmem>>
        %dma_start3A_357 = arith.constant 0 : i32
        %dma_start3A_358 = tpu.memref_slice %dma_start3A_356[%dma_start3A_347, %dma_start3A_357] : memref<2x128xi32, #tpu.memory_space<vmem>> -> memref<1x128xi32, #tpu.memory_space<vmem>>
        %dma_start3A_359 = tpu.memref_squeeze %dma_start3A_358 : memref<1x128xi32, #tpu.memory_space<vmem>> -> memref<128xi32, #tpu.memory_space<vmem>>
        %dma_start3A_360 = arith.constant 0 : i32
        %dma_start3A_361 = arith.constant 0 : i32
        %dma_start3A_362 = tpu.memref_slice %arg2[%dma_start3A_360, %dma_start3A_361] : memref<10240x128xf32, #tpu.memory_space<hbm>> -> memref<10240x128xf32, #tpu.memory_space<hbm>>
        tpu.enqueue_indirect_dma source(%dma_start3A_362 : memref<10240x128xf32, #tpu.memory_space<hbm>>) target(%dma_start3A_352 : memref<128x128xf32, #tpu.memory_space<vmem>>) offsets(%dma_start3A_359 : memref<128xi32, #tpu.memory_space<vmem>>) semaphore(%arg13 : memref<!tpu.dma_semaphore, #tpu.memory_space<semaphore_mem>>)
      } else {
      }
      %dma_wait3A_279 = arith.constant 3 : i32
      %dma_wait3A_280 = arith.constant 0 : i32
      %dma_wait3A_281 = arith.constant 1 : i32
      %dma_wait3A_282 = arith.constant 0 : i32
      %dma_wait3A_283 = arith.constant 0 : i32
      %dma_wait3A_284 = tpu.memref_slice %arg7[%dma_wait3A_281, %dma_wait3A_282, %dma_wait3A_283] : memref<2x128x128xf32, #tpu.memory_space<vmem>> -> memref<1x128x128xf32, #tpu.memory_space<vmem>>
      %dma_wait3A_285 = tpu.memref_squeeze %dma_wait3A_284 : memref<1x128x128xf32, #tpu.memory_space<vmem>> -> memref<128x128xf32, #tpu.memory_space<vmem>>
      %dma_wait3A_286 = arith.constant 0 : i32
      %dma_wait3A_287 = arith.constant 0 : i32
      %dma_wait3A_288 = tpu.memref_slice %arg6[%dma_wait3A_279, %dma_wait3A_286, %dma_wait3A_287] : memref<4x2x128xi32, #tpu.memory_space<vmem>> -> memref<1x2x128xi32, #tpu.memory_space<vmem>>
      %dma_wait3A_289 = tpu.memref_squeeze %dma_wait3A_288 : memref<1x2x128xi32, #tpu.memory_space<vmem>> -> memref<2x128xi32, #tpu.memory_space<vmem>>
      %dma_wait3A_290 = arith.constant 0 : i32
      %dma_wait3A_291 = tpu.memref_slice %dma_wait3A_289[%dma_wait3A_280, %dma_wait3A_290] : memref<2x128xi32, #tpu.memory_space<vmem>> -> memref<1x128xi32, #tpu.memory_space<vmem>>
      %dma_wait3A_292 = tpu.memref_squeeze %dma_wait3A_291 : memref<1x128xi32, #tpu.memory_space<vmem>> -> memref<128xi32, #tpu.memory_space<vmem>>
      %dma_wait3A_293 = arith.constant 0 : i32
      %dma_wait3A_294 = arith.constant 0 : i32
      %dma_wait3A_295 = tpu.memref_slice %arg2[%dma_wait3A_293, %dma_wait3A_294] : memref<10240x128xf32, #tpu.memory_space<hbm>> -> memref<10240x128xf32, #tpu.memory_space<hbm>>
      tpu.wait_indirect_dma semaphore(%arg14 : memref<!tpu.dma_semaphore, #tpu.memory_space<semaphore_mem>>) src(%dma_wait3A_295 : memref<10240x128xf32, #tpu.memory_space<hbm>>) dst(%dma_wait3A_285 : memref<128x128xf32, #tpu.memory_space<vmem>>)
      %dma_start3A_296 = arith.constant 1 : i32
      %dma_start3A_297 = arith.constant 3 : i32
      %dma_start3A_298 = arith.constant 1 : i32
      %dma_start3A_299 = arith.constant 0 : i32
      %dma_start3A_300 = arith.constant 0 : i32
      %dma_start3A_301 = tpu.memref_slice %arg7[%dma_start3A_296, %dma_start3A_299, %dma_start3A_300] : memref<2x128x128xf32, #tpu.memory_space<vmem>> -> memref<1x128x128xf32, #tpu.memory_space<vmem>>
      %dma_start3A_302 = tpu.memref_squeeze %dma_start3A_301 : memref<1x128x128xf32, #tpu.memory_space<vmem>> -> memref<128x128xf32, #tpu.memory_space<vmem>>
      %dma_start3A_303 = arith.constant 0 : i32
      %dma_start3A_304 = arith.constant 0 : i32
      %dma_start3A_305 = tpu.memref_slice %arg6[%dma_start3A_297, %dma_start3A_303, %dma_start3A_304] : memref<4x2x128xi32, #tpu.memory_space<vmem>> -> memref<1x2x128xi32, #tpu.memory_space<vmem>>
      %dma_start3A_306 = tpu.memref_squeeze %dma_start3A_305 : memref<1x2x128xi32, #tpu.memory_space<vmem>> -> memref<2x128xi32, #tpu.memory_space<vmem>>
      %dma_start3A_307 = arith.constant 0 : i32
      %dma_start3A_308 = tpu.memref_slice %dma_start3A_306[%dma_start3A_298, %dma_start3A_307] : memref<2x128xi32, #tpu.memory_space<vmem>> -> memref<1x128xi32, #tpu.memory_space<vmem>>
      %dma_start3A_309 = tpu.memref_squeeze %dma_start3A_308 : memref<1x128xi32, #tpu.memory_space<vmem>> -> memref<128xi32, #tpu.memory_space<vmem>>
      %dma_start3A_310 = arith.constant 0 : i32
      %dma_start3A_311 = arith.constant 0 : i32
      %dma_start3A_312 = tpu.memref_slice %arg8[%dma_start3A_310, %dma_start3A_311] : memref<10240x128xf32, #tpu.memory_space<vmem_shared>> -> memref<10240x128xf32, #tpu.memory_space<vmem_shared>>
      tpu.enqueue_indirect_dma source(%dma_start3A_302 : memref<128x128xf32, #tpu.memory_space<vmem>>) target(%dma_start3A_312 : memref<10240x128xf32, #tpu.memory_space<vmem_shared>>) offsets(%dma_start3A_309 : memref<128xi32, #tpu.memory_space<vmem>>) semaphore(%arg16 : memref<!tpu.dma_semaphore, #tpu.memory_space<semaphore_mem>>) {add = true}
    }
    %scan3A_99 = arith.constant 20 : i32
    %dma_wait3A_100 = arith.constant 0 : i32
    %dma_wait3A_101 = arith.constant 2 : i32
    %dma_wait3A_102 = arith.constant 1 : i32
    %dma_wait3A_103 = arith.constant 0 : i32
    %dma_wait3A_104 = arith.constant 0 : i32
    %dma_wait3A_105 = tpu.memref_slice %arg7[%dma_wait3A_100, %dma_wait3A_103, %dma_wait3A_104] : memref<2x128x128xf32, #tpu.memory_space<vmem>> -> memref<1x128x128xf32, #tpu.memory_space<vmem>>
    %dma_wait3A_106 = tpu.memref_squeeze %dma_wait3A_105 : memref<1x128x128xf32, #tpu.memory_space<vmem>> -> memref<128x128xf32, #tpu.memory_space<vmem>>
    %dma_wait3A_107 = arith.constant 0 : i32
    %dma_wait3A_108 = arith.constant 0 : i32
    %dma_wait3A_109 = tpu.memref_slice %arg6[%dma_wait3A_101, %dma_wait3A_107, %dma_wait3A_108] : memref<4x2x128xi32, #tpu.memory_space<vmem>> -> memref<1x2x128xi32, #tpu.memory_space<vmem>>
    %dma_wait3A_110 = tpu.memref_squeeze %dma_wait3A_109 : memref<1x2x128xi32, #tpu.memory_space<vmem>> -> memref<2x128xi32, #tpu.memory_space<vmem>>
    %dma_wait3A_111 = arith.constant 0 : i32
    %dma_wait3A_112 = tpu.memref_slice %dma_wait3A_110[%dma_wait3A_102, %dma_wait3A_111] : memref<2x128xi32, #tpu.memory_space<vmem>> -> memref<1x128xi32, #tpu.memory_space<vmem>>
    %dma_wait3A_113 = tpu.memref_squeeze %dma_wait3A_112 : memref<1x128xi32, #tpu.memory_space<vmem>> -> memref<128xi32, #tpu.memory_space<vmem>>
    %dma_wait3A_114 = arith.constant 0 : i32
    %dma_wait3A_115 = arith.constant 0 : i32
    %dma_wait3A_116 = tpu.memref_slice %arg8[%dma_wait3A_114, %dma_wait3A_115] : memref<10240x128xf32, #tpu.memory_space<vmem_shared>> -> memref<10240x128xf32, #tpu.memory_space<vmem_shared>>
    tpu.wait_indirect_dma semaphore(%arg15 : memref<!tpu.dma_semaphore, #tpu.memory_space<semaphore_mem>>) src(%dma_wait3A_106 : memref<128x128xf32, #tpu.memory_space<vmem>>) dst(%dma_wait3A_116 : memref<10240x128xf32, #tpu.memory_space<vmem_shared>>)
    %dma_wait3A_117 = arith.constant 1 : i32
    %dma_wait3A_118 = arith.constant 3 : i32
    %dma_wait3A_119 = arith.constant 1 : i32
    %dma_wait3A_120 = arith.constant 0 : i32
    %dma_wait3A_121 = arith.constant 0 : i32
    %dma_wait3A_122 = tpu.memref_slice %arg7[%dma_wait3A_117, %dma_wait3A_120, %dma_wait3A_121] : memref<2x128x128xf32, #tpu.memory_space<vmem>> -> memref<1x128x128xf32, #tpu.memory_space<vmem>>
    %dma_wait3A_123 = tpu.memref_squeeze %dma_wait3A_122 : memref<1x128x128xf32, #tpu.memory_space<vmem>> -> memref<128x128xf32, #tpu.memory_space<vmem>>
    %dma_wait3A_124 = arith.constant 0 : i32
    %dma_wait3A_125 = arith.constant 0 : i32
    %dma_wait3A_126 = tpu.memref_slice %arg6[%dma_wait3A_118, %dma_wait3A_124, %dma_wait3A_125] : memref<4x2x128xi32, #tpu.memory_space<vmem>> -> memref<1x2x128xi32, #tpu.memory_space<vmem>>
    %dma_wait3A_127 = tpu.memref_squeeze %dma_wait3A_126 : memref<1x2x128xi32, #tpu.memory_space<vmem>> -> memref<2x128xi32, #tpu.memory_space<vmem>>
    %dma_wait3A_128 = arith.constant 0 : i32
    %dma_wait3A_129 = tpu.memref_slice %dma_wait3A_127[%dma_wait3A_119, %dma_wait3A_128] : memref<2x128xi32, #tpu.memory_space<vmem>> -> memref<1x128xi32, #tpu.memory_space<vmem>>
    %dma_wait3A_130 = tpu.memref_squeeze %dma_wait3A_129 : memref<1x128xi32, #tpu.memory_space<vmem>> -> memref<128xi32, #tpu.memory_space<vmem>>
    %dma_wait3A_131 = arith.constant 0 : i32
    %dma_wait3A_132 = arith.constant 0 : i32
    %dma_wait3A_133 = tpu.memref_slice %arg8[%dma_wait3A_131, %dma_wait3A_132] : memref<10240x128xf32, #tpu.memory_space<vmem_shared>> -> memref<10240x128xf32, #tpu.memory_space<vmem_shared>>
    tpu.wait_indirect_dma semaphore(%arg16 : memref<!tpu.dma_semaphore, #tpu.memory_space<semaphore_mem>>) src(%dma_wait3A_123 : memref<128x128xf32, #tpu.memory_space<vmem>>) dst(%dma_wait3A_133 : memref<10240x128xf32, #tpu.memory_space<vmem_shared>>)
    %barrier3A_134 = arith.constant 0 : index
    tpu.barrier barrier_id(%barrier3A_134)
    %mul3A_135 = arith.constant 640 : i32
    %mul3A_136 = arith.muli %arg1, %mul3A_135 : i32
    %mul3A_137 = arith.constant 640 : i32
    %mul3A_138 = arith.muli %arg1, %mul3A_137 : i32
    "tpu.region"() ({
      %run_scoped3A = tpu.sem_alloc : memref<!tpu.dma_semaphore, #tpu.memory_space<semaphore_mem>>
      %dma_start3A_139 = arith.constant 0 : i32
      %dma_start3A_140 = arith.constant 0 : i32
      %dma_start3A_141 = tpu.memref_slice %arg5[%arg0, %dma_start3A_139, %dma_start3A_140] : memref<2x10240x128xf32, #tpu.memory_space<hbm>> -> memref<1x10240x128xf32, #tpu.memory_space<hbm>>
      %dma_start3A_142 = tpu.memref_squeeze %dma_start3A_141 : memref<1x10240x128xf32, #tpu.memory_space<hbm>> -> memref<10240x128xf32, #tpu.memory_space<hbm>>
      %dma_start3A_143 = arith.constant 0 : i32
      %dma_start3A_144 = tpu.memref_slice %dma_start3A_142[%mul3A_138, %dma_start3A_143] : memref<10240x128xf32, #tpu.memory_space<hbm>> -> memref<640x128xf32, #tpu.memory_space<hbm>>
      %dma_start3A_145 = arith.constant 0 : i32
      %dma_start3A_146 = tpu.memref_slice %arg8[%mul3A_136, %dma_start3A_145] : memref<10240x128xf32, #tpu.memory_space<vmem_shared>> -> memref<640x128xf32, #tpu.memory_space<vmem_shared>>
      tpu.enqueue_dma source(%dma_start3A_146 : memref<640x128xf32, #tpu.memory_space<vmem_shared>>) target(%dma_start3A_144 : memref<640x128xf32, #tpu.memory_space<hbm>>) target_semaphore(%run_scoped3A : memref<!tpu.dma_semaphore, #tpu.memory_space<semaphore_mem>>)
      %dma_wait3A_147 = arith.constant 0 : i32
      %dma_wait3A_148 = arith.constant 0 : i32
      %dma_wait3A_149 = tpu.memref_slice %arg5[%arg0, %dma_wait3A_147, %dma_wait3A_148] : memref<2x10240x128xf32, #tpu.memory_space<hbm>> -> memref<1x10240x128xf32, #tpu.memory_space<hbm>>
      %dma_wait3A_150 = tpu.memref_squeeze %dma_wait3A_149 : memref<1x10240x128xf32, #tpu.memory_space<hbm>> -> memref<10240x128xf32, #tpu.memory_space<hbm>>
      %dma_wait3A_151 = arith.constant 0 : i32
      %dma_wait3A_152 = tpu.memref_slice %dma_wait3A_150[%mul3A_138, %dma_wait3A_151] : memref<10240x128xf32, #tpu.memory_space<hbm>> -> memref<640x128xf32, #tpu.memory_space<hbm>>
      %dma_wait3A_153 = arith.constant 0 : i32
      %dma_wait3A_154 = tpu.memref_slice %arg8[%mul3A_136, %dma_wait3A_153] : memref<10240x128xf32, #tpu.memory_space<vmem_shared>> -> memref<640x128xf32, #tpu.memory_space<vmem_shared>>
      tpu.wait_dma2 semaphore(%run_scoped3A : memref<!tpu.dma_semaphore, #tpu.memory_space<semaphore_mem>>) src(%dma_wait3A_154 : memref<640x128xf32, #tpu.memory_space<vmem_shared>>) dst(%dma_wait3A_152 : memref<640x128xf32, #tpu.memory_space<hbm>>)
      tpu.yield
    }) : () -> ()
    return
  }
}

module attributes {stable_mosaic.version = 14 : i64} {
  func.func @_k2_body(%arg0: i32, %arg1: memref<512x128xf32, #tpu.memory_space<vmem>>, %arg2: memref<2x512x128xf32, #tpu.memory_space<vmem>>, %arg3: memref<512x128xf32, #tpu.memory_space<vmem>>, %arg4: memref<512x1xf32, #tpu.memory_space<vmem>>) attributes {dimension_semantics = [#tpu.dimension_semantics<arbitrary>], iteration_bounds = array<i64: 20>, scalar_prefetch = 0 : i64, scratch_operands = 0 : i64, tpu.core_type = #tpu.core_type<tc>, window_params = [{transform_indices = @transform_0, window_bounds = array<i64: 512, 128>}, {transform_indices = @transform_1, window_bounds = array<i64: 2, 512, 128>}, {transform_indices = @transform_2, window_bounds = array<i64: 512, 128>}, {transform_indices = @transform_3, window_bounds = array<i64: 512, 1>}]} {
    %get3A = arith.constant 0 : index
    %get3A_0 = arith.constant 0 : index
    %get3A_1 = arith.constant 0 : index
    %get3A_2 = vector.load %arg2[%get3A, %get3A_0, %get3A_1] : memref<2x512x128xf32, #tpu.memory_space<vmem>>, vector<2x512x128xf32>
    %slice3A = vector.extract_strided_slice %get3A_2 {offsets = [0, 0, 0], sizes = [1, 512, 1], strides = [1, 1, 1]} : vector<2x512x128xf32> to vector<1x512x1xf32>
    %squeeze3A = vector.shape_cast %slice3A : vector<1x512x1xf32> to vector<512x1xf32>
    %slice3A_3 = vector.extract_strided_slice %get3A_2 {offsets = [1, 0, 0], sizes = [1, 512, 1], strides = [1, 1, 1]} : vector<2x512x128xf32> to vector<1x512x1xf32>
    %squeeze3A_4 = vector.shape_cast %slice3A_3 : vector<1x512x1xf32> to vector<512x1xf32>
    %add3A = arith.addf %squeeze3A, %squeeze3A_4 : vector<512x1xf32>
    %add3A_5 = arith.constant 1.000000e+00 : f32
    %add3A_6 = vector.broadcast %add3A_5 : f32 to vector<512x1xf32>
    %add3A_7 = arith.addf %add3A, %add3A_6 : vector<512x1xf32>
    %rsqrt3A = math.rsqrt %add3A_7 : vector<512x1xf32>
    %iota3A = tpu.iota {dimensions = array<i32: 0>} : vector<512x1xi32>
    %mul3A = arith.constant 512 : i32
    %mul3A_8 = arith.muli %arg0, %mul3A : i32
    %add3A_9 = vector.broadcast %mul3A_8 : i32 to vector<512x1xi32>
    %add3A_10 = arith.addi %iota3A, %add3A_9 : vector<512x1xi32>
    %lt3A = arith.constant 10000 : i32
    %lt3A_11 = vector.broadcast %lt3A : i32 to vector<512x1xi32>
    %lt3A_12 = arith.cmpi slt, %add3A_10, %lt3A_11 : vector<512x1xi32>
    %get3A_13 = arith.constant 0 : index
    %get3A_14 = arith.constant 0 : index
    %get3A_15 = vector.load %arg1[%get3A_13, %get3A_14] : memref<512x128xf32, #tpu.memory_space<vmem>>, vector<512x128xf32>
    %mul3A_16 = vector.broadcast %rsqrt3A : vector<512x1xf32> to vector<512x128xf32>
    %mul3A_17 = arith.mulf %get3A_15, %mul3A_16 : vector<512x128xf32>
    %jit3A = arith.constant 0.000000e+00 : f32
    %broadcast_in_dim3A = vector.shape_cast %lt3A_12 : vector<512x1xi1> to vector<512x1xi1>
    %broadcast_in_dim3A_18 = vector.broadcast %broadcast_in_dim3A : vector<512x1xi1> to vector<512x128xi1>
    %broadcast_in_dim3A_19 = vector.broadcast %jit3A : f32 to vector<512x128xf32>
    %select_n3A = arith.select %broadcast_in_dim3A_18, %mul3A_17, %broadcast_in_dim3A_19 : vector<512x128xi1>, vector<512x128xf32>
    %swap3A = arith.constant 0 : index
    %swap3A_20 = arith.constant 0 : index
    %swap3A_21 = vector.load %arg3[%swap3A, %swap3A_20] : memref<512x128xf32, #tpu.memory_space<vmem>>, vector<512x128xf32>
    tpu.vector_store %arg3[%swap3A, %swap3A_20], %select_n3A {strides = array<i32>} : memref<512x128xf32, #tpu.memory_space<vmem>>, vector<512x128xf32>,
    %swap3A_22 = arith.constant 0 : index
    %swap3A_23 = arith.constant 0 : index
    %swap3A_24 = vector.load %arg4[%swap3A_22, %swap3A_23] : memref<512x1xf32, #tpu.memory_space<vmem>>, vector<512x1xf32>
    tpu.vector_store %arg4[%swap3A_22, %swap3A_23], %rsqrt3A {strides = array<i32>} : memref<512x1xf32, #tpu.memory_space<vmem>>, vector<512x1xf32>,
    return
  }
  func.func @transform_0(%arg0: i32) -> (i32, i32) {
    %c0_i32 = arith.constant 0 : i32
    %c0_i32_0 = arith.constant 0 : i32
    return %arg0, %c0_i32 : i32, i32
  }
  func.func @transform_1(%arg0: i32) -> (i32, i32, i32) {
    %c0_i32 = arith.constant 0 : i32
    %c0_i32_0 = arith.constant 0 : i32
    %c0_i32_1 = arith.constant 0 : i32
    return %c0_i32, %arg0, %c0_i32_0 : i32, i32, i32
  }
  func.func @transform_2(%arg0: i32) -> (i32, i32) {
    %c0_i32 = arith.constant 0 : i32
    %c0_i32_0 = arith.constant 0 : i32
    return %arg0, %c0_i32 : i32, i32
  }
  func.func @transform_3(%arg0: i32) -> (i32, i32) {
    %c0_i32 = arith.constant 0 : i32
    %c0_i32_0 = arith.constant 0 : i32
    return %arg0, %c0_i32 : i32, i32
  }
}

module attributes {stable_mosaic.version = 14 : i64} {
  func.func @_k4_body(%arg0: i32, %arg1: memref<2x512x128xf32, #tpu.memory_space<vmem>>, %arg2: memref<512x128xf32, #tpu.memory_space<vmem>>, %arg3: memref<512x1xf32, #tpu.memory_space<vmem>>, %arg4: memref<128x128xf32, #tpu.memory_space<vmem>>, %arg5: memref<1x128xf32, #tpu.memory_space<vmem>>, %arg6: memref<512x128xf32, #tpu.memory_space<vmem>>) attributes {dimension_semantics = [#tpu.dimension_semantics<arbitrary>], iteration_bounds = array<i64: 20>, scalar_prefetch = 0 : i64, scratch_operands = 0 : i64, tpu.core_type = #tpu.core_type<tc>, window_params = [{transform_indices = @transform_0, window_bounds = array<i64: 2, 512, 128>}, {transform_indices = @transform_1, window_bounds = array<i64: 512, 128>}, {transform_indices = @transform_2, window_bounds = array<i64: 512, 1>}, {pipeline_mode = #tpu.pipeline_mode<synchronous>, transform_indices = @transform_3, window_bounds = array<i64: 128, 128>}, {pipeline_mode = #tpu.pipeline_mode<synchronous>, transform_indices = @transform_4, window_bounds = array<i64: 1, 128>}, {transform_indices = @transform_5, window_bounds = array<i64: 512, 128>}]} {
    %get3A = arith.constant 0 : index
    %get3A_0 = arith.constant 0 : index
    %get3A_1 = arith.constant 0 : index
    %get3A_2 = vector.load %arg1[%get3A, %get3A_0, %get3A_1] : memref<2x512x128xf32, #tpu.memory_space<vmem>>, vector<1x512x128xf32>
    %get3A_3 = vector.shape_cast %get3A_2 : vector<1x512x128xf32> to vector<512x128xf32>
    %get3A_4 = arith.constant 1 : index
    %get3A_5 = arith.constant 0 : index
    %get3A_6 = arith.constant 0 : index
    %get3A_7 = vector.load %arg1[%get3A_4, %get3A_5, %get3A_6] : memref<2x512x128xf32, #tpu.memory_space<vmem>>, vector<1x512x128xf32>
    %get3A_8 = vector.shape_cast %get3A_7 : vector<1x512x128xf32> to vector<512x128xf32>
    %add3A = arith.addf %get3A_3, %get3A_8 : vector<512x128xf32>
    %get3A_9 = arith.constant 0 : index
    %get3A_10 = arith.constant 0 : index
    %get3A_11 = vector.load %arg2[%get3A_9, %get3A_10] : memref<512x128xf32, #tpu.memory_space<vmem>>, vector<512x128xf32>
    %add3A_12 = arith.addf %add3A, %get3A_11 : vector<512x128xf32>
    %get3A_13 = arith.constant 0 : index
    %get3A_14 = arith.constant 0 : index
    %get3A_15 = vector.load %arg3[%get3A_13, %get3A_14] : memref<512x1xf32, #tpu.memory_space<vmem>>, vector<512x1xf32>
    %mul3A = vector.broadcast %get3A_15 : vector<512x1xf32> to vector<512x128xf32>
    %mul3A_16 = arith.mulf %mul3A, %add3A_12 : vector<512x128xf32>
    %get3A_17 = arith.constant 0 : index
    %get3A_18 = arith.constant 0 : index
    %get3A_19 = vector.load %arg4[%get3A_17, %get3A_18] : memref<128x128xf32, #tpu.memory_space<vmem>>, vector<128x128xf32>
    %dot_general3A = arith.constant dense<0.000000e+00> : vector<512x128xf32>
    %dot_general3A_20 = tpu.matmul %mul3A_16, %get3A_19, %dot_general3A {dimension_numbers = #tpu.dot_dimension_numbers<[1], [0], [0], [1], [0, 0, 1, 1], [], []>, transpose_lhs_hint = false} : vector<512x128xf32>, vector<128x128xf32>, vector<512x128xf32> -> vector<512x128xf32>
    %get3A_21 = arith.constant 0 : index
    %get3A_22 = arith.constant 0 : index
    %get3A_23 = vector.load %arg5[%get3A_21, %get3A_22] : memref<1x128xf32, #tpu.memory_space<vmem>>, vector<1x128xf32>
    %add3A_24 = vector.broadcast %get3A_23 : vector<1x128xf32> to vector<512x128xf32>
    %add3A_25 = arith.addf %dot_general3A_20, %add3A_24 : vector<512x128xf32>
    %max3A = arith.constant 0.000000e+00 : f32
    %max3A_26 = vector.broadcast %max3A : f32 to vector<512x128xf32>
    %max3A_27 = arith.maximumf %add3A_25, %max3A_26 : vector<512x128xf32>
    %iota3A = tpu.iota {dimensions = array<i32: 0>} : vector<512x1xi32>
    %mul3A_28 = arith.constant 512 : i32
    %mul3A_29 = arith.muli %arg0, %mul3A_28 : i32
    %add3A_30 = vector.broadcast %mul3A_29 : i32 to vector<512x1xi32>
    %add3A_31 = arith.addi %iota3A, %add3A_30 : vector<512x1xi32>
    %lt3A = arith.constant 10000 : i32
    %lt3A_32 = vector.broadcast %lt3A : i32 to vector<512x1xi32>
    %lt3A_33 = arith.cmpi slt, %add3A_31, %lt3A_32 : vector<512x1xi32>
    %get3A_34 = arith.constant 0 : index
    %get3A_35 = arith.constant 0 : index
    %get3A_36 = vector.load %arg3[%get3A_34, %get3A_35] : memref<512x1xf32, #tpu.memory_space<vmem>>, vector<512x1xf32>
    %mul3A_37 = vector.broadcast %get3A_36 : vector<512x1xf32> to vector<512x128xf32>
    %mul3A_38 = arith.mulf %mul3A_37, %max3A_27 : vector<512x128xf32>
    %jit3A = arith.constant 0.000000e+00 : f32
    %broadcast_in_dim3A = vector.shape_cast %lt3A_33 : vector<512x1xi1> to vector<512x1xi1>
    %broadcast_in_dim3A_39 = vector.broadcast %broadcast_in_dim3A : vector<512x1xi1> to vector<512x128xi1>
    %broadcast_in_dim3A_40 = vector.broadcast %jit3A : f32 to vector<512x128xf32>
    %select_n3A = arith.select %broadcast_in_dim3A_39, %mul3A_38, %broadcast_in_dim3A_40 : vector<512x128xi1>, vector<512x128xf32>
    %swap3A = arith.constant 0 : index
    %swap3A_41 = arith.constant 0 : index
    %swap3A_42 = vector.load %arg6[%swap3A, %swap3A_41] : memref<512x128xf32, #tpu.memory_space<vmem>>, vector<512x128xf32>
    tpu.vector_store %arg6[%swap3A, %swap3A_41], %select_n3A {strides = array<i32>} : memref<512x128xf32, #tpu.memory_space<vmem>>, vector<512x128xf32>,
    return
  }
  func.func @transform_0(%arg0: i32) -> (i32, i32, i32) {
    %c0_i32 = arith.constant 0 : i32
    %c0_i32_0 = arith.constant 0 : i32
    %c0_i32_1 = arith.constant 0 : i32
    return %c0_i32, %arg0, %c0_i32_0 : i32, i32, i32
  }
  func.func @transform_1(%arg0: i32) -> (i32, i32) {
    %c0_i32 = arith.constant 0 : i32
    %c0_i32_0 = arith.constant 0 : i32
    return %arg0, %c0_i32 : i32, i32
  }
  func.func @transform_2(%arg0: i32) -> (i32, i32) {
    %c0_i32 = arith.constant 0 : i32
    %c0_i32_0 = arith.constant 0 : i32
    return %arg0, %c0_i32 : i32, i32
  }
  func.func @transform_3(%arg0: i32) -> (i32, i32) {
    %c0_i32 = arith.constant 0 : i32
    %c0_i32_0 = arith.constant 0 : i32
    %c0_i32_1 = arith.constant 0 : i32
    return %c0_i32, %c0_i32_0 : i32, i32
  }
  func.func @transform_4(%arg0: i32) -> (i32, i32) {
    %c0_i32 = arith.constant 0 : i32
    %c0_i32_0 = arith.constant 0 : i32
    %c0_i32_1 = arith.constant 0 : i32
    return %c0_i32, %c0_i32_0 : i32, i32
  }
  func.func @transform_5(%arg0: i32) -> (i32, i32) {
    %c0_i32 = arith.constant 0 : i32
    %c0_i32_0 = arith.constant 0 : i32
    return %arg0, %c0_i32 : i32, i32
  }
}

module attributes {stable_mosaic.version = 14 : i64} {
  func.func @_k6_body(%arg0: i32, %arg1: memref<2x512x128xf32, #tpu.memory_space<vmem>>, %arg2: memref<512x128xf32, #tpu.memory_space<vmem>>, %arg3: memref<512x1xf32, #tpu.memory_space<vmem>>, %arg4: memref<128x128xf32, #tpu.memory_space<vmem>>, %arg5: memref<1x128xf32, #tpu.memory_space<vmem>>, %arg6: memref<128x128xf32, #tpu.memory_space<vmem>>, %arg7: memref<1x128xf32, #tpu.memory_space<vmem>>, %arg8: memref<512x128xf32, #tpu.memory_space<vmem>>, %arg9: memref<512x128xf32, #tpu.memory_space<vmem>>) attributes {dimension_semantics = [#tpu.dimension_semantics<arbitrary>], iteration_bounds = array<i64: 20>, scalar_prefetch = 0 : i64, scratch_operands = 0 : i64, tpu.core_type = #tpu.core_type<tc>, window_params = [{transform_indices = @transform_0, window_bounds = array<i64: 2, 512, 128>}, {transform_indices = @transform_1, window_bounds = array<i64: 512, 128>}, {transform_indices = @transform_2, window_bounds = array<i64: 512, 1>}, {pipeline_mode = #tpu.pipeline_mode<synchronous>, transform_indices = @transform_3, window_bounds = array<i64: 128, 128>}, {pipeline_mode = #tpu.pipeline_mode<synchronous>, transform_indices = @transform_4, window_bounds = array<i64: 1, 128>}, {pipeline_mode = #tpu.pipeline_mode<synchronous>, transform_indices = @transform_5, window_bounds = array<i64: 128, 128>}, {pipeline_mode = #tpu.pipeline_mode<synchronous>, transform_indices = @transform_6, window_bounds = array<i64: 1, 128>}, {transform_indices = @transform_7, window_bounds = array<i64: 512, 128>}, {transform_indices = @transform_8, window_bounds = array<i64: 512, 128>}]} {
    %get3A = arith.constant 0 : index
    %get3A_0 = arith.constant 0 : index
    %get3A_1 = arith.constant 0 : index
    %get3A_2 = vector.load %arg1[%get3A, %get3A_0, %get3A_1] : memref<2x512x128xf32, #tpu.memory_space<vmem>>, vector<1x512x128xf32>
    %get3A_3 = vector.shape_cast %get3A_2 : vector<1x512x128xf32> to vector<512x128xf32>
    %get3A_4 = arith.constant 1 : index
    %get3A_5 = arith.constant 0 : index
    %get3A_6 = arith.constant 0 : index
    %get3A_7 = vector.load %arg1[%get3A_4, %get3A_5, %get3A_6] : memref<2x512x128xf32, #tpu.memory_space<vmem>>, vector<1x512x128xf32>
    %get3A_8 = vector.shape_cast %get3A_7 : vector<1x512x128xf32> to vector<512x128xf32>
    %add3A = arith.addf %get3A_3, %get3A_8 : vector<512x128xf32>
    %get3A_9 = arith.constant 0 : index
    %get3A_10 = arith.constant 0 : index
    %get3A_11 = vector.load %arg2[%get3A_9, %get3A_10] : memref<512x128xf32, #tpu.memory_space<vmem>>, vector<512x128xf32>
    %add3A_12 = arith.addf %add3A, %get3A_11 : vector<512x128xf32>
    %get3A_13 = arith.constant 0 : index
    %get3A_14 = arith.constant 0 : index
    %get3A_15 = vector.load %arg3[%get3A_13, %get3A_14] : memref<512x1xf32, #tpu.memory_space<vmem>>, vector<512x1xf32>
    %mul3A = vector.broadcast %get3A_15 : vector<512x1xf32> to vector<512x128xf32>
    %mul3A_16 = arith.mulf %mul3A, %add3A_12 : vector<512x128xf32>
    %get3A_17 = arith.constant 0 : index
    %get3A_18 = arith.constant 0 : index
    %get3A_19 = vector.load %arg4[%get3A_17, %get3A_18] : memref<128x128xf32, #tpu.memory_space<vmem>>, vector<128x128xf32>
    %dot_general3A = arith.constant dense<0.000000e+00> : vector<512x128xf32>
    %dot_general3A_20 = tpu.matmul %mul3A_16, %get3A_19, %dot_general3A {dimension_numbers = #tpu.dot_dimension_numbers<[1], [0], [0], [1], [0, 0, 1, 1], [], []>, transpose_lhs_hint = false} : vector<512x128xf32>, vector<128x128xf32>, vector<512x128xf32> -> vector<512x128xf32>
    %get3A_21 = arith.constant 0 : index
    %get3A_22 = arith.constant 0 : index
    %get3A_23 = vector.load %arg5[%get3A_21, %get3A_22] : memref<1x128xf32, #tpu.memory_space<vmem>>, vector<1x128xf32>
    %add3A_24 = vector.broadcast %get3A_23 : vector<1x128xf32> to vector<512x128xf32>
    %add3A_25 = arith.addf %dot_general3A_20, %add3A_24 : vector<512x128xf32>
    %swap3A = arith.constant 0 : index
    %swap3A_26 = arith.constant 0 : index
    %swap3A_27 = vector.load %arg8[%swap3A, %swap3A_26] : memref<512x128xf32, #tpu.memory_space<vmem>>, vector<512x128xf32>
    tpu.vector_store %arg8[%swap3A, %swap3A_26], %add3A_25 {strides = array<i32>} : memref<512x128xf32, #tpu.memory_space<vmem>>, vector<512x128xf32>,
    %get3A_28 = arith.constant 0 : index
    %get3A_29 = arith.constant 0 : index
    %get3A_30 = vector.load %arg6[%get3A_28, %get3A_29] : memref<128x128xf32, #tpu.memory_space<vmem>>, vector<128x128xf32>
    %dot_general3A_31 = arith.constant dense<0.000000e+00> : vector<512x128xf32>
    %dot_general3A_32 = tpu.matmul %mul3A_16, %get3A_30, %dot_general3A_31 {dimension_numbers = #tpu.dot_dimension_numbers<[1], [0], [0], [1], [0, 0, 1, 1], [], []>, transpose_lhs_hint = false} : vector<512x128xf32>, vector<128x128xf32>, vector<512x128xf32> -> vector<512x128xf32>
    %get3A_33 = arith.constant 0 : index
    %get3A_34 = arith.constant 0 : index
    %get3A_35 = vector.load %arg7[%get3A_33, %get3A_34] : memref<1x128xf32, #tpu.memory_space<vmem>>, vector<1x128xf32>
    %add3A_36 = vector.broadcast %get3A_35 : vector<1x128xf32> to vector<512x128xf32>
    %add3A_37 = arith.addf %dot_general3A_32, %add3A_36 : vector<512x128xf32>
    %swap3A_38 = arith.constant 0 : index
    %swap3A_39 = arith.constant 0 : index
    %swap3A_40 = vector.load %arg9[%swap3A_38, %swap3A_39] : memref<512x128xf32, #tpu.memory_space<vmem>>, vector<512x128xf32>
    tpu.vector_store %arg9[%swap3A_38, %swap3A_39], %add3A_37 {strides = array<i32>} : memref<512x128xf32, #tpu.memory_space<vmem>>, vector<512x128xf32>,
    return
  }
  func.func @transform_0(%arg0: i32) -> (i32, i32, i32) {
    %c0_i32 = arith.constant 0 : i32
    %c0_i32_0 = arith.constant 0 : i32
    %c0_i32_1 = arith.constant 0 : i32
    return %c0_i32, %arg0, %c0_i32_0 : i32, i32, i32
  }
  func.func @transform_1(%arg0: i32) -> (i32, i32) {
    %c0_i32 = arith.constant 0 : i32
    %c0_i32_0 = arith.constant 0 : i32
    return %arg0, %c0_i32 : i32, i32
  }
  func.func @transform_2(%arg0: i32) -> (i32, i32) {
    %c0_i32 = arith.constant 0 : i32
    %c0_i32_0 = arith.constant 0 : i32
    return %arg0, %c0_i32 : i32, i32
  }
  func.func @transform_3(%arg0: i32) -> (i32, i32) {
    %c0_i32 = arith.constant 0 : i32
    %c0_i32_0 = arith.constant 0 : i32
    %c0_i32_1 = arith.constant 0 : i32
    return %c0_i32, %c0_i32_0 : i32, i32
  }
  func.func @transform_4(%arg0: i32) -> (i32, i32) {
    %c0_i32 = arith.constant 0 : i32
    %c0_i32_0 = arith.constant 0 : i32
    %c0_i32_1 = arith.constant 0 : i32
    return %c0_i32, %c0_i32_0 : i32, i32
  }
  func.func @transform_5(%arg0: i32) -> (i32, i32) {
    %c0_i32 = arith.constant 0 : i32
    %c0_i32_0 = arith.constant 0 : i32
    %c0_i32_1 = arith.constant 0 : i32
    return %c0_i32, %c0_i32_0 : i32, i32
  }
  func.func @transform_6(%arg0: i32) -> (i32, i32) {
    %c0_i32 = arith.constant 0 : i32
    %c0_i32_0 = arith.constant 0 : i32
    %c0_i32_1 = arith.constant 0 : i32
    return %c0_i32, %c0_i32_0 : i32, i32
  }
  func.func @transform_7(%arg0: i32) -> (i32, i32) {
    %c0_i32 = arith.constant 0 : i32
    %c0_i32_0 = arith.constant 0 : i32
    return %arg0, %c0_i32 : i32, i32
  }
  func.func @transform_8(%arg0: i32) -> (i32, i32) {
    %c0_i32 = arith.constant 0 : i32
    %c0_i32_0 = arith.constant 0 : i32
    return %arg0, %c0_i32 : i32, i32
  }
}

</mosaic_0001>

<sc_bundles>
// kernel: kernel.11.cloned.1.call-start
scs
__scs_entry_jumppad:
0x0: {  	(pc) =	sbr.rel $0x88, $3  }
0x1: {  	(tag) =	ssettag $0x0;
	lr =	simm.s32 $0x1  }
0x2: {  	[smem:$0x3F99] =	sst lr;
	_ =	strace $0xD0000000  }
0x3: {  	_ = 	snop  }
0x4: {  	_ = 	snop  }
0x5: {  	_ = 	snop  }
0x6: {  	_ = 	snop  }
0x7: {  	_ = 	snop  }
__scs_overlays_trampoline_lowered:
0x8: {  	[smem:$0x3FA8] =	sst s0  }
0x9: {  	[smem:$0x3FA9] =	sst s1  }
0xa: {  	[smem:$0x3FAA] =	sst s2  }
0xb: {  	[smem:$0x3FAB] =	sst s3  }
0xc: {  	[smem:$0x3FAC] =	sst s4  }
0xd: {  	[smem:$0x3FAD] =	sst s5  }
0xe: {  	[smem:$0x3FAE] =	sst s6  }
0xf: {  	[smem:$0x3FAF] =	sst s7  }
0x10: {  	[smem:$0x3FB0] =	sst s8  }
0x11: {  	[smem:$0x3FB1] =	sst s9;
	s0 =	simm.s32 @!p0 $0x0  }
0x12: {  	s1 =	sld [smem:$0x3F97];
	s0 =	simm.s32 @p0 $0x1  }
0x13: {  	[smem:$0x3FB2] =	sst s0;
	s0 =	simm.s32 @!p1 $0x0  }
0x14: {  	s2 =	sld [smem:$0x3F96];
	s0 =	simm.s32 @p1 $0x1  }
0x15: {  	[smem:$0x3FB3] =	sst s0;
	s0 =	simm.s32 @!p2 $0x0  }
0x16: {  	s3 =	sld [smem:$0x3FDB];
	s0 =	simm.s32 @p2 $0x1  }
0x17: {  	s4 =	simm.s32 $0x1BF5;
	[smem:$0x3FB5] =	sst s0  }
0x18: {  	s0 =	sld [smem:$0x3F98];
	_ =	swait.ge [sflag:s4], $0x0  }
0x19: {  	s7 =	sld [smem:$0x3F99]  }
0x1a: {  	s8 =	sadd.s32 $0xFFFFE003, lr  }
0x1b: {  	s9 =	sadd.s32 $0xFFFFFEF7, lr;
	s5 =	simm.s32 $0xFFFFFFFF;
	p2 =	slt.u32 s8, $0xFFFFF086  }
0x1c: {  	p1 =	slt.u32 s9, $0xF7A;
	s5 =	simm.s32 @!p2 $0x0  }
0x1d: {  	s5 =	simm.s32 @p1 $0x1;
	p0 =	seq.s32 s7, s2  }
0x1e: {  	s7 =	smul.u32 @!p0 $0xF7A, s2;
	p2 =	seq.s32 @!p0 s5, $0x0  }
0x1f: {  	s9 =	smul.u32 $0xF7A, s1;
	s8 =	simm.s32 @!p0 $0x1BF5;
	p2 =	por !p2, p0  }
0x20: {  	[sflag:s8] =	ssyncset.s32 @!p0 $0xFFFFF086;
	s6 =	sadd.s32 @!p0 s3, s7;
	s7 =	simm.s32 @!p0 $0x108  }
0x21: {  	s3 =	sadd.s32 s3, s9;
	s6 =	sadd.s32 @!p0 $0x88, s6;
	s7 =	simm.s32 @p2 $0x1082  }
0x22: {  	[simem:s7], [sflag:s8] =	dma.local @!p0 [hbm:s6], $0xF7A  }
0x23: {  	s9 =	sor.u32 $0xD0000000, s2;
	s6 =	simm.s32 $0x108;
	_ =	swait.ge @!p0 [sflag:s8], $0x0  }
0x24: {  	s3 =	sadd.s32 $0x88, s3;
	s6 =	simm.s32 @!p1 $0x1082;
	[sflag:s4] =	ssyncset.s32 $0xFFFFF086  }
0x25: {  	[simem:s6], [sflag:s4] =	dma.local [hbm:s3], $0xF7A  }
0x26: {  	[smem:$0x3F99] =	sst s1;
	(tag) =	ssettag s2;
	_ =	strace s9  }
0x27: {  	s1 =	sld [smem:$0x3FA9]  }
0x28: {  	s2 =	sld [smem:$0x3FAA]  }
0x29: {  	s4 =	sld [smem:$0x3FAC]  }
0x2a: {  	p0 =	seq.s32 s5, $0x0;
	s5 =	sld [smem:$0x3FAD]  }
0x2b: {  	s6 =	sld [smem:$0x3FAE]  }
0x2c: {  	s7 =	sld [smem:$0x3FAF]  }
0x2d: {  	s3 =	simm.s32 $0x108;
	s8 =	sld [smem:$0x3FB0]  }
0x2e: {  	s3 =	simm.s32 @!p0 $0x1082;
	s9 =	sld [smem:$0x3FB1]  }
0x2f: {  	lr =	sadd.s32 s0, s3;
	s0 =	sld [smem:$0x3FA8]  }
0x30: {  	s3 =	sld [smem:$0x3FAB]  }
0x31: {  	[smem:$0x3FB4] =	sst s10  }
0x32: {  	s10 =	sld [smem:$0x3FB2];
	_ =	sdelay $0x3  }
0x33: {  	p0 =	seq.s32 s10, $0x1;
	s10 =	sld [smem:$0x3FB4];
	_ =	sdelay $0x3  }
0x34: {  	[smem:$0x3FB4] =	sst s10  }
0x35: {  	s10 =	sld [smem:$0x3FB3];
	_ =	sdelay $0x3  }
0x36: {  	p1 =	seq.s32 s10, $0x1;
	s10 =	sld [smem:$0x3FB4];
	_ =	sdelay $0x3  }
0x37: {  	[smem:$0x3FB4] =	sst s10  }
0x38: {  	s10 =	sld [smem:$0x3FB5]  }
0x39: {  	_ = 	snop;
	(pc) =	sbr.ind lr, $3  }
0x3a: {  	_ = 	snop  }
0x3b: {  	_ = 	snop  }
0x3c: {  	p2 =	seq.s32 s10, $0x1;
	s10 =	sld [smem:$0x3FB4]  }
0x3d: {  	_ =	shalt  }
0x3e: {  	_ =	shalt  }
0x3f: {  	_ =	shalt  }
0x40: {  	_ =	shalt  }
0x41: {  	_ =	shalt  }
0x42: {  	_ =	shalt  }
0x43: {  	_ =	shalt  }
0x44: {  	_ =	shalt  }
0x45: {  	_ =	shalt  }
0x46: {  	_ =	shalt  }
0x47: {  	_ =	shalt  }
0x48: {  	_ =	shalt  }
0x49: {  	_ =	shalt  }
0x4a: {  	_ =	shalt  }
0x4b: {  	_ =	shalt  }
0x4c: {  	_ =	shalt  }
0x4d: {  	_ =	shalt  }
0x4e: {  	_ =	shalt  }
0x4f: {  	_ =	shalt  }
0x50: {  	_ =	shalt  }
0x51: {  	_ =	shalt  }
0x52: {  	_ =	shalt  }
0x53: {  	_ =	shalt  }
0x54: {  	_ =	shalt  }
0x55: {  	_ =	shalt  }
0x56: {  	_ =	shalt  }
0x57: {  	_ =	shalt  }
0x58: {  	_ =	shalt  }
0x59: {  	_ =	shalt  }
0x5a: {  	_ =	shalt  }
0x5b: {  	_ =	shalt  }
0x5c: {  	_ =	shalt  }
0x5d: {  	_ =	shalt  }
0x5e: {  	_ =	shalt  }
0x5f: {  	_ =	shalt  }
0x60: {  	_ =	shalt  }
0x61: {  	_ =	shalt  }
0x62: {  	_ =	shalt  }
0x63: {  	_ =	shalt  }
0x64: {  	_ =	shalt  }
0x65: {  	_ =	shalt  }
0x66: {  	_ =	shalt  }
0x67: {  	_ =	shalt  }
0x68: {  	_ =	shalt  }
0x69: {  	_ =	shalt  }
0x6a: {  	_ =	shalt  }
0x6b: {  	_ =	shalt  }
0x6c: {  	_ =	shalt  }
0x6d: {  	_ =	shalt  }
0x6e: {  	_ =	shalt  }
0x6f: {  	_ =	shalt  }
0x70: {  	_ =	shalt  }
0x71: {  	_ =	shalt  }
0x72: {  	_ =	shalt  }
0x73: {  	_ =	shalt  }
0x74: {  	_ =	shalt  }
0x75: {  	_ =	shalt  }
0x76: {  	_ =	shalt  }
0x77: {  	_ =	shalt  }
0x78: {  	_ =	shalt  }
0x79: {  	_ =	shalt  }
0x7a: {  	_ =	shalt  }
0x7b: {  	_ =	shalt  }
0x7c: {  	_ =	shalt  }
0x7d: {  	_ =	shalt  }
0x7e: {  	_ =	shalt  }
0x7f: {  	_ =	shalt  }
0x80: {  	_ =	shalt  }
0x81: {  	_ =	shalt  }
0x82: {  	_ =	shalt  }
0x83: {  	_ =	shalt  }
0x84: {  	_ =	shalt  }
0x85: {  	_ =	shalt  }
0x86: {  	_ =	shalt  }
0x87: {  	_ =	shalt  }
.Lfunc_end0:
.L_simem_size_0:
called_computation.1_lowered:
.L_overlay_start_0:
0x88: {  	s2 =	sld [smem:$0x3FD9]  }
0x89: {  	s3 =	sld [smem:$0x3FFE];
	_ =	sdelay $0x1  }
0x8a: {  	s1 =	srdreg.scid  }
0x8b: {  	s0 =	sand.u32 $0x1, s1  }
0x8c: {  	s14 =	sshll.u32 s0, $0xA;
	s2 =	sadd.s32 s3, s2  }
0x8d: {  	s2 =	sadd.s32 s2, s14  }
0x8e: {  	[smem:$0x3FC0] =	sst s2  }
0x8f: {  	_ = 	snop  }
0x90: {  	s2 =	sld [smem:$0x3FD0];
	_ =	sdelay $0x2  }
0x91: {  	s15 =	simm.s32 $0xA;
	s4 =	simm.s32 $0x10  }
0x92: {  	[smem:s4], [sflag:s15] =	dma.local [hbm:s2], $0x1  }
0x93: {  	_ =	swait.eq [sflag:s15], $0x1  }
0x94: {  	[sflag:s15] =	ssyncset.done $0x0  }
0x95: {  	s16 =	sld [smem:$0x10];
	[sflag:s15] =	ssyncadd.s32 $0xFFFFFFFF  }
0x96: {  	s17 =	sld [smem:$0x11];
	(tm) =	ssettm $0x1  }
0x97: {  	s18 =	sld [smem:$0x3FFB];
	_ =	sdelay $0x3  }
0x98: {  	_ =	strace s18  }
0x99: {  	s4 =	sld [smem:$0x3FFC];
	_ =	sdelay $0x3  }
0x9a: {  	_ =	strace s4  }
0x9b: {  	s4 =	sld [smem:$0x3FFD];
	_ =	sdelay $0x3  }
0x9c: {  	_ =	strace s4  }
0x9d: {  	_ =	strace $0x8FFFFFFF  }
0x9e: {  	s19 =	sld [smem:$0x3FDB];
	_ =	sdelay $0x1  }
0x9f: {  	s5 =	simm.s32 $_scs_section_size  }
0xa0: {  	s6 =	simm.s32 $_size__tile_overlayer_lowered;
	s7 =	simm.s32 $_tile_overlayer_lowered  }
0xa1: {  	s22 =	simm.s32 $0x1BFF;
	s21 =	sshll.u32 s7, $0x1;
	s4 =	sadd.s32 s5, s19  }
0xa2: {  	s8 =	simm.s32 $0x0;
	s20 =	sshll.u32 s6, $0x1;
	s6 =	sadd.s32 s21, s4  }
0xa3: {  	[timem:s8], [sflag:s22] =	dma.local [hbm:s6], s20  }
0xa4: {  	_ =	swait.ge [sflag:s22], s20  }
0xa5: {  	s5 =	ssub.s32 $0x0, s20;
	[sflag:s22] =	ssyncset.done $0x0  }
0xa6: {  	[sflag:s22] =	ssyncadd.s32 s5;
	_ =	sdelay $0x1  }
0xa7: {  	s23 =	simm.s32 $0x1B8B  }
0xa8: {  	_ =	swait.ge [sflag:s23], $0x1  }
0xa9: {  	[sflag:s23] =	ssyncset.done $0x0  }
0xaa: {  	s25 =	simm.s32 $0x1B8E;
	s24 =	sld [smem:$0x3FFE];
	[sflag:s23] =	ssyncadd.s32 $0xFFFFFFFF  }
0xab: {  	s26 =	simm.s32 $execute0_lowered;
	[smem:$0x3FD2] =	sst s25  }
0xac: {  	s6 =	sshll.u32 s26, $0x1;
	_ =	strace $0x80000049;
	[dreg:$0x1] =	wrdreg $0xFFFFFFFF  }
0xad: {  	s28 =	simm.s32 $_size_execute0_lowered;
	s4 =	sadd.s32 s4, s6;
	[dreg:$0x0] =	wrdreg $0x0  }
0xae: {  	s6 =	sshll.u32 s28, $0x1;
	[dreg:$0x2] =	wrdreg s4  }
0xaf: {  	[dreg:$0x3] =	wrdreg s6  }
0xb0: {  	[dreg:$0x4] =	wrdreg $0xC0  }
0xb1: {  	_ =	task [dreg:s8], $0x5FFFF  }
0xb2: {  	[dreg:$0x1] =	wrdreg $0xFFFFFFFF  }
0xb3: {  	[dreg:$0x0] =	wrdreg $0x60  }
0xb4: {  	[dreg:$0x2] =	wrdreg s24  }
0xb5: {  	[dreg:$0x3] =	wrdreg s17  }
0xb6: {  	[dreg:$0x4] =	wrdreg s16  }
0xb7: {  	[dreg:$0x5] =	wrdreg $0x84000  }
0xb8: {  	[dreg:$0x6] =	wrdreg $0x9  }
0xb9: {  	_ =	task.clear_ibuf [dreg:s8], $0x7FFFF;
	_ =	strace $0x90000049  }
0xba: {  	s29 =	simm.s32 $0x9;
	_ =	strace $0x8000004B  }
0xbb: {  	_ =	swait.ge [sflag:s29], $0x1  }
0xbc: {  	[sflag:s29] =	ssyncadd.s32 $0xFFFFFFFF  }
0xbd: {  	_ =	strace $0x9000004B  }
0xbe: {  	_ =	sfence  }
0xbf: {  	s30 =	sld [smem:$0x0];
	_ =	sdelay $0x2  }
0xc0: {  	s31 =	sshll.u32 s1, $0xD;
	s1 =	sshrl.u32 s1, $0x2  }
0xc1: {  	s3 =	sand.u32 $0x4000, s31;
	s1 =	sadd.s32 s1, s30  }
0xc2: {  	s0 =	sor.u32 s3, s0;
	s1 =	sshll.u32 s1, $0x11  }
0xc3: {  	s0 =	sor.u32 s1, s0  }
0xc4: {  	s0 =	sadd.s32 $0x8F2B, s0  }
0xc5: {  	[sflag:s0] =	ssyncadd.remote.s32 $0x1  }
0xc6: {  	_ =	sfence.sel $0xFFFF  }
0xc7: {  	[dreg:$0x0] =	wrdreg $0xFFFFFFFF;
	(pc) =	sbr.abs _section_cstart, $3  }
0xc8: {  	[dreg:$0x1] =	wrdreg $0xFFFFFFFF  }
0xc9: {  	_ =	task.clear_ibuf [dreg:s8], $0x2FFFF;
	_ =	strace $0x9FFFFFFF  }
0xca: {  	(tm) =	ssettm $0x7FFFFFFF  }
0xcb: {  	_ =	shalt  }
tec
execute0_lowered:
.L_overlay_start_1:
0x0: {  	(tag) =	ssettag $0x1  }
0x1: {  	s0 =	rddreg [dreg:$0x0]  }
0x2: {  	s9 =	rddreg [dreg:$0x1];
	s2 =	srdreg.scid  }
0x3: {  	s3 =	rddreg [dreg:$0x3];
	s1 =	stileid.u32;
	s4 =	simm.s32 $0x0  }
0x4: {  	s15 =	simm.s32 $0x9;
	s16 =	simm.s32 $0x1;
	s17 =	simm.s32 $0x80  }
0x5: {  	s19 =	simm.s32 $0x300;
	s18 =	simm.s32 $0x400;
	s20 =	simm.s32 $0x4400  }
0x6: {  	s31 =	simm.s32 $0x380;
	s28 =	simm.s32 $0x0;
	s11 =	smul.u32 $0x50, s1  }
0x7: {  	s6 =	sand.u32 $0x1, s2;
	[smem:$0x7FF] =	sst s4;
	s13 =	smul.u32 $0x50000, s1  }
0x8: {  	s25 =	sshll.u32 s1, $0x6;
	s5 =	sshll.u32 s6, $0x4;
	s7 =	smul.u32 $0x28000, s6  }
0x9: {  	_ =	strace $0x8000004A;
	s10 =	smul.u32 $0x500, s6;
	[dreg:$0x7] =	wrdreg s19  }
0xa: {  	s21 =	ssub.s32 $0x2, s6;
	s19 =	simm.s32 $0x2;
	[dreg:$0x9] =	wrdreg s31  }
0xb: {  	s5 =	sor.u32 s1, s5;
	s12 =	sshrl.u32 s21, $0x1;
	s24 =	sshrl.u32 s13, $0x2  }
0xc: {  	s13 =	simm.s32 $0x200;
	s8 =	smul.u32 $0xA00, s5;
	s5 =	sadd.s32 $0x2C00, s0  }
0xd: {  	s0 =	sadd.s32 s7, s0;
	s12 =	ssub.s32 s21, s12;
	s10 =	sadd.s32 s11, s10  }
0xe: {  	s14 =	sadd.s32 s24, s3;
	s24 =	smul.u32 $0x2800, s1;
	s21 =	simm.s32 $0x5  }
0xf: {  	s10 =	sshll.u32 s10, $0x5;
	s0 =	sadd.s32 $0x2AC00, s0;
	s30 =	smax.u32 s12, $0x1  }
0x10: {  	s12 =	simm.s32 $0x100;
	s14 =	sshrl.u32 s14, $0x3;
	s6 =	sadd.s32 s9, s8  }
0x11: {  	s9 =	sadd.s32 s10, s9;
	[dreg:$0xc] =	wrdreg s30;
	s22 =	sadd.s32 $0x20, s6  }
0x12: {  	s10 =	sor.u32 $0x1C09, s25;
	s23 =	sadd.s32 $0x40, s6;
	[dreg:$0xa] =	wrdreg s22  }
0x13: {  	s24 =	sadd.s32 s24, s0;
	s26 =	sadd.s32 $0xC0, s9;
	[dreg:$0xb] =	wrdreg s23  }
0x14: {  	s25 =	simm.s32 $0x6;
	s29 =	sadd.s32 $0x80, s9;
	[dreg:$0x5] =	wrdreg s26  }
0x15: {  	[dreg:$0x6] =	wrdreg s29;
	s23 =	simm.s32 $0x180;
	s22 =	simm.s32 $0x7  }
0x16: {  	s26 =	simm.s32 $0x8;
	[dreg:$0x8] =	wrdreg s23;
	s23 =	simm.s32 $0x3  }
.LBB2_1:
0x17: {  	[tilespmem:s4], [sflag:$0x1] =	stream.linear.gather [hbm4b:s6+s4], $0x100, $0x38;
	[tilespmem:$0x1C400] =	vst v63  }
0x18: {  	s0 =	rddreg [dreg:$0xa]  }
0x19: {  	s7 =	rddreg [dreg:$0xb]  }
0x1a: {  	[tilespmem:s12], [sflag:$0x2] =	stream.linear.gather [hbm4b:s0+s4], $0x100, $0x38;
	[tilespmem:$0x1C400] =	vst v63  }
0x1b: {  	s8 =	rddreg [dreg:$0x2]  }
0x1c: {  	[tilespmem:s13], [sflag:$0x3] =	stream.linear.gather [hbm4b:s7+s4], $0x100, $0x38;
	[tilespmem:$0x1C400] =	vst v63  }
0x1d: {  	[spmem:s14], [sflag:s10] =	dma.local [hbm:s8], $0x2800  }
0x1e: {  	_ =	swait.ge [sflag:s15], $0x2800  }
0x1f: {  	[sflag:s15] =	ssyncset.done $0x0  }
0x20: {  	[sflag:s15] =	ssyncadd.s32 $0xFFFFD800  }
0x21: {  	_ =	swait.ge [sflag:s16], $0x100  }
0x22: {  	p0 =	por $0x1, $0x1;
	[sflag:s16] =	ssyncset.done $0x0  }
0x23: {  	p0 =	por p0, p0;
	[sflag:s16] =	ssyncadd.s32 $0xFFFFFF00  }
0x24: {  	[tilespmem:s18], [sflag:$0x5] =	stream.indirect.gather [hbm4b:s5+s17], $0x80, s4, s17, $0xb8;
	[tilespmem:$0x1C400] =	vst v63  }
0x25: {  	s0 =	simm.s32 @!p0 $0x8;
	[bflag:$0x0] =	sbarrier.arrive $0xFFFF  }
0x26: {  	_ =	swait.ge @!p0 [sflag:s0], $0x4000  }
0x27: {  	s30 =	sadd.s32 $0x0, s9;
	[sflag:s0] =	ssyncset.done @!p0 $0x0  }
0x28: {  	s11 =	sadd.s32 $0x60, s30;
	s29 =	rddreg [dreg:$0x7];
	[sflag:s0] =	ssyncadd.s32 @!p0 $0xFFFFC000  }
0x29: {  	[tilespmem:s29], [sflag:$0x4] =	stream.linear.gather [hbm4b:s11+s4], $0x100, $0x38;
	[tilespmem:$0x1C400] =	vst v63  }
0x2a: {  	_ =	swait.ge [sflag:s19], $0x100  }
0x2b: {  	[sflag:s19] =	ssyncset.done $0x0  }
0x2c: {  	[sflag:s19] =	ssyncadd.s32 $0xFFFFFF00  }
0x2d: {  	[tilespmem:s20], [sflag:$0x6] =	stream.indirect.gather [hbm4b:s5+s17], $0x80, s12, s17, $0xb8;
	[tilespmem:$0x1C400] =	vst v63  }
0x2e: {  	_ =	swait.ge [sflag:s21], $0x4000  }
0x2f: {  	[sflag:s21] =	ssyncset.done $0x0  }
0x30: {  	[sflag:s21] =	ssyncadd.s32 $0xFFFFC000  }
0x31: {  	[spmem:s3] =	stream.indirect.scatter.add.f32 [tilespmem:s18], [sflag:$0x7], $0x80, s17, s17, $0xb8;
	[tilespmem:$0x1C400] =	vst v63  }
0x32: {  	_ =	swait.ge [sflag:s22], $0x4000  }
0x33: {  	p0 =	por $0x0, $0x0;
	s0 =	rddreg [dreg:$0x6];
	[sflag:s22] =	ssyncset.done $0x0  }
0x34: {  	s29 =	simm.s32 @!p0 $0x0;
	[sflag:s22] =	ssyncadd.s32 $0xFFFFC000;
	s0 =	sadd.s32 @!p0 $0x0, s0  }
0x35: {  	[tilespmem:s29], [sflag:$0x1] =	stream.linear.gather @!p0 [hbm4b:s0+s29], $0x100, $0x38;
	[tilespmem:$0x1C400] =	vst v63  }
0x36: {  	_ =	swait.ge [sflag:s23], $0x100  }
0x37: {  	[sflag:s23] =	ssyncset.done $0x0  }
0x38: {  	[sflag:s23] =	ssyncadd.s32 $0xFFFFFF00  }
0x39: {  	[tilespmem:s18], [sflag:$0x5] =	stream.indirect.gather [hbm4b:s5+s17], $0x80, s13, s17, $0xb8;
	[tilespmem:$0x1C400] =	vst v63  }
0x3a: {  	_ =	swait.ge [sflag:s25], $0x4000  }
0x3b: {  	[sflag:s25] =	ssyncset.done $0x0  }
0x3c: {  	s31 =	rddreg [dreg:$0x8];
	[sflag:s25] =	ssyncadd.s32 $0xFFFFC000  }
0x3d: {  	[spmem:s3] =	stream.indirect.scatter.add.f32 [tilespmem:s20], [sflag:$0x8], $0x80, s31, s17, $0xb8;
	[tilespmem:$0x1C400] =	vst v63  }
0x3e: {  	_ =	swait.ge [sflag:s26], $0x4000  }
0x3f: {  	[sflag:s26] =	ssyncset.done $0x0  }
0x40: {  	s0 =	simm.s32 @p0 $0x4;
	[sflag:s26] =	ssyncadd.s32 $0xFFFFC000  }
0x41: {  	_ =	swait.ge @p0 [sflag:s0], $0x100  }
0x42: {  	s30 =	simm.s32 @p0 $0x4400;
	s2 =	simm.s32 @p0 $0x300;
	[sflag:s0] =	ssyncset.done @p0 $0x0  }
0x43: {  	s31 =	simm.s32 @p0 $0x5;
	[sflag:s0] =	ssyncadd.s32 @p0 $0xFFFFFF00;
	s0 =	simm.s32 @p0 $0x80  }
0x44: {  	[tilespmem:s30], [sflag:$0x6] =	stream.indirect.gather @p0 [hbm4b:s5+s0], $0x80, s2, s0, $0xb8;
	[tilespmem:$0x1C400] =	vst v63  }
0x45: {  	_ =	swait.ge @p0 [sflag:s31], $0x4000  }
0x46: {  	s2 =	sadd.s32 @!p0 $0x0, s9;
	[sflag:s31] =	ssyncset.done @p0 $0x0  }
0x47: {  	s30 =	simm.s32 @p0 $0x280;
	[sflag:s31] =	ssyncadd.s32 @p0 $0xFFFFC000;
	s31 =	simm.s32 @p0 $0x400  }
0x48: {  	[spmem:s3] =	stream.indirect.scatter.add.f32 @p0 [tilespmem:s31], [sflag:$0x7], $0x80, s30, s0, $0xb8;
	[tilespmem:$0x1C400] =	vst v63  }
0x49: {  	s0 =	sadd.s32 @!p0 $0xA0, s2;
	s2 =	simm.s32 @!p0 $0x100;
	s30 =	simm.s32 @!p0 $0x4  }
0x4a: {  	[tilespmem:s2], [sflag:$0x2] =	stream.linear.gather @!p0 [hbm4b:s0+s29], $0x100, $0x38;
	[tilespmem:$0x1C400] =	vst v63  }
0x4b: {  	_ =	swait.ge @!p0 [sflag:s30], $0x100  }
0x4c: {  	s31 =	simm.s32 @!p0 $0x300;
	s0 =	simm.s32 @!p0 $0x4400;
	[sflag:s30] =	ssyncset.done @!p0 $0x0  }
0x4d: {  	s2 =	simm.s32 @!p0 $0x5;
	[sflag:s30] =	ssyncadd.s32 @!p0 $0xFFFFFF00;
	s30 =	simm.s32 @!p0 $0x80  }
0x4e: {  	[tilespmem:s0], [sflag:$0x6] =	stream.indirect.gather @!p0 [hbm4b:s5+s30], $0x80, s31, s30, $0xb8;
	[tilespmem:$0x1C400] =	vst v63  }
0x4f: {  	_ =	swait.ge @!p0 [sflag:s2], $0x4000  }
0x50: {  	s0 =	simm.s32 @!p0 $0x7;
	[sflag:s2] =	ssyncset.done @!p0 $0x0  }
0x51: {  	s31 =	simm.s32 @!p0 $0x400;
	[sflag:s2] =	ssyncadd.s32 @!p0 $0xFFFFC000;
	s2 =	simm.s32 @!p0 $0x280  }
0x52: {  	[spmem:s3] =	stream.indirect.scatter.add.f32 @!p0 [tilespmem:s31], [sflag:$0x7], $0x80, s2, s30, $0xb8;
	[tilespmem:$0x1C400] =	vst v63  }
0x53: {  	_ =	swait.ge @!p0 [sflag:s0], $0x4000  }
0x54: {  	s2 =	rddreg [dreg:$0x5];
	[sflag:s0] =	ssyncset.done @!p0 $0x0  }
0x55: {  	[sflag:s0] =	ssyncadd.s32 @!p0 $0xFFFFC000;
	s0 =	sadd.s32 @!p0 $0x0, s2;
	s2 =	simm.s32 @!p0 $0x200  }
0x56: {  	[tilespmem:s2], [sflag:$0x3] =	stream.linear.gather @!p0 [hbm4b:s0+s29], $0x100, $0x38;
	[tilespmem:$0x1C400] =	vst v63  }
0x57: {  	s0 =	simm.s32 @!p0 $0x1  }
0x58: {  	_ =	swait.ge @!p0 [sflag:s0], $0x100  }
0x59: {  	[sflag:s0] =	ssyncset.done @!p0 $0x0  }
0x5a: {  	[sflag:s0] =	ssyncadd.s32 @!p0 $0xFFFFFF00  }
0x5b: {  	[tilespmem:s31], [sflag:$0x5] =	stream.indirect.gather @!p0 [hbm4b:s5+s30], $0x80, s29, s30, $0xb8;
	[tilespmem:$0x1C400] =	vst v63  }
0x5c: {  	p6 =	por $0x0, $0x0;
	_ =	swait.ge [sflag:s25], $0x4000  }
0x5d: {  	s29 =	simm.s32 $0x80;
	s30 =	simm.s32 $0x100;
	[sflag:s25] =	ssyncset.done $0x0  }
0x5e: {  	p0 =	por p6, p6;
	s0 =	rddreg [dreg:$0x9];
	[sflag:s25] =	ssyncadd.s32 $0xFFFFC000  }
.LBB2_2:
0x5f: {  	[spmem:s3] =	stream.indirect.scatter.add.f32 [tilespmem:s20], [sflag:$0x8], $0x80, s0, s17, $0xb8;
	[tilespmem:$0x1C400] =	vst v63  }
0x60: {  	s0 =	simm.s32 @!p0 $0x8  }
0x61: {  	_ =	swait.ge @!p0 [sflag:s0], $0x4000  }
0x62: {  	s11 =	sadd.s32 s29, s9;
	[sflag:s0] =	ssyncset.done @!p0 $0x0  }
0x63: {  	s2 =	rddreg [dreg:$0x7];
	[sflag:s0] =	ssyncadd.s32 @!p0 $0xFFFFC000;
	s0 =	sadd.s32 $0x60, s11  }
0x64: {  	[tilespmem:s2], [sflag:$0x4] =	stream.linear.gather [hbm4b:s0+s4], $0x100, $0x38;
	[tilespmem:$0x1C400] =	vst v63  }
0x65: {  	_ =	swait.ge [sflag:s19], $0x100  }
0x66: {  	[sflag:s19] =	ssyncset.done $0x0  }
0x67: {  	[sflag:s19] =	ssyncadd.s32 $0xFFFFFF00  }
0x68: {  	[tilespmem:s20], [sflag:$0x6] =	stream.indirect.gather [hbm4b:s5+s17], $0x80, s12, s17, $0xb8;
	[tilespmem:$0x1C400] =	vst v63  }
0x69: {  	_ =	swait.ge [sflag:s21], $0x4000  }
0x6a: {  	s31 =	smov.u32 s30;
	[sflag:s21] =	ssyncset.done $0x0  }
0x6b: {  	p2 =	seq.s32 s31, $0x0;
	[sflag:s21] =	ssyncadd.s32 $0xFFFFC000  }
0x6c: {  	[spmem:s3] =	stream.indirect.scatter.add.f32 [tilespmem:s18], [sflag:$0x7], $0x80, s17, s17, $0xb8;
	[tilespmem:$0x1C400] =	vst v63  }
0x6d: {  	p0 =	por p2, p2;
	_ =	swait.ge [sflag:s22], $0x4000  }
0x6e: {  	p2 =	seq.s32 s29, $0x980;
	s0 =	rddreg [dreg:$0x6];
	[sflag:s22] =	ssyncset.done $0x0  }
0x6f: {  	[sflag:s22] =	ssyncadd.s32 $0xFFFFC000;
	s2 =	sadd.s32 @!p2 s29, s0;
	s0 =	simm.s32 @!p2 $0x0  }
0x70: {  	[tilespmem:s0], [sflag:$0x1] =	stream.linear.gather @!p2 [hbm4b:s2+s0], $0x100, $0x38;
	[tilespmem:$0x1C400] =	vst v63  }
0x71: {  	_ =	swait.ge [sflag:s23], $0x100  }
0x72: {  	[sflag:s23] =	ssyncset.done $0x0  }
0x73: {  	[sflag:s23] =	ssyncadd.s32 $0xFFFFFF00  }
0x74: {  	[tilespmem:s18], [sflag:$0x5] =	stream.indirect.gather [hbm4b:s5+s17], $0x80, s13, s17, $0xb8;
	[tilespmem:$0x1C400] =	vst v63  }
0x75: {  	_ =	swait.ge [sflag:s25], $0x4000  }
0x76: {  	[sflag:s25] =	ssyncset.done $0x0  }
0x77: {  	s1 =	rddreg [dreg:$0x8];
	[sflag:s25] =	ssyncadd.s32 $0xFFFFC000  }
0x78: {  	[spmem:s3] =	stream.indirect.scatter.add.f32 [tilespmem:s20], [sflag:$0x8], $0x80, s1, s17, $0xb8;
	[tilespmem:$0x1C400] =	vst v63  }
0x79: {  	_ =	swait.ge [sflag:s26], $0x4000  }
0x7a: {  	[sflag:s26] =	ssyncset.done $0x0  }
0x7b: {  	s1 =	simm.s32 @p2 $0x4;
	[sflag:s26] =	ssyncadd.s32 $0xFFFFC000  }
0x7c: {  	_ =	swait.ge @p2 [sflag:s1], $0x100  }
0x7d: {  	s7 =	simm.s32 @p2 $0x4400;
	s8 =	simm.s32 @p2 $0x5;
	[sflag:s1] =	ssyncset.done @p2 $0x0  }
0x7e: {  	s11 =	simm.s32 @p2 $0x300;
	[sflag:s1] =	ssyncadd.s32 @p2 $0xFFFFFF00;
	s1 =	simm.s32 @p2 $0x80  }
0x7f: {  	[tilespmem:s7], [sflag:$0x6] =	stream.indirect.gather @p2 [hbm4b:s5+s1], $0x80, s11, s1, $0xb8;
	[tilespmem:$0x1C400] =	vst v63  }
0x80: {  	_ =	swait.ge @p2 [sflag:s8], $0x4000  }
0x81: {  	s2 =	sadd.s32 @!p2 s29, s9;
	[sflag:s8] =	ssyncset.done @p2 $0x0  }
0x82: {  	s7 =	simm.s32 @p2 $0x280;
	[sflag:s8] =	ssyncadd.s32 @p2 $0xFFFFC000;
	s8 =	simm.s32 @p2 $0x400  }
0x83: {  	[spmem:s3] =	stream.indirect.scatter.add.f32 @p2 [tilespmem:s8], [sflag:$0x7], $0x80, s7, s1, $0xb8;
	[tilespmem:$0x1C400] =	vst v63  }
0x84: {  	s2 =	sadd.s32 @!p2 $0xA0, s2;
	s1 =	simm.s32 @!p2 $0x100;
	s7 =	simm.s32 @!p2 $0x4  }
0x85: {  	[tilespmem:s1], [sflag:$0x2] =	stream.linear.gather @!p2 [hbm4b:s2+s0], $0x100, $0x38;
	[tilespmem:$0x1C400] =	vst v63  }
0x86: {  	_ =	swait.ge @!p2 [sflag:s7], $0x100  }
0x87: {  	s8 =	simm.s32 @!p2 $0x300;
	s1 =	simm.s32 @!p2 $0x4400;
	[sflag:s7] =	ssyncset.done @!p2 $0x0  }
0x88: {  	s2 =	simm.s32 @!p2 $0x5;
	[sflag:s7] =	ssyncadd.s32 @!p2 $0xFFFFFF00;
	s7 =	simm.s32 @!p2 $0x80  }
0x89: {  	[tilespmem:s1], [sflag:$0x6] =	stream.indirect.gather @!p2 [hbm4b:s5+s7], $0x80, s8, s7, $0xb8;
	[tilespmem:$0x1C400] =	vst v63  }
0x8a: {  	_ =	swait.ge @!p2 [sflag:s2], $0x4000  }
0x8b: {  	s1 =	simm.s32 @!p2 $0x7;
	[sflag:s2] =	ssyncset.done @!p2 $0x0  }
0x8c: {  	s8 =	simm.s32 @!p2 $0x400;
	[sflag:s2] =	ssyncadd.s32 @!p2 $0xFFFFC000;
	s2 =	simm.s32 @!p2 $0x280  }
0x8d: {  	[spmem:s3] =	stream.indirect.scatter.add.f32 @!p2 [tilespmem:s8], [sflag:$0x7], $0x80, s2, s7, $0xb8;
	[tilespmem:$0x1C400] =	vst v63  }
0x8e: {  	_ =	swait.ge @!p2 [sflag:s1], $0x4000  }
0x8f: {  	s11 =	simm.s32 @!p2 $0x1;
	s2 =	rddreg [dreg:$0x5];
	[sflag:s1] =	ssyncset.done @!p2 $0x0  }
0x90: {  	[sflag:s1] =	ssyncadd.s32 @!p2 $0xFFFFC000;
	s1 =	sadd.s32 @!p2 s29, s2;
	s2 =	simm.s32 @!p2 $0x200  }
0x91: {  	[tilespmem:s2], [sflag:$0x3] =	stream.linear.gather @!p2 [hbm4b:s1+s0], $0x100, $0x38;
	[tilespmem:$0x1C400] =	vst v63  }
0x92: {  	s30 =	sadd.s32 $0x80, s30;
	_ =	swait.ge @!p2 [sflag:s11], $0x100  }
0x93: {  	p1 =	sne.s32 s30, $0xA00;
	[sflag:s11] =	ssyncset.done @!p2 $0x0  }
.Ltmp0:
0x94: {  	[sflag:s11] =	ssyncadd.s32 @!p2 $0xFFFFFF00;
	(pc) =	sbr.rel @p1 .LBB2_2-.Ltmp0, $4  }
0x95: {  	[tilespmem:s8], [sflag:$0x5] =	stream.indirect.gather @!p2 [hbm4b:s5+s7], $0x80, s0, s7, $0xb8;
	[tilespmem:$0x1C400] =	vst v63  }
0x96: {  	_ =	swait.ge [sflag:s25], $0x4000  }
0x97: {  	[sflag:s25] =	ssyncset.done $0x0  }
0x98: {  	s29 =	smov.u32 s31;
	s0 =	rddreg [dreg:$0x9];
	[sflag:s25] =	ssyncadd.s32 $0xFFFFC000  }
0x99: {  	[spmem:s3] =	stream.indirect.scatter.add.f32 [tilespmem:s20], [sflag:$0x8], $0x80, s0, s17, $0xb8;
	[tilespmem:$0x1C400] =	vst v63  }
0x9a: {  	s0 =	simm.s32 @!p0 $0x8  }
0x9b: {  	_ =	swait.ge @!p0 [sflag:s0], $0x4000  }
0x9c: {  	s2 =	sadd.s32 s29, s9;
	[sflag:s0] =	ssyncset.done @!p0 $0x0  }
0x9d: {  	s8 =	sadd.s32 $0x60, s2;
	s1 =	rddreg [dreg:$0x7];
	[sflag:s0] =	ssyncadd.s32 @!p0 $0xFFFFC000  }
0x9e: {  	[tilespmem:s1], [sflag:$0x4] =	stream.linear.gather [hbm4b:s8+s4], $0x100, $0x38;
	[tilespmem:$0x1C400] =	vst v63  }
0x9f: {  	_ =	swait.ge [sflag:s19], $0x100  }
0xa0: {  	[sflag:s19] =	ssyncset.done $0x0  }
0xa1: {  	[sflag:s19] =	ssyncadd.s32 $0xFFFFFF00  }
0xa2: {  	[tilespmem:s20], [sflag:$0x6] =	stream.indirect.gather [hbm4b:s5+s17], $0x80, s12, s17, $0xb8;
	[tilespmem:$0x1C400] =	vst v63  }
0xa3: {  	_ =	swait.ge [sflag:s21], $0x4000  }
0xa4: {  	[sflag:s21] =	ssyncset.done $0x0  }
0xa5: {  	[sflag:s21] =	ssyncadd.s32 $0xFFFFC000  }
0xa6: {  	[spmem:s3] =	stream.indirect.scatter.add.f32 [tilespmem:s18], [sflag:$0x7], $0x80, s17, s17, $0xb8;
	[tilespmem:$0x1C400] =	vst v63  }
0xa7: {  	_ =	swait.ge [sflag:s22], $0x4000  }
0xa8: {  	p0 =	seq.s32 s29, $0x980;
	s0 =	rddreg [dreg:$0x6];
	[sflag:s22] =	ssyncset.done $0x0  }
0xa9: {  	s1 =	simm.s32 @!p0 $0x0;
	[sflag:s22] =	ssyncadd.s32 $0xFFFFC000;
	s0 =	sadd.s32 @!p0 s29, s0  }
0xaa: {  	[tilespmem:s1], [sflag:$0x1] =	stream.linear.gather @!p0 [hbm4b:s0+s1], $0x100, $0x38;
	[tilespmem:$0x1C400] =	vst v63  }
0xab: {  	_ =	swait.ge [sflag:s23], $0x100  }
0xac: {  	[sflag:s23] =	ssyncset.done $0x0  }
0xad: {  	[sflag:s23] =	ssyncadd.s32 $0xFFFFFF00  }
0xae: {  	[tilespmem:s18], [sflag:$0x5] =	stream.indirect.gather [hbm4b:s5+s17], $0x80, s13, s17, $0xb8;
	[tilespmem:$0x1C400] =	vst v63  }
0xaf: {  	_ =	swait.ge [sflag:s25], $0x4000  }
0xb0: {  	[sflag:s25] =	ssyncset.done $0x0  }
0xb1: {  	s11 =	rddreg [dreg:$0x8];
	[sflag:s25] =	ssyncadd.s32 $0xFFFFC000  }
0xb2: {  	[spmem:s3] =	stream.indirect.scatter.add.f32 [tilespmem:s20], [sflag:$0x8], $0x80, s11, s17, $0xb8;
	[tilespmem:$0x1C400] =	vst v63  }
0xb3: {  	_ =	swait.ge [sflag:s26], $0x4000  }
0xb4: {  	[sflag:s26] =	ssyncset.done $0x0  }
0xb5: {  	s0 =	simm.s32 @p0 $0x4;
	[sflag:s26] =	ssyncadd.s32 $0xFFFFC000  }
0xb6: {  	_ =	swait.ge @p0 [sflag:s0], $0x100  }
0xb7: {  	s2 =	simm.s32 @p0 $0x4400;
	s7 =	simm.s32 @p0 $0x5;
	[sflag:s0] =	ssyncset.done @p0 $0x0  }
0xb8: {  	s8 =	simm.s32 @p0 $0x300;
	[sflag:s0] =	ssyncadd.s32 @p0 $0xFFFFFF00;
	s0 =	simm.s32 @p0 $0x80  }
0xb9: {  	[tilespmem:s2], [sflag:$0x6] =	stream.indirect.gather @p0 [hbm4b:s5+s0], $0x80, s8, s0, $0xb8;
	[tilespmem:$0x1C400] =	vst v63  }
0xba: {  	_ =	swait.ge @p0 [sflag:s7], $0x4000  }
0xbb: {  	s2 =	sadd.s32 @!p0 s29, s9;
	[sflag:s7] =	ssyncset.done @p0 $0x0  }
0xbc: {  	s8 =	simm.s32 @p0 $0x400;
	[sflag:s7] =	ssyncadd.s32 @p0 $0xFFFFC000;
	s7 =	simm.s32 @p0 $0x280  }
0xbd: {  	[spmem:s3] =	stream.indirect.scatter.add.f32 @p0 [tilespmem:s8], [sflag:$0x7], $0x80, s7, s0, $0xb8;
	[tilespmem:$0x1C400] =	vst v63  }
0xbe: {  	s0 =	sadd.s32 @!p0 $0xA0, s2;
	s2 =	simm.s32 @!p0 $0x100;
	s7 =	simm.s32 @!p0 $0x4  }
0xbf: {  	[tilespmem:s2], [sflag:$0x2] =	stream.linear.gather @!p0 [hbm4b:s0+s1], $0x100, $0x38;
	[tilespmem:$0x1C400] =	vst v63  }
0xc0: {  	_ =	swait.ge @!p0 [sflag:s7], $0x100  }
0xc1: {  	s8 =	simm.s32 @!p0 $0x300;
	s0 =	simm.s32 @!p0 $0x4400;
	[sflag:s7] =	ssyncset.done @!p0 $0x0  }
0xc2: {  	s2 =	simm.s32 @!p0 $0x5;
	[sflag:s7] =	ssyncadd.s32 @!p0 $0xFFFFFF00;
	s7 =	simm.s32 @!p0 $0x80  }
0xc3: {  	[tilespmem:s0], [sflag:$0x6] =	stream.indirect.gather @!p0 [hbm4b:s5+s7], $0x80, s8, s7, $0xb8;
	[tilespmem:$0x1C400] =	vst v63  }
0xc4: {  	_ =	swait.ge @!p0 [sflag:s2], $0x4000  }
0xc5: {  	s0 =	simm.s32 @!p0 $0x7;
	[sflag:s2] =	ssyncset.done @!p0 $0x0  }
0xc6: {  	s8 =	simm.s32 @!p0 $0x400;
	[sflag:s2] =	ssyncadd.s32 @!p0 $0xFFFFC000;
	s2 =	simm.s32 @!p0 $0x280  }
0xc7: {  	[spmem:s3] =	stream.indirect.scatter.add.f32 @!p0 [tilespmem:s8], [sflag:$0x7], $0x80, s2, s7, $0xb8;
	[tilespmem:$0x1C400] =	vst v63  }
0xc8: {  	_ =	swait.ge @!p0 [sflag:s0], $0x4000  }
0xc9: {  	s2 =	rddreg [dreg:$0x5];
	[sflag:s0] =	ssyncset.done @!p0 $0x0  }
0xca: {  	[sflag:s0] =	ssyncadd.s32 @!p0 $0xFFFFC000;
	s0 =	sadd.s32 @!p0 s29, s2;
	s2 =	simm.s32 @!p0 $0x200  }
0xcb: {  	[tilespmem:s2], [sflag:$0x3] =	stream.linear.gather @!p0 [hbm4b:s0+s1], $0x100, $0x38;
	[tilespmem:$0x1C400] =	vst v63  }
0xcc: {  	s0 =	simm.s32 @!p0 $0x1  }
0xcd: {  	_ =	swait.ge @!p0 [sflag:s0], $0x100  }
0xce: {  	[sflag:s0] =	ssyncset.done @!p0 $0x0  }
0xcf: {  	[sflag:s0] =	ssyncadd.s32 @!p0 $0xFFFFFF00  }
0xd0: {  	[tilespmem:s8], [sflag:$0x5] =	stream.indirect.gather @!p0 [hbm4b:s5+s7], $0x80, s1, s7, $0xb8;
	[tilespmem:$0x1C400] =	vst v63  }
0xd1: {  	_ =	swait.ge [sflag:s25], $0x4000  }
0xd2: {  	[sflag:s25] =	ssyncset.done $0x0  }
0xd3: {  	s30 =	rddreg [dreg:$0x9];
	[sflag:s25] =	ssyncadd.s32 $0xFFFFC000  }
0xd4: {  	[spmem:s3] =	stream.indirect.scatter.add.f32 [tilespmem:s20], [sflag:$0x8], $0x80, s30, s17, $0xb8;
	[tilespmem:$0x1C400] =	vst v63  }
0xd5: {  	_ =	swait.ge [sflag:s22], $0x4000  }
0xd6: {  	[sflag:s22] =	ssyncset.done $0x0  }
0xd7: {  	[sflag:s22] =	ssyncadd.s32 $0xFFFFC000  }
0xd8: {  	_ =	swait.ge [sflag:s26], $0x4000  }
0xd9: {  	[sflag:s26] =	ssyncset.done $0x0  }
0xda: {  	[sflag:s26] =	ssyncadd.s32 $0xFFFFC000  }
0xdb: {  	[bflag:$0x0] =	sbarrier.arrive $0xFFFF  }
0xdc: {  	[hbm:s24], [sflag:s10] =	dma.local [spmem:s14], $0x2800  }
0xdd: {  	_ =	swait.ge [sflag:s15], $0x2800  }
0xde: {  	s28 =	sadd.s32 $0x1, s28;
	s31 =	rddreg [dreg:$0xc]  }
0xdf: {  	p0 =	sne.s32 s28, s31  }
.Ltmp1:
0xe0: {  	_ = 	snop;
	(pc) =	sbr.rel @p0 .LBB2_1-.Ltmp1, $3  }
0xe1: {  	_ =	sdelay $0x1  }
0xe2: {  	[sflag:s15] =	ssyncset.done $0x0  }
0xe3: {  	[sflag:s15] =	ssyncadd.s32 $0xFFFFD800  }
0xe4: {  	_ =	sfence.sel $0x180000  }
0xe5: {  	[bflag:$0x0] =	sbarrier.arrive $0xFFFF  }
0xe6: {  	_ =	strace $0x9000004A  }
0xe7: {  	s0 =	stileid.u32;
	[bflag:$0x2] =	sbarrier.arrive $0xFFFF  }
0xe8: {  	p0 =	sne.s32 s0, $0x0;
	s0 =	rddreg [dreg:$0x4]  }
0xe9: {  	s0 =	sadd.s32 @!p0 $0x100000, s0  }
0xea: {  	[sflag:s0] =	ssyncadd.tile.s32 @!p0 $0x1;
	_ =	shalt  }
.Lfunc_end2:
_tile_overlayer_lowered:
.L_overlay_start_2:
0xeb: {  	(tag) =	ssettag $0x2  }
0xec: {  	s0 =	rddreg [dreg:$0x0];
	s2 =	stileid.u32  }
0xed: {  	s1 =	rddreg [dreg:$0x1];
	p0 =	sne.s32 s2, $0x0  }
0xee: {  	s3 =	rddreg [dreg:$0x2];
	[bflag:$0x3] =	sbarrier.arrive $0xFFFF;
	s2 =	simm.s32 @!p0 $0x1C09  }
0xef: {  	[timem:s3], [sflag:s2] =	dma.local @!p0 [hbm:s0], s1  }
0xf0: {  	s0 =	simm.s32 @!p0 $0x9  }
0xf1: {  	_ =	swait.ge @!p0 [sflag:s0], s1  }
0xf2: {  	s1 =	ssub.s32 @!p0 $0x0, s1;
	[sflag:s0] =	ssyncset.done @!p0 $0x0  }
0xf3: {  	[sflag:s0] =	ssyncadd.s32 @!p0 s1  }
0xf4: {  	[bflag:$0x3] =	sbarrier.arrive $0xFFFF  }
0xf5: {  	_ =	shalt  }

// kernel: kernel.14.cloned.1.call-start
scs
__scs_entry_jumppad:
0x0: {  	(pc) =	sbr.rel $0x88, $3  }
0x1: {  	(tag) =	ssettag $0x0;
	lr =	simm.s32 $0x1  }
0x2: {  	[smem:$0x3F99] =	sst lr;
	_ =	strace $0xD0000000  }
0x3: {  	_ = 	snop  }
0x4: {  	_ = 	snop  }
0x5: {  	_ = 	snop  }
0x6: {  	_ = 	snop  }
0x7: {  	_ = 	snop  }
__scs_overlays_trampoline_lowered:
0x8: {  	[smem:$0x3FA8] =	sst s0  }
0x9: {  	[smem:$0x3FA9] =	sst s1  }
0xa: {  	[smem:$0x3FAA] =	sst s2  }
0xb: {  	[smem:$0x3FAB] =	sst s3  }
0xc: {  	[smem:$0x3FAC] =	sst s4  }
0xd: {  	[smem:$0x3FAD] =	sst s5  }
0xe: {  	[smem:$0x3FAE] =	sst s6  }
0xf: {  	[smem:$0x3FAF] =	sst s7  }
0x10: {  	[smem:$0x3FB0] =	sst s8  }
0x11: {  	[smem:$0x3FB1] =	sst s9;
	s0 =	simm.s32 @!p0 $0x0  }
0x12: {  	s1 =	sld [smem:$0x3F97];
	s0 =	simm.s32 @p0 $0x1  }
0x13: {  	[smem:$0x3FB2] =	sst s0;
	s0 =	simm.s32 @!p1 $0x0  }
0x14: {  	s2 =	sld [smem:$0x3F96];
	s0 =	simm.s32 @p1 $0x1  }
0x15: {  	[smem:$0x3FB3] =	sst s0;
	s0 =	simm.s32 @!p2 $0x0  }
0x16: {  	s3 =	sld [smem:$0x3FDB];
	s0 =	simm.s32 @p2 $0x1  }
0x17: {  	s4 =	simm.s32 $0x1BF5;
	[smem:$0x3FB5] =	sst s0  }
0x18: {  	s0 =	sld [smem:$0x3F98];
	_ =	swait.ge [sflag:s4], $0x0  }
0x19: {  	s7 =	sld [smem:$0x3F99]  }
0x1a: {  	s8 =	sadd.s32 $0xFFFFE003, lr  }
0x1b: {  	s9 =	sadd.s32 $0xFFFFFEF7, lr;
	s5 =	simm.s32 $0xFFFFFFFF;
	p2 =	slt.u32 s8, $0xFFFFF086  }
0x1c: {  	p1 =	slt.u32 s9, $0xF7A;
	s5 =	simm.s32 @!p2 $0x0  }
0x1d: {  	s5 =	simm.s32 @p1 $0x1;
	p0 =	seq.s32 s7, s2  }
0x1e: {  	s7 =	smul.u32 @!p0 $0xF7A, s2;
	p2 =	seq.s32 @!p0 s5, $0x0  }
0x1f: {  	s9 =	smul.u32 $0xF7A, s1;
	s8 =	simm.s32 @!p0 $0x1BF5;
	p2 =	por !p2, p0  }
0x20: {  	[sflag:s8] =	ssyncset.s32 @!p0 $0xFFFFF086;
	s6 =	sadd.s32 @!p0 s3, s7;
	s7 =	simm.s32 @!p0 $0x108  }
0x21: {  	s3 =	sadd.s32 s3, s9;
	s6 =	sadd.s32 @!p0 $0x88, s6;
	s7 =	simm.s32 @p2 $0x1082  }
0x22: {  	[simem:s7], [sflag:s8] =	dma.local @!p0 [hbm:s6], $0xF7A  }
0x23: {  	s9 =	sor.u32 $0xD0000000, s2;
	s6 =	simm.s32 $0x108;
	_ =	swait.ge @!p0 [sflag:s8], $0x0  }
0x24: {  	s3 =	sadd.s32 $0x88, s3;
	s6 =	simm.s32 @!p1 $0x1082;
	[sflag:s4] =	ssyncset.s32 $0xFFFFF086  }
0x25: {  	[simem:s6], [sflag:s4] =	dma.local [hbm:s3], $0xF7A  }
0x26: {  	[smem:$0x3F99] =	sst s1;
	(tag) =	ssettag s2;
	_ =	strace s9  }
0x27: {  	s1 =	sld [smem:$0x3FA9]  }
0x28: {  	s2 =	sld [smem:$0x3FAA]  }
0x29: {  	s4 =	sld [smem:$0x3FAC]  }
0x2a: {  	p0 =	seq.s32 s5, $0x0;
	s5 =	sld [smem:$0x3FAD]  }
0x2b: {  	s6 =	sld [smem:$0x3FAE]  }
0x2c: {  	s7 =	sld [smem:$0x3FAF]  }
0x2d: {  	s3 =	simm.s32 $0x108;
	s8 =	sld [smem:$0x3FB0]  }
0x2e: {  	s3 =	simm.s32 @!p0 $0x1082;
	s9 =	sld [smem:$0x3FB1]  }
0x2f: {  	lr =	sadd.s32 s0, s3;
	s0 =	sld [smem:$0x3FA8]  }
0x30: {  	s3 =	sld [smem:$0x3FAB]  }
0x31: {  	[smem:$0x3FB4] =	sst s10  }
0x32: {  	s10 =	sld [smem:$0x3FB2];
	_ =	sdelay $0x3  }
0x33: {  	p0 =	seq.s32 s10, $0x1;
	s10 =	sld [smem:$0x3FB4];
	_ =	sdelay $0x3  }
0x34: {  	[smem:$0x3FB4] =	sst s10  }
0x35: {  	s10 =	sld [smem:$0x3FB3];
	_ =	sdelay $0x3  }
0x36: {  	p1 =	seq.s32 s10, $0x1;
	s10 =	sld [smem:$0x3FB4];
	_ =	sdelay $0x3  }
0x37: {  	[smem:$0x3FB4] =	sst s10  }
0x38: {  	s10 =	sld [smem:$0x3FB5]  }
0x39: {  	_ = 	snop;
	(pc) =	sbr.ind lr, $3  }
0x3a: {  	_ = 	snop  }
0x3b: {  	_ = 	snop  }
0x3c: {  	p2 =	seq.s32 s10, $0x1;
	s10 =	sld [smem:$0x3FB4]  }
0x3d: {  	_ =	shalt  }
0x3e: {  	_ =	shalt  }
0x3f: {  	_ =	shalt  }
0x40: {  	_ =	shalt  }
0x41: {  	_ =	shalt  }
0x42: {  	_ =	shalt  }
0x43: {  	_ =	shalt  }
0x44: {  	_ =	shalt  }
0x45: {  	_ =	shalt  }
0x46: {  	_ =	shalt  }
0x47: {  	_ =	shalt  }
0x48: {  	_ =	shalt  }
0x49: {  	_ =	shalt  }
0x4a: {  	_ =	shalt  }
0x4b: {  	_ =	shalt  }
0x4c: {  	_ =	shalt  }
0x4d: {  	_ =	shalt  }
0x4e: {  	_ =	shalt  }
0x4f: {  	_ =	shalt  }
0x50: {  	_ =	shalt  }
0x51: {  	_ =	shalt  }
0x52: {  	_ =	shalt  }
0x53: {  	_ =	shalt  }
0x54: {  	_ =	shalt  }
0x55: {  	_ =	shalt  }
0x56: {  	_ =	shalt  }
0x57: {  	_ =	shalt  }
0x58: {  	_ =	shalt  }
0x59: {  	_ =	shalt  }
0x5a: {  	_ =	shalt  }
0x5b: {  	_ =	shalt  }
0x5c: {  	_ =	shalt  }
0x5d: {  	_ =	shalt  }
0x5e: {  	_ =	shalt  }
0x5f: {  	_ =	shalt  }
0x60: {  	_ =	shalt  }
0x61: {  	_ =	shalt  }
0x62: {  	_ =	shalt  }
0x63: {  	_ =	shalt  }
0x64: {  	_ =	shalt  }
0x65: {  	_ =	shalt  }
0x66: {  	_ =	shalt  }
0x67: {  	_ =	shalt  }
0x68: {  	_ =	shalt  }
0x69: {  	_ =	shalt  }
0x6a: {  	_ =	shalt  }
0x6b: {  	_ =	shalt  }
0x6c: {  	_ =	shalt  }
0x6d: {  	_ =	shalt  }
0x6e: {  	_ =	shalt  }
0x6f: {  	_ =	shalt  }
0x70: {  	_ =	shalt  }
0x71: {  	_ =	shalt  }
0x72: {  	_ =	shalt  }
0x73: {  	_ =	shalt  }
0x74: {  	_ =	shalt  }
0x75: {  	_ =	shalt  }
0x76: {  	_ =	shalt  }
0x77: {  	_ =	shalt  }
0x78: {  	_ =	shalt  }
0x79: {  	_ =	shalt  }
0x7a: {  	_ =	shalt  }
0x7b: {  	_ =	shalt  }
0x7c: {  	_ =	shalt  }
0x7d: {  	_ =	shalt  }
0x7e: {  	_ =	shalt  }
0x7f: {  	_ =	shalt  }
0x80: {  	_ =	shalt  }
0x81: {  	_ =	shalt  }
0x82: {  	_ =	shalt  }
0x83: {  	_ =	shalt  }
0x84: {  	_ =	shalt  }
0x85: {  	_ =	shalt  }
0x86: {  	_ =	shalt  }
0x87: {  	_ =	shalt  }
.Lfunc_end0:
.L_simem_size_0:
called_computation.2_lowered:
.L_overlay_start_0:
0x88: {  	s2 =	sld [smem:$0x3FD9]  }
0x89: {  	s3 =	sld [smem:$0x3FFE];
	_ =	sdelay $0x1  }
0x8a: {  	s1 =	srdreg.scid  }
0x8b: {  	s0 =	sand.u32 $0x1, s1  }
0x8c: {  	s14 =	sshll.u32 s0, $0xA;
	s2 =	sadd.s32 s3, s2  }
0x8d: {  	s2 =	sadd.s32 s2, s14  }
0x8e: {  	[smem:$0x3FC0] =	sst s2  }
0x8f: {  	_ = 	snop  }
0x90: {  	s2 =	sld [smem:$0x3FD0];
	_ =	sdelay $0x2  }
0x91: {  	s15 =	simm.s32 $0xA;
	s4 =	simm.s32 $0x10  }
0x92: {  	[smem:s4], [sflag:s15] =	dma.local [hbm:s2], $0x1  }
0x93: {  	_ =	swait.eq [sflag:s15], $0x1  }
0x94: {  	[sflag:s15] =	ssyncset.done $0x0  }
0x95: {  	s16 =	sld [smem:$0x10];
	[sflag:s15] =	ssyncadd.s32 $0xFFFFFFFF  }
0x96: {  	s17 =	sld [smem:$0x11];
	(tm) =	ssettm $0x1  }
0x97: {  	s18 =	sld [smem:$0x3FFB];
	_ =	sdelay $0x3  }
0x98: {  	_ =	strace s18  }
0x99: {  	s4 =	sld [smem:$0x3FFC];
	_ =	sdelay $0x3  }
0x9a: {  	_ =	strace s4  }
0x9b: {  	s4 =	sld [smem:$0x3FFD];
	_ =	sdelay $0x3  }
0x9c: {  	_ =	strace s4  }
0x9d: {  	_ =	strace $0x8FFFFFFF  }
0x9e: {  	s19 =	sld [smem:$0x3FDB];
	_ =	sdelay $0x1  }
0x9f: {  	s5 =	simm.s32 $_scs_section_size  }
0xa0: {  	s6 =	simm.s32 $_size__tile_overlayer_lowered;
	s7 =	simm.s32 $_tile_overlayer_lowered  }
0xa1: {  	s22 =	simm.s32 $0x1BFF;
	s21 =	sshll.u32 s7, $0x1;
	s4 =	sadd.s32 s5, s19  }
0xa2: {  	s8 =	simm.s32 $0x0;
	s20 =	sshll.u32 s6, $0x1;
	s6 =	sadd.s32 s21, s4  }
0xa3: {  	[timem:s8], [sflag:s22] =	dma.local [hbm:s6], s20  }
0xa4: {  	_ =	swait.ge [sflag:s22], s20  }
0xa5: {  	s5 =	ssub.s32 $0x0, s20;
	[sflag:s22] =	ssyncset.done $0x0  }
0xa6: {  	[sflag:s22] =	ssyncadd.s32 s5;
	_ =	sdelay $0x1  }
0xa7: {  	s23 =	simm.s32 $0x1B8B  }
0xa8: {  	_ =	swait.ge [sflag:s23], $0x1  }
0xa9: {  	[sflag:s23] =	ssyncset.done $0x0  }
0xaa: {  	s25 =	simm.s32 $0x1B8E;
	s24 =	sld [smem:$0x3FFE];
	[sflag:s23] =	ssyncadd.s32 $0xFFFFFFFF  }
0xab: {  	s26 =	simm.s32 $execute0_lowered;
	[smem:$0x3FD2] =	sst s25  }
0xac: {  	s6 =	sshll.u32 s26, $0x1;
	_ =	strace $0x8000004C;
	[dreg:$0x1] =	wrdreg $0xFFFFFFFF  }
0xad: {  	s28 =	simm.s32 $_size_execute0_lowered;
	s4 =	sadd.s32 s4, s6;
	[dreg:$0x0] =	wrdreg $0x0  }
0xae: {  	s6 =	sshll.u32 s28, $0x1;
	[dreg:$0x2] =	wrdreg s4  }
0xaf: {  	[dreg:$0x3] =	wrdreg s6  }
0xb0: {  	[dreg:$0x4] =	wrdreg $0xC0  }
0xb1: {  	_ =	task [dreg:s8], $0x5FFFF  }
0xb2: {  	[dreg:$0x1] =	wrdreg $0xFFFFFFFF  }
0xb3: {  	[dreg:$0x0] =	wrdreg $0x60  }
0xb4: {  	[dreg:$0x2] =	wrdreg s24  }
0xb5: {  	[dreg:$0x3] =	wrdreg s17  }
0xb6: {  	[dreg:$0x4] =	wrdreg s16  }
0xb7: {  	[dreg:$0x5] =	wrdreg $0x84000  }
0xb8: {  	[dreg:$0x6] =	wrdreg $0x9  }
0xb9: {  	_ =	task.clear_ibuf [dreg:s8], $0x7FFFF;
	_ =	strace $0x9000004C  }
0xba: {  	s29 =	simm.s32 $0x9;
	_ =	strace $0x8000004E  }
0xbb: {  	_ =	swait.ge [sflag:s29], $0x1  }
0xbc: {  	[sflag:s29] =	ssyncadd.s32 $0xFFFFFFFF  }
0xbd: {  	_ =	strace $0x9000004E  }
0xbe: {  	_ =	sfence  }
0xbf: {  	s30 =	sld [smem:$0x0];
	_ =	sdelay $0x2  }
0xc0: {  	s31 =	sshll.u32 s1, $0xD;
	s1 =	sshrl.u32 s1, $0x2  }
0xc1: {  	s3 =	sand.u32 $0x4000, s31;
	s1 =	sadd.s32 s1, s30  }
0xc2: {  	s0 =	sor.u32 s3, s0;
	s1 =	sshll.u32 s1, $0x11  }
0xc3: {  	s0 =	sor.u32 s1, s0  }
0xc4: {  	s0 =	sadd.s32 $0x8F2B, s0  }
0xc5: {  	[sflag:s0] =	ssyncadd.remote.s32 $0x1  }
0xc6: {  	_ =	sfence.sel $0xFFFF  }
0xc7: {  	[dreg:$0x0] =	wrdreg $0xFFFFFFFF;
	(pc) =	sbr.abs _section_cstart, $3  }
0xc8: {  	[dreg:$0x1] =	wrdreg $0xFFFFFFFF  }
0xc9: {  	_ =	task.clear_ibuf [dreg:s8], $0x2FFFF;
	_ =	strace $0x9FFFFFFF  }
0xca: {  	(tm) =	ssettm $0x7FFFFFFF  }
0xcb: {  	_ =	shalt  }
tec
execute0_lowered:
.L_overlay_start_1:
0x0: {  	(tag) =	ssettag $0x1  }
0x1: {  	s0 =	rddreg [dreg:$0x0]  }
0x2: {  	s9 =	rddreg [dreg:$0x1];
	s2 =	srdreg.scid  }
0x3: {  	s3 =	rddreg [dreg:$0x3];
	s1 =	stileid.u32;
	s4 =	simm.s32 $0x0  }
0x4: {  	s15 =	simm.s32 $0x9;
	s16 =	simm.s32 $0x1;
	s17 =	simm.s32 $0x80  }
0x5: {  	s19 =	simm.s32 $0x300;
	s18 =	simm.s32 $0x400;
	s20 =	simm.s32 $0x4400  }
0x6: {  	s31 =	simm.s32 $0x380;
	s28 =	simm.s32 $0x0;
	s11 =	smul.u32 $0x50, s1  }
0x7: {  	s6 =	sand.u32 $0x1, s2;
	[smem:$0x7FF] =	sst s4;
	s13 =	smul.u32 $0x50000, s1  }
0x8: {  	s25 =	sshll.u32 s1, $0x6;
	s5 =	sshll.u32 s6, $0x4;
	s7 =	smul.u32 $0x28000, s6  }
0x9: {  	_ =	strace $0x8000004D;
	s10 =	smul.u32 $0x500, s6;
	[dreg:$0x7] =	wrdreg s19  }
0xa: {  	s21 =	ssub.s32 $0x2, s6;
	s19 =	simm.s32 $0x2;
	[dreg:$0x9] =	wrdreg s31  }
0xb: {  	s5 =	sor.u32 s1, s5;
	s12 =	sshrl.u32 s21, $0x1;
	s24 =	sshrl.u32 s13, $0x2  }
0xc: {  	s13 =	simm.s32 $0x200;
	s8 =	smul.u32 $0xA00, s5;
	s5 =	sadd.s32 $0x2C00, s0  }
0xd: {  	s0 =	sadd.s32 s7, s0;
	s12 =	ssub.s32 s21, s12;
	s10 =	sadd.s32 s11, s10  }
0xe: {  	s14 =	sadd.s32 s24, s3;
	s24 =	smul.u32 $0x2800, s1;
	s21 =	simm.s32 $0x5  }
0xf: {  	s10 =	sshll.u32 s10, $0x5;
	s0 =	sadd.s32 $0x2AC00, s0;
	s30 =	smax.u32 s12, $0x1  }
0x10: {  	s12 =	simm.s32 $0x100;
	s14 =	sshrl.u32 s14, $0x3;
	s6 =	sadd.s32 s9, s8  }
0x11: {  	s9 =	sadd.s32 s10, s9;
	[dreg:$0xc] =	wrdreg s30;
	s22 =	sadd.s32 $0x20, s6  }
0x12: {  	s10 =	sor.u32 $0x1C09, s25;
	s23 =	sadd.s32 $0x40, s6;
	[dreg:$0xa] =	wrdreg s22  }
0x13: {  	s24 =	sadd.s32 s24, s0;
	s26 =	sadd.s32 $0xC0, s9;
	[dreg:$0xb] =	wrdreg s23  }
0x14: {  	s25 =	simm.s32 $0x6;
	s29 =	sadd.s32 $0x80, s9;
	[dreg:$0x5] =	wrdreg s26  }
0x15: {  	[dreg:$0x6] =	wrdreg s29;
	s23 =	simm.s32 $0x180;
	s22 =	simm.s32 $0x7  }
0x16: {  	s26 =	simm.s32 $0x8;
	[dreg:$0x8] =	wrdreg s23;
	s23 =	simm.s32 $0x3  }
.LBB2_1:
0x17: {  	[tilespmem:s4], [sflag:$0x1] =	stream.linear.gather [hbm4b:s6+s4], $0x100, $0x38;
	[tilespmem:$0x1C400] =	vst v63  }
0x18: {  	s0 =	rddreg [dreg:$0xa]  }
0x19: {  	s7 =	rddreg [dreg:$0xb]  }
0x1a: {  	[tilespmem:s12], [sflag:$0x2] =	stream.linear.gather [hbm4b:s0+s4], $0x100, $0x38;
	[tilespmem:$0x1C400] =	vst v63  }
0x1b: {  	s8 =	rddreg [dreg:$0x2]  }
0x1c: {  	[tilespmem:s13], [sflag:$0x3] =	stream.linear.gather [hbm4b:s7+s4], $0x100, $0x38;
	[tilespmem:$0x1C400] =	vst v63  }
0x1d: {  	[spmem:s14], [sflag:s10] =	dma.local [hbm:s8], $0x2800  }
0x1e: {  	_ =	swait.ge [sflag:s15], $0x2800  }
0x1f: {  	[sflag:s15] =	ssyncset.done $0x0  }
0x20: {  	[sflag:s15] =	ssyncadd.s32 $0xFFFFD800  }
0x21: {  	_ =	swait.ge [sflag:s16], $0x100  }
0x22: {  	p0 =	por $0x1, $0x1;
	[sflag:s16] =	ssyncset.done $0x0  }
0x23: {  	p0 =	por p0, p0;
	[sflag:s16] =	ssyncadd.s32 $0xFFFFFF00  }
0x24: {  	[tilespmem:s18], [sflag:$0x5] =	stream.indirect.gather [hbm4b:s5+s17], $0x80, s4, s17, $0xb8;
	[tilespmem:$0x1C400] =	vst v63  }
0x25: {  	s0 =	simm.s32 @!p0 $0x8;
	[bflag:$0x0] =	sbarrier.arrive $0xFFFF  }
0x26: {  	_ =	swait.ge @!p0 [sflag:s0], $0x4000  }
0x27: {  	s30 =	sadd.s32 $0x0, s9;
	[sflag:s0] =	ssyncset.done @!p0 $0x0  }
0x28: {  	s11 =	sadd.s32 $0x60, s30;
	s29 =	rddreg [dreg:$0x7];
	[sflag:s0] =	ssyncadd.s32 @!p0 $0xFFFFC000  }
0x29: {  	[tilespmem:s29], [sflag:$0x4] =	stream.linear.gather [hbm4b:s11+s4], $0x100, $0x38;
	[tilespmem:$0x1C400] =	vst v63  }
0x2a: {  	_ =	swait.ge [sflag:s19], $0x100  }
0x2b: {  	[sflag:s19] =	ssyncset.done $0x0  }
0x2c: {  	[sflag:s19] =	ssyncadd.s32 $0xFFFFFF00  }
0x2d: {  	[tilespmem:s20], [sflag:$0x6] =	stream.indirect.gather [hbm4b:s5+s17], $0x80, s12, s17, $0xb8;
	[tilespmem:$0x1C400] =	vst v63  }
0x2e: {  	_ =	swait.ge [sflag:s21], $0x4000  }
0x2f: {  	[sflag:s21] =	ssyncset.done $0x0  }
0x30: {  	[sflag:s21] =	ssyncadd.s32 $0xFFFFC000  }
0x31: {  	[spmem:s3] =	stream.indirect.scatter.add.f32 [tilespmem:s18], [sflag:$0x7], $0x80, s17, s17, $0xb8;
	[tilespmem:$0x1C400] =	vst v63  }
0x32: {  	_ =	swait.ge [sflag:s22], $0x4000  }
0x33: {  	p0 =	por $0x0, $0x0;
	s0 =	rddreg [dreg:$0x6];
	[sflag:s22] =	ssyncset.done $0x0  }
0x34: {  	s29 =	simm.s32 @!p0 $0x0;
	[sflag:s22] =	ssyncadd.s32 $0xFFFFC000;
	s0 =	sadd.s32 @!p0 $0x0, s0  }
0x35: {  	[tilespmem:s29], [sflag:$0x1] =	stream.linear.gather @!p0 [hbm4b:s0+s29], $0x100, $0x38;
	[tilespmem:$0x1C400] =	vst v63  }
0x36: {  	_ =	swait.ge [sflag:s23], $0x100  }
0x37: {  	[sflag:s23] =	ssyncset.done $0x0  }
0x38: {  	[sflag:s23] =	ssyncadd.s32 $0xFFFFFF00  }
0x39: {  	[tilespmem:s18], [sflag:$0x5] =	stream.indirect.gather [hbm4b:s5+s17], $0x80, s13, s17, $0xb8;
	[tilespmem:$0x1C400] =	vst v63  }
0x3a: {  	_ =	swait.ge [sflag:s25], $0x4000  }
0x3b: {  	[sflag:s25] =	ssyncset.done $0x0  }
0x3c: {  	s31 =	rddreg [dreg:$0x8];
	[sflag:s25] =	ssyncadd.s32 $0xFFFFC000  }
0x3d: {  	[spmem:s3] =	stream.indirect.scatter.add.f32 [tilespmem:s20], [sflag:$0x8], $0x80, s31, s17, $0xb8;
	[tilespmem:$0x1C400] =	vst v63  }
0x3e: {  	_ =	swait.ge [sflag:s26], $0x4000  }
0x3f: {  	[sflag:s26] =	ssyncset.done $0x0  }
0x40: {  	s0 =	simm.s32 @p0 $0x4;
	[sflag:s26] =	ssyncadd.s32 $0xFFFFC000  }
0x41: {  	_ =	swait.ge @p0 [sflag:s0], $0x100  }
0x42: {  	s30 =	simm.s32 @p0 $0x4400;
	s2 =	simm.s32 @p0 $0x300;
	[sflag:s0] =	ssyncset.done @p0 $0x0  }
0x43: {  	s31 =	simm.s32 @p0 $0x5;
	[sflag:s0] =	ssyncadd.s32 @p0 $0xFFFFFF00;
	s0 =	simm.s32 @p0 $0x80  }
0x44: {  	[tilespmem:s30], [sflag:$0x6] =	stream.indirect.gather @p0 [hbm4b:s5+s0], $0x80, s2, s0, $0xb8;
	[tilespmem:$0x1C400] =	vst v63  }
0x45: {  	_ =	swait.ge @p0 [sflag:s31], $0x4000  }
0x46: {  	s2 =	sadd.s32 @!p0 $0x0, s9;
	[sflag:s31] =	ssyncset.done @p0 $0x0  }
0x47: {  	s30 =	simm.s32 @p0 $0x280;
	[sflag:s31] =	ssyncadd.s32 @p0 $0xFFFFC000;
	s31 =	simm.s32 @p0 $0x400  }
0x48: {  	[spmem:s3] =	stream.indirect.scatter.add.f32 @p0 [tilespmem:s31], [sflag:$0x7], $0x80, s30, s0, $0xb8;
	[tilespmem:$0x1C400] =	vst v63  }
0x49: {  	s0 =	sadd.s32 @!p0 $0xA0, s2;
	s2 =	simm.s32 @!p0 $0x100;
	s30 =	simm.s32 @!p0 $0x4  }
0x4a: {  	[tilespmem:s2], [sflag:$0x2] =	stream.linear.gather @!p0 [hbm4b:s0+s29], $0x100, $0x38;
	[tilespmem:$0x1C400] =	vst v63  }
0x4b: {  	_ =	swait.ge @!p0 [sflag:s30], $0x100  }
0x4c: {  	s31 =	simm.s32 @!p0 $0x300;
	s0 =	simm.s32 @!p0 $0x4400;
	[sflag:s30] =	ssyncset.done @!p0 $0x0  }
0x4d: {  	s2 =	simm.s32 @!p0 $0x5;
	[sflag:s30] =	ssyncadd.s32 @!p0 $0xFFFFFF00;
	s30 =	simm.s32 @!p0 $0x80  }
0x4e: {  	[tilespmem:s0], [sflag:$0x6] =	stream.indirect.gather @!p0 [hbm4b:s5+s30], $0x80, s31, s30, $0xb8;
	[tilespmem:$0x1C400] =	vst v63  }
0x4f: {  	_ =	swait.ge @!p0 [sflag:s2], $0x4000  }
0x50: {  	s0 =	simm.s32 @!p0 $0x7;
	[sflag:s2] =	ssyncset.done @!p0 $0x0  }
0x51: {  	s31 =	simm.s32 @!p0 $0x400;
	[sflag:s2] =	ssyncadd.s32 @!p0 $0xFFFFC000;
	s2 =	simm.s32 @!p0 $0x280  }
0x52: {  	[spmem:s3] =	stream.indirect.scatter.add.f32 @!p0 [tilespmem:s31], [sflag:$0x7], $0x80, s2, s30, $0xb8;
	[tilespmem:$0x1C400] =	vst v63  }
0x53: {  	_ =	swait.ge @!p0 [sflag:s0], $0x4000  }
0x54: {  	s2 =	rddreg [dreg:$0x5];
	[sflag:s0] =	ssyncset.done @!p0 $0x0  }
0x55: {  	[sflag:s0] =	ssyncadd.s32 @!p0 $0xFFFFC000;
	s0 =	sadd.s32 @!p0 $0x0, s2;
	s2 =	simm.s32 @!p0 $0x200  }
0x56: {  	[tilespmem:s2], [sflag:$0x3] =	stream.linear.gather @!p0 [hbm4b:s0+s29], $0x100, $0x38;
	[tilespmem:$0x1C400] =	vst v63  }
0x57: {  	s0 =	simm.s32 @!p0 $0x1  }
0x58: {  	_ =	swait.ge @!p0 [sflag:s0], $0x100  }
0x59: {  	[sflag:s0] =	ssyncset.done @!p0 $0x0  }
0x5a: {  	[sflag:s0] =	ssyncadd.s32 @!p0 $0xFFFFFF00  }
0x5b: {  	[tilespmem:s31], [sflag:$0x5] =	stream.indirect.gather @!p0 [hbm4b:s5+s30], $0x80, s29, s30, $0xb8;
	[tilespmem:$0x1C400] =	vst v63  }
0x5c: {  	p6 =	por $0x0, $0x0;
	_ =	swait.ge [sflag:s25], $0x4000  }
0x5d: {  	s29 =	simm.s32 $0x80;
	s30 =	simm.s32 $0x100;
	[sflag:s25] =	ssyncset.done $0x0  }
0x5e: {  	p0 =	por p6, p6;
	s0 =	rddreg [dreg:$0x9];
	[sflag:s25] =	ssyncadd.s32 $0xFFFFC000  }
.LBB2_2:
0x5f: {  	[spmem:s3] =	stream.indirect.scatter.add.f32 [tilespmem:s20], [sflag:$0x8], $0x80, s0, s17, $0xb8;
	[tilespmem:$0x1C400] =	vst v63  }
0x60: {  	s0 =	simm.s32 @!p0 $0x8  }
0x61: {  	_ =	swait.ge @!p0 [sflag:s0], $0x4000  }
0x62: {  	s11 =	sadd.s32 s29, s9;
	[sflag:s0] =	ssyncset.done @!p0 $0x0  }
0x63: {  	s2 =	rddreg [dreg:$0x7];
	[sflag:s0] =	ssyncadd.s32 @!p0 $0xFFFFC000;
	s0 =	sadd.s32 $0x60, s11  }
0x64: {  	[tilespmem:s2], [sflag:$0x4] =	stream.linear.gather [hbm4b:s0+s4], $0x100, $0x38;
	[tilespmem:$0x1C400] =	vst v63  }
0x65: {  	_ =	swait.ge [sflag:s19], $0x100  }
0x66: {  	[sflag:s19] =	ssyncset.done $0x0  }
0x67: {  	[sflag:s19] =	ssyncadd.s32 $0xFFFFFF00  }
0x68: {  	[tilespmem:s20], [sflag:$0x6] =	stream.indirect.gather [hbm4b:s5+s17], $0x80, s12, s17, $0xb8;
	[tilespmem:$0x1C400] =	vst v63  }
0x69: {  	_ =	swait.ge [sflag:s21], $0x4000  }
0x6a: {  	s31 =	smov.u32 s30;
	[sflag:s21] =	ssyncset.done $0x0  }
0x6b: {  	p2 =	seq.s32 s31, $0x0;
	[sflag:s21] =	ssyncadd.s32 $0xFFFFC000  }
0x6c: {  	[spmem:s3] =	stream.indirect.scatter.add.f32 [tilespmem:s18], [sflag:$0x7], $0x80, s17, s17, $0xb8;
	[tilespmem:$0x1C400] =	vst v63  }
0x6d: {  	p0 =	por p2, p2;
	_ =	swait.ge [sflag:s22], $0x4000  }
0x6e: {  	p2 =	seq.s32 s29, $0x980;
	s0 =	rddreg [dreg:$0x6];
	[sflag:s22] =	ssyncset.done $0x0  }
0x6f: {  	[sflag:s22] =	ssyncadd.s32 $0xFFFFC000;
	s2 =	sadd.s32 @!p2 s29, s0;
	s0 =	simm.s32 @!p2 $0x0  }
0x70: {  	[tilespmem:s0], [sflag:$0x1] =	stream.linear.gather @!p2 [hbm4b:s2+s0], $0x100, $0x38;
	[tilespmem:$0x1C400] =	vst v63  }
0x71: {  	_ =	swait.ge [sflag:s23], $0x100  }
0x72: {  	[sflag:s23] =	ssyncset.done $0x0  }
0x73: {  	[sflag:s23] =	ssyncadd.s32 $0xFFFFFF00  }
0x74: {  	[tilespmem:s18], [sflag:$0x5] =	stream.indirect.gather [hbm4b:s5+s17], $0x80, s13, s17, $0xb8;
	[tilespmem:$0x1C400] =	vst v63  }
0x75: {  	_ =	swait.ge [sflag:s25], $0x4000  }
0x76: {  	[sflag:s25] =	ssyncset.done $0x0  }
0x77: {  	s1 =	rddreg [dreg:$0x8];
	[sflag:s25] =	ssyncadd.s32 $0xFFFFC000  }
0x78: {  	[spmem:s3] =	stream.indirect.scatter.add.f32 [tilespmem:s20], [sflag:$0x8], $0x80, s1, s17, $0xb8;
	[tilespmem:$0x1C400] =	vst v63  }
0x79: {  	_ =	swait.ge [sflag:s26], $0x4000  }
0x7a: {  	[sflag:s26] =	ssyncset.done $0x0  }
0x7b: {  	s1 =	simm.s32 @p2 $0x4;
	[sflag:s26] =	ssyncadd.s32 $0xFFFFC000  }
0x7c: {  	_ =	swait.ge @p2 [sflag:s1], $0x100  }
0x7d: {  	s7 =	simm.s32 @p2 $0x4400;
	s8 =	simm.s32 @p2 $0x5;
	[sflag:s1] =	ssyncset.done @p2 $0x0  }
0x7e: {  	s11 =	simm.s32 @p2 $0x300;
	[sflag:s1] =	ssyncadd.s32 @p2 $0xFFFFFF00;
	s1 =	simm.s32 @p2 $0x80  }
0x7f: {  	[tilespmem:s7], [sflag:$0x6] =	stream.indirect.gather @p2 [hbm4b:s5+s1], $0x80, s11, s1, $0xb8;
	[tilespmem:$0x1C400] =	vst v63  }
0x80: {  	_ =	swait.ge @p2 [sflag:s8], $0x4000  }
0x81: {  	s2 =	sadd.s32 @!p2 s29, s9;
	[sflag:s8] =	ssyncset.done @p2 $0x0  }
0x82: {  	s7 =	simm.s32 @p2 $0x280;
	[sflag:s8] =	ssyncadd.s32 @p2 $0xFFFFC000;
	s8 =	simm.s32 @p2 $0x400  }
0x83: {  	[spmem:s3] =	stream.indirect.scatter.add.f32 @p2 [tilespmem:s8], [sflag:$0x7], $0x80, s7, s1, $0xb8;
	[tilespmem:$0x1C400] =	vst v63  }
0x84: {  	s2 =	sadd.s32 @!p2 $0xA0, s2;
	s1 =	simm.s32 @!p2 $0x100;
	s7 =	simm.s32 @!p2 $0x4  }
0x85: {  	[tilespmem:s1], [sflag:$0x2] =	stream.linear.gather @!p2 [hbm4b:s2+s0], $0x100, $0x38;
	[tilespmem:$0x1C400] =	vst v63  }
0x86: {  	_ =	swait.ge @!p2 [sflag:s7], $0x100  }
0x87: {  	s8 =	simm.s32 @!p2 $0x300;
	s1 =	simm.s32 @!p2 $0x4400;
	[sflag:s7] =	ssyncset.done @!p2 $0x0  }
0x88: {  	s2 =	simm.s32 @!p2 $0x5;
	[sflag:s7] =	ssyncadd.s32 @!p2 $0xFFFFFF00;
	s7 =	simm.s32 @!p2 $0x80  }
0x89: {  	[tilespmem:s1], [sflag:$0x6] =	stream.indirect.gather @!p2 [hbm4b:s5+s7], $0x80, s8, s7, $0xb8;
	[tilespmem:$0x1C400] =	vst v63  }
0x8a: {  	_ =	swait.ge @!p2 [sflag:s2], $0x4000  }
0x8b: {  	s1 =	simm.s32 @!p2 $0x7;
	[sflag:s2] =	ssyncset.done @!p2 $0x0  }
0x8c: {  	s8 =	simm.s32 @!p2 $0x400;
	[sflag:s2] =	ssyncadd.s32 @!p2 $0xFFFFC000;
	s2 =	simm.s32 @!p2 $0x280  }
0x8d: {  	[spmem:s3] =	stream.indirect.scatter.add.f32 @!p2 [tilespmem:s8], [sflag:$0x7], $0x80, s2, s7, $0xb8;
	[tilespmem:$0x1C400] =	vst v63  }
0x8e: {  	_ =	swait.ge @!p2 [sflag:s1], $0x4000  }
0x8f: {  	s11 =	simm.s32 @!p2 $0x1;
	s2 =	rddreg [dreg:$0x5];
	[sflag:s1] =	ssyncset.done @!p2 $0x0  }
0x90: {  	[sflag:s1] =	ssyncadd.s32 @!p2 $0xFFFFC000;
	s1 =	sadd.s32 @!p2 s29, s2;
	s2 =	simm.s32 @!p2 $0x200  }
0x91: {  	[tilespmem:s2], [sflag:$0x3] =	stream.linear.gather @!p2 [hbm4b:s1+s0], $0x100, $0x38;
	[tilespmem:$0x1C400] =	vst v63  }
0x92: {  	s30 =	sadd.s32 $0x80, s30;
	_ =	swait.ge @!p2 [sflag:s11], $0x100  }
0x93: {  	p1 =	sne.s32 s30, $0xA00;
	[sflag:s11] =	ssyncset.done @!p2 $0x0  }
.Ltmp0:
0x94: {  	[sflag:s11] =	ssyncadd.s32 @!p2 $0xFFFFFF00;
	(pc) =	sbr.rel @p1 .LBB2_2-.Ltmp0, $4  }
0x95: {  	[tilespmem:s8], [sflag:$0x5] =	stream.indirect.gather @!p2 [hbm4b:s5+s7], $0x80, s0, s7, $0xb8;
	[tilespmem:$0x1C400] =	vst v63  }
0x96: {  	_ =	swait.ge [sflag:s25], $0x4000  }
0x97: {  	[sflag:s25] =	ssyncset.done $0x0  }
0x98: {  	s29 =	smov.u32 s31;
	s0 =	rddreg [dreg:$0x9];
	[sflag:s25] =	ssyncadd.s32 $0xFFFFC000  }
0x99: {  	[spmem:s3] =	stream.indirect.scatter.add.f32 [tilespmem:s20], [sflag:$0x8], $0x80, s0, s17, $0xb8;
	[tilespmem:$0x1C400] =	vst v63  }
0x9a: {  	s0 =	simm.s32 @!p0 $0x8  }
0x9b: {  	_ =	swait.ge @!p0 [sflag:s0], $0x4000  }
0x9c: {  	s2 =	sadd.s32 s29, s9;
	[sflag:s0] =	ssyncset.done @!p0 $0x0  }
0x9d: {  	s8 =	sadd.s32 $0x60, s2;
	s1 =	rddreg [dreg:$0x7];
	[sflag:s0] =	ssyncadd.s32 @!p0 $0xFFFFC000  }
0x9e: {  	[tilespmem:s1], [sflag:$0x4] =	stream.linear.gather [hbm4b:s8+s4], $0x100, $0x38;
	[tilespmem:$0x1C400] =	vst v63  }
0x9f: {  	_ =	swait.ge [sflag:s19], $0x100  }
0xa0: {  	[sflag:s19] =	ssyncset.done $0x0  }
0xa1: {  	[sflag:s19] =	ssyncadd.s32 $0xFFFFFF00  }
0xa2: {  	[tilespmem:s20], [sflag:$0x6] =	stream.indirect.gather [hbm4b:s5+s17], $0x80, s12, s17, $0xb8;
	[tilespmem:$0x1C400] =	vst v63  }
0xa3: {  	_ =	swait.ge [sflag:s21], $0x4000  }
0xa4: {  	[sflag:s21] =	ssyncset.done $0x0  }
0xa5: {  	[sflag:s21] =	ssyncadd.s32 $0xFFFFC000  }
0xa6: {  	[spmem:s3] =	stream.indirect.scatter.add.f32 [tilespmem:s18], [sflag:$0x7], $0x80, s17, s17, $0xb8;
	[tilespmem:$0x1C400] =	vst v63  }
0xa7: {  	_ =	swait.ge [sflag:s22], $0x4000  }
0xa8: {  	p0 =	seq.s32 s29, $0x980;
	s0 =	rddreg [dreg:$0x6];
	[sflag:s22] =	ssyncset.done $0x0  }
0xa9: {  	s1 =	simm.s32 @!p0 $0x0;
	[sflag:s22] =	ssyncadd.s32 $0xFFFFC000;
	s0 =	sadd.s32 @!p0 s29, s0  }
0xaa: {  	[tilespmem:s1], [sflag:$0x1] =	stream.linear.gather @!p0 [hbm4b:s0+s1], $0x100, $0x38;
	[tilespmem:$0x1C400] =	vst v63  }
0xab: {  	_ =	swait.ge [sflag:s23], $0x100  }
0xac: {  	[sflag:s23] =	ssyncset.done $0x0  }
0xad: {  	[sflag:s23] =	ssyncadd.s32 $0xFFFFFF00  }
0xae: {  	[tilespmem:s18], [sflag:$0x5] =	stream.indirect.gather [hbm4b:s5+s17], $0x80, s13, s17, $0xb8;
	[tilespmem:$0x1C400] =	vst v63  }
0xaf: {  	_ =	swait.ge [sflag:s25], $0x4000  }
0xb0: {  	[sflag:s25] =	ssyncset.done $0x0  }
0xb1: {  	s11 =	rddreg [dreg:$0x8];
	[sflag:s25] =	ssyncadd.s32 $0xFFFFC000  }
0xb2: {  	[spmem:s3] =	stream.indirect.scatter.add.f32 [tilespmem:s20], [sflag:$0x8], $0x80, s11, s17, $0xb8;
	[tilespmem:$0x1C400] =	vst v63  }
0xb3: {  	_ =	swait.ge [sflag:s26], $0x4000  }
0xb4: {  	[sflag:s26] =	ssyncset.done $0x0  }
0xb5: {  	s0 =	simm.s32 @p0 $0x4;
	[sflag:s26] =	ssyncadd.s32 $0xFFFFC000  }
0xb6: {  	_ =	swait.ge @p0 [sflag:s0], $0x100  }
0xb7: {  	s2 =	simm.s32 @p0 $0x4400;
	s7 =	simm.s32 @p0 $0x5;
	[sflag:s0] =	ssyncset.done @p0 $0x0  }
0xb8: {  	s8 =	simm.s32 @p0 $0x300;
	[sflag:s0] =	ssyncadd.s32 @p0 $0xFFFFFF00;
	s0 =	simm.s32 @p0 $0x80  }
0xb9: {  	[tilespmem:s2], [sflag:$0x6] =	stream.indirect.gather @p0 [hbm4b:s5+s0], $0x80, s8, s0, $0xb8;
	[tilespmem:$0x1C400] =	vst v63  }
0xba: {  	_ =	swait.ge @p0 [sflag:s7], $0x4000  }
0xbb: {  	s2 =	sadd.s32 @!p0 s29, s9;
	[sflag:s7] =	ssyncset.done @p0 $0x0  }
0xbc: {  	s8 =	simm.s32 @p0 $0x400;
	[sflag:s7] =	ssyncadd.s32 @p0 $0xFFFFC000;
	s7 =	simm.s32 @p0 $0x280  }
0xbd: {  	[spmem:s3] =	stream.indirect.scatter.add.f32 @p0 [tilespmem:s8], [sflag:$0x7], $0x80, s7, s0, $0xb8;
	[tilespmem:$0x1C400] =	vst v63  }
0xbe: {  	s0 =	sadd.s32 @!p0 $0xA0, s2;
	s2 =	simm.s32 @!p0 $0x100;
	s7 =	simm.s32 @!p0 $0x4  }
0xbf: {  	[tilespmem:s2], [sflag:$0x2] =	stream.linear.gather @!p0 [hbm4b:s0+s1], $0x100, $0x38;
	[tilespmem:$0x1C400] =	vst v63  }
0xc0: {  	_ =	swait.ge @!p0 [sflag:s7], $0x100  }
0xc1: {  	s8 =	simm.s32 @!p0 $0x300;
	s0 =	simm.s32 @!p0 $0x4400;
	[sflag:s7] =	ssyncset.done @!p0 $0x0  }
0xc2: {  	s2 =	simm.s32 @!p0 $0x5;
	[sflag:s7] =	ssyncadd.s32 @!p0 $0xFFFFFF00;
	s7 =	simm.s32 @!p0 $0x80  }
0xc3: {  	[tilespmem:s0], [sflag:$0x6] =	stream.indirect.gather @!p0 [hbm4b:s5+s7], $0x80, s8, s7, $0xb8;
	[tilespmem:$0x1C400] =	vst v63  }
0xc4: {  	_ =	swait.ge @!p0 [sflag:s2], $0x4000  }
0xc5: {  	s0 =	simm.s32 @!p0 $0x7;
	[sflag:s2] =	ssyncset.done @!p0 $0x0  }
0xc6: {  	s8 =	simm.s32 @!p0 $0x400;
	[sflag:s2] =	ssyncadd.s32 @!p0 $0xFFFFC000;
	s2 =	simm.s32 @!p0 $0x280  }
0xc7: {  	[spmem:s3] =	stream.indirect.scatter.add.f32 @!p0 [tilespmem:s8], [sflag:$0x7], $0x80, s2, s7, $0xb8;
	[tilespmem:$0x1C400] =	vst v63  }
0xc8: {  	_ =	swait.ge @!p0 [sflag:s0], $0x4000  }
0xc9: {  	s2 =	rddreg [dreg:$0x5];
	[sflag:s0] =	ssyncset.done @!p0 $0x0  }
0xca: {  	[sflag:s0] =	ssyncadd.s32 @!p0 $0xFFFFC000;
	s0 =	sadd.s32 @!p0 s29, s2;
	s2 =	simm.s32 @!p0 $0x200  }
0xcb: {  	[tilespmem:s2], [sflag:$0x3] =	stream.linear.gather @!p0 [hbm4b:s0+s1], $0x100, $0x38;
	[tilespmem:$0x1C400] =	vst v63  }
0xcc: {  	s0 =	simm.s32 @!p0 $0x1  }
0xcd: {  	_ =	swait.ge @!p0 [sflag:s0], $0x100  }
0xce: {  	[sflag:s0] =	ssyncset.done @!p0 $0x0  }
0xcf: {  	[sflag:s0] =	ssyncadd.s32 @!p0 $0xFFFFFF00  }
0xd0: {  	[tilespmem:s8], [sflag:$0x5] =	stream.indirect.gather @!p0 [hbm4b:s5+s7], $0x80, s1, s7, $0xb8;
	[tilespmem:$0x1C400] =	vst v63  }
0xd1: {  	_ =	swait.ge [sflag:s25], $0x4000  }
0xd2: {  	[sflag:s25] =	ssyncset.done $0x0  }
0xd3: {  	s30 =	rddreg [dreg:$0x9];
	[sflag:s25] =	ssyncadd.s32 $0xFFFFC000  }
0xd4: {  	[spmem:s3] =	stream.indirect.scatter.add.f32 [tilespmem:s20], [sflag:$0x8], $0x80, s30, s17, $0xb8;
	[tilespmem:$0x1C400] =	vst v63  }
0xd5: {  	_ =	swait.ge [sflag:s22], $0x4000  }
0xd6: {  	[sflag:s22] =	ssyncset.done $0x0  }
0xd7: {  	[sflag:s22] =	ssyncadd.s32 $0xFFFFC000  }
0xd8: {  	_ =	swait.ge [sflag:s26], $0x4000  }
0xd9: {  	[sflag:s26] =	ssyncset.done $0x0  }
0xda: {  	[sflag:s26] =	ssyncadd.s32 $0xFFFFC000  }
0xdb: {  	[bflag:$0x0] =	sbarrier.arrive $0xFFFF  }
0xdc: {  	[hbm:s24], [sflag:s10] =	dma.local [spmem:s14], $0x2800  }
0xdd: {  	_ =	swait.ge [sflag:s15], $0x2800  }
0xde: {  	s28 =	sadd.s32 $0x1, s28;
	s31 =	rddreg [dreg:$0xc]  }
0xdf: {  	p0 =	sne.s32 s28, s31  }
.Ltmp1:
0xe0: {  	_ = 	snop;
	(pc) =	sbr.rel @p0 .LBB2_1-.Ltmp1, $3  }
0xe1: {  	_ =	sdelay $0x1  }
0xe2: {  	[sflag:s15] =	ssyncset.done $0x0  }
0xe3: {  	[sflag:s15] =	ssyncadd.s32 $0xFFFFD800  }
0xe4: {  	_ =	sfence.sel $0x180000  }
0xe5: {  	[bflag:$0x0] =	sbarrier.arrive $0xFFFF  }
0xe6: {  	_ =	strace $0x9000004D  }
0xe7: {  	s0 =	stileid.u32;
	[bflag:$0x2] =	sbarrier.arrive $0xFFFF  }
0xe8: {  	p0 =	sne.s32 s0, $0x0;
	s0 =	rddreg [dreg:$0x4]  }
0xe9: {  	s0 =	sadd.s32 @!p0 $0x100000, s0  }
0xea: {  	[sflag:s0] =	ssyncadd.tile.s32 @!p0 $0x1;
	_ =	shalt  }
.Lfunc_end2:
_tile_overlayer_lowered:
.L_overlay_start_2:
0xeb: {  	(tag) =	ssettag $0x2  }
0xec: {  	s0 =	rddreg [dreg:$0x0];
	s2 =	stileid.u32  }
0xed: {  	s1 =	rddreg [dreg:$0x1];
	p0 =	sne.s32 s2, $0x0  }
0xee: {  	s3 =	rddreg [dreg:$0x2];
	[bflag:$0x3] =	sbarrier.arrive $0xFFFF;
	s2 =	simm.s32 @!p0 $0x1C09  }
0xef: {  	[timem:s3], [sflag:s2] =	dma.local @!p0 [hbm:s0], s1  }
0xf0: {  	s0 =	simm.s32 @!p0 $0x9  }
0xf1: {  	_ =	swait.ge @!p0 [sflag:s0], s1  }
0xf2: {  	s1 =	ssub.s32 @!p0 $0x0, s1;
	[sflag:s0] =	ssyncset.done @!p0 $0x0  }
0xf3: {  	[sflag:s0] =	ssyncadd.s32 @!p0 s1  }
0xf4: {  	[bflag:$0x3] =	sbarrier.arrive $0xFFFF  }
0xf5: {  	_ =	shalt  }

// kernel: kernel.8.cloned.1.call-start
scs
__scs_entry_jumppad:
0x0: {  	(pc) =	sbr.rel $0x88, $3  }
0x1: {  	(tag) =	ssettag $0x0;
	lr =	simm.s32 $0x1  }
0x2: {  	[smem:$0x3F99] =	sst lr;
	_ =	strace $0xD0000000  }
0x3: {  	_ = 	snop  }
0x4: {  	_ = 	snop  }
0x5: {  	_ = 	snop  }
0x6: {  	_ = 	snop  }
0x7: {  	_ = 	snop  }
__scs_overlays_trampoline_lowered:
0x8: {  	[smem:$0x3FA8] =	sst s0  }
0x9: {  	[smem:$0x3FA9] =	sst s1  }
0xa: {  	[smem:$0x3FAA] =	sst s2  }
0xb: {  	[smem:$0x3FAB] =	sst s3  }
0xc: {  	[smem:$0x3FAC] =	sst s4  }
0xd: {  	[smem:$0x3FAD] =	sst s5  }
0xe: {  	[smem:$0x3FAE] =	sst s6  }
0xf: {  	[smem:$0x3FAF] =	sst s7  }
0x10: {  	[smem:$0x3FB0] =	sst s8  }
0x11: {  	[smem:$0x3FB1] =	sst s9;
	s0 =	simm.s32 @!p0 $0x0  }
0x12: {  	s1 =	sld [smem:$0x3F97];
	s0 =	simm.s32 @p0 $0x1  }
0x13: {  	[smem:$0x3FB2] =	sst s0;
	s0 =	simm.s32 @!p1 $0x0  }
0x14: {  	s2 =	sld [smem:$0x3F96];
	s0 =	simm.s32 @p1 $0x1  }
0x15: {  	[smem:$0x3FB3] =	sst s0;
	s0 =	simm.s32 @!p2 $0x0  }
0x16: {  	s3 =	sld [smem:$0x3FDB];
	s0 =	simm.s32 @p2 $0x1  }
0x17: {  	s4 =	simm.s32 $0x1BF5;
	[smem:$0x3FB5] =	sst s0  }
0x18: {  	s0 =	sld [smem:$0x3F98];
	_ =	swait.ge [sflag:s4], $0x0  }
0x19: {  	s7 =	sld [smem:$0x3F99]  }
0x1a: {  	s8 =	sadd.s32 $0xFFFFE003, lr  }
0x1b: {  	s9 =	sadd.s32 $0xFFFFFEF7, lr;
	s5 =	simm.s32 $0xFFFFFFFF;
	p2 =	slt.u32 s8, $0xFFFFF086  }
0x1c: {  	p1 =	slt.u32 s9, $0xF7A;
	s5 =	simm.s32 @!p2 $0x0  }
0x1d: {  	s5 =	simm.s32 @p1 $0x1;
	p0 =	seq.s32 s7, s2  }
0x1e: {  	s7 =	smul.u32 @!p0 $0xF7A, s2;
	p2 =	seq.s32 @!p0 s5, $0x0  }
0x1f: {  	s9 =	smul.u32 $0xF7A, s1;
	s8 =	simm.s32 @!p0 $0x1BF5;
	p2 =	por !p2, p0  }
0x20: {  	[sflag:s8] =	ssyncset.s32 @!p0 $0xFFFFF086;
	s6 =	sadd.s32 @!p0 s3, s7;
	s7 =	simm.s32 @!p0 $0x108  }
0x21: {  	s3 =	sadd.s32 s3, s9;
	s6 =	sadd.s32 @!p0 $0x88, s6;
	s7 =	simm.s32 @p2 $0x1082  }
0x22: {  	[simem:s7], [sflag:s8] =	dma.local @!p0 [hbm:s6], $0xF7A  }
0x23: {  	s9 =	sor.u32 $0xD0000000, s2;
	s6 =	simm.s32 $0x108;
	_ =	swait.ge @!p0 [sflag:s8], $0x0  }
0x24: {  	s3 =	sadd.s32 $0x88, s3;
	s6 =	simm.s32 @!p1 $0x1082;
	[sflag:s4] =	ssyncset.s32 $0xFFFFF086  }
0x25: {  	[simem:s6], [sflag:s4] =	dma.local [hbm:s3], $0xF7A  }
0x26: {  	[smem:$0x3F99] =	sst s1;
	(tag) =	ssettag s2;
	_ =	strace s9  }
0x27: {  	s1 =	sld [smem:$0x3FA9]  }
0x28: {  	s2 =	sld [smem:$0x3FAA]  }
0x29: {  	s4 =	sld [smem:$0x3FAC]  }
0x2a: {  	p0 =	seq.s32 s5, $0x0;
	s5 =	sld [smem:$0x3FAD]  }
0x2b: {  	s6 =	sld [smem:$0x3FAE]  }
0x2c: {  	s7 =	sld [smem:$0x3FAF]  }
0x2d: {  	s3 =	simm.s32 $0x108;
	s8 =	sld [smem:$0x3FB0]  }
0x2e: {  	s3 =	simm.s32 @!p0 $0x1082;
	s9 =	sld [smem:$0x3FB1]  }
0x2f: {  	lr =	sadd.s32 s0, s3;
	s0 =	sld [smem:$0x3FA8]  }
0x30: {  	s3 =	sld [smem:$0x3FAB]  }
0x31: {  	[smem:$0x3FB4] =	sst s10  }
0x32: {  	s10 =	sld [smem:$0x3FB2];
	_ =	sdelay $0x3  }
0x33: {  	p0 =	seq.s32 s10, $0x1;
	s10 =	sld [smem:$0x3FB4];
	_ =	sdelay $0x3  }
0x34: {  	[smem:$0x3FB4] =	sst s10  }
0x35: {  	s10 =	sld [smem:$0x3FB3];
	_ =	sdelay $0x3  }
0x36: {  	p1 =	seq.s32 s10, $0x1;
	s10 =	sld [smem:$0x3FB4];
	_ =	sdelay $0x3  }
0x37: {  	[smem:$0x3FB4] =	sst s10  }
0x38: {  	s10 =	sld [smem:$0x3FB5]  }
0x39: {  	_ = 	snop;
	(pc) =	sbr.ind lr, $3  }
0x3a: {  	_ = 	snop  }
0x3b: {  	_ = 	snop  }
0x3c: {  	p2 =	seq.s32 s10, $0x1;
	s10 =	sld [smem:$0x3FB4]  }
0x3d: {  	_ =	shalt  }
0x3e: {  	_ =	shalt  }
0x3f: {  	_ =	shalt  }
0x40: {  	_ =	shalt  }
0x41: {  	_ =	shalt  }
0x42: {  	_ =	shalt  }
0x43: {  	_ =	shalt  }
0x44: {  	_ =	shalt  }
0x45: {  	_ =	shalt  }
0x46: {  	_ =	shalt  }
0x47: {  	_ =	shalt  }
0x48: {  	_ =	shalt  }
0x49: {  	_ =	shalt  }
0x4a: {  	_ =	shalt  }
0x4b: {  	_ =	shalt  }
0x4c: {  	_ =	shalt  }
0x4d: {  	_ =	shalt  }
0x4e: {  	_ =	shalt  }
0x4f: {  	_ =	shalt  }
0x50: {  	_ =	shalt  }
0x51: {  	_ =	shalt  }
0x52: {  	_ =	shalt  }
0x53: {  	_ =	shalt  }
0x54: {  	_ =	shalt  }
0x55: {  	_ =	shalt  }
0x56: {  	_ =	shalt  }
0x57: {  	_ =	shalt  }
0x58: {  	_ =	shalt  }
0x59: {  	_ =	shalt  }
0x5a: {  	_ =	shalt  }
0x5b: {  	_ =	shalt  }
0x5c: {  	_ =	shalt  }
0x5d: {  	_ =	shalt  }
0x5e: {  	_ =	shalt  }
0x5f: {  	_ =	shalt  }
0x60: {  	_ =	shalt  }
0x61: {  	_ =	shalt  }
0x62: {  	_ =	shalt  }
0x63: {  	_ =	shalt  }
0x64: {  	_ =	shalt  }
0x65: {  	_ =	shalt  }
0x66: {  	_ =	shalt  }
0x67: {  	_ =	shalt  }
0x68: {  	_ =	shalt  }
0x69: {  	_ =	shalt  }
0x6a: {  	_ =	shalt  }
0x6b: {  	_ =	shalt  }
0x6c: {  	_ =	shalt  }
0x6d: {  	_ =	shalt  }
0x6e: {  	_ =	shalt  }
0x6f: {  	_ =	shalt  }
0x70: {  	_ =	shalt  }
0x71: {  	_ =	shalt  }
0x72: {  	_ =	shalt  }
0x73: {  	_ =	shalt  }
0x74: {  	_ =	shalt  }
0x75: {  	_ =	shalt  }
0x76: {  	_ =	shalt  }
0x77: {  	_ =	shalt  }
0x78: {  	_ =	shalt  }
0x79: {  	_ =	shalt  }
0x7a: {  	_ =	shalt  }
0x7b: {  	_ =	shalt  }
0x7c: {  	_ =	shalt  }
0x7d: {  	_ =	shalt  }
0x7e: {  	_ =	shalt  }
0x7f: {  	_ =	shalt  }
0x80: {  	_ =	shalt  }
0x81: {  	_ =	shalt  }
0x82: {  	_ =	shalt  }
0x83: {  	_ =	shalt  }
0x84: {  	_ =	shalt  }
0x85: {  	_ =	shalt  }
0x86: {  	_ =	shalt  }
0x87: {  	_ =	shalt  }
.Lfunc_end0:
.L_simem_size_0:
called_computation_lowered:
.L_overlay_start_0:
0x88: {  	s2 =	sld [smem:$0x3FD9]  }
0x89: {  	s3 =	sld [smem:$0x3FFE];
	_ =	sdelay $0x1  }
0x8a: {  	s1 =	srdreg.scid  }
0x8b: {  	s0 =	sand.u32 $0x1, s1  }
0x8c: {  	s14 =	sshll.u32 s0, $0xA;
	s2 =	sadd.s32 s3, s2  }
0x8d: {  	s2 =	sadd.s32 s2, s14  }
0x8e: {  	[smem:$0x3FC0] =	sst s2  }
0x8f: {  	_ = 	snop  }
0x90: {  	s2 =	sld [smem:$0x3FD0];
	_ =	sdelay $0x2  }
0x91: {  	s15 =	simm.s32 $0xA;
	s4 =	simm.s32 $0x10  }
0x92: {  	[smem:s4], [sflag:s15] =	dma.local [hbm:s2], $0x1  }
0x93: {  	_ =	swait.eq [sflag:s15], $0x1  }
0x94: {  	[sflag:s15] =	ssyncset.done $0x0  }
0x95: {  	s16 =	sld [smem:$0x10];
	[sflag:s15] =	ssyncadd.s32 $0xFFFFFFFF  }
0x96: {  	s17 =	sld [smem:$0x11];
	(tm) =	ssettm $0x1  }
0x97: {  	s18 =	sld [smem:$0x3FFB];
	_ =	sdelay $0x3  }
0x98: {  	_ =	strace s18  }
0x99: {  	s4 =	sld [smem:$0x3FFC];
	_ =	sdelay $0x3  }
0x9a: {  	_ =	strace s4  }
0x9b: {  	s4 =	sld [smem:$0x3FFD];
	_ =	sdelay $0x3  }
0x9c: {  	_ =	strace s4  }
0x9d: {  	_ =	strace $0x8FFFFFFF  }
0x9e: {  	s19 =	sld [smem:$0x3FDB];
	_ =	sdelay $0x1  }
0x9f: {  	s5 =	simm.s32 $_scs_section_size  }
0xa0: {  	s6 =	simm.s32 $_size__tile_overlayer_lowered;
	s7 =	simm.s32 $_tile_overlayer_lowered  }
0xa1: {  	s22 =	simm.s32 $0x1BFF;
	s21 =	sshll.u32 s7, $0x1;
	s4 =	sadd.s32 s5, s19  }
0xa2: {  	s8 =	simm.s32 $0x0;
	s20 =	sshll.u32 s6, $0x1;
	s6 =	sadd.s32 s21, s4  }
0xa3: {  	[timem:s8], [sflag:s22] =	dma.local [hbm:s6], s20  }
0xa4: {  	_ =	swait.ge [sflag:s22], s20  }
0xa5: {  	s5 =	ssub.s32 $0x0, s20;
	[sflag:s22] =	ssyncset.done $0x0  }
0xa6: {  	[sflag:s22] =	ssyncadd.s32 s5;
	_ =	sdelay $0x1  }
0xa7: {  	s23 =	simm.s32 $0x1B8B  }
0xa8: {  	_ =	swait.ge [sflag:s23], $0x1  }
0xa9: {  	[sflag:s23] =	ssyncset.done $0x0  }
0xaa: {  	s25 =	simm.s32 $0x1B8E;
	s24 =	sld [smem:$0x3FFE];
	[sflag:s23] =	ssyncadd.s32 $0xFFFFFFFF  }
0xab: {  	s26 =	simm.s32 $execute0_lowered;
	[smem:$0x3FD2] =	sst s25  }
0xac: {  	s6 =	sshll.u32 s26, $0x1;
	_ =	strace $0x80000046;
	[dreg:$0x1] =	wrdreg $0xFFFFFFFF  }
0xad: {  	s28 =	simm.s32 $_size_execute0_lowered;
	s4 =	sadd.s32 s4, s6;
	[dreg:$0x0] =	wrdreg $0x0  }
0xae: {  	s6 =	sshll.u32 s28, $0x1;
	[dreg:$0x2] =	wrdreg s4  }
0xaf: {  	[dreg:$0x3] =	wrdreg s6  }
0xb0: {  	[dreg:$0x4] =	wrdreg $0xC0  }
0xb1: {  	_ =	task [dreg:s8], $0x5FFFF  }
0xb2: {  	[dreg:$0x1] =	wrdreg $0xFFFFFFFF  }
0xb3: {  	[dreg:$0x0] =	wrdreg $0x60  }
0xb4: {  	[dreg:$0x2] =	wrdreg s17  }
0xb5: {  	[dreg:$0x3] =	wrdreg s16  }
0xb6: {  	[dreg:$0x4] =	wrdreg s24  }
0xb7: {  	[dreg:$0x5] =	wrdreg $0x44000  }
0xb8: {  	[dreg:$0x6] =	wrdreg $0x9  }
0xb9: {  	_ =	task.clear_ibuf [dreg:s8], $0x7FFFF;
	_ =	strace $0x90000046  }
0xba: {  	s29 =	simm.s32 $0x9;
	_ =	strace $0x80000048  }
0xbb: {  	_ =	swait.ge [sflag:s29], $0x1  }
0xbc: {  	[sflag:s29] =	ssyncadd.s32 $0xFFFFFFFF  }
0xbd: {  	_ =	strace $0x90000048  }
0xbe: {  	_ =	sfence  }
0xbf: {  	s30 =	sld [smem:$0x0];
	_ =	sdelay $0x2  }
0xc0: {  	s31 =	sshll.u32 s1, $0xD;
	s1 =	sshrl.u32 s1, $0x2  }
0xc1: {  	s3 =	sand.u32 $0x4000, s31;
	s1 =	sadd.s32 s1, s30  }
0xc2: {  	s0 =	sor.u32 s3, s0;
	s1 =	sshll.u32 s1, $0x11  }
0xc3: {  	s0 =	sor.u32 s1, s0  }
0xc4: {  	s0 =	sadd.s32 $0x8F2B, s0  }
0xc5: {  	[sflag:s0] =	ssyncadd.remote.s32 $0x1  }
0xc6: {  	_ =	sfence.sel $0xFFFF  }
0xc7: {  	[dreg:$0x0] =	wrdreg $0xFFFFFFFF;
	(pc) =	sbr.abs _section_cstart, $3  }
0xc8: {  	[dreg:$0x1] =	wrdreg $0xFFFFFFFF  }
0xc9: {  	_ =	task.clear_ibuf [dreg:s8], $0x2FFFF;
	_ =	strace $0x9FFFFFFF  }
0xca: {  	(tm) =	ssettm $0x7FFFFFFF  }
0xcb: {  	_ =	shalt  }
tec
execute0_lowered:
.L_overlay_start_1:
0x0: {  	(tag) =	ssettag $0x1  }
0x1: {  	s0 =	rddreg [dreg:$0x0]  }
0x2: {  	s1 =	srdreg.scid;
	s2 =	rddreg [dreg:$0x2]  }
0x3: {  	s13 =	stileid.u32;
	s3 =	rddreg [dreg:$0x3];
	s15 =	simm.s32 $0x400  }
0x4: {  	s16 =	simm.s32 $0x9;
	s26 =	simm.s32 $0x300;
	s28 =	simm.s32 $0x6  }
0x5: {  	s29 =	simm.s32 $0x7;
	s30 =	simm.s32 $0x8;
	s8 =	smul.u32 $0x50000, s13  }
0x6: {  	s31 =	simm.s32 $0x0;
	s1 =	sand.u32 $0x1, s1;
	s11 =	smul.u32 $0x50, s13  }
0x7: {  	s19 =	sadd.s32 $0x2C00, s2;
	s24 =	smul.u32 $0x2800, s13;
	s25 =	sshll.u32 s13, $0x6  }
0x8: {  	s4 =	sshll.u32 s1, $0x4;
	s6 =	smul.u32 $0x28000, s1;
	s9 =	ssub.s32 $0x2, s1  }
0x9: {  	s1 =	smul.u32 $0x500, s1;
	s17 =	sor.u32 $0x1C09, s25;
	s25 =	simm.s32 $0x380  }
0xa: {  	s5 =	sor.u32 s13, s4;
	s4 =	simm.s32 $0x0;
	s10 =	sshrl.u32 s9, $0x1  }
0xb: {  	s21 =	sshrl.u32 s8, $0x2;
	s7 =	smul.u32 $0xA00, s5;
	[smem:$0x7FF] =	sst s4  }
0xc: {  	s2 =	sadd.s32 s6, s2;
	s10 =	ssub.s32 s9, s10;
	s1 =	sadd.s32 s11, s1  }
0xd: {  	s18 =	sadd.s32 s21, s3;
	s21 =	simm.s32 $0x3;
	_ =	strace $0x80000047  }
0xe: {  	[dreg:$0x6] =	wrdreg s19;
	s1 =	sshll.u32 s1, $0x5;
	s2 =	sadd.s32 $0x3400, s2  }
0xf: {  	s23 =	smax.u32 s10, $0x1;
	s18 =	sshrl.u32 s18, $0x3;
	[dreg:$0x5] =	wrdreg s26  }
0x10: {  	s19 =	simm.s32 $0x1;
	s26 =	simm.s32 $0x5;
	s6 =	sadd.s32 s0, s7  }
0x11: {  	s9 =	sadd.s32 s1, s0;
	[dreg:$0x9] =	wrdreg s23;
	s23 =	simm.s32 $0x4  }
0x12: {  	s24 =	sadd.s32 s24, s2;
	s20 =	sadd.s32 $0x20, s6;
	s22 =	sadd.s32 $0x40, s6  }
0x13: {  	s11 =	sadd.s32 $0xC0, s9;
	s12 =	sadd.s32 $0x80, s9;
	[dreg:$0x7] =	wrdreg s20  }
0x14: {  	[dreg:$0x8] =	wrdreg s22;
	s20 =	simm.s32 $0x80;
	s22 =	simm.s32 $0x280  }
.LBB2_1:
0x15: {  	[tilespmem:s4], [sflag:$0x1] =	stream.linear.gather [hbm4b:s6+s4], $0x100, $0x38;
	[tilespmem:$0x18400] =	vst v63  }
0x16: {  	s0 =	rddreg [dreg:$0x7];
	s1 =	simm.s32 $0x100  }
0x17: {  	[tilespmem:s1], [sflag:$0x2] =	stream.linear.gather [hbm4b:s0+s4], $0x100, $0x38;
	[tilespmem:$0x18400] =	vst v63  }
0x18: {  	s5 =	rddreg [dreg:$0x8];
	s7 =	simm.s32 $0x200  }
0x19: {  	[tilespmem:s7], [sflag:$0x3] =	stream.linear.gather [hbm4b:s5+s4], $0x100, $0x38;
	[tilespmem:$0x18400] =	vst v63  }
0x1a: {  	s8 =	rddreg [dreg:$0x6]  }
0x1b: {  	[tilespmem:s15], [sflag:$0x9] =	stream.linear.gather [hbm4b:s8+s4], $0x4000, $0x38;
	[tilespmem:$0x18400] =	vst v63  }
0x1c: {  	_ =	swait.ge [sflag:s16], $0x4000  }
0x1d: {  	[sflag:s16] =	ssyncset.done $0x0  }
0x1e: {  	[sflag:s16] =	ssyncadd.s32 $0xFFFFC000  }
0x1f: {  	s10 =	rddreg [dreg:$0x1]  }
0x20: {  	[spmem:s18], [sflag:s17] =	dma.local [hbm:s10], $0x2800  }
0x21: {  	_ =	swait.ge [sflag:s16], $0x2800  }
0x22: {  	[sflag:s16] =	ssyncset.done $0x0  }
0x23: {  	p0 =	por $0x1, $0x1;
	[sflag:s16] =	ssyncadd.s32 $0xFFFFD800  }
0x24: {  	s0 =	simm.s32 @!p0 $0x8;
	[bflag:$0x0] =	sbarrier.arrive $0xFFFF  }
0x25: {  	_ =	swait.ge @!p0 [sflag:s0], $0x4000  }
0x26: {  	s2 =	sadd.s32 $0x0, s9;
	[sflag:s0] =	ssyncset.done @!p0 $0x0  }
0x27: {  	s14 =	sadd.s32 $0x60, s2;
	s13 =	rddreg [dreg:$0x5];
	[sflag:s0] =	ssyncadd.s32 @!p0 $0xFFFFC000  }
0x28: {  	[tilespmem:s13], [sflag:$0x4] =	stream.linear.gather [hbm4b:s14+s4], $0x100, $0x38;
	[tilespmem:$0x18400] =	vst v63  }
0x29: {  	_ =	swait.ge [sflag:s19], $0x100  }
0x2a: {  	p0 =	por $0x0, $0x0;
	[sflag:s19] =	ssyncset.done $0x0  }
0x2b: {  	s0 =	simm.s32 @p0 $0x2;
	[sflag:s19] =	ssyncadd.s32 $0xFFFFFF00  }
0x2c: {  	[spmem:s3] =	stream.indirect.scatter.add.f32 [tilespmem:s15], [sflag:$0x5], $0x80, s20, s20, $0xb8;
	[tilespmem:$0x18400] =	vst v63  }
0x2d: {  	_ =	swait.ge @p0 [sflag:s0], $0x100  }
0x2e: {  	s1 =	simm.s32 @p0 $0x400;
	s2 =	simm.s32 @p0 $0x80;
	[sflag:s0] =	ssyncset.done @p0 $0x0  }
0x2f: {  	s13 =	simm.s32 @p0 $0x180;
	[sflag:s0] =	ssyncadd.s32 @p0 $0xFFFFFF00;
	s0 =	simm.s32 @!p0 $0x5  }
0x30: {  	[spmem:s3] =	stream.indirect.scatter.add.f32 @p0 [tilespmem:s1], [sflag:$0x6], $0x80, s13, s2, $0xb8;
	[tilespmem:$0x18400] =	vst v63  }
0x31: {  	_ =	swait.ge @!p0 [sflag:s0], $0x4000  }
0x32: {  	s1 =	sadd.s32 @!p0 $0x0, s12;
	[sflag:s0] =	ssyncset.done @!p0 $0x0  }
0x33: {  	s2 =	simm.s32 @!p0 $0x0;
	[sflag:s0] =	ssyncadd.s32 @!p0 $0xFFFFC000;
	s0 =	simm.s32 @!p0 $0x2  }
0x34: {  	[tilespmem:s2], [sflag:$0x1] =	stream.linear.gather @!p0 [hbm4b:s1+s2], $0x100, $0x38;
	[tilespmem:$0x18400] =	vst v63  }
0x35: {  	_ =	swait.ge @!p0 [sflag:s0], $0x100  }
0x36: {  	s13 =	simm.s32 @!p0 $0x80;
	[sflag:s0] =	ssyncset.done @!p0 $0x0  }
0x37: {  	s1 =	simm.s32 @!p0 $0x400;
	[sflag:s0] =	ssyncadd.s32 @!p0 $0xFFFFFF00;
	s0 =	simm.s32 @!p0 $0x180  }
0x38: {  	[spmem:s3] =	stream.indirect.scatter.add.f32 @!p0 [tilespmem:s1], [sflag:$0x6], $0x80, s0, s13, $0xb8;
	[tilespmem:$0x18400] =	vst v63  }
0x39: {  	s0 =	simm.s32 @!p0 $0x6  }
0x3a: {  	_ =	swait.ge @!p0 [sflag:s0], $0x4000  }
0x3b: {  	s1 =	sadd.s32 @!p0 $0x0, s9;
	[sflag:s0] =	ssyncset.done @!p0 $0x0  }
0x3c: {  	s1 =	sadd.s32 @!p0 $0xA0, s1;
	[sflag:s0] =	ssyncadd.s32 @!p0 $0xFFFFC000;
	s0 =	simm.s32 @!p0 $0x100  }
0x3d: {  	[tilespmem:s0], [sflag:$0x2] =	stream.linear.gather @!p0 [hbm4b:s1+s2], $0x100, $0x38;
	[tilespmem:$0x18400] =	vst v63  }
0x3e: {  	_ =	swait.ge [sflag:s21], $0x100  }
0x3f: {  	[sflag:s21] =	ssyncset.done $0x0  }
0x40: {  	s0 =	simm.s32 @!p0 $0x7;
	[sflag:s21] =	ssyncadd.s32 $0xFFFFFF00  }
0x41: {  	[spmem:s3] =	stream.indirect.scatter.add.f32 [tilespmem:s15], [sflag:$0x7], $0x80, s22, s20, $0xb8;
	[tilespmem:$0x18400] =	vst v63  }
0x42: {  	_ =	swait.ge @!p0 [sflag:s0], $0x4000  }
0x43: {  	p1 =	por $0x0, $0x0;
	[sflag:s0] =	ssyncset.done @!p0 $0x0  }
0x44: {  	s1 =	sadd.s32 @!p0 $0x0, s11;
	[sflag:s0] =	ssyncadd.s32 @!p0 $0xFFFFC000;
	s0 =	simm.s32 @!p0 $0x200  }
0x45: {  	[tilespmem:s0], [sflag:$0x3] =	stream.linear.gather @!p0 [hbm4b:s1+s2], $0x100, $0x38;
	[tilespmem:$0x18400] =	vst v63  }
0x46: {  	s2 =	simm.s32 $0x80;
	s0 =	simm.s32 $0x100;
	_ =	swait.ge [sflag:s23], $0x100  }
.LBB2_2:
0x47: {  	[sflag:s23] =	ssyncset.done $0x0  }
0x48: {  	s13 =	simm.s32 @!p1 $0x8;
	[sflag:s23] =	ssyncadd.s32 $0xFFFFFF00  }
0x49: {  	[spmem:s3] =	stream.indirect.scatter.add.f32 [tilespmem:s15], [sflag:$0x8], $0x80, s25, s20, $0xb8;
	[tilespmem:$0x18400] =	vst v63  }
0x4a: {  	_ =	swait.ge @!p1 [sflag:s13], $0x4000  }
0x4b: {  	s14 =	sadd.s32 s2, s9;
	[sflag:s13] =	ssyncset.done @!p1 $0x0  }
0x4c: {  	s14 =	sadd.s32 $0x60, s14;
	s5 =	rddreg [dreg:$0x5];
	[sflag:s13] =	ssyncadd.s32 @!p1 $0xFFFFC000  }
0x4d: {  	[tilespmem:s5], [sflag:$0x4] =	stream.linear.gather [hbm4b:s14+s4], $0x100, $0x38;
	[tilespmem:$0x18400] =	vst v63  }
0x4e: {  	_ =	swait.ge [sflag:s19], $0x100  }
0x4f: {  	p1 =	seq.s32 s2, $0x980;
	[sflag:s19] =	ssyncset.done $0x0  }
0x50: {  	s5 =	simm.s32 @p1 $0x2;
	[sflag:s19] =	ssyncadd.s32 $0xFFFFFF00  }
0x51: {  	[spmem:s3] =	stream.indirect.scatter.add.f32 [tilespmem:s15], [sflag:$0x5], $0x80, s20, s20, $0xb8;
	[tilespmem:$0x18400] =	vst v63  }
0x52: {  	_ =	swait.ge @p1 [sflag:s5], $0x100  }
0x53: {  	s14 =	simm.s32 @p1 $0x400;
	s7 =	simm.s32 @p1 $0x80;
	[sflag:s5] =	ssyncset.done @p1 $0x0  }
0x54: {  	s8 =	simm.s32 @p1 $0x180;
	[sflag:s5] =	ssyncadd.s32 @p1 $0xFFFFFF00;
	s5 =	simm.s32 @!p1 $0x5  }
0x55: {  	[spmem:s3] =	stream.indirect.scatter.add.f32 @p1 [tilespmem:s14], [sflag:$0x6], $0x80, s8, s7, $0xb8;
	[tilespmem:$0x18400] =	vst v63  }
0x56: {  	_ =	swait.ge @!p1 [sflag:s5], $0x4000  }
0x57: {  	s7 =	sadd.s32 @!p1 s2, s12;
	[sflag:s5] =	ssyncset.done @!p1 $0x0  }
0x58: {  	s8 =	simm.s32 @!p1 $0x0;
	[sflag:s5] =	ssyncadd.s32 @!p1 $0xFFFFC000;
	s5 =	simm.s32 @!p1 $0x2  }
0x59: {  	[tilespmem:s8], [sflag:$0x1] =	stream.linear.gather @!p1 [hbm4b:s7+s8], $0x100, $0x38;
	[tilespmem:$0x18400] =	vst v63  }
0x5a: {  	_ =	swait.ge @!p1 [sflag:s5], $0x100  }
0x5b: {  	s10 =	simm.s32 @!p1 $0x180;
	s14 =	simm.s32 @!p1 $0x80;
	[sflag:s5] =	ssyncset.done @!p1 $0x0  }
0x5c: {  	s7 =	simm.s32 @!p1 $0x400;
	[sflag:s5] =	ssyncadd.s32 @!p1 $0xFFFFFF00;
	s5 =	simm.s32 @!p1 $0x6  }
0x5d: {  	[spmem:s3] =	stream.indirect.scatter.add.f32 @!p1 [tilespmem:s7], [sflag:$0x6], $0x80, s10, s14, $0xb8;
	[tilespmem:$0x18400] =	vst v63  }
0x5e: {  	_ =	swait.ge @!p1 [sflag:s5], $0x4000  }
0x5f: {  	s13 =	sadd.s32 @!p1 s2, s9;
	[sflag:s5] =	ssyncset.done @!p1 $0x0  }
0x60: {  	s13 =	sadd.s32 @!p1 $0xA0, s13;
	s7 =	simm.s32 @!p1 $0x100;
	[sflag:s5] =	ssyncadd.s32 @!p1 $0xFFFFC000  }
0x61: {  	[tilespmem:s7], [sflag:$0x2] =	stream.linear.gather @!p1 [hbm4b:s13+s8], $0x100, $0x38;
	[tilespmem:$0x18400] =	vst v63  }
0x62: {  	_ =	swait.ge [sflag:s21], $0x100  }
0x63: {  	s1 =	smov.u32 s0;
	s0 =	sadd.s32 $0x80, s0;
	[sflag:s21] =	ssyncset.done $0x0  }
0x64: {  	p0 =	sne.s32 s0, $0xA00;
	s5 =	simm.s32 @!p1 $0x7;
	[sflag:s21] =	ssyncadd.s32 $0xFFFFFF00  }
0x65: {  	[spmem:s3] =	stream.indirect.scatter.add.f32 [tilespmem:s15], [sflag:$0x7], $0x80, s22, s20, $0xb8;
	[tilespmem:$0x18400] =	vst v63  }
.Ltmp0:
0x66: {  	_ =	swait.ge @!p1 [sflag:s5], $0x4000;
	(pc) =	sbr.rel @p0 .LBB2_2-.Ltmp0, $4  }
0x67: {  	s10 =	simm.s32 @!p1 $0x200;
	[sflag:s5] =	ssyncset.done @!p1 $0x0  }
0x68: {  	s7 =	sadd.s32 @!p1 s2, s11;
	s2 =	smov.u32 s1;
	[sflag:s5] =	ssyncadd.s32 @!p1 $0xFFFFC000  }
0x69: {  	[tilespmem:s10], [sflag:$0x3] =	stream.linear.gather @!p1 [hbm4b:s7+s8], $0x100, $0x38;
	[tilespmem:$0x18400] =	vst v63  }
0x6a: {  	p1 =	seq.s32 s2, $0x0;
	_ =	swait.ge [sflag:s23], $0x100  }
0x6b: {  	[sflag:s23] =	ssyncset.done $0x0  }
0x6c: {  	s0 =	simm.s32 @!p1 $0x8;
	[sflag:s23] =	ssyncadd.s32 $0xFFFFFF00  }
0x6d: {  	[spmem:s3] =	stream.indirect.scatter.add.f32 [tilespmem:s15], [sflag:$0x8], $0x80, s25, s20, $0xb8;
	[tilespmem:$0x18400] =	vst v63  }
0x6e: {  	_ =	swait.ge @!p1 [sflag:s0], $0x4000  }
0x6f: {  	s5 =	sadd.s32 s2, s9;
	[sflag:s0] =	ssyncset.done @!p1 $0x0  }
0x70: {  	s13 =	sadd.s32 $0x60, s5;
	s1 =	rddreg [dreg:$0x5];
	[sflag:s0] =	ssyncadd.s32 @!p1 $0xFFFFC000  }
0x71: {  	[tilespmem:s1], [sflag:$0x4] =	stream.linear.gather [hbm4b:s13+s4], $0x100, $0x38;
	[tilespmem:$0x18400] =	vst v63  }
0x72: {  	_ =	swait.ge [sflag:s19], $0x100  }
0x73: {  	p0 =	seq.s32 s2, $0x980;
	[sflag:s19] =	ssyncset.done $0x0  }
0x74: {  	s0 =	simm.s32 @p0 $0x2;
	[sflag:s19] =	ssyncadd.s32 $0xFFFFFF00  }
0x75: {  	[spmem:s3] =	stream.indirect.scatter.add.f32 [tilespmem:s15], [sflag:$0x5], $0x80, s20, s20, $0xb8;
	[tilespmem:$0x18400] =	vst v63  }
0x76: {  	_ =	swait.ge @p0 [sflag:s0], $0x100  }
0x77: {  	s5 =	simm.s32 @p0 $0x80;
	s7 =	simm.s32 @p0 $0x180;
	[sflag:s0] =	ssyncset.done @p0 $0x0  }
0x78: {  	s1 =	simm.s32 @p0 $0x400;
	[sflag:s0] =	ssyncadd.s32 @p0 $0xFFFFFF00;
	s0 =	simm.s32 @!p0 $0x5  }
0x79: {  	[spmem:s3] =	stream.indirect.scatter.add.f32 @p0 [tilespmem:s1], [sflag:$0x6], $0x80, s7, s5, $0xb8;
	[tilespmem:$0x18400] =	vst v63  }
0x7a: {  	_ =	swait.ge @!p0 [sflag:s0], $0x4000  }
0x7b: {  	s1 =	sadd.s32 @!p0 s2, s12;
	[sflag:s0] =	ssyncset.done @!p0 $0x0  }
0x7c: {  	s5 =	simm.s32 @!p0 $0x0;
	[sflag:s0] =	ssyncadd.s32 @!p0 $0xFFFFC000;
	s0 =	simm.s32 @!p0 $0x2  }
0x7d: {  	[tilespmem:s5], [sflag:$0x1] =	stream.linear.gather @!p0 [hbm4b:s1+s5], $0x100, $0x38;
	[tilespmem:$0x18400] =	vst v63  }
0x7e: {  	_ =	swait.ge @!p0 [sflag:s0], $0x100  }
0x7f: {  	s7 =	simm.s32 @!p0 $0x80;
	[sflag:s0] =	ssyncset.done @!p0 $0x0  }
0x80: {  	s1 =	simm.s32 @!p0 $0x400;
	[sflag:s0] =	ssyncadd.s32 @!p0 $0xFFFFFF00;
	s0 =	simm.s32 @!p0 $0x180  }
0x81: {  	[spmem:s3] =	stream.indirect.scatter.add.f32 @!p0 [tilespmem:s1], [sflag:$0x6], $0x80, s0, s7, $0xb8;
	[tilespmem:$0x18400] =	vst v63  }
0x82: {  	s0 =	simm.s32 @!p0 $0x6  }
0x83: {  	_ =	swait.ge @!p0 [sflag:s0], $0x4000  }
0x84: {  	s1 =	sadd.s32 @!p0 s2, s9;
	[sflag:s0] =	ssyncset.done @!p0 $0x0  }
0x85: {  	s1 =	sadd.s32 @!p0 $0xA0, s1;
	[sflag:s0] =	ssyncadd.s32 @!p0 $0xFFFFC000;
	s0 =	simm.s32 @!p0 $0x100  }
0x86: {  	[tilespmem:s0], [sflag:$0x2] =	stream.linear.gather @!p0 [hbm4b:s1+s5], $0x100, $0x38;
	[tilespmem:$0x18400] =	vst v63  }
0x87: {  	_ =	swait.ge [sflag:s21], $0x100  }
0x88: {  	[sflag:s21] =	ssyncset.done $0x0  }
0x89: {  	s0 =	simm.s32 @!p0 $0x7;
	[sflag:s21] =	ssyncadd.s32 $0xFFFFFF00  }
0x8a: {  	[spmem:s3] =	stream.indirect.scatter.add.f32 [tilespmem:s15], [sflag:$0x7], $0x80, s22, s20, $0xb8;
	[tilespmem:$0x18400] =	vst v63  }
0x8b: {  	_ =	swait.ge @!p0 [sflag:s0], $0x4000  }
0x8c: {  	[sflag:s0] =	ssyncset.done @!p0 $0x0  }
0x8d: {  	s1 =	sadd.s32 @!p0 s2, s11;
	[sflag:s0] =	ssyncadd.s32 @!p0 $0xFFFFC000;
	s0 =	simm.s32 @!p0 $0x200  }
0x8e: {  	[tilespmem:s0], [sflag:$0x3] =	stream.linear.gather @!p0 [hbm4b:s1+s5], $0x100, $0x38;
	[tilespmem:$0x18400] =	vst v63  }
0x8f: {  	_ =	swait.ge [sflag:s23], $0x100  }
0x90: {  	[sflag:s23] =	ssyncset.done $0x0  }
0x91: {  	[sflag:s23] =	ssyncadd.s32 $0xFFFFFF00  }
0x92: {  	[spmem:s3] =	stream.indirect.scatter.add.f32 [tilespmem:s15], [sflag:$0x8], $0x80, s25, s20, $0xb8;
	[tilespmem:$0x18400] =	vst v63  }
0x93: {  	_ =	swait.ge [sflag:s26], $0x4000  }
0x94: {  	[sflag:s26] =	ssyncset.done $0x0  }
0x95: {  	[sflag:s26] =	ssyncadd.s32 $0xFFFFC000  }
0x96: {  	_ =	swait.ge [sflag:s28], $0x4000  }
0x97: {  	[sflag:s28] =	ssyncset.done $0x0  }
0x98: {  	[sflag:s28] =	ssyncadd.s32 $0xFFFFC000  }
0x99: {  	_ =	swait.ge [sflag:s29], $0x4000  }
0x9a: {  	[sflag:s29] =	ssyncset.done $0x0  }
0x9b: {  	[sflag:s29] =	ssyncadd.s32 $0xFFFFC000  }
0x9c: {  	_ =	swait.ge [sflag:s30], $0x4000  }
0x9d: {  	[sflag:s30] =	ssyncset.done $0x0  }
0x9e: {  	[sflag:s30] =	ssyncadd.s32 $0xFFFFC000  }
0x9f: {  	[bflag:$0x0] =	sbarrier.arrive $0xFFFF  }
0xa0: {  	[hbm:s24], [sflag:s17] =	dma.local [spmem:s18], $0x2800  }
0xa1: {  	_ =	swait.ge [sflag:s16], $0x2800  }
0xa2: {  	s31 =	sadd.s32 $0x1, s31;
	s14 =	rddreg [dreg:$0x9]  }
0xa3: {  	p0 =	sne.s32 s31, s14  }
.Ltmp1:
0xa4: {  	_ = 	snop;
	(pc) =	sbr.rel @p0 .LBB2_1-.Ltmp1, $3  }
0xa5: {  	_ =	sdelay $0x1  }
0xa6: {  	[sflag:s16] =	ssyncset.done $0x0  }
0xa7: {  	[sflag:s16] =	ssyncadd.s32 $0xFFFFD800  }
0xa8: {  	_ =	sfence.sel $0x180000  }
0xa9: {  	[bflag:$0x0] =	sbarrier.arrive $0xFFFF  }
0xaa: {  	_ =	strace $0x90000047  }
0xab: {  	s0 =	stileid.u32;
	[bflag:$0x2] =	sbarrier.arrive $0xFFFF  }
0xac: {  	p0 =	sne.s32 s0, $0x0;
	s0 =	rddreg [dreg:$0x4]  }
0xad: {  	s0 =	sadd.s32 @!p0 $0x100000, s0  }
0xae: {  	[sflag:s0] =	ssyncadd.tile.s32 @!p0 $0x1;
	_ =	shalt  }
.Lfunc_end2:
_tile_overlayer_lowered:
.L_overlay_start_2:
0xaf: {  	(tag) =	ssettag $0x2  }
0xb0: {  	s0 =	rddreg [dreg:$0x0];
	s2 =	stileid.u32  }
0xb1: {  	s1 =	rddreg [dreg:$0x1];
	p0 =	sne.s32 s2, $0x0  }
0xb2: {  	s3 =	rddreg [dreg:$0x2];
	[bflag:$0x3] =	sbarrier.arrive $0xFFFF;
	s2 =	simm.s32 @!p0 $0x1C09  }
0xb3: {  	[timem:s3], [sflag:s2] =	dma.local @!p0 [hbm:s0], s1  }
0xb4: {  	s0 =	simm.s32 @!p0 $0x9  }
0xb5: {  	_ =	swait.ge @!p0 [sflag:s0], s1  }
0xb6: {  	s1 =	ssub.s32 @!p0 $0x0, s1;
	[sflag:s0] =	ssyncset.done @!p0 $0x0  }
0xb7: {  	[sflag:s0] =	ssyncadd.s32 @!p0 s1  }
0xb8: {  	[bflag:$0x3] =	sbarrier.arrive $0xFFFF  }
0xb9: {  	_ =	shalt  }

</sc_bundles>
